<compile_context>
chip_gen: v7x
topology: tpu7x:2x2x1
jax: 0.10.2.dev20260603
libtpu: 0.0.44.dev20260713+nightly
codegen_flags: <defaults>
</compile_context>

<pallas_src>
import functools

import jax
import jax.numpy as jnp
from jax import lax
from jax.experimental import pallas as pl
from jax.experimental.pallas import tpu as pltpu
from jax.experimental.pallas import tpu_sc as plsc

VOCAB = 100000
EMBED_DIM = 64
BATCH = 4096
SEQ_LEN = 200

NUM_CORES = 2
NUM_SUBCORES = 16
NUM_WORKERS = NUM_CORES * NUM_SUBCORES

LANES = 16
BT = BATCH // 128
LT = SEQ_LEN // 8
DT = EMBED_DIM // 8
LG = 4
NU = SEQ_LEN // LG


def _embed_body(x4_hbm, tok_hbm, pos_hbm, out_hbm,
                idxall, grows0, grows1, wbuf0, wbuf1, pos_v,
                gsem0, gsem1, wsem0, wsem1):
  cid = lax.axis_index("c")
  sid = lax.axis_index("s")
  w = sid * NUM_CORES + cid
  grows = (grows0, grows1)
  wbuf = (wbuf0, wbuf1)
  gsem = (gsem0, gsem1)
  wsem = (wsem0, wsem1)

  pltpu.sync_copy(pos_hbm, pos_v)
  pltpu.sync_copy(x4_hbm.at[:, w], idxall)

  iota = lax.broadcasted_iota(jnp.int32, (LANES,), 0)
  tidx = [(iota + m * LANES) // 8 for m in range(EMBED_DIM // LANES)]
  sidx = [(iota + m * LANES) % 8 for m in range(EMBED_DIM // LANES)]

  def launch_gather(u, g):
    pltpu.async_copy(
        tok_hbm.at[idxall.at[u // 2, pl.ds((u % 2) * LG * 128, LG * 128)]],
        grows[g], gsem[g])

  launch_gather(0, 0)

  def unit(u, g):
    ng = 1 - g
    un = u + 1

    pltpu.make_async_copy(
        tok_hbm.at[idxall.at[0, pl.ds(0, LG * 128)]], grows[g],
        gsem[g]).wait()

    @pl.when(un < NU)
    def _():
      launch_gather(un, ng)

    for j in range(LG):
      l = u * LG + j
      wb = j % 2
      base = l * EMBED_DIM

      @pl.when(l >= 2)
      def _():
        pltpu.make_async_copy(
            wbuf[wb].at[:, :, pl.ds(0, 128)],
            out_hbm.at[0, :, w], wsem[wb]).wait()

      pv = [pos_v[pl.ds(base + m * LANES, LANES)]
            for m in range(EMBED_DIM // LANES)]

      @pl.loop(0, 128, unroll=4)
      def _bb(bb):
        row = j * 128 + bb
        bbsplat = jnp.full((LANES,), bb, jnp.int32)
        for m in range(EMBED_DIM // LANES):
          gv = grows[g][row, pl.ds(m * LANES, LANES)] + pv[m]
          plsc.store_scatter(wbuf[wb], [tidx[m], sidx[m], bbsplat], gv)

      pltpu.async_copy(
          wbuf[wb].at[:, :, pl.ds(0, 128)], out_hbm.at[l, :, w], wsem[wb])

  @pl.loop(0, NU, step=2)
  def _u(u):
    unit(u, 0)
    unit(u + 1, 1)

  for b in range(2):
    pltpu.make_async_copy(
        wbuf[b].at[:, :, pl.ds(0, 128)], out_hbm.at[0, :, w], wsem[b]).wait()


@jax.jit
def _embed(x4, token_table, pos_flat):
  mesh = plsc.VectorSubcoreMesh(
      core_axis_name="c", subcore_axis_name="s",
      num_cores=NUM_CORES, num_subcores=NUM_SUBCORES,
  )
  run = pl.kernel(
      _embed_body,
      out_type=jax.ShapeDtypeStruct(
          (SEQ_LEN, DT, BT, 8, 128), jnp.float32),
      mesh=mesh,
      compiler_params=pltpu.CompilerParams(
          use_tc_tiling_on_sc=False, needs_layout_passes=False),
      scratch_types=[
          pltpu.VMEM((LT, 8 * 128), jnp.int32),
          pltpu.VMEM((LG * 128, EMBED_DIM), jnp.float32),
          pltpu.VMEM((LG * 128, EMBED_DIM), jnp.float32),
          pltpu.VMEM((DT, 8, 129), jnp.float32),
          pltpu.VMEM((DT, 8, 129), jnp.float32),
          pltpu.VMEM((SEQ_LEN * EMBED_DIM,), jnp.float32),
          pltpu.SemaphoreType.DMA,
          pltpu.SemaphoreType.DMA,
          pltpu.SemaphoreType.DMA,
          pltpu.SemaphoreType.DMA,
      ],
  )
  return run(x4, token_table, pos_flat)


def kernel(x, token_table, pos_table):
  x4 = (x.astype(jnp.int32).T
        .reshape(LT, 8, BT, 128).transpose(0, 2, 1, 3)
        .reshape(LT, BT, 8 * 128))
  out5 = _embed(x4, token_table, pos_table.reshape(-1))
  return out5.transpose(2, 4, 0, 1, 3).reshape(BATCH, SEQ_LEN, EMBED_DIM)

# --- scband reference (transcript-rebuilt; emitter-appended) ---
"""Pipeline reference for scband-embedding-module-46883863003264 (READ-ONLY COPY).

The authoritative reference and input builder live on the scoring server;
editing this copy changes nothing except your own understanding.
"""

import jax, jax.numpy as jnp
import numpy as np

VOCAB = 100000
EMBED_DIM = 64
BATCH = 4096
SEQ_LEN = 200

def setup_inputs(seed: int = 0) -> dict:
    key = jax.random.key(seed)
    k1, k2, k3 = jax.random.split(key, 3)
    x = jax.random.randint(k1, (BATCH, SEQ_LEN), 0, VOCAB, dtype=jnp.int64 if jax.config.jax_enable_x64 else jnp.int32)
    token_table = jax.random.normal(k2, (VOCAB, EMBED_DIM), dtype=jnp.float32) * 0.02
    pos_table = jax.random.normal(k3, (SEQ_LEN, EMBED_DIM), dtype=jnp.float32) * 0.02
    return {"x": x, "token_table": token_table, "pos_table": pos_table}

def reference(x, token_table, pos_table):
    # token embedding lookup: gather rows of token_table by x -> [B, L, D]
    token_embeddings = jnp.take(token_table, x, axis=0)
    # position embedding: lookup arange(L) in pos_table -> [L, D], broadcast-added
    positions = jnp.arange(x.shape[-1])
    position_embeddings = jnp.take(pos_table, positions, axis=0)
    return (token_embeddings + position_embeddings).astype(jnp.float32)

if __name__ == "__main__":
    import jax
    _d = setup_inputs()
    print(jax.jit(kernel)(*tuple(_d.values())))

</pallas_src>

<mosaic_0001>
#map = affine_map<(d0, d1) -> (0, 0, 0)>
#map1 = affine_map<(d0, d1) -> (0, 0)>
#map2 = affine_map<(d0, d1) -> (0)>
#map3 = affine_map<(d0, d1) -> (0, 0, 0, 0, 0)>
module attributes {stable_mosaic.version = 14 : i64} {
  func.func @_embed_body(%arg0: i32, %arg1: i32, %arg2: memref<25x32x1024xi32, #tpu.memory_space<hbm>>, %arg3: memref<100000x64xf32, #tpu.memory_space<hbm>>, %arg4: memref<12800xf32, #tpu.memory_space<hbm>>, %arg5: memref<200x8x32x8x128xf32, #tpu.memory_space<hbm>>, %arg6: memref<25x1024xi32, #tpu.memory_space<vmem>>, %arg7: memref<512x64xf32, #tpu.memory_space<vmem>>, %arg8: memref<512x64xf32, #tpu.memory_space<vmem>>, %arg9: memref<8x8x129xf32, #tpu.memory_space<vmem>>, %arg10: memref<8x8x129xf32, #tpu.memory_space<vmem>>, %arg11: memref<12800xf32, #tpu.memory_space<vmem>>, %arg12: memref<!tpu.dma_semaphore, #tpu.memory_space<semaphore_mem>>, %arg13: memref<!tpu.dma_semaphore, #tpu.memory_space<semaphore_mem>>, %arg14: memref<!tpu.dma_semaphore, #tpu.memory_space<semaphore_mem>>, %arg15: memref<!tpu.dma_semaphore, #tpu.memory_space<semaphore_mem>>) attributes {dimension_semantics = [#tpu.dimension_semantics<core_parallel>, #tpu.dimension_semantics<subcore_parallel>], iteration_bounds = array<i64: 2, 16>, scalar_prefetch = 0 : i64, scratch_operands = 10 : i64, tpu.core_type = #tpu.core_type<sc_vector_subcore>, window_params = [{transform_indices = #map}, {transform_indices = #map1}, {transform_indices = #map2}, {transform_indices = #map3}]} {
    %mul3A = arith.constant 2 : i32
    %mul3A_0 = arith.muli %arg1, %mul3A : i32
    %add3A = arith.addi %mul3A_0, %arg0 : i32
    "tpu.region"() ({
      %run_scoped3A = tpu.sem_alloc : memref<!tpu.dma_semaphore, #tpu.memory_space<semaphore_mem>>
      tpu.enqueue_dma source(%arg4 : memref<12800xf32, #tpu.memory_space<hbm>>) target(%arg11 : memref<12800xf32, #tpu.memory_space<vmem>>) target_semaphore(%run_scoped3A : memref<!tpu.dma_semaphore, #tpu.memory_space<semaphore_mem>>)
      tpu.wait_dma2 semaphore(%run_scoped3A : memref<!tpu.dma_semaphore, #tpu.memory_space<semaphore_mem>>) src(%arg4 : memref<12800xf32, #tpu.memory_space<hbm>>) dst(%arg11 : memref<12800xf32, #tpu.memory_space<vmem>>)
      tpu.yield
    }) : () -> ()
    "tpu.region"() ({
      %run_scoped3A = tpu.sem_alloc : memref<!tpu.dma_semaphore, #tpu.memory_space<semaphore_mem>>
      %dma_start3A_274 = arith.constant 0 : i32
      %dma_start3A_275 = arith.constant 0 : i32
      %dma_start3A_276 = tpu.memref_slice %arg2[%dma_start3A_274, %add3A, %dma_start3A_275] : memref<25x32x1024xi32, #tpu.memory_space<hbm>> -> memref<25x1x1024xi32, #tpu.memory_space<hbm>>
      %dma_start3A_277 = tpu.memref_squeeze %dma_start3A_276 : memref<25x1x1024xi32, #tpu.memory_space<hbm>> -> memref<25x1024xi32, #tpu.memory_space<hbm>>
      %dma_start3A_278 = arith.constant 0 : i32
      %dma_start3A_279 = arith.constant 0 : i32
      %dma_start3A_280 = tpu.memref_slice %arg2[%dma_start3A_278, %add3A, %dma_start3A_279] : memref<25x32x1024xi32, #tpu.memory_space<hbm>> -> memref<25x1x1024xi32, #tpu.memory_space<hbm>>
      %dma_start3A_281 = tpu.memref_squeeze %dma_start3A_280 : memref<25x1x1024xi32, #tpu.memory_space<hbm>> -> memref<25x1024xi32, #tpu.memory_space<hbm>>
      tpu.enqueue_dma source(%dma_start3A_281 : memref<25x1024xi32, #tpu.memory_space<hbm>>) target(%arg6 : memref<25x1024xi32, #tpu.memory_space<vmem>>) target_semaphore(%run_scoped3A : memref<!tpu.dma_semaphore, #tpu.memory_space<semaphore_mem>>)
      %dma_wait3A_282 = arith.constant 0 : i32
      %dma_wait3A_283 = arith.constant 0 : i32
      %dma_wait3A_284 = tpu.memref_slice %arg2[%dma_wait3A_282, %add3A, %dma_wait3A_283] : memref<25x32x1024xi32, #tpu.memory_space<hbm>> -> memref<25x1x1024xi32, #tpu.memory_space<hbm>>
      %dma_wait3A_285 = tpu.memref_squeeze %dma_wait3A_284 : memref<25x1x1024xi32, #tpu.memory_space<hbm>> -> memref<25x1024xi32, #tpu.memory_space<hbm>>
      %dma_wait3A_286 = arith.constant 0 : i32
      %dma_wait3A_287 = arith.constant 0 : i32
      %dma_wait3A_288 = tpu.memref_slice %arg2[%dma_wait3A_286, %add3A, %dma_wait3A_287] : memref<25x32x1024xi32, #tpu.memory_space<hbm>> -> memref<25x1x1024xi32, #tpu.memory_space<hbm>>
      %dma_wait3A_289 = tpu.memref_squeeze %dma_wait3A_288 : memref<25x1x1024xi32, #tpu.memory_space<hbm>> -> memref<25x1024xi32, #tpu.memory_space<hbm>>
      tpu.wait_dma2 semaphore(%run_scoped3A : memref<!tpu.dma_semaphore, #tpu.memory_space<semaphore_mem>>) src(%dma_wait3A_289 : memref<25x1024xi32, #tpu.memory_space<hbm>>) dst(%arg6 : memref<25x1024xi32, #tpu.memory_space<vmem>>)
      tpu.yield
    }) : () -> ()
    %iota3A = tpu.iota {dimensions = array<i32: 0>} : vector<16xi32>
    %add3A_1 = arith.constant 0 : i32
    %add3A_2 = vector.broadcast %add3A_1 : i32 to vector<16xi32>
    %add3A_3 = arith.addi %iota3A, %add3A_2 : vector<16xi32>
    %jit3A = arith.constant 8 : i32
    %div3A = vector.broadcast %jit3A : i32 to vector<16xi32>
    %div3A_4 = arith.divsi %add3A_3, %div3A : vector<16xi32>
    %sign3A = arith.constant 0 : i32
    %sign3A_5 = vector.broadcast %sign3A : i32 to vector<16xi32>
    %sign3A_6 = arith.cmpi sgt, %add3A_3, %sign3A_5 : vector<16xi32>
    %sign3A_7 = arith.extui %sign3A_6 : vector<16xi1> to vector<16xi32>
    %sign3A_8 = arith.constant 0 : i32
    %sign3A_9 = vector.broadcast %sign3A_8 : i32 to vector<16xi32>
    %sign3A_10 = arith.cmpi slt, %add3A_3, %sign3A_9 : vector<16xi32>
    %sign3A_11 = arith.extui %sign3A_10 : vector<16xi1> to vector<16xi32>
    %sign3A_12 = arith.subi %sign3A_7, %sign3A_11 : vector<16xi32>
    %sign3A_13 = arith.constant 0 : i32
    %sign3A_14 = arith.cmpi sgt, %jit3A, %sign3A_13 : i32
    %sign3A_15 = arith.extui %sign3A_14 : i1 to i32
    %sign3A_16 = arith.constant 0 : i32
    %sign3A_17 = arith.cmpi slt, %jit3A, %sign3A_16 : i32
    %sign3A_18 = arith.extui %sign3A_17 : i1 to i32
    %sign3A_19 = arith.subi %sign3A_15, %sign3A_18 : i32
    %ne3A = vector.broadcast %sign3A_19 : i32 to vector<16xi32>
    %ne3A_20 = arith.cmpi ne, %sign3A_12, %ne3A : vector<16xi32>
    %rem3A = vector.broadcast %jit3A : i32 to vector<16xi32>
    %rem3A_21 = arith.remsi %add3A_3, %rem3A : vector<16xi32>
    %ne3A_22 = arith.constant 0 : i32
    %ne3A_23 = vector.broadcast %ne3A_22 : i32 to vector<16xi32>
    %ne3A_24 = arith.cmpi ne, %rem3A_21, %ne3A_23 : vector<16xi32>
    %and3A = arith.andi %ne3A_20, %ne3A_24 : vector<16xi1>
    %sub3A = arith.constant 1 : i32
    %sub3A_25 = vector.broadcast %sub3A : i32 to vector<16xi32>
    %sub3A_26 = arith.subi %div3A_4, %sub3A_25 : vector<16xi32>
    %select_n3A = arith.select %and3A, %sub3A_26, %div3A_4 : vector<16xi1>, vector<16xi32>
    %add3A_27 = arith.constant 16 : i32
    %add3A_28 = vector.broadcast %add3A_27 : i32 to vector<16xi32>
    %add3A_29 = arith.addi %iota3A, %add3A_28 : vector<16xi32>
    %jit3A_30 = arith.constant 8 : i32
    %div3A_31 = vector.broadcast %jit3A_30 : i32 to vector<16xi32>
    %div3A_32 = arith.divsi %add3A_29, %div3A_31 : vector<16xi32>
    %sign3A_33 = arith.constant 0 : i32
    %sign3A_34 = vector.broadcast %sign3A_33 : i32 to vector<16xi32>
    %sign3A_35 = arith.cmpi sgt, %add3A_29, %sign3A_34 : vector<16xi32>
    %sign3A_36 = arith.extui %sign3A_35 : vector<16xi1> to vector<16xi32>
    %sign3A_37 = arith.constant 0 : i32
    %sign3A_38 = vector.broadcast %sign3A_37 : i32 to vector<16xi32>
    %sign3A_39 = arith.cmpi slt, %add3A_29, %sign3A_38 : vector<16xi32>
    %sign3A_40 = arith.extui %sign3A_39 : vector<16xi1> to vector<16xi32>
    %sign3A_41 = arith.subi %sign3A_36, %sign3A_40 : vector<16xi32>
    %sign3A_42 = arith.constant 0 : i32
    %sign3A_43 = arith.cmpi sgt, %jit3A_30, %sign3A_42 : i32
    %sign3A_44 = arith.extui %sign3A_43 : i1 to i32
    %sign3A_45 = arith.constant 0 : i32
    %sign3A_46 = arith.cmpi slt, %jit3A_30, %sign3A_45 : i32
    %sign3A_47 = arith.extui %sign3A_46 : i1 to i32
    %sign3A_48 = arith.subi %sign3A_44, %sign3A_47 : i32
    %ne3A_49 = vector.broadcast %sign3A_48 : i32 to vector<16xi32>
    %ne3A_50 = arith.cmpi ne, %sign3A_41, %ne3A_49 : vector<16xi32>
    %rem3A_51 = vector.broadcast %jit3A_30 : i32 to vector<16xi32>
    %rem3A_52 = arith.remsi %add3A_29, %rem3A_51 : vector<16xi32>
    %ne3A_53 = arith.constant 0 : i32
    %ne3A_54 = vector.broadcast %ne3A_53 : i32 to vector<16xi32>
    %ne3A_55 = arith.cmpi ne, %rem3A_52, %ne3A_54 : vector<16xi32>
    %and3A_56 = arith.andi %ne3A_50, %ne3A_55 : vector<16xi1>
    %sub3A_57 = arith.constant 1 : i32
    %sub3A_58 = vector.broadcast %sub3A_57 : i32 to vector<16xi32>
    %sub3A_59 = arith.subi %div3A_32, %sub3A_58 : vector<16xi32>
    %select_n3A_60 = arith.select %and3A_56, %sub3A_59, %div3A_32 : vector<16xi1>, vector<16xi32>
    %add3A_61 = arith.constant 32 : i32
    %add3A_62 = vector.broadcast %add3A_61 : i32 to vector<16xi32>
    %add3A_63 = arith.addi %iota3A, %add3A_62 : vector<16xi32>
    %jit3A_64 = arith.constant 8 : i32
    %div3A_65 = vector.broadcast %jit3A_64 : i32 to vector<16xi32>
    %div3A_66 = arith.divsi %add3A_63, %div3A_65 : vector<16xi32>
    %sign3A_67 = arith.constant 0 : i32
    %sign3A_68 = vector.broadcast %sign3A_67 : i32 to vector<16xi32>
    %sign3A_69 = arith.cmpi sgt, %add3A_63, %sign3A_68 : vector<16xi32>
    %sign3A_70 = arith.extui %sign3A_69 : vector<16xi1> to vector<16xi32>
    %sign3A_71 = arith.constant 0 : i32
    %sign3A_72 = vector.broadcast %sign3A_71 : i32 to vector<16xi32>
    %sign3A_73 = arith.cmpi slt, %add3A_63, %sign3A_72 : vector<16xi32>
    %sign3A_74 = arith.extui %sign3A_73 : vector<16xi1> to vector<16xi32>
    %sign3A_75 = arith.subi %sign3A_70, %sign3A_74 : vector<16xi32>
    %sign3A_76 = arith.constant 0 : i32
    %sign3A_77 = arith.cmpi sgt, %jit3A_64, %sign3A_76 : i32
    %sign3A_78 = arith.extui %sign3A_77 : i1 to i32
    %sign3A_79 = arith.constant 0 : i32
    %sign3A_80 = arith.cmpi slt, %jit3A_64, %sign3A_79 : i32
    %sign3A_81 = arith.extui %sign3A_80 : i1 to i32
    %sign3A_82 = arith.subi %sign3A_78, %sign3A_81 : i32
    %ne3A_83 = vector.broadcast %sign3A_82 : i32 to vector<16xi32>
    %ne3A_84 = arith.cmpi ne, %sign3A_75, %ne3A_83 : vector<16xi32>
    %rem3A_85 = vector.broadcast %jit3A_64 : i32 to vector<16xi32>
    %rem3A_86 = arith.remsi %add3A_63, %rem3A_85 : vector<16xi32>
    %ne3A_87 = arith.constant 0 : i32
    %ne3A_88 = vector.broadcast %ne3A_87 : i32 to vector<16xi32>
    %ne3A_89 = arith.cmpi ne, %rem3A_86, %ne3A_88 : vector<16xi32>
    %and3A_90 = arith.andi %ne3A_84, %ne3A_89 : vector<16xi1>
    %sub3A_91 = arith.constant 1 : i32
    %sub3A_92 = vector.broadcast %sub3A_91 : i32 to vector<16xi32>
    %sub3A_93 = arith.subi %div3A_66, %sub3A_92 : vector<16xi32>
    %select_n3A_94 = arith.select %and3A_90, %sub3A_93, %div3A_66 : vector<16xi1>, vector<16xi32>
    %add3A_95 = arith.constant 48 : i32
    %add3A_96 = vector.broadcast %add3A_95 : i32 to vector<16xi32>
    %add3A_97 = arith.addi %iota3A, %add3A_96 : vector<16xi32>
    %jit3A_98 = arith.constant 8 : i32
    %div3A_99 = vector.broadcast %jit3A_98 : i32 to vector<16xi32>
    %div3A_100 = arith.divsi %add3A_97, %div3A_99 : vector<16xi32>
    %sign3A_101 = arith.constant 0 : i32
    %sign3A_102 = vector.broadcast %sign3A_101 : i32 to vector<16xi32>
    %sign3A_103 = arith.cmpi sgt, %add3A_97, %sign3A_102 : vector<16xi32>
    %sign3A_104 = arith.extui %sign3A_103 : vector<16xi1> to vector<16xi32>
    %sign3A_105 = arith.constant 0 : i32
    %sign3A_106 = vector.broadcast %sign3A_105 : i32 to vector<16xi32>
    %sign3A_107 = arith.cmpi slt, %add3A_97, %sign3A_106 : vector<16xi32>
    %sign3A_108 = arith.extui %sign3A_107 : vector<16xi1> to vector<16xi32>
    %sign3A_109 = arith.subi %sign3A_104, %sign3A_108 : vector<16xi32>
    %sign3A_110 = arith.constant 0 : i32
    %sign3A_111 = arith.cmpi sgt, %jit3A_98, %sign3A_110 : i32
    %sign3A_112 = arith.extui %sign3A_111 : i1 to i32
    %sign3A_113 = arith.constant 0 : i32
    %sign3A_114 = arith.cmpi slt, %jit3A_98, %sign3A_113 : i32
    %sign3A_115 = arith.extui %sign3A_114 : i1 to i32
    %sign3A_116 = arith.subi %sign3A_112, %sign3A_115 : i32
    %ne3A_117 = vector.broadcast %sign3A_116 : i32 to vector<16xi32>
    %ne3A_118 = arith.cmpi ne, %sign3A_109, %ne3A_117 : vector<16xi32>
    %rem3A_119 = vector.broadcast %jit3A_98 : i32 to vector<16xi32>
    %rem3A_120 = arith.remsi %add3A_97, %rem3A_119 : vector<16xi32>
    %ne3A_121 = arith.constant 0 : i32
    %ne3A_122 = vector.broadcast %ne3A_121 : i32 to vector<16xi32>
    %ne3A_123 = arith.cmpi ne, %rem3A_120, %ne3A_122 : vector<16xi32>
    %and3A_124 = arith.andi %ne3A_118, %ne3A_123 : vector<16xi1>
    %sub3A_125 = arith.constant 1 : i32
    %sub3A_126 = vector.broadcast %sub3A_125 : i32 to vector<16xi32>
    %sub3A_127 = arith.subi %div3A_100, %sub3A_126 : vector<16xi32>
    %select_n3A_128 = arith.select %and3A_124, %sub3A_127, %div3A_100 : vector<16xi1>, vector<16xi32>
    %add3A_129 = arith.constant 0 : i32
    %add3A_130 = vector.broadcast %add3A_129 : i32 to vector<16xi32>
    %add3A_131 = arith.addi %iota3A, %add3A_130 : vector<16xi32>
    %jit3A_132 = arith.constant 8 : i32
    %eq3A = arith.constant 0 : i32
    %eq3A_133 = arith.cmpi eq, %jit3A_132, %eq3A : i32
    %jit3A_134 = arith.constant 1 : i32
    %select_n3A_135 = arith.select %eq3A_133, %jit3A_134, %jit3A_132 : i32
    %rem3A_136 = vector.broadcast %select_n3A_135 : i32 to vector<16xi32>
    %rem3A_137 = arith.remsi %add3A_131, %rem3A_136 : vector<16xi32>
    %ne3A_138 = arith.constant 0 : i32
    %ne3A_139 = vector.broadcast %ne3A_138 : i32 to vector<16xi32>
    %ne3A_140 = arith.cmpi ne, %rem3A_137, %ne3A_139 : vector<16xi32>
    %lt3A = arith.constant 0 : i32
    %lt3A_141 = vector.broadcast %lt3A : i32 to vector<16xi32>
    %lt3A_142 = arith.cmpi slt, %rem3A_137, %lt3A_141 : vector<16xi32>
    %lt3A_143 = arith.constant 0 : i32
    %lt3A_144 = arith.cmpi slt, %select_n3A_135, %lt3A_143 : i32
    %ne3A_145 = vector.broadcast %lt3A_144 : i1 to vector<16xi1>
    %ne3A_146 = vector.broadcast %ne3A_145 : vector<16xi1> to vector<16xi1>
    %ne3A_147 = arith.xori %lt3A_142, %ne3A_146 : vector<16xi1>
    %and3A_148 = arith.andi %ne3A_147, %ne3A_140 : vector<16xi1>
    %add3A_149 = vector.broadcast %select_n3A_135 : i32 to vector<16xi32>
    %add3A_150 = arith.addi %rem3A_137, %add3A_149 : vector<16xi32>
    %select_n3A_151 = arith.select %and3A_148, %add3A_150, %rem3A_137 : vector<16xi1>, vector<16xi32>
    %add3A_152 = arith.constant 16 : i32
    %add3A_153 = vector.broadcast %add3A_152 : i32 to vector<16xi32>
    %add3A_154 = arith.addi %iota3A, %add3A_153 : vector<16xi32>
    %jit3A_155 = arith.constant 8 : i32
    %eq3A_156 = arith.constant 0 : i32
    %eq3A_157 = arith.cmpi eq, %jit3A_155, %eq3A_156 : i32
    %jit3A_158 = arith.constant 1 : i32
    %select_n3A_159 = arith.select %eq3A_157, %jit3A_158, %jit3A_155 : i32
    %rem3A_160 = vector.broadcast %select_n3A_159 : i32 to vector<16xi32>
    %rem3A_161 = arith.remsi %add3A_154, %rem3A_160 : vector<16xi32>
    %ne3A_162 = arith.constant 0 : i32
    %ne3A_163 = vector.broadcast %ne3A_162 : i32 to vector<16xi32>
    %ne3A_164 = arith.cmpi ne, %rem3A_161, %ne3A_163 : vector<16xi32>
    %lt3A_165 = arith.constant 0 : i32
    %lt3A_166 = vector.broadcast %lt3A_165 : i32 to vector<16xi32>
    %lt3A_167 = arith.cmpi slt, %rem3A_161, %lt3A_166 : vector<16xi32>
    %lt3A_168 = arith.constant 0 : i32
    %lt3A_169 = arith.cmpi slt, %select_n3A_159, %lt3A_168 : i32
    %ne3A_170 = vector.broadcast %lt3A_169 : i1 to vector<16xi1>
    %ne3A_171 = vector.broadcast %ne3A_170 : vector<16xi1> to vector<16xi1>
    %ne3A_172 = arith.xori %lt3A_167, %ne3A_171 : vector<16xi1>
    %and3A_173 = arith.andi %ne3A_172, %ne3A_164 : vector<16xi1>
    %add3A_174 = vector.broadcast %select_n3A_159 : i32 to vector<16xi32>
    %add3A_175 = arith.addi %rem3A_161, %add3A_174 : vector<16xi32>
    %select_n3A_176 = arith.select %and3A_173, %add3A_175, %rem3A_161 : vector<16xi1>, vector<16xi32>
    %add3A_177 = arith.constant 32 : i32
    %add3A_178 = vector.broadcast %add3A_177 : i32 to vector<16xi32>
    %add3A_179 = arith.addi %iota3A, %add3A_178 : vector<16xi32>
    %jit3A_180 = arith.constant 8 : i32
    %eq3A_181 = arith.constant 0 : i32
    %eq3A_182 = arith.cmpi eq, %jit3A_180, %eq3A_181 : i32
    %jit3A_183 = arith.constant 1 : i32
    %select_n3A_184 = arith.select %eq3A_182, %jit3A_183, %jit3A_180 : i32
    %rem3A_185 = vector.broadcast %select_n3A_184 : i32 to vector<16xi32>
    %rem3A_186 = arith.remsi %add3A_179, %rem3A_185 : vector<16xi32>
    %ne3A_187 = arith.constant 0 : i32
    %ne3A_188 = vector.broadcast %ne3A_187 : i32 to vector<16xi32>
    %ne3A_189 = arith.cmpi ne, %rem3A_186, %ne3A_188 : vector<16xi32>
    %lt3A_190 = arith.constant 0 : i32
    %lt3A_191 = vector.broadcast %lt3A_190 : i32 to vector<16xi32>
    %lt3A_192 = arith.cmpi slt, %rem3A_186, %lt3A_191 : vector<16xi32>
    %lt3A_193 = arith.constant 0 : i32
    %lt3A_194 = arith.cmpi slt, %select_n3A_184, %lt3A_193 : i32
    %ne3A_195 = vector.broadcast %lt3A_194 : i1 to vector<16xi1>
    %ne3A_196 = vector.broadcast %ne3A_195 : vector<16xi1> to vector<16xi1>
    %ne3A_197 = arith.xori %lt3A_192, %ne3A_196 : vector<16xi1>
    %and3A_198 = arith.andi %ne3A_197, %ne3A_189 : vector<16xi1>
    %add3A_199 = vector.broadcast %select_n3A_184 : i32 to vector<16xi32>
    %add3A_200 = arith.addi %rem3A_186, %add3A_199 : vector<16xi32>
    %select_n3A_201 = arith.select %and3A_198, %add3A_200, %rem3A_186 : vector<16xi1>, vector<16xi32>
    %add3A_202 = arith.constant 48 : i32
    %add3A_203 = vector.broadcast %add3A_202 : i32 to vector<16xi32>
    %add3A_204 = arith.addi %iota3A, %add3A_203 : vector<16xi32>
    %jit3A_205 = arith.constant 8 : i32
    %eq3A_206 = arith.constant 0 : i32
    %eq3A_207 = arith.cmpi eq, %jit3A_205, %eq3A_206 : i32
    %jit3A_208 = arith.constant 1 : i32
    %select_n3A_209 = arith.select %eq3A_207, %jit3A_208, %jit3A_205 : i32
    %rem3A_210 = vector.broadcast %select_n3A_209 : i32 to vector<16xi32>
    %rem3A_211 = arith.remsi %add3A_204, %rem3A_210 : vector<16xi32>
    %ne3A_212 = arith.constant 0 : i32
    %ne3A_213 = vector.broadcast %ne3A_212 : i32 to vector<16xi32>
    %ne3A_214 = arith.cmpi ne, %rem3A_211, %ne3A_213 : vector<16xi32>
    %lt3A_215 = arith.constant 0 : i32
    %lt3A_216 = vector.broadcast %lt3A_215 : i32 to vector<16xi32>
    %lt3A_217 = arith.cmpi slt, %rem3A_211, %lt3A_216 : vector<16xi32>
    %lt3A_218 = arith.constant 0 : i32
    %lt3A_219 = arith.cmpi slt, %select_n3A_209, %lt3A_218 : i32
    %ne3A_220 = vector.broadcast %lt3A_219 : i1 to vector<16xi1>
    %ne3A_221 = vector.broadcast %ne3A_220 : vector<16xi1> to vector<16xi1>
    %ne3A_222 = arith.xori %lt3A_217, %ne3A_221 : vector<16xi1>
    %and3A_223 = arith.andi %ne3A_222, %ne3A_214 : vector<16xi1>
    %add3A_224 = vector.broadcast %select_n3A_209 : i32 to vector<16xi32>
    %add3A_225 = arith.addi %rem3A_211, %add3A_224 : vector<16xi32>
    %select_n3A_226 = arith.select %and3A_223, %add3A_225, %rem3A_211 : vector<16xi1>, vector<16xi32>
    %dma_start3A = arith.constant 0 : i32
    %dma_start3A_227 = arith.constant 0 : i32
    %dma_start3A_228 = tpu.memref_slice %arg6[%dma_start3A, %dma_start3A_227] : memref<25x1024xi32, #tpu.memory_space<vmem>> -> memref<1x512xi32, #tpu.memory_space<vmem>>
    %dma_start3A_229 = tpu.memref_squeeze %dma_start3A_228 : memref<1x512xi32, #tpu.memory_space<vmem>> -> memref<512xi32, #tpu.memory_space<vmem>>
    %dma_start3A_230 = arith.constant 0 : i32
    %dma_start3A_231 = arith.constant 0 : i32
    %dma_start3A_232 = tpu.memref_slice %arg3[%dma_start3A_230, %dma_start3A_231] : memref<100000x64xf32, #tpu.memory_space<hbm>> -> memref<100000x64xf32, #tpu.memory_space<hbm>>
    tpu.enqueue_indirect_dma source(%dma_start3A_232 : memref<100000x64xf32, #tpu.memory_space<hbm>>) target(%arg7 : memref<512x64xf32, #tpu.memory_space<vmem>>) offsets(%dma_start3A_229 : memref<512xi32, #tpu.memory_space<vmem>>) semaphore(%arg12 : memref<!tpu.dma_semaphore, #tpu.memory_space<semaphore_mem>>)
    %scan3A = arith.constant 0 : i32
    %scan3A_233 = arith.constant 25 : i32
    %scan3A_234 = arith.addi %scan3A, %scan3A_233 : i32
    %scan3A_235 = arith.constant 1 : i32
    scf.for %scan3A_274 = %scan3A to %scan3A_234 step %scan3A_235  : i32 {
      %mul3A_275 = arith.constant 2 : i32
      %mul3A_276 = arith.muli %scan3A_274, %mul3A_275 : i32
      %add3A_277 = arith.constant 0 : i32
      %add3A_278 = arith.addi %add3A_277, %mul3A_276 : i32
      %add3A_279 = arith.constant 1 : i32
      %add3A_280 = arith.addi %add3A_278, %add3A_279 : i32
      %dma_wait3A_281 = arith.constant 0 : i32
      %dma_wait3A_282 = arith.constant 0 : i32
      %dma_wait3A_283 = tpu.memref_slice %arg6[%dma_wait3A_281, %dma_wait3A_282] : memref<25x1024xi32, #tpu.memory_space<vmem>> -> memref<1x512xi32, #tpu.memory_space<vmem>>
      %dma_wait3A_284 = tpu.memref_squeeze %dma_wait3A_283 : memref<1x512xi32, #tpu.memory_space<vmem>> -> memref<512xi32, #tpu.memory_space<vmem>>
      %dma_wait3A_285 = arith.constant 0 : i32
      %dma_wait3A_286 = arith.constant 0 : i32
      %dma_wait3A_287 = tpu.memref_slice %arg3[%dma_wait3A_285, %dma_wait3A_286] : memref<100000x64xf32, #tpu.memory_space<hbm>> -> memref<100000x64xf32, #tpu.memory_space<hbm>>
      tpu.wait_indirect_dma semaphore(%arg12 : memref<!tpu.dma_semaphore, #tpu.memory_space<semaphore_mem>>) src(%dma_wait3A_287 : memref<100000x64xf32, #tpu.memory_space<hbm>>) dst(%arg7 : memref<512x64xf32, #tpu.memory_space<vmem>>)
      %lt3A_288 = arith.constant 50 : i32
      %lt3A_289 = arith.cmpi slt, %add3A_280, %lt3A_288 : i32
      %convert_element_type3A = arith.extui %lt3A_289 : i1 to i32
      %cond3A = arith.constant 0 : i32
      %cond3A_290 = arith.cmpi ne, %convert_element_type3A, %cond3A : i32
      scf.if %cond3A_290 {
        %jit3A_705 = arith.constant 2 : i32
        %div3A_706 = arith.divsi %add3A_280, %jit3A_705 : i32
        %sign3A_707 = arith.constant 0 : i32
        %sign3A_708 = arith.cmpi sgt, %add3A_280, %sign3A_707 : i32
        %sign3A_709 = arith.extui %sign3A_708 : i1 to i32
        %sign3A_710 = arith.constant 0 : i32
        %sign3A_711 = arith.cmpi slt, %add3A_280, %sign3A_710 : i32
        %sign3A_712 = arith.extui %sign3A_711 : i1 to i32
        %sign3A_713 = arith.subi %sign3A_709, %sign3A_712 : i32
        %sign3A_714 = arith.constant 0 : i32
        %sign3A_715 = arith.cmpi sgt, %jit3A_705, %sign3A_714 : i32
        %sign3A_716 = arith.extui %sign3A_715 : i1 to i32
        %sign3A_717 = arith.constant 0 : i32
        %sign3A_718 = arith.cmpi slt, %jit3A_705, %sign3A_717 : i32
        %sign3A_719 = arith.extui %sign3A_718 : i1 to i32
        %sign3A_720 = arith.subi %sign3A_716, %sign3A_719 : i32
        %ne3A_721 = arith.cmpi ne, %sign3A_713, %sign3A_720 : i32
        %rem3A_722 = arith.remsi %add3A_280, %jit3A_705 : i32
        %ne3A_723 = arith.constant 0 : i32
        %ne3A_724 = arith.cmpi ne, %rem3A_722, %ne3A_723 : i32
        %and3A_725 = arith.andi %ne3A_721, %ne3A_724 : i1
        %sub3A_726 = arith.constant 1 : i32
        %sub3A_727 = arith.subi %div3A_706, %sub3A_726 : i32
        %select_n3A_728 = arith.select %and3A_725, %sub3A_727, %div3A_706 : i32
        %jit3A_729 = arith.constant 2 : i32
        %eq3A_730 = arith.constant 0 : i32
        %eq3A_731 = arith.cmpi eq, %jit3A_729, %eq3A_730 : i32
        %jit3A_732 = arith.constant 1 : i32
        %select_n3A_733 = arith.select %eq3A_731, %jit3A_732, %jit3A_729 : i32
        %rem3A_734 = arith.remsi %add3A_280, %select_n3A_733 : i32
        %ne3A_735 = arith.constant 0 : i32
        %ne3A_736 = arith.cmpi ne, %rem3A_734, %ne3A_735 : i32
        %lt3A_737 = arith.constant 0 : i32
        %lt3A_738 = arith.cmpi slt, %rem3A_734, %lt3A_737 : i32
        %lt3A_739 = arith.constant 0 : i32
        %lt3A_740 = arith.cmpi slt, %select_n3A_733, %lt3A_739 : i32
        %ne3A_741 = arith.xori %lt3A_738, %lt3A_740 : i1
        %and3A_742 = arith.andi %ne3A_741, %ne3A_736 : i1
        %add3A_743 = arith.addi %rem3A_734, %select_n3A_733 : i32
        %select_n3A_744 = arith.select %and3A_742, %add3A_743, %rem3A_734 : i32
        %mul3A_745 = arith.constant 4 : i32
        %mul3A_746 = arith.muli %select_n3A_744, %mul3A_745 : i32
        %mul3A_747 = arith.constant 128 : i32
        %mul3A_748 = arith.muli %mul3A_746, %mul3A_747 : i32
        %dma_start3A_749 = tpu.memref_slice %arg6[%select_n3A_728, %mul3A_748] : memref<25x1024xi32, #tpu.memory_space<vmem>> -> memref<1x512xi32, #tpu.memory_space<vmem>>
        %dma_start3A_750 = tpu.memref_squeeze %dma_start3A_749 : memref<1x512xi32, #tpu.memory_space<vmem>> -> memref<512xi32, #tpu.memory_space<vmem>>
        %dma_start3A_751 = arith.constant 0 : i32
        %dma_start3A_752 = arith.constant 0 : i32
        %dma_start3A_753 = tpu.memref_slice %arg3[%dma_start3A_751, %dma_start3A_752] : memref<100000x64xf32, #tpu.memory_space<hbm>> -> memref<100000x64xf32, #tpu.memory_space<hbm>>
        tpu.enqueue_indirect_dma source(%dma_start3A_753 : memref<100000x64xf32, #tpu.memory_space<hbm>>) target(%arg8 : memref<512x64xf32, #tpu.memory_space<vmem>>) offsets(%dma_start3A_750 : memref<512xi32, #tpu.memory_space<vmem>>) semaphore(%arg13 : memref<!tpu.dma_semaphore, #tpu.memory_space<semaphore_mem>>)
      } else {
      }
      %mul3A_291 = arith.constant 4 : i32
      %mul3A_292 = arith.muli %add3A_278, %mul3A_291 : i32
      %add3A_293 = arith.constant 0 : i32
      %add3A_294 = arith.addi %mul3A_292, %add3A_293 : i32
      %mul3A_295 = arith.constant 64 : i32
      %mul3A_296 = arith.muli %add3A_294, %mul3A_295 : i32
      %ge3A = arith.constant 2 : i32
      %ge3A_297 = arith.cmpi sge, %add3A_294, %ge3A : i32
      %convert_element_type3A_298 = arith.extui %ge3A_297 : i1 to i32
      %cond3A_299 = arith.constant 0 : i32
      %cond3A_300 = arith.cmpi ne, %convert_element_type3A_298, %cond3A_299 : i32
      scf.if %cond3A_300 {
        %dma_wait3A_705 = arith.constant 0 : i32
        %dma_wait3A_706 = arith.constant 0 : i32
        %dma_wait3A_707 = arith.constant 0 : i32
        %dma_wait3A_708 = arith.constant 0 : i32
        %dma_wait3A_709 = tpu.memref_slice %arg9[%dma_wait3A_706, %dma_wait3A_707, %dma_wait3A_708] : memref<8x8x129xf32, #tpu.memory_space<vmem>> -> memref<8x8x128xf32, #tpu.memory_space<vmem>>
        %dma_wait3A_710 = arith.constant 0 : i32
        %dma_wait3A_711 = arith.constant 0 : i32
        %dma_wait3A_712 = arith.constant 0 : i32
        %dma_wait3A_713 = tpu.memref_slice %arg5[%dma_wait3A_705, %dma_wait3A_710, %add3A, %dma_wait3A_711, %dma_wait3A_712] : memref<200x8x32x8x128xf32, #tpu.memory_space<hbm>> -> memref<1x8x1x8x128xf32, #tpu.memory_space<hbm>>
        %dma_wait3A_714 = tpu.memref_squeeze %dma_wait3A_713 : memref<1x8x1x8x128xf32, #tpu.memory_space<hbm>> -> memref<8x8x128xf32, #tpu.memory_space<hbm>>
        %dma_wait3A_715 = arith.constant 0 : i32
        %dma_wait3A_716 = arith.constant 0 : i32
        %dma_wait3A_717 = arith.constant 0 : i32
        %dma_wait3A_718 = tpu.memref_slice %arg5[%dma_wait3A_705, %dma_wait3A_715, %add3A, %dma_wait3A_716, %dma_wait3A_717] : memref<200x8x32x8x128xf32, #tpu.memory_space<hbm>> -> memref<1x8x1x8x128xf32, #tpu.memory_space<hbm>>
        %dma_wait3A_719 = tpu.memref_squeeze %dma_wait3A_718 : memref<1x8x1x8x128xf32, #tpu.memory_space<hbm>> -> memref<8x8x128xf32, #tpu.memory_space<hbm>>
        %dma_wait3A_720 = arith.constant 0 : i32
        %dma_wait3A_721 = arith.constant 0 : i32
        %dma_wait3A_722 = arith.constant 0 : i32
        %dma_wait3A_723 = tpu.memref_slice %arg9[%dma_wait3A_720, %dma_wait3A_721, %dma_wait3A_722] : memref<8x8x129xf32, #tpu.memory_space<vmem>> -> memref<8x8x128xf32, #tpu.memory_space<vmem>>
        tpu.wait_dma2 semaphore(%arg14 : memref<!tpu.dma_semaphore, #tpu.memory_space<semaphore_mem>>) src(%dma_wait3A_723 : memref<8x8x128xf32, #tpu.memory_space<vmem>>) dst(%dma_wait3A_719 : memref<8x8x128xf32, #tpu.memory_space<hbm>>)
      } else {
      }
      %add3A_301 = arith.constant 0 : i32
      %add3A_302 = arith.addi %mul3A_296, %add3A_301 : i32
      %get3A = arith.index_cast %add3A_302 : i32 to index
      %get3A_303 = tpu.vector_load %arg11[%get3A] {strides = array<i32>} : memref<12800xf32, #tpu.memory_space<vmem>>, vector<16xf32>,
      %add3A_304 = arith.constant 16 : i32
      %add3A_305 = arith.addi %mul3A_296, %add3A_304 : i32
      %get3A_306 = arith.index_cast %add3A_305 : i32 to index
      %get3A_307 = tpu.vector_load %arg11[%get3A_306] {strides = array<i32>} : memref<12800xf32, #tpu.memory_space<vmem>>, vector<16xf32>,
      %add3A_308 = arith.constant 32 : i32
      %add3A_309 = arith.addi %mul3A_296, %add3A_308 : i32
      %get3A_310 = arith.index_cast %add3A_309 : i32 to index
      %get3A_311 = tpu.vector_load %arg11[%get3A_310] {strides = array<i32>} : memref<12800xf32, #tpu.memory_space<vmem>>, vector<16xf32>,
      %add3A_312 = arith.constant 48 : i32
      %add3A_313 = arith.addi %mul3A_296, %add3A_312 : i32
      %get3A_314 = arith.index_cast %add3A_313 : i32 to index
      %get3A_315 = tpu.vector_load %arg11[%get3A_314] {strides = array<i32>} : memref<12800xf32, #tpu.memory_space<vmem>>, vector<16xf32>,
      %scan3A_316 = arith.constant 0 : i32
      %scan3A_317 = arith.constant 128 : i32
      %scan3A_318 = arith.addi %scan3A_316, %scan3A_317 : i32
      %scan3A_319 = arith.constant 4 : i32
      scf.for %scan3A_705 = %scan3A_316 to %scan3A_318 step %scan3A_319  : i32 {
        %mul3A_706 = arith.constant 1 : i32
        %mul3A_707 = arith.muli %scan3A_705, %mul3A_706 : i32
        %add3A_708 = arith.constant 0 : i32
        %add3A_709 = arith.addi %add3A_708, %mul3A_707 : i32
        %add3A_710 = arith.constant 0 : i32
        %add3A_711 = arith.addi %add3A_710, %add3A_709 : i32
        %broadcast_in_dim3A = vector.broadcast %add3A_709 : i32 to vector<16xi32>
        %get3A_712 = arith.index_cast %add3A_711 : i32 to index
        %get3A_713 = arith.constant 0 : index
        %get3A_714 = tpu.vector_load %arg7[%get3A_712, %get3A_713] {strides = array<i32>} : memref<512x64xf32, #tpu.memory_space<vmem>>, vector<16xf32>,
        %add3A_715 = arith.addf %get3A_714, %get3A_303 : vector<16xf32>
        tpu.vector_store_idx %arg9[%select_n3A, %select_n3A_151, %broadcast_in_dim3A], %add3A_715 : memref<8x8x129xf32, #tpu.memory_space<vmem>>[vector<16xi32>, vector<16xi32>, vector<16xi32>], vector<16xf32>,
        %get3A_716 = arith.index_cast %add3A_711 : i32 to index
        %get3A_717 = arith.constant 16 : index
        %get3A_718 = tpu.vector_load %arg7[%get3A_716, %get3A_717] {strides = array<i32>} : memref<512x64xf32, #tpu.memory_space<vmem>>, vector<16xf32>,
        %add3A_719 = arith.addf %get3A_718, %get3A_307 : vector<16xf32>
        tpu.vector_store_idx %arg9[%select_n3A_60, %select_n3A_176, %broadcast_in_dim3A], %add3A_719 : memref<8x8x129xf32, #tpu.memory_space<vmem>>[vector<16xi32>, vector<16xi32>, vector<16xi32>], vector<16xf32>,
        %get3A_720 = arith.index_cast %add3A_711 : i32 to index
        %get3A_721 = arith.constant 32 : index
        %get3A_722 = tpu.vector_load %arg7[%get3A_720, %get3A_721] {strides = array<i32>} : memref<512x64xf32, #tpu.memory_space<vmem>>, vector<16xf32>,
        %add3A_723 = arith.addf %get3A_722, %get3A_311 : vector<16xf32>
        tpu.vector_store_idx %arg9[%select_n3A_94, %select_n3A_201, %broadcast_in_dim3A], %add3A_723 : memref<8x8x129xf32, #tpu.memory_space<vmem>>[vector<16xi32>, vector<16xi32>, vector<16xi32>], vector<16xf32>,
        %get3A_724 = arith.index_cast %add3A_711 : i32 to index
        %get3A_725 = arith.constant 48 : index
        %get3A_726 = tpu.vector_load %arg7[%get3A_724, %get3A_725] {strides = array<i32>} : memref<512x64xf32, #tpu.memory_space<vmem>>, vector<16xf32>,
        %add3A_727 = arith.addf %get3A_726, %get3A_315 : vector<16xf32>
        tpu.vector_store_idx %arg9[%select_n3A_128, %select_n3A_226, %broadcast_in_dim3A], %add3A_727 : memref<8x8x129xf32, #tpu.memory_space<vmem>>[vector<16xi32>, vector<16xi32>, vector<16xi32>], vector<16xf32>,
        %scan3A_728 = arith.constant 1 : i32
        %scan3A_729 = arith.addi %scan3A_705, %scan3A_728 : i32
        %mul3A_730 = arith.constant 1 : i32
        %mul3A_731 = arith.muli %scan3A_729, %mul3A_730 : i32
        %add3A_732 = arith.constant 0 : i32
        %add3A_733 = arith.addi %add3A_732, %mul3A_731 : i32
        %add3A_734 = arith.constant 0 : i32
        %add3A_735 = arith.addi %add3A_734, %add3A_733 : i32
        %broadcast_in_dim3A_736 = vector.broadcast %add3A_733 : i32 to vector<16xi32>
        %get3A_737 = arith.index_cast %add3A_735 : i32 to index
        %get3A_738 = arith.constant 0 : index
        %get3A_739 = tpu.vector_load %arg7[%get3A_737, %get3A_738] {strides = array<i32>} : memref<512x64xf32, #tpu.memory_space<vmem>>, vector<16xf32>,
        %add3A_740 = arith.addf %get3A_739, %get3A_303 : vector<16xf32>
        tpu.vector_store_idx %arg9[%select_n3A, %select_n3A_151, %broadcast_in_dim3A_736], %add3A_740 : memref<8x8x129xf32, #tpu.memory_space<vmem>>[vector<16xi32>, vector<16xi32>, vector<16xi32>], vector<16xf32>,
        %get3A_741 = arith.index_cast %add3A_735 : i32 to index
        %get3A_742 = arith.constant 16 : index
        %get3A_743 = tpu.vector_load %arg7[%get3A_741, %get3A_742] {strides = array<i32>} : memref<512x64xf32, #tpu.memory_space<vmem>>, vector<16xf32>,
        %add3A_744 = arith.addf %get3A_743, %get3A_307 : vector<16xf32>
        tpu.vector_store_idx %arg9[%select_n3A_60, %select_n3A_176, %broadcast_in_dim3A_736], %add3A_744 : memref<8x8x129xf32, #tpu.memory_space<vmem>>[vector<16xi32>, vector<16xi32>, vector<16xi32>], vector<16xf32>,
        %get3A_745 = arith.index_cast %add3A_735 : i32 to index
        %get3A_746 = arith.constant 32 : index
        %get3A_747 = tpu.vector_load %arg7[%get3A_745, %get3A_746] {strides = array<i32>} : memref<512x64xf32, #tpu.memory_space<vmem>>, vector<16xf32>,
        %add3A_748 = arith.addf %get3A_747, %get3A_311 : vector<16xf32>
        tpu.vector_store_idx %arg9[%select_n3A_94, %select_n3A_201, %broadcast_in_dim3A_736], %add3A_748 : memref<8x8x129xf32, #tpu.memory_space<vmem>>[vector<16xi32>, vector<16xi32>, vector<16xi32>], vector<16xf32>,
        %get3A_749 = arith.index_cast %add3A_735 : i32 to index
        %get3A_750 = arith.constant 48 : index
        %get3A_751 = tpu.vector_load %arg7[%get3A_749, %get3A_750] {strides = array<i32>} : memref<512x64xf32, #tpu.memory_space<vmem>>, vector<16xf32>,
        %add3A_752 = arith.addf %get3A_751, %get3A_315 : vector<16xf32>
        tpu.vector_store_idx %arg9[%select_n3A_128, %select_n3A_226, %broadcast_in_dim3A_736], %add3A_752 : memref<8x8x129xf32, #tpu.memory_space<vmem>>[vector<16xi32>, vector<16xi32>, vector<16xi32>], vector<16xf32>,
        %scan3A_753 = arith.constant 2 : i32
        %scan3A_754 = arith.addi %scan3A_705, %scan3A_753 : i32
        %mul3A_755 = arith.constant 1 : i32
        %mul3A_756 = arith.muli %scan3A_754, %mul3A_755 : i32
        %add3A_757 = arith.constant 0 : i32
        %add3A_758 = arith.addi %add3A_757, %mul3A_756 : i32
        %add3A_759 = arith.constant 0 : i32
        %add3A_760 = arith.addi %add3A_759, %add3A_758 : i32
        %broadcast_in_dim3A_761 = vector.broadcast %add3A_758 : i32 to vector<16xi32>
        %get3A_762 = arith.index_cast %add3A_760 : i32 to index
        %get3A_763 = arith.constant 0 : index
        %get3A_764 = tpu.vector_load %arg7[%get3A_762, %get3A_763] {strides = array<i32>} : memref<512x64xf32, #tpu.memory_space<vmem>>, vector<16xf32>,
        %add3A_765 = arith.addf %get3A_764, %get3A_303 : vector<16xf32>
        tpu.vector_store_idx %arg9[%select_n3A, %select_n3A_151, %broadcast_in_dim3A_761], %add3A_765 : memref<8x8x129xf32, #tpu.memory_space<vmem>>[vector<16xi32>, vector<16xi32>, vector<16xi32>], vector<16xf32>,
        %get3A_766 = arith.index_cast %add3A_760 : i32 to index
        %get3A_767 = arith.constant 16 : index
        %get3A_768 = tpu.vector_load %arg7[%get3A_766, %get3A_767] {strides = array<i32>} : memref<512x64xf32, #tpu.memory_space<vmem>>, vector<16xf32>,
        %add3A_769 = arith.addf %get3A_768, %get3A_307 : vector<16xf32>
        tpu.vector_store_idx %arg9[%select_n3A_60, %select_n3A_176, %broadcast_in_dim3A_761], %add3A_769 : memref<8x8x129xf32, #tpu.memory_space<vmem>>[vector<16xi32>, vector<16xi32>, vector<16xi32>], vector<16xf32>,
        %get3A_770 = arith.index_cast %add3A_760 : i32 to index
        %get3A_771 = arith.constant 32 : index
        %get3A_772 = tpu.vector_load %arg7[%get3A_770, %get3A_771] {strides = array<i32>} : memref<512x64xf32, #tpu.memory_space<vmem>>, vector<16xf32>,
        %add3A_773 = arith.addf %get3A_772, %get3A_311 : vector<16xf32>
        tpu.vector_store_idx %arg9[%select_n3A_94, %select_n3A_201, %broadcast_in_dim3A_761], %add3A_773 : memref<8x8x129xf32, #tpu.memory_space<vmem>>[vector<16xi32>, vector<16xi32>, vector<16xi32>], vector<16xf32>,
        %get3A_774 = arith.index_cast %add3A_760 : i32 to index
        %get3A_775 = arith.constant 48 : index
        %get3A_776 = tpu.vector_load %arg7[%get3A_774, %get3A_775] {strides = array<i32>} : memref<512x64xf32, #tpu.memory_space<vmem>>, vector<16xf32>,
        %add3A_777 = arith.addf %get3A_776, %get3A_315 : vector<16xf32>
        tpu.vector_store_idx %arg9[%select_n3A_128, %select_n3A_226, %broadcast_in_dim3A_761], %add3A_777 : memref<8x8x129xf32, #tpu.memory_space<vmem>>[vector<16xi32>, vector<16xi32>, vector<16xi32>], vector<16xf32>,
        %scan3A_778 = arith.constant 3 : i32
        %scan3A_779 = arith.addi %scan3A_705, %scan3A_778 : i32
        %mul3A_780 = arith.constant 1 : i32
        %mul3A_781 = arith.muli %scan3A_779, %mul3A_780 : i32
        %add3A_782 = arith.constant 0 : i32
        %add3A_783 = arith.addi %add3A_782, %mul3A_781 : i32
        %add3A_784 = arith.constant 0 : i32
        %add3A_785 = arith.addi %add3A_784, %add3A_783 : i32
        %broadcast_in_dim3A_786 = vector.broadcast %add3A_783 : i32 to vector<16xi32>
        %get3A_787 = arith.index_cast %add3A_785 : i32 to index
        %get3A_788 = arith.constant 0 : index
        %get3A_789 = tpu.vector_load %arg7[%get3A_787, %get3A_788] {strides = array<i32>} : memref<512x64xf32, #tpu.memory_space<vmem>>, vector<16xf32>,
        %add3A_790 = arith.addf %get3A_789, %get3A_303 : vector<16xf32>
        tpu.vector_store_idx %arg9[%select_n3A, %select_n3A_151, %broadcast_in_dim3A_786], %add3A_790 : memref<8x8x129xf32, #tpu.memory_space<vmem>>[vector<16xi32>, vector<16xi32>, vector<16xi32>], vector<16xf32>,
        %get3A_791 = arith.index_cast %add3A_785 : i32 to index
        %get3A_792 = arith.constant 16 : index
        %get3A_793 = tpu.vector_load %arg7[%get3A_791, %get3A_792] {strides = array<i32>} : memref<512x64xf32, #tpu.memory_space<vmem>>, vector<16xf32>,
        %add3A_794 = arith.addf %get3A_793, %get3A_307 : vector<16xf32>
        tpu.vector_store_idx %arg9[%select_n3A_60, %select_n3A_176, %broadcast_in_dim3A_786], %add3A_794 : memref<8x8x129xf32, #tpu.memory_space<vmem>>[vector<16xi32>, vector<16xi32>, vector<16xi32>], vector<16xf32>,
        %get3A_795 = arith.index_cast %add3A_785 : i32 to index
        %get3A_796 = arith.constant 32 : index
        %get3A_797 = tpu.vector_load %arg7[%get3A_795, %get3A_796] {strides = array<i32>} : memref<512x64xf32, #tpu.memory_space<vmem>>, vector<16xf32>,
        %add3A_798 = arith.addf %get3A_797, %get3A_311 : vector<16xf32>
        tpu.vector_store_idx %arg9[%select_n3A_94, %select_n3A_201, %broadcast_in_dim3A_786], %add3A_798 : memref<8x8x129xf32, #tpu.memory_space<vmem>>[vector<16xi32>, vector<16xi32>, vector<16xi32>], vector<16xf32>,
        %get3A_799 = arith.index_cast %add3A_785 : i32 to index
        %get3A_800 = arith.constant 48 : index
        %get3A_801 = tpu.vector_load %arg7[%get3A_799, %get3A_800] {strides = array<i32>} : memref<512x64xf32, #tpu.memory_space<vmem>>, vector<16xf32>,
        %add3A_802 = arith.addf %get3A_801, %get3A_315 : vector<16xf32>
        tpu.vector_store_idx %arg9[%select_n3A_128, %select_n3A_226, %broadcast_in_dim3A_786], %add3A_802 : memref<8x8x129xf32, #tpu.memory_space<vmem>>[vector<16xi32>, vector<16xi32>, vector<16xi32>], vector<16xf32>,
      }
      %scan3A_320 = arith.constant 128 : i32
      %dma_start3A_321 = arith.constant 0 : i32
      %dma_start3A_322 = arith.constant 0 : i32
      %dma_start3A_323 = arith.constant 0 : i32
      %dma_start3A_324 = tpu.memref_slice %arg9[%dma_start3A_321, %dma_start3A_322, %dma_start3A_323] : memref<8x8x129xf32, #tpu.memory_space<vmem>> -> memref<8x8x128xf32, #tpu.memory_space<vmem>>
      %dma_start3A_325 = arith.constant 0 : i32
      %dma_start3A_326 = arith.constant 0 : i32
      %dma_start3A_327 = arith.constant 0 : i32
      %dma_start3A_328 = tpu.memref_slice %arg5[%add3A_294, %dma_start3A_325, %add3A, %dma_start3A_326, %dma_start3A_327] : memref<200x8x32x8x128xf32, #tpu.memory_space<hbm>> -> memref<1x8x1x8x128xf32, #tpu.memory_space<hbm>>
      %dma_start3A_329 = tpu.memref_squeeze %dma_start3A_328 : memref<1x8x1x8x128xf32, #tpu.memory_space<hbm>> -> memref<8x8x128xf32, #tpu.memory_space<hbm>>
      %dma_start3A_330 = arith.constant 0 : i32
      %dma_start3A_331 = arith.constant 0 : i32
      %dma_start3A_332 = arith.constant 0 : i32
      %dma_start3A_333 = tpu.memref_slice %arg5[%add3A_294, %dma_start3A_330, %add3A, %dma_start3A_331, %dma_start3A_332] : memref<200x8x32x8x128xf32, #tpu.memory_space<hbm>> -> memref<1x8x1x8x128xf32, #tpu.memory_space<hbm>>
      %dma_start3A_334 = tpu.memref_squeeze %dma_start3A_333 : memref<1x8x1x8x128xf32, #tpu.memory_space<hbm>> -> memref<8x8x128xf32, #tpu.memory_space<hbm>>
      %dma_start3A_335 = arith.constant 0 : i32
      %dma_start3A_336 = arith.constant 0 : i32
      %dma_start3A_337 = arith.constant 0 : i32
      %dma_start3A_338 = tpu.memref_slice %arg9[%dma_start3A_335, %dma_start3A_336, %dma_start3A_337] : memref<8x8x129xf32, #tpu.memory_space<vmem>> -> memref<8x8x128xf32, #tpu.memory_space<vmem>>
      tpu.enqueue_dma source(%dma_start3A_338 : memref<8x8x128xf32, #tpu.memory_space<vmem>>) target(%dma_start3A_334 : memref<8x8x128xf32, #tpu.memory_space<hbm>>) target_semaphore(%arg14 : memref<!tpu.dma_semaphore, #tpu.memory_space<semaphore_mem>>)
      %mul3A_339 = arith.constant 4 : i32
      %mul3A_340 = arith.muli %add3A_278, %mul3A_339 : i32
      %add3A_341 = arith.constant 1 : i32
      %add3A_342 = arith.addi %mul3A_340, %add3A_341 : i32
      %mul3A_343 = arith.constant 64 : i32
      %mul3A_344 = arith.muli %add3A_342, %mul3A_343 : i32
      %ge3A_345 = arith.constant 2 : i32
      %ge3A_346 = arith.cmpi sge, %add3A_342, %ge3A_345 : i32
      %convert_element_type3A_347 = arith.extui %ge3A_346 : i1 to i32
      %cond3A_348 = arith.constant 0 : i32
      %cond3A_349 = arith.cmpi ne, %convert_element_type3A_347, %cond3A_348 : i32
      scf.if %cond3A_349 {
        %dma_wait3A_705 = arith.constant 0 : i32
        %dma_wait3A_706 = arith.constant 0 : i32
        %dma_wait3A_707 = arith.constant 0 : i32
        %dma_wait3A_708 = arith.constant 0 : i32
        %dma_wait3A_709 = tpu.memref_slice %arg10[%dma_wait3A_706, %dma_wait3A_707, %dma_wait3A_708] : memref<8x8x129xf32, #tpu.memory_space<vmem>> -> memref<8x8x128xf32, #tpu.memory_space<vmem>>
        %dma_wait3A_710 = arith.constant 0 : i32
        %dma_wait3A_711 = arith.constant 0 : i32
        %dma_wait3A_712 = arith.constant 0 : i32
        %dma_wait3A_713 = tpu.memref_slice %arg5[%dma_wait3A_705, %dma_wait3A_710, %add3A, %dma_wait3A_711, %dma_wait3A_712] : memref<200x8x32x8x128xf32, #tpu.memory_space<hbm>> -> memref<1x8x1x8x128xf32, #tpu.memory_space<hbm>>
        %dma_wait3A_714 = tpu.memref_squeeze %dma_wait3A_713 : memref<1x8x1x8x128xf32, #tpu.memory_space<hbm>> -> memref<8x8x128xf32, #tpu.memory_space<hbm>>
        %dma_wait3A_715 = arith.constant 0 : i32
        %dma_wait3A_716 = arith.constant 0 : i32
        %dma_wait3A_717 = arith.constant 0 : i32
        %dma_wait3A_718 = tpu.memref_slice %arg5[%dma_wait3A_705, %dma_wait3A_715, %add3A, %dma_wait3A_716, %dma_wait3A_717] : memref<200x8x32x8x128xf32, #tpu.memory_space<hbm>> -> memref<1x8x1x8x128xf32, #tpu.memory_space<hbm>>
        %dma_wait3A_719 = tpu.memref_squeeze %dma_wait3A_718 : memref<1x8x1x8x128xf32, #tpu.memory_space<hbm>> -> memref<8x8x128xf32, #tpu.memory_space<hbm>>
        %dma_wait3A_720 = arith.constant 0 : i32
        %dma_wait3A_721 = arith.constant 0 : i32
        %dma_wait3A_722 = arith.constant 0 : i32
        %dma_wait3A_723 = tpu.memref_slice %arg10[%dma_wait3A_720, %dma_wait3A_721, %dma_wait3A_722] : memref<8x8x129xf32, #tpu.memory_space<vmem>> -> memref<8x8x128xf32, #tpu.memory_space<vmem>>
        tpu.wait_dma2 semaphore(%arg15 : memref<!tpu.dma_semaphore, #tpu.memory_space<semaphore_mem>>) src(%dma_wait3A_723 : memref<8x8x128xf32, #tpu.memory_space<vmem>>) dst(%dma_wait3A_719 : memref<8x8x128xf32, #tpu.memory_space<hbm>>)
      } else {
      }
      %add3A_350 = arith.constant 0 : i32
      %add3A_351 = arith.addi %mul3A_344, %add3A_350 : i32
      %get3A_352 = arith.index_cast %add3A_351 : i32 to index
      %get3A_353 = tpu.vector_load %arg11[%get3A_352] {strides = array<i32>} : memref<12800xf32, #tpu.memory_space<vmem>>, vector<16xf32>,
      %add3A_354 = arith.constant 16 : i32
      %add3A_355 = arith.addi %mul3A_344, %add3A_354 : i32
      %get3A_356 = arith.index_cast %add3A_355 : i32 to index
      %get3A_357 = tpu.vector_load %arg11[%get3A_356] {strides = array<i32>} : memref<12800xf32, #tpu.memory_space<vmem>>, vector<16xf32>,
      %add3A_358 = arith.constant 32 : i32
      %add3A_359 = arith.addi %mul3A_344, %add3A_358 : i32
      %get3A_360 = arith.index_cast %add3A_359 : i32 to index
      %get3A_361 = tpu.vector_load %arg11[%get3A_360] {strides = array<i32>} : memref<12800xf32, #tpu.memory_space<vmem>>, vector<16xf32>,
      %add3A_362 = arith.constant 48 : i32
      %add3A_363 = arith.addi %mul3A_344, %add3A_362 : i32
      %get3A_364 = arith.index_cast %add3A_363 : i32 to index
      %get3A_365 = tpu.vector_load %arg11[%get3A_364] {strides = array<i32>} : memref<12800xf32, #tpu.memory_space<vmem>>, vector<16xf32>,
      %scan3A_366 = arith.constant 0 : i32
      %scan3A_367 = arith.constant 128 : i32
      %scan3A_368 = arith.addi %scan3A_366, %scan3A_367 : i32
      %scan3A_369 = arith.constant 4 : i32
      scf.for %scan3A_705 = %scan3A_366 to %scan3A_368 step %scan3A_369  : i32 {
        %mul3A_706 = arith.constant 1 : i32
        %mul3A_707 = arith.muli %scan3A_705, %mul3A_706 : i32
        %add3A_708 = arith.constant 0 : i32
        %add3A_709 = arith.addi %add3A_708, %mul3A_707 : i32
        %add3A_710 = arith.constant 128 : i32
        %add3A_711 = arith.addi %add3A_710, %add3A_709 : i32
        %broadcast_in_dim3A = vector.broadcast %add3A_709 : i32 to vector<16xi32>
        %get3A_712 = arith.index_cast %add3A_711 : i32 to index
        %get3A_713 = arith.constant 0 : index
        %get3A_714 = tpu.vector_load %arg7[%get3A_712, %get3A_713] {strides = array<i32>} : memref<512x64xf32, #tpu.memory_space<vmem>>, vector<16xf32>,
        %add3A_715 = arith.addf %get3A_714, %get3A_353 : vector<16xf32>
        tpu.vector_store_idx %arg10[%select_n3A, %select_n3A_151, %broadcast_in_dim3A], %add3A_715 : memref<8x8x129xf32, #tpu.memory_space<vmem>>[vector<16xi32>, vector<16xi32>, vector<16xi32>], vector<16xf32>,
        %get3A_716 = arith.index_cast %add3A_711 : i32 to index
        %get3A_717 = arith.constant 16 : index
        %get3A_718 = tpu.vector_load %arg7[%get3A_716, %get3A_717] {strides = array<i32>} : memref<512x64xf32, #tpu.memory_space<vmem>>, vector<16xf32>,
        %add3A_719 = arith.addf %get3A_718, %get3A_357 : vector<16xf32>
        tpu.vector_store_idx %arg10[%select_n3A_60, %select_n3A_176, %broadcast_in_dim3A], %add3A_719 : memref<8x8x129xf32, #tpu.memory_space<vmem>>[vector<16xi32>, vector<16xi32>, vector<16xi32>], vector<16xf32>,
        %get3A_720 = arith.index_cast %add3A_711 : i32 to index
        %get3A_721 = arith.constant 32 : index
        %get3A_722 = tpu.vector_load %arg7[%get3A_720, %get3A_721] {strides = array<i32>} : memref<512x64xf32, #tpu.memory_space<vmem>>, vector<16xf32>,
        %add3A_723 = arith.addf %get3A_722, %get3A_361 : vector<16xf32>
        tpu.vector_store_idx %arg10[%select_n3A_94, %select_n3A_201, %broadcast_in_dim3A], %add3A_723 : memref<8x8x129xf32, #tpu.memory_space<vmem>>[vector<16xi32>, vector<16xi32>, vector<16xi32>], vector<16xf32>,
        %get3A_724 = arith.index_cast %add3A_711 : i32 to index
        %get3A_725 = arith.constant 48 : index
        %get3A_726 = tpu.vector_load %arg7[%get3A_724, %get3A_725] {strides = array<i32>} : memref<512x64xf32, #tpu.memory_space<vmem>>, vector<16xf32>,
        %add3A_727 = arith.addf %get3A_726, %get3A_365 : vector<16xf32>
        tpu.vector_store_idx %arg10[%select_n3A_128, %select_n3A_226, %broadcast_in_dim3A], %add3A_727 : memref<8x8x129xf32, #tpu.memory_space<vmem>>[vector<16xi32>, vector<16xi32>, vector<16xi32>], vector<16xf32>,
        %scan3A_728 = arith.constant 1 : i32
        %scan3A_729 = arith.addi %scan3A_705, %scan3A_728 : i32
        %mul3A_730 = arith.constant 1 : i32
        %mul3A_731 = arith.muli %scan3A_729, %mul3A_730 : i32
        %add3A_732 = arith.constant 0 : i32
        %add3A_733 = arith.addi %add3A_732, %mul3A_731 : i32
        %add3A_734 = arith.constant 128 : i32
        %add3A_735 = arith.addi %add3A_734, %add3A_733 : i32
        %broadcast_in_dim3A_736 = vector.broadcast %add3A_733 : i32 to vector<16xi32>
        %get3A_737 = arith.index_cast %add3A_735 : i32 to index
        %get3A_738 = arith.constant 0 : index
        %get3A_739 = tpu.vector_load %arg7[%get3A_737, %get3A_738] {strides = array<i32>} : memref<512x64xf32, #tpu.memory_space<vmem>>, vector<16xf32>,
        %add3A_740 = arith.addf %get3A_739, %get3A_353 : vector<16xf32>
        tpu.vector_store_idx %arg10[%select_n3A, %select_n3A_151, %broadcast_in_dim3A_736], %add3A_740 : memref<8x8x129xf32, #tpu.memory_space<vmem>>[vector<16xi32>, vector<16xi32>, vector<16xi32>], vector<16xf32>,
        %get3A_741 = arith.index_cast %add3A_735 : i32 to index
        %get3A_742 = arith.constant 16 : index
        %get3A_743 = tpu.vector_load %arg7[%get3A_741, %get3A_742] {strides = array<i32>} : memref<512x64xf32, #tpu.memory_space<vmem>>, vector<16xf32>,
        %add3A_744 = arith.addf %get3A_743, %get3A_357 : vector<16xf32>
        tpu.vector_store_idx %arg10[%select_n3A_60, %select_n3A_176, %broadcast_in_dim3A_736], %add3A_744 : memref<8x8x129xf32, #tpu.memory_space<vmem>>[vector<16xi32>, vector<16xi32>, vector<16xi32>], vector<16xf32>,
        %get3A_745 = arith.index_cast %add3A_735 : i32 to index
        %get3A_746 = arith.constant 32 : index
        %get3A_747 = tpu.vector_load %arg7[%get3A_745, %get3A_746] {strides = array<i32>} : memref<512x64xf32, #tpu.memory_space<vmem>>, vector<16xf32>,
        %add3A_748 = arith.addf %get3A_747, %get3A_361 : vector<16xf32>
        tpu.vector_store_idx %arg10[%select_n3A_94, %select_n3A_201, %broadcast_in_dim3A_736], %add3A_748 : memref<8x8x129xf32, #tpu.memory_space<vmem>>[vector<16xi32>, vector<16xi32>, vector<16xi32>], vector<16xf32>,
        %get3A_749 = arith.index_cast %add3A_735 : i32 to index
        %get3A_750 = arith.constant 48 : index
        %get3A_751 = tpu.vector_load %arg7[%get3A_749, %get3A_750] {strides = array<i32>} : memref<512x64xf32, #tpu.memory_space<vmem>>, vector<16xf32>,
        %add3A_752 = arith.addf %get3A_751, %get3A_365 : vector<16xf32>
        tpu.vector_store_idx %arg10[%select_n3A_128, %select_n3A_226, %broadcast_in_dim3A_736], %add3A_752 : memref<8x8x129xf32, #tpu.memory_space<vmem>>[vector<16xi32>, vector<16xi32>, vector<16xi32>], vector<16xf32>,
        %scan3A_753 = arith.constant 2 : i32
        %scan3A_754 = arith.addi %scan3A_705, %scan3A_753 : i32
        %mul3A_755 = arith.constant 1 : i32
        %mul3A_756 = arith.muli %scan3A_754, %mul3A_755 : i32
        %add3A_757 = arith.constant 0 : i32
        %add3A_758 = arith.addi %add3A_757, %mul3A_756 : i32
        %add3A_759 = arith.constant 128 : i32
        %add3A_760 = arith.addi %add3A_759, %add3A_758 : i32
        %broadcast_in_dim3A_761 = vector.broadcast %add3A_758 : i32 to vector<16xi32>
        %get3A_762 = arith.index_cast %add3A_760 : i32 to index
        %get3A_763 = arith.constant 0 : index
        %get3A_764 = tpu.vector_load %arg7[%get3A_762, %get3A_763] {strides = array<i32>} : memref<512x64xf32, #tpu.memory_space<vmem>>, vector<16xf32>,
        %add3A_765 = arith.addf %get3A_764, %get3A_353 : vector<16xf32>
        tpu.vector_store_idx %arg10[%select_n3A, %select_n3A_151, %broadcast_in_dim3A_761], %add3A_765 : memref<8x8x129xf32, #tpu.memory_space<vmem>>[vector<16xi32>, vector<16xi32>, vector<16xi32>], vector<16xf32>,
        %get3A_766 = arith.index_cast %add3A_760 : i32 to index
        %get3A_767 = arith.constant 16 : index
        %get3A_768 = tpu.vector_load %arg7[%get3A_766, %get3A_767] {strides = array<i32>} : memref<512x64xf32, #tpu.memory_space<vmem>>, vector<16xf32>,
        %add3A_769 = arith.addf %get3A_768, %get3A_357 : vector<16xf32>
        tpu.vector_store_idx %arg10[%select_n3A_60, %select_n3A_176, %broadcast_in_dim3A_761], %add3A_769 : memref<8x8x129xf32, #tpu.memory_space<vmem>>[vector<16xi32>, vector<16xi32>, vector<16xi32>], vector<16xf32>,
        %get3A_770 = arith.index_cast %add3A_760 : i32 to index
        %get3A_771 = arith.constant 32 : index
        %get3A_772 = tpu.vector_load %arg7[%get3A_770, %get3A_771] {strides = array<i32>} : memref<512x64xf32, #tpu.memory_space<vmem>>, vector<16xf32>,
        %add3A_773 = arith.addf %get3A_772, %get3A_361 : vector<16xf32>
        tpu.vector_store_idx %arg10[%select_n3A_94, %select_n3A_201, %broadcast_in_dim3A_761], %add3A_773 : memref<8x8x129xf32, #tpu.memory_space<vmem>>[vector<16xi32>, vector<16xi32>, vector<16xi32>], vector<16xf32>,
        %get3A_774 = arith.index_cast %add3A_760 : i32 to index
        %get3A_775 = arith.constant 48 : index
        %get3A_776 = tpu.vector_load %arg7[%get3A_774, %get3A_775] {strides = array<i32>} : memref<512x64xf32, #tpu.memory_space<vmem>>, vector<16xf32>,
        %add3A_777 = arith.addf %get3A_776, %get3A_365 : vector<16xf32>
        tpu.vector_store_idx %arg10[%select_n3A_128, %select_n3A_226, %broadcast_in_dim3A_761], %add3A_777 : memref<8x8x129xf32, #tpu.memory_space<vmem>>[vector<16xi32>, vector<16xi32>, vector<16xi32>], vector<16xf32>,
        %scan3A_778 = arith.constant 3 : i32
        %scan3A_779 = arith.addi %scan3A_705, %scan3A_778 : i32
        %mul3A_780 = arith.constant 1 : i32
        %mul3A_781 = arith.muli %scan3A_779, %mul3A_780 : i32
        %add3A_782 = arith.constant 0 : i32
        %add3A_783 = arith.addi %add3A_782, %mul3A_781 : i32
        %add3A_784 = arith.constant 128 : i32
        %add3A_785 = arith.addi %add3A_784, %add3A_783 : i32
        %broadcast_in_dim3A_786 = vector.broadcast %add3A_783 : i32 to vector<16xi32>
        %get3A_787 = arith.index_cast %add3A_785 : i32 to index
        %get3A_788 = arith.constant 0 : index
        %get3A_789 = tpu.vector_load %arg7[%get3A_787, %get3A_788] {strides = array<i32>} : memref<512x64xf32, #tpu.memory_space<vmem>>, vector<16xf32>,
        %add3A_790 = arith.addf %get3A_789, %get3A_353 : vector<16xf32>
        tpu.vector_store_idx %arg10[%select_n3A, %select_n3A_151, %broadcast_in_dim3A_786], %add3A_790 : memref<8x8x129xf32, #tpu.memory_space<vmem>>[vector<16xi32>, vector<16xi32>, vector<16xi32>], vector<16xf32>,
        %get3A_791 = arith.index_cast %add3A_785 : i32 to index
        %get3A_792 = arith.constant 16 : index
        %get3A_793 = tpu.vector_load %arg7[%get3A_791, %get3A_792] {strides = array<i32>} : memref<512x64xf32, #tpu.memory_space<vmem>>, vector<16xf32>,
        %add3A_794 = arith.addf %get3A_793, %get3A_357 : vector<16xf32>
        tpu.vector_store_idx %arg10[%select_n3A_60, %select_n3A_176, %broadcast_in_dim3A_786], %add3A_794 : memref<8x8x129xf32, #tpu.memory_space<vmem>>[vector<16xi32>, vector<16xi32>, vector<16xi32>], vector<16xf32>,
        %get3A_795 = arith.index_cast %add3A_785 : i32 to index
        %get3A_796 = arith.constant 32 : index
        %get3A_797 = tpu.vector_load %arg7[%get3A_795, %get3A_796] {strides = array<i32>} : memref<512x64xf32, #tpu.memory_space<vmem>>, vector<16xf32>,
        %add3A_798 = arith.addf %get3A_797, %get3A_361 : vector<16xf32>
        tpu.vector_store_idx %arg10[%select_n3A_94, %select_n3A_201, %broadcast_in_dim3A_786], %add3A_798 : memref<8x8x129xf32, #tpu.memory_space<vmem>>[vector<16xi32>, vector<16xi32>, vector<16xi32>], vector<16xf32>,
        %get3A_799 = arith.index_cast %add3A_785 : i32 to index
        %get3A_800 = arith.constant 48 : index
        %get3A_801 = tpu.vector_load %arg7[%get3A_799, %get3A_800] {strides = array<i32>} : memref<512x64xf32, #tpu.memory_space<vmem>>, vector<16xf32>,
        %add3A_802 = arith.addf %get3A_801, %get3A_365 : vector<16xf32>
        tpu.vector_store_idx %arg10[%select_n3A_128, %select_n3A_226, %broadcast_in_dim3A_786], %add3A_802 : memref<8x8x129xf32, #tpu.memory_space<vmem>>[vector<16xi32>, vector<16xi32>, vector<16xi32>], vector<16xf32>,
      }
      %scan3A_370 = arith.constant 128 : i32
      %dma_start3A_371 = arith.constant 0 : i32
      %dma_start3A_372 = arith.constant 0 : i32
      %dma_start3A_373 = arith.constant 0 : i32
      %dma_start3A_374 = tpu.memref_slice %arg10[%dma_start3A_371, %dma_start3A_372, %dma_start3A_373] : memref<8x8x129xf32, #tpu.memory_space<vmem>> -> memref<8x8x128xf32, #tpu.memory_space<vmem>>
      %dma_start3A_375 = arith.constant 0 : i32
      %dma_start3A_376 = arith.constant 0 : i32
      %dma_start3A_377 = arith.constant 0 : i32
      %dma_start3A_378 = tpu.memref_slice %arg5[%add3A_342, %dma_start3A_375, %add3A, %dma_start3A_376, %dma_start3A_377] : memref<200x8x32x8x128xf32, #tpu.memory_space<hbm>> -> memref<1x8x1x8x128xf32, #tpu.memory_space<hbm>>
      %dma_start3A_379 = tpu.memref_squeeze %dma_start3A_378 : memref<1x8x1x8x128xf32, #tpu.memory_space<hbm>> -> memref<8x8x128xf32, #tpu.memory_space<hbm>>
      %dma_start3A_380 = arith.constant 0 : i32
      %dma_start3A_381 = arith.constant 0 : i32
      %dma_start3A_382 = arith.constant 0 : i32
      %dma_start3A_383 = tpu.memref_slice %arg5[%add3A_342, %dma_start3A_380, %add3A, %dma_start3A_381, %dma_start3A_382] : memref<200x8x32x8x128xf32, #tpu.memory_space<hbm>> -> memref<1x8x1x8x128xf32, #tpu.memory_space<hbm>>
      %dma_start3A_384 = tpu.memref_squeeze %dma_start3A_383 : memref<1x8x1x8x128xf32, #tpu.memory_space<hbm>> -> memref<8x8x128xf32, #tpu.memory_space<hbm>>
      %dma_start3A_385 = arith.constant 0 : i32
      %dma_start3A_386 = arith.constant 0 : i32
      %dma_start3A_387 = arith.constant 0 : i32
      %dma_start3A_388 = tpu.memref_slice %arg10[%dma_start3A_385, %dma_start3A_386, %dma_start3A_387] : memref<8x8x129xf32, #tpu.memory_space<vmem>> -> memref<8x8x128xf32, #tpu.memory_space<vmem>>
      tpu.enqueue_dma source(%dma_start3A_388 : memref<8x8x128xf32, #tpu.memory_space<vmem>>) target(%dma_start3A_384 : memref<8x8x128xf32, #tpu.memory_space<hbm>>) target_semaphore(%arg15 : memref<!tpu.dma_semaphore, #tpu.memory_space<semaphore_mem>>)
      %mul3A_389 = arith.constant 4 : i32
      %mul3A_390 = arith.muli %add3A_278, %mul3A_389 : i32
      %add3A_391 = arith.constant 2 : i32
      %add3A_392 = arith.addi %mul3A_390, %add3A_391 : i32
      %mul3A_393 = arith.constant 64 : i32
      %mul3A_394 = arith.muli %add3A_392, %mul3A_393 : i32
      %ge3A_395 = arith.constant 2 : i32
      %ge3A_396 = arith.cmpi sge, %add3A_392, %ge3A_395 : i32
      %convert_element_type3A_397 = arith.extui %ge3A_396 : i1 to i32
      %cond3A_398 = arith.constant 0 : i32
      %cond3A_399 = arith.cmpi ne, %convert_element_type3A_397, %cond3A_398 : i32
      scf.if %cond3A_399 {
        %dma_wait3A_705 = arith.constant 0 : i32
        %dma_wait3A_706 = arith.constant 0 : i32
        %dma_wait3A_707 = arith.constant 0 : i32
        %dma_wait3A_708 = arith.constant 0 : i32
        %dma_wait3A_709 = tpu.memref_slice %arg9[%dma_wait3A_706, %dma_wait3A_707, %dma_wait3A_708] : memref<8x8x129xf32, #tpu.memory_space<vmem>> -> memref<8x8x128xf32, #tpu.memory_space<vmem>>
        %dma_wait3A_710 = arith.constant 0 : i32
        %dma_wait3A_711 = arith.constant 0 : i32
        %dma_wait3A_712 = arith.constant 0 : i32
        %dma_wait3A_713 = tpu.memref_slice %arg5[%dma_wait3A_705, %dma_wait3A_710, %add3A, %dma_wait3A_711, %dma_wait3A_712] : memref<200x8x32x8x128xf32, #tpu.memory_space<hbm>> -> memref<1x8x1x8x128xf32, #tpu.memory_space<hbm>>
        %dma_wait3A_714 = tpu.memref_squeeze %dma_wait3A_713 : memref<1x8x1x8x128xf32, #tpu.memory_space<hbm>> -> memref<8x8x128xf32, #tpu.memory_space<hbm>>
        %dma_wait3A_715 = arith.constant 0 : i32
        %dma_wait3A_716 = arith.constant 0 : i32
        %dma_wait3A_717 = arith.constant 0 : i32
        %dma_wait3A_718 = tpu.memref_slice %arg5[%dma_wait3A_705, %dma_wait3A_715, %add3A, %dma_wait3A_716, %dma_wait3A_717] : memref<200x8x32x8x128xf32, #tpu.memory_space<hbm>> -> memref<1x8x1x8x128xf32, #tpu.memory_space<hbm>>
        %dma_wait3A_719 = tpu.memref_squeeze %dma_wait3A_718 : memref<1x8x1x8x128xf32, #tpu.memory_space<hbm>> -> memref<8x8x128xf32, #tpu.memory_space<hbm>>
        %dma_wait3A_720 = arith.constant 0 : i32
        %dma_wait3A_721 = arith.constant 0 : i32
        %dma_wait3A_722 = arith.constant 0 : i32
        %dma_wait3A_723 = tpu.memref_slice %arg9[%dma_wait3A_720, %dma_wait3A_721, %dma_wait3A_722] : memref<8x8x129xf32, #tpu.memory_space<vmem>> -> memref<8x8x128xf32, #tpu.memory_space<vmem>>
        tpu.wait_dma2 semaphore(%arg14 : memref<!tpu.dma_semaphore, #tpu.memory_space<semaphore_mem>>) src(%dma_wait3A_723 : memref<8x8x128xf32, #tpu.memory_space<vmem>>) dst(%dma_wait3A_719 : memref<8x8x128xf32, #tpu.memory_space<hbm>>)
      } else {
      }
      %add3A_400 = arith.constant 0 : i32
      %add3A_401 = arith.addi %mul3A_394, %add3A_400 : i32
      %get3A_402 = arith.index_cast %add3A_401 : i32 to index
      %get3A_403 = tpu.vector_load %arg11[%get3A_402] {strides = array<i32>} : memref<12800xf32, #tpu.memory_space<vmem>>, vector<16xf32>,
      %add3A_404 = arith.constant 16 : i32
      %add3A_405 = arith.addi %mul3A_394, %add3A_404 : i32
      %get3A_406 = arith.index_cast %add3A_405 : i32 to index
      %get3A_407 = tpu.vector_load %arg11[%get3A_406] {strides = array<i32>} : memref<12800xf32, #tpu.memory_space<vmem>>, vector<16xf32>,
      %add3A_408 = arith.constant 32 : i32
      %add3A_409 = arith.addi %mul3A_394, %add3A_408 : i32
      %get3A_410 = arith.index_cast %add3A_409 : i32 to index
      %get3A_411 = tpu.vector_load %arg11[%get3A_410] {strides = array<i32>} : memref<12800xf32, #tpu.memory_space<vmem>>, vector<16xf32>,
      %add3A_412 = arith.constant 48 : i32
      %add3A_413 = arith.addi %mul3A_394, %add3A_412 : i32
      %get3A_414 = arith.index_cast %add3A_413 : i32 to index
      %get3A_415 = tpu.vector_load %arg11[%get3A_414] {strides = array<i32>} : memref<12800xf32, #tpu.memory_space<vmem>>, vector<16xf32>,
      %scan3A_416 = arith.constant 0 : i32
      %scan3A_417 = arith.constant 128 : i32
      %scan3A_418 = arith.addi %scan3A_416, %scan3A_417 : i32
      %scan3A_419 = arith.constant 4 : i32
      scf.for %scan3A_705 = %scan3A_416 to %scan3A_418 step %scan3A_419  : i32 {
        %mul3A_706 = arith.constant 1 : i32
        %mul3A_707 = arith.muli %scan3A_705, %mul3A_706 : i32
        %add3A_708 = arith.constant 0 : i32
        %add3A_709 = arith.addi %add3A_708, %mul3A_707 : i32
        %add3A_710 = arith.constant 256 : i32
        %add3A_711 = arith.addi %add3A_710, %add3A_709 : i32
        %broadcast_in_dim3A = vector.broadcast %add3A_709 : i32 to vector<16xi32>
        %get3A_712 = arith.index_cast %add3A_711 : i32 to index
        %get3A_713 = arith.constant 0 : index
        %get3A_714 = tpu.vector_load %arg7[%get3A_712, %get3A_713] {strides = array<i32>} : memref<512x64xf32, #tpu.memory_space<vmem>>, vector<16xf32>,
        %add3A_715 = arith.addf %get3A_714, %get3A_403 : vector<16xf32>
        tpu.vector_store_idx %arg9[%select_n3A, %select_n3A_151, %broadcast_in_dim3A], %add3A_715 : memref<8x8x129xf32, #tpu.memory_space<vmem>>[vector<16xi32>, vector<16xi32>, vector<16xi32>], vector<16xf32>,
        %get3A_716 = arith.index_cast %add3A_711 : i32 to index
        %get3A_717 = arith.constant 16 : index
        %get3A_718 = tpu.vector_load %arg7[%get3A_716, %get3A_717] {strides = array<i32>} : memref<512x64xf32, #tpu.memory_space<vmem>>, vector<16xf32>,
        %add3A_719 = arith.addf %get3A_718, %get3A_407 : vector<16xf32>
        tpu.vector_store_idx %arg9[%select_n3A_60, %select_n3A_176, %broadcast_in_dim3A], %add3A_719 : memref<8x8x129xf32, #tpu.memory_space<vmem>>[vector<16xi32>, vector<16xi32>, vector<16xi32>], vector<16xf32>,
        %get3A_720 = arith.index_cast %add3A_711 : i32 to index
        %get3A_721 = arith.constant 32 : index
        %get3A_722 = tpu.vector_load %arg7[%get3A_720, %get3A_721] {strides = array<i32>} : memref<512x64xf32, #tpu.memory_space<vmem>>, vector<16xf32>,
        %add3A_723 = arith.addf %get3A_722, %get3A_411 : vector<16xf32>
        tpu.vector_store_idx %arg9[%select_n3A_94, %select_n3A_201, %broadcast_in_dim3A], %add3A_723 : memref<8x8x129xf32, #tpu.memory_space<vmem>>[vector<16xi32>, vector<16xi32>, vector<16xi32>], vector<16xf32>,
        %get3A_724 = arith.index_cast %add3A_711 : i32 to index
        %get3A_725 = arith.constant 48 : index
        %get3A_726 = tpu.vector_load %arg7[%get3A_724, %get3A_725] {strides = array<i32>} : memref<512x64xf32, #tpu.memory_space<vmem>>, vector<16xf32>,
        %add3A_727 = arith.addf %get3A_726, %get3A_415 : vector<16xf32>
        tpu.vector_store_idx %arg9[%select_n3A_128, %select_n3A_226, %broadcast_in_dim3A], %add3A_727 : memref<8x8x129xf32, #tpu.memory_space<vmem>>[vector<16xi32>, vector<16xi32>, vector<16xi32>], vector<16xf32>,
        %scan3A_728 = arith.constant 1 : i32
        %scan3A_729 = arith.addi %scan3A_705, %scan3A_728 : i32
        %mul3A_730 = arith.constant 1 : i32
        %mul3A_731 = arith.muli %scan3A_729, %mul3A_730 : i32
        %add3A_732 = arith.constant 0 : i32
        %add3A_733 = arith.addi %add3A_732, %mul3A_731 : i32
        %add3A_734 = arith.constant 256 : i32
        %add3A_735 = arith.addi %add3A_734, %add3A_733 : i32
        %broadcast_in_dim3A_736 = vector.broadcast %add3A_733 : i32 to vector<16xi32>
        %get3A_737 = arith.index_cast %add3A_735 : i32 to index
        %get3A_738 = arith.constant 0 : index
        %get3A_739 = tpu.vector_load %arg7[%get3A_737, %get3A_738] {strides = array<i32>} : memref<512x64xf32, #tpu.memory_space<vmem>>, vector<16xf32>,
        %add3A_740 = arith.addf %get3A_739, %get3A_403 : vector<16xf32>
        tpu.vector_store_idx %arg9[%select_n3A, %select_n3A_151, %broadcast_in_dim3A_736], %add3A_740 : memref<8x8x129xf32, #tpu.memory_space<vmem>>[vector<16xi32>, vector<16xi32>, vector<16xi32>], vector<16xf32>,
        %get3A_741 = arith.index_cast %add3A_735 : i32 to index
        %get3A_742 = arith.constant 16 : index
        %get3A_743 = tpu.vector_load %arg7[%get3A_741, %get3A_742] {strides = array<i32>} : memref<512x64xf32, #tpu.memory_space<vmem>>, vector<16xf32>,
        %add3A_744 = arith.addf %get3A_743, %get3A_407 : vector<16xf32>
        tpu.vector_store_idx %arg9[%select_n3A_60, %select_n3A_176, %broadcast_in_dim3A_736], %add3A_744 : memref<8x8x129xf32, #tpu.memory_space<vmem>>[vector<16xi32>, vector<16xi32>, vector<16xi32>], vector<16xf32>,
        %get3A_745 = arith.index_cast %add3A_735 : i32 to index
        %get3A_746 = arith.constant 32 : index
        %get3A_747 = tpu.vector_load %arg7[%get3A_745, %get3A_746] {strides = array<i32>} : memref<512x64xf32, #tpu.memory_space<vmem>>, vector<16xf32>,
        %add3A_748 = arith.addf %get3A_747, %get3A_411 : vector<16xf32>
        tpu.vector_store_idx %arg9[%select_n3A_94, %select_n3A_201, %broadcast_in_dim3A_736], %add3A_748 : memref<8x8x129xf32, #tpu.memory_space<vmem>>[vector<16xi32>, vector<16xi32>, vector<16xi32>], vector<16xf32>,
        %get3A_749 = arith.index_cast %add3A_735 : i32 to index
        %get3A_750 = arith.constant 48 : index
        %get3A_751 = tpu.vector_load %arg7[%get3A_749, %get3A_750] {strides = array<i32>} : memref<512x64xf32, #tpu.memory_space<vmem>>, vector<16xf32>,
        %add3A_752 = arith.addf %get3A_751, %get3A_415 : vector<16xf32>
        tpu.vector_store_idx %arg9[%select_n3A_128, %select_n3A_226, %broadcast_in_dim3A_736], %add3A_752 : memref<8x8x129xf32, #tpu.memory_space<vmem>>[vector<16xi32>, vector<16xi32>, vector<16xi32>], vector<16xf32>,
        %scan3A_753 = arith.constant 2 : i32
        %scan3A_754 = arith.addi %scan3A_705, %scan3A_753 : i32
        %mul3A_755 = arith.constant 1 : i32
        %mul3A_756 = arith.muli %scan3A_754, %mul3A_755 : i32
        %add3A_757 = arith.constant 0 : i32
        %add3A_758 = arith.addi %add3A_757, %mul3A_756 : i32
        %add3A_759 = arith.constant 256 : i32
        %add3A_760 = arith.addi %add3A_759, %add3A_758 : i32
        %broadcast_in_dim3A_761 = vector.broadcast %add3A_758 : i32 to vector<16xi32>
        %get3A_762 = arith.index_cast %add3A_760 : i32 to index
        %get3A_763 = arith.constant 0 : index
        %get3A_764 = tpu.vector_load %arg7[%get3A_762, %get3A_763] {strides = array<i32>} : memref<512x64xf32, #tpu.memory_space<vmem>>, vector<16xf32>,
        %add3A_765 = arith.addf %get3A_764, %get3A_403 : vector<16xf32>
        tpu.vector_store_idx %arg9[%select_n3A, %select_n3A_151, %broadcast_in_dim3A_761], %add3A_765 : memref<8x8x129xf32, #tpu.memory_space<vmem>>[vector<16xi32>, vector<16xi32>, vector<16xi32>], vector<16xf32>,
        %get3A_766 = arith.index_cast %add3A_760 : i32 to index
        %get3A_767 = arith.constant 16 : index
        %get3A_768 = tpu.vector_load %arg7[%get3A_766, %get3A_767] {strides = array<i32>} : memref<512x64xf32, #tpu.memory_space<vmem>>, vector<16xf32>,
        %add3A_769 = arith.addf %get3A_768, %get3A_407 : vector<16xf32>
        tpu.vector_store_idx %arg9[%select_n3A_60, %select_n3A_176, %broadcast_in_dim3A_761], %add3A_769 : memref<8x8x129xf32, #tpu.memory_space<vmem>>[vector<16xi32>, vector<16xi32>, vector<16xi32>], vector<16xf32>,
        %get3A_770 = arith.index_cast %add3A_760 : i32 to index
        %get3A_771 = arith.constant 32 : index
        %get3A_772 = tpu.vector_load %arg7[%get3A_770, %get3A_771] {strides = array<i32>} : memref<512x64xf32, #tpu.memory_space<vmem>>, vector<16xf32>,
        %add3A_773 = arith.addf %get3A_772, %get3A_411 : vector<16xf32>
        tpu.vector_store_idx %arg9[%select_n3A_94, %select_n3A_201, %broadcast_in_dim3A_761], %add3A_773 : memref<8x8x129xf32, #tpu.memory_space<vmem>>[vector<16xi32>, vector<16xi32>, vector<16xi32>], vector<16xf32>,
        %get3A_774 = arith.index_cast %add3A_760 : i32 to index
        %get3A_775 = arith.constant 48 : index
        %get3A_776 = tpu.vector_load %arg7[%get3A_774, %get3A_775] {strides = array<i32>} : memref<512x64xf32, #tpu.memory_space<vmem>>, vector<16xf32>,
        %add3A_777 = arith.addf %get3A_776, %get3A_415 : vector<16xf32>
        tpu.vector_store_idx %arg9[%select_n3A_128, %select_n3A_226, %broadcast_in_dim3A_761], %add3A_777 : memref<8x8x129xf32, #tpu.memory_space<vmem>>[vector<16xi32>, vector<16xi32>, vector<16xi32>], vector<16xf32>,
        %scan3A_778 = arith.constant 3 : i32
        %scan3A_779 = arith.addi %scan3A_705, %scan3A_778 : i32
        %mul3A_780 = arith.constant 1 : i32
        %mul3A_781 = arith.muli %scan3A_779, %mul3A_780 : i32
        %add3A_782 = arith.constant 0 : i32
        %add3A_783 = arith.addi %add3A_782, %mul3A_781 : i32
        %add3A_784 = arith.constant 256 : i32
        %add3A_785 = arith.addi %add3A_784, %add3A_783 : i32
        %broadcast_in_dim3A_786 = vector.broadcast %add3A_783 : i32 to vector<16xi32>
        %get3A_787 = arith.index_cast %add3A_785 : i32 to index
        %get3A_788 = arith.constant 0 : index
        %get3A_789 = tpu.vector_load %arg7[%get3A_787, %get3A_788] {strides = array<i32>} : memref<512x64xf32, #tpu.memory_space<vmem>>, vector<16xf32>,
        %add3A_790 = arith.addf %get3A_789, %get3A_403 : vector<16xf32>
        tpu.vector_store_idx %arg9[%select_n3A, %select_n3A_151, %broadcast_in_dim3A_786], %add3A_790 : memref<8x8x129xf32, #tpu.memory_space<vmem>>[vector<16xi32>, vector<16xi32>, vector<16xi32>], vector<16xf32>,
        %get3A_791 = arith.index_cast %add3A_785 : i32 to index
        %get3A_792 = arith.constant 16 : index
        %get3A_793 = tpu.vector_load %arg7[%get3A_791, %get3A_792] {strides = array<i32>} : memref<512x64xf32, #tpu.memory_space<vmem>>, vector<16xf32>,
        %add3A_794 = arith.addf %get3A_793, %get3A_407 : vector<16xf32>
        tpu.vector_store_idx %arg9[%select_n3A_60, %select_n3A_176, %broadcast_in_dim3A_786], %add3A_794 : memref<8x8x129xf32, #tpu.memory_space<vmem>>[vector<16xi32>, vector<16xi32>, vector<16xi32>], vector<16xf32>,
        %get3A_795 = arith.index_cast %add3A_785 : i32 to index
        %get3A_796 = arith.constant 32 : index
        %get3A_797 = tpu.vector_load %arg7[%get3A_795, %get3A_796] {strides = array<i32>} : memref<512x64xf32, #tpu.memory_space<vmem>>, vector<16xf32>,
        %add3A_798 = arith.addf %get3A_797, %get3A_411 : vector<16xf32>
        tpu.vector_store_idx %arg9[%select_n3A_94, %select_n3A_201, %broadcast_in_dim3A_786], %add3A_798 : memref<8x8x129xf32, #tpu.memory_space<vmem>>[vector<16xi32>, vector<16xi32>, vector<16xi32>], vector<16xf32>,
        %get3A_799 = arith.index_cast %add3A_785 : i32 to index
        %get3A_800 = arith.constant 48 : index
        %get3A_801 = tpu.vector_load %arg7[%get3A_799, %get3A_800] {strides = array<i32>} : memref<512x64xf32, #tpu.memory_space<vmem>>, vector<16xf32>,
        %add3A_802 = arith.addf %get3A_801, %get3A_415 : vector<16xf32>
        tpu.vector_store_idx %arg9[%select_n3A_128, %select_n3A_226, %broadcast_in_dim3A_786], %add3A_802 : memref<8x8x129xf32, #tpu.memory_space<vmem>>[vector<16xi32>, vector<16xi32>, vector<16xi32>], vector<16xf32>,
      }
      %scan3A_420 = arith.constant 128 : i32
      %dma_start3A_421 = arith.constant 0 : i32
      %dma_start3A_422 = arith.constant 0 : i32
      %dma_start3A_423 = arith.constant 0 : i32
      %dma_start3A_424 = tpu.memref_slice %arg9[%dma_start3A_421, %dma_start3A_422, %dma_start3A_423] : memref<8x8x129xf32, #tpu.memory_space<vmem>> -> memref<8x8x128xf32, #tpu.memory_space<vmem>>
      %dma_start3A_425 = arith.constant 0 : i32
      %dma_start3A_426 = arith.constant 0 : i32
      %dma_start3A_427 = arith.constant 0 : i32
      %dma_start3A_428 = tpu.memref_slice %arg5[%add3A_392, %dma_start3A_425, %add3A, %dma_start3A_426, %dma_start3A_427] : memref<200x8x32x8x128xf32, #tpu.memory_space<hbm>> -> memref<1x8x1x8x128xf32, #tpu.memory_space<hbm>>
      %dma_start3A_429 = tpu.memref_squeeze %dma_start3A_428 : memref<1x8x1x8x128xf32, #tpu.memory_space<hbm>> -> memref<8x8x128xf32, #tpu.memory_space<hbm>>
      %dma_start3A_430 = arith.constant 0 : i32
      %dma_start3A_431 = arith.constant 0 : i32
      %dma_start3A_432 = arith.constant 0 : i32
      %dma_start3A_433 = tpu.memref_slice %arg5[%add3A_392, %dma_start3A_430, %add3A, %dma_start3A_431, %dma_start3A_432] : memref<200x8x32x8x128xf32, #tpu.memory_space<hbm>> -> memref<1x8x1x8x128xf32, #tpu.memory_space<hbm>>
      %dma_start3A_434 = tpu.memref_squeeze %dma_start3A_433 : memref<1x8x1x8x128xf32, #tpu.memory_space<hbm>> -> memref<8x8x128xf32, #tpu.memory_space<hbm>>
      %dma_start3A_435 = arith.constant 0 : i32
      %dma_start3A_436 = arith.constant 0 : i32
      %dma_start3A_437 = arith.constant 0 : i32
      %dma_start3A_438 = tpu.memref_slice %arg9[%dma_start3A_435, %dma_start3A_436, %dma_start3A_437] : memref<8x8x129xf32, #tpu.memory_space<vmem>> -> memref<8x8x128xf32, #tpu.memory_space<vmem>>
      tpu.enqueue_dma source(%dma_start3A_438 : memref<8x8x128xf32, #tpu.memory_space<vmem>>) target(%dma_start3A_434 : memref<8x8x128xf32, #tpu.memory_space<hbm>>) target_semaphore(%arg14 : memref<!tpu.dma_semaphore, #tpu.memory_space<semaphore_mem>>)
      %mul3A_439 = arith.constant 4 : i32
      %mul3A_440 = arith.muli %add3A_278, %mul3A_439 : i32
      %add3A_441 = arith.constant 3 : i32
      %add3A_442 = arith.addi %mul3A_440, %add3A_441 : i32
      %mul3A_443 = arith.constant 64 : i32
      %mul3A_444 = arith.muli %add3A_442, %mul3A_443 : i32
      %ge3A_445 = arith.constant 2 : i32
      %ge3A_446 = arith.cmpi sge, %add3A_442, %ge3A_445 : i32
      %convert_element_type3A_447 = arith.extui %ge3A_446 : i1 to i32
      %cond3A_448 = arith.constant 0 : i32
      %cond3A_449 = arith.cmpi ne, %convert_element_type3A_447, %cond3A_448 : i32
      scf.if %cond3A_449 {
        %dma_wait3A_705 = arith.constant 0 : i32
        %dma_wait3A_706 = arith.constant 0 : i32
        %dma_wait3A_707 = arith.constant 0 : i32
        %dma_wait3A_708 = arith.constant 0 : i32
        %dma_wait3A_709 = tpu.memref_slice %arg10[%dma_wait3A_706, %dma_wait3A_707, %dma_wait3A_708] : memref<8x8x129xf32, #tpu.memory_space<vmem>> -> memref<8x8x128xf32, #tpu.memory_space<vmem>>
        %dma_wait3A_710 = arith.constant 0 : i32
        %dma_wait3A_711 = arith.constant 0 : i32
        %dma_wait3A_712 = arith.constant 0 : i32
        %dma_wait3A_713 = tpu.memref_slice %arg5[%dma_wait3A_705, %dma_wait3A_710, %add3A, %dma_wait3A_711, %dma_wait3A_712] : memref<200x8x32x8x128xf32, #tpu.memory_space<hbm>> -> memref<1x8x1x8x128xf32, #tpu.memory_space<hbm>>
        %dma_wait3A_714 = tpu.memref_squeeze %dma_wait3A_713 : memref<1x8x1x8x128xf32, #tpu.memory_space<hbm>> -> memref<8x8x128xf32, #tpu.memory_space<hbm>>
        %dma_wait3A_715 = arith.constant 0 : i32
        %dma_wait3A_716 = arith.constant 0 : i32
        %dma_wait3A_717 = arith.constant 0 : i32
        %dma_wait3A_718 = tpu.memref_slice %arg5[%dma_wait3A_705, %dma_wait3A_715, %add3A, %dma_wait3A_716, %dma_wait3A_717] : memref<200x8x32x8x128xf32, #tpu.memory_space<hbm>> -> memref<1x8x1x8x128xf32, #tpu.memory_space<hbm>>
        %dma_wait3A_719 = tpu.memref_squeeze %dma_wait3A_718 : memref<1x8x1x8x128xf32, #tpu.memory_space<hbm>> -> memref<8x8x128xf32, #tpu.memory_space<hbm>>
        %dma_wait3A_720 = arith.constant 0 : i32
        %dma_wait3A_721 = arith.constant 0 : i32
        %dma_wait3A_722 = arith.constant 0 : i32
        %dma_wait3A_723 = tpu.memref_slice %arg10[%dma_wait3A_720, %dma_wait3A_721, %dma_wait3A_722] : memref<8x8x129xf32, #tpu.memory_space<vmem>> -> memref<8x8x128xf32, #tpu.memory_space<vmem>>
        tpu.wait_dma2 semaphore(%arg15 : memref<!tpu.dma_semaphore, #tpu.memory_space<semaphore_mem>>) src(%dma_wait3A_723 : memref<8x8x128xf32, #tpu.memory_space<vmem>>) dst(%dma_wait3A_719 : memref<8x8x128xf32, #tpu.memory_space<hbm>>)
      } else {
      }
      %add3A_450 = arith.constant 0 : i32
      %add3A_451 = arith.addi %mul3A_444, %add3A_450 : i32
      %get3A_452 = arith.index_cast %add3A_451 : i32 to index
      %get3A_453 = tpu.vector_load %arg11[%get3A_452] {strides = array<i32>} : memref<12800xf32, #tpu.memory_space<vmem>>, vector<16xf32>,
      %add3A_454 = arith.constant 16 : i32
      %add3A_455 = arith.addi %mul3A_444, %add3A_454 : i32
      %get3A_456 = arith.index_cast %add3A_455 : i32 to index
      %get3A_457 = tpu.vector_load %arg11[%get3A_456] {strides = array<i32>} : memref<12800xf32, #tpu.memory_space<vmem>>, vector<16xf32>,
      %add3A_458 = arith.constant 32 : i32
      %add3A_459 = arith.addi %mul3A_444, %add3A_458 : i32
      %get3A_460 = arith.index_cast %add3A_459 : i32 to index
      %get3A_461 = tpu.vector_load %arg11[%get3A_460] {strides = array<i32>} : memref<12800xf32, #tpu.memory_space<vmem>>, vector<16xf32>,
      %add3A_462 = arith.constant 48 : i32
      %add3A_463 = arith.addi %mul3A_444, %add3A_462 : i32
      %get3A_464 = arith.index_cast %add3A_463 : i32 to index
      %get3A_465 = tpu.vector_load %arg11[%get3A_464] {strides = array<i32>} : memref<12800xf32, #tpu.memory_space<vmem>>, vector<16xf32>,
      %scan3A_466 = arith.constant 0 : i32
      %scan3A_467 = arith.constant 128 : i32
      %scan3A_468 = arith.addi %scan3A_466, %scan3A_467 : i32
      %scan3A_469 = arith.constant 4 : i32
      scf.for %scan3A_705 = %scan3A_466 to %scan3A_468 step %scan3A_469  : i32 {
        %mul3A_706 = arith.constant 1 : i32
        %mul3A_707 = arith.muli %scan3A_705, %mul3A_706 : i32
        %add3A_708 = arith.constant 0 : i32
        %add3A_709 = arith.addi %add3A_708, %mul3A_707 : i32
        %add3A_710 = arith.constant 384 : i32
        %add3A_711 = arith.addi %add3A_710, %add3A_709 : i32
        %broadcast_in_dim3A = vector.broadcast %add3A_709 : i32 to vector<16xi32>
        %get3A_712 = arith.index_cast %add3A_711 : i32 to index
        %get3A_713 = arith.constant 0 : index
        %get3A_714 = tpu.vector_load %arg7[%get3A_712, %get3A_713] {strides = array<i32>} : memref<512x64xf32, #tpu.memory_space<vmem>>, vector<16xf32>,
        %add3A_715 = arith.addf %get3A_714, %get3A_453 : vector<16xf32>
        tpu.vector_store_idx %arg10[%select_n3A, %select_n3A_151, %broadcast_in_dim3A], %add3A_715 : memref<8x8x129xf32, #tpu.memory_space<vmem>>[vector<16xi32>, vector<16xi32>, vector<16xi32>], vector<16xf32>,
        %get3A_716 = arith.index_cast %add3A_711 : i32 to index
        %get3A_717 = arith.constant 16 : index
        %get3A_718 = tpu.vector_load %arg7[%get3A_716, %get3A_717] {strides = array<i32>} : memref<512x64xf32, #tpu.memory_space<vmem>>, vector<16xf32>,
        %add3A_719 = arith.addf %get3A_718, %get3A_457 : vector<16xf32>
        tpu.vector_store_idx %arg10[%select_n3A_60, %select_n3A_176, %broadcast_in_dim3A], %add3A_719 : memref<8x8x129xf32, #tpu.memory_space<vmem>>[vector<16xi32>, vector<16xi32>, vector<16xi32>], vector<16xf32>,
        %get3A_720 = arith.index_cast %add3A_711 : i32 to index
        %get3A_721 = arith.constant 32 : index
        %get3A_722 = tpu.vector_load %arg7[%get3A_720, %get3A_721] {strides = array<i32>} : memref<512x64xf32, #tpu.memory_space<vmem>>, vector<16xf32>,
        %add3A_723 = arith.addf %get3A_722, %get3A_461 : vector<16xf32>
        tpu.vector_store_idx %arg10[%select_n3A_94, %select_n3A_201, %broadcast_in_dim3A], %add3A_723 : memref<8x8x129xf32, #tpu.memory_space<vmem>>[vector<16xi32>, vector<16xi32>, vector<16xi32>], vector<16xf32>,
        %get3A_724 = arith.index_cast %add3A_711 : i32 to index
        %get3A_725 = arith.constant 48 : index
        %get3A_726 = tpu.vector_load %arg7[%get3A_724, %get3A_725] {strides = array<i32>} : memref<512x64xf32, #tpu.memory_space<vmem>>, vector<16xf32>,
        %add3A_727 = arith.addf %get3A_726, %get3A_465 : vector<16xf32>
        tpu.vector_store_idx %arg10[%select_n3A_128, %select_n3A_226, %broadcast_in_dim3A], %add3A_727 : memref<8x8x129xf32, #tpu.memory_space<vmem>>[vector<16xi32>, vector<16xi32>, vector<16xi32>], vector<16xf32>,
        %scan3A_728 = arith.constant 1 : i32
        %scan3A_729 = arith.addi %scan3A_705, %scan3A_728 : i32
        %mul3A_730 = arith.constant 1 : i32
        %mul3A_731 = arith.muli %scan3A_729, %mul3A_730 : i32
        %add3A_732 = arith.constant 0 : i32
        %add3A_733 = arith.addi %add3A_732, %mul3A_731 : i32
        %add3A_734 = arith.constant 384 : i32
        %add3A_735 = arith.addi %add3A_734, %add3A_733 : i32
        %broadcast_in_dim3A_736 = vector.broadcast %add3A_733 : i32 to vector<16xi32>
        %get3A_737 = arith.index_cast %add3A_735 : i32 to index
        %get3A_738 = arith.constant 0 : index
        %get3A_739 = tpu.vector_load %arg7[%get3A_737, %get3A_738] {strides = array<i32>} : memref<512x64xf32, #tpu.memory_space<vmem>>, vector<16xf32>,
        %add3A_740 = arith.addf %get3A_739, %get3A_453 : vector<16xf32>
        tpu.vector_store_idx %arg10[%select_n3A, %select_n3A_151, %broadcast_in_dim3A_736], %add3A_740 : memref<8x8x129xf32, #tpu.memory_space<vmem>>[vector<16xi32>, vector<16xi32>, vector<16xi32>], vector<16xf32>,
        %get3A_741 = arith.index_cast %add3A_735 : i32 to index
        %get3A_742 = arith.constant 16 : index
        %get3A_743 = tpu.vector_load %arg7[%get3A_741, %get3A_742] {strides = array<i32>} : memref<512x64xf32, #tpu.memory_space<vmem>>, vector<16xf32>,
        %add3A_744 = arith.addf %get3A_743, %get3A_457 : vector<16xf32>
        tpu.vector_store_idx %arg10[%select_n3A_60, %select_n3A_176, %broadcast_in_dim3A_736], %add3A_744 : memref<8x8x129xf32, #tpu.memory_space<vmem>>[vector<16xi32>, vector<16xi32>, vector<16xi32>], vector<16xf32>,
        %get3A_745 = arith.index_cast %add3A_735 : i32 to index
        %get3A_746 = arith.constant 32 : index
        %get3A_747 = tpu.vector_load %arg7[%get3A_745, %get3A_746] {strides = array<i32>} : memref<512x64xf32, #tpu.memory_space<vmem>>, vector<16xf32>,
        %add3A_748 = arith.addf %get3A_747, %get3A_461 : vector<16xf32>
        tpu.vector_store_idx %arg10[%select_n3A_94, %select_n3A_201, %broadcast_in_dim3A_736], %add3A_748 : memref<8x8x129xf32, #tpu.memory_space<vmem>>[vector<16xi32>, vector<16xi32>, vector<16xi32>], vector<16xf32>,
        %get3A_749 = arith.index_cast %add3A_735 : i32 to index
        %get3A_750 = arith.constant 48 : index
        %get3A_751 = tpu.vector_load %arg7[%get3A_749, %get3A_750] {strides = array<i32>} : memref<512x64xf32, #tpu.memory_space<vmem>>, vector<16xf32>,
        %add3A_752 = arith.addf %get3A_751, %get3A_465 : vector<16xf32>
        tpu.vector_store_idx %arg10[%select_n3A_128, %select_n3A_226, %broadcast_in_dim3A_736], %add3A_752 : memref<8x8x129xf32, #tpu.memory_space<vmem>>[vector<16xi32>, vector<16xi32>, vector<16xi32>], vector<16xf32>,
        %scan3A_753 = arith.constant 2 : i32
        %scan3A_754 = arith.addi %scan3A_705, %scan3A_753 : i32
        %mul3A_755 = arith.constant 1 : i32
        %mul3A_756 = arith.muli %scan3A_754, %mul3A_755 : i32
        %add3A_757 = arith.constant 0 : i32
        %add3A_758 = arith.addi %add3A_757, %mul3A_756 : i32
        %add3A_759 = arith.constant 384 : i32
        %add3A_760 = arith.addi %add3A_759, %add3A_758 : i32
        %broadcast_in_dim3A_761 = vector.broadcast %add3A_758 : i32 to vector<16xi32>
        %get3A_762 = arith.index_cast %add3A_760 : i32 to index
        %get3A_763 = arith.constant 0 : index
        %get3A_764 = tpu.vector_load %arg7[%get3A_762, %get3A_763] {strides = array<i32>} : memref<512x64xf32, #tpu.memory_space<vmem>>, vector<16xf32>,
        %add3A_765 = arith.addf %get3A_764, %get3A_453 : vector<16xf32>
        tpu.vector_store_idx %arg10[%select_n3A, %select_n3A_151, %broadcast_in_dim3A_761], %add3A_765 : memref<8x8x129xf32, #tpu.memory_space<vmem>>[vector<16xi32>, vector<16xi32>, vector<16xi32>], vector<16xf32>,
        %get3A_766 = arith.index_cast %add3A_760 : i32 to index
        %get3A_767 = arith.constant 16 : index
        %get3A_768 = tpu.vector_load %arg7[%get3A_766, %get3A_767] {strides = array<i32>} : memref<512x64xf32, #tpu.memory_space<vmem>>, vector<16xf32>,
        %add3A_769 = arith.addf %get3A_768, %get3A_457 : vector<16xf32>
        tpu.vector_store_idx %arg10[%select_n3A_60, %select_n3A_176, %broadcast_in_dim3A_761], %add3A_769 : memref<8x8x129xf32, #tpu.memory_space<vmem>>[vector<16xi32>, vector<16xi32>, vector<16xi32>], vector<16xf32>,
        %get3A_770 = arith.index_cast %add3A_760 : i32 to index
        %get3A_771 = arith.constant 32 : index
        %get3A_772 = tpu.vector_load %arg7[%get3A_770, %get3A_771] {strides = array<i32>} : memref<512x64xf32, #tpu.memory_space<vmem>>, vector<16xf32>,
        %add3A_773 = arith.addf %get3A_772, %get3A_461 : vector<16xf32>
        tpu.vector_store_idx %arg10[%select_n3A_94, %select_n3A_201, %broadcast_in_dim3A_761], %add3A_773 : memref<8x8x129xf32, #tpu.memory_space<vmem>>[vector<16xi32>, vector<16xi32>, vector<16xi32>], vector<16xf32>,
        %get3A_774 = arith.index_cast %add3A_760 : i32 to index
        %get3A_775 = arith.constant 48 : index
        %get3A_776 = tpu.vector_load %arg7[%get3A_774, %get3A_775] {strides = array<i32>} : memref<512x64xf32, #tpu.memory_space<vmem>>, vector<16xf32>,
        %add3A_777 = arith.addf %get3A_776, %get3A_465 : vector<16xf32>
        tpu.vector_store_idx %arg10[%select_n3A_128, %select_n3A_226, %broadcast_in_dim3A_761], %add3A_777 : memref<8x8x129xf32, #tpu.memory_space<vmem>>[vector<16xi32>, vector<16xi32>, vector<16xi32>], vector<16xf32>,
        %scan3A_778 = arith.constant 3 : i32
        %scan3A_779 = arith.addi %scan3A_705, %scan3A_778 : i32
        %mul3A_780 = arith.constant 1 : i32
        %mul3A_781 = arith.muli %scan3A_779, %mul3A_780 : i32
        %add3A_782 = arith.constant 0 : i32
        %add3A_783 = arith.addi %add3A_782, %mul3A_781 : i32
        %add3A_784 = arith.constant 384 : i32
        %add3A_785 = arith.addi %add3A_784, %add3A_783 : i32
        %broadcast_in_dim3A_786 = vector.broadcast %add3A_783 : i32 to vector<16xi32>
        %get3A_787 = arith.index_cast %add3A_785 : i32 to index
        %get3A_788 = arith.constant 0 : index
        %get3A_789 = tpu.vector_load %arg7[%get3A_787, %get3A_788] {strides = array<i32>} : memref<512x64xf32, #tpu.memory_space<vmem>>, vector<16xf32>,
        %add3A_790 = arith.addf %get3A_789, %get3A_453 : vector<16xf32>
        tpu.vector_store_idx %arg10[%select_n3A, %select_n3A_151, %broadcast_in_dim3A_786], %add3A_790 : memref<8x8x129xf32, #tpu.memory_space<vmem>>[vector<16xi32>, vector<16xi32>, vector<16xi32>], vector<16xf32>,
        %get3A_791 = arith.index_cast %add3A_785 : i32 to index
        %get3A_792 = arith.constant 16 : index
        %get3A_793 = tpu.vector_load %arg7[%get3A_791, %get3A_792] {strides = array<i32>} : memref<512x64xf32, #tpu.memory_space<vmem>>, vector<16xf32>,
        %add3A_794 = arith.addf %get3A_793, %get3A_457 : vector<16xf32>
        tpu.vector_store_idx %arg10[%select_n3A_60, %select_n3A_176, %broadcast_in_dim3A_786], %add3A_794 : memref<8x8x129xf32, #tpu.memory_space<vmem>>[vector<16xi32>, vector<16xi32>, vector<16xi32>], vector<16xf32>,
        %get3A_795 = arith.index_cast %add3A_785 : i32 to index
        %get3A_796 = arith.constant 32 : index
        %get3A_797 = tpu.vector_load %arg7[%get3A_795, %get3A_796] {strides = array<i32>} : memref<512x64xf32, #tpu.memory_space<vmem>>, vector<16xf32>,
        %add3A_798 = arith.addf %get3A_797, %get3A_461 : vector<16xf32>
        tpu.vector_store_idx %arg10[%select_n3A_94, %select_n3A_201, %broadcast_in_dim3A_786], %add3A_798 : memref<8x8x129xf32, #tpu.memory_space<vmem>>[vector<16xi32>, vector<16xi32>, vector<16xi32>], vector<16xf32>,
        %get3A_799 = arith.index_cast %add3A_785 : i32 to index
        %get3A_800 = arith.constant 48 : index
        %get3A_801 = tpu.vector_load %arg7[%get3A_799, %get3A_800] {strides = array<i32>} : memref<512x64xf32, #tpu.memory_space<vmem>>, vector<16xf32>,
        %add3A_802 = arith.addf %get3A_801, %get3A_465 : vector<16xf32>
        tpu.vector_store_idx %arg10[%select_n3A_128, %select_n3A_226, %broadcast_in_dim3A_786], %add3A_802 : memref<8x8x129xf32, #tpu.memory_space<vmem>>[vector<16xi32>, vector<16xi32>, vector<16xi32>], vector<16xf32>,
      }
      %scan3A_470 = arith.constant 128 : i32
      %dma_start3A_471 = arith.constant 0 : i32
      %dma_start3A_472 = arith.constant 0 : i32
      %dma_start3A_473 = arith.constant 0 : i32
      %dma_start3A_474 = tpu.memref_slice %arg10[%dma_start3A_471, %dma_start3A_472, %dma_start3A_473] : memref<8x8x129xf32, #tpu.memory_space<vmem>> -> memref<8x8x128xf32, #tpu.memory_space<vmem>>
      %dma_start3A_475 = arith.constant 0 : i32
      %dma_start3A_476 = arith.constant 0 : i32
      %dma_start3A_477 = arith.constant 0 : i32
      %dma_start3A_478 = tpu.memref_slice %arg5[%add3A_442, %dma_start3A_475, %add3A, %dma_start3A_476, %dma_start3A_477] : memref<200x8x32x8x128xf32, #tpu.memory_space<hbm>> -> memref<1x8x1x8x128xf32, #tpu.memory_space<hbm>>
      %dma_start3A_479 = tpu.memref_squeeze %dma_start3A_478 : memref<1x8x1x8x128xf32, #tpu.memory_space<hbm>> -> memref<8x8x128xf32, #tpu.memory_space<hbm>>
      %dma_start3A_480 = arith.constant 0 : i32
      %dma_start3A_481 = arith.constant 0 : i32
      %dma_start3A_482 = arith.constant 0 : i32
      %dma_start3A_483 = tpu.memref_slice %arg5[%add3A_442, %dma_start3A_480, %add3A, %dma_start3A_481, %dma_start3A_482] : memref<200x8x32x8x128xf32, #tpu.memory_space<hbm>> -> memref<1x8x1x8x128xf32, #tpu.memory_space<hbm>>
      %dma_start3A_484 = tpu.memref_squeeze %dma_start3A_483 : memref<1x8x1x8x128xf32, #tpu.memory_space<hbm>> -> memref<8x8x128xf32, #tpu.memory_space<hbm>>
      %dma_start3A_485 = arith.constant 0 : i32
      %dma_start3A_486 = arith.constant 0 : i32
      %dma_start3A_487 = arith.constant 0 : i32
      %dma_start3A_488 = tpu.memref_slice %arg10[%dma_start3A_485, %dma_start3A_486, %dma_start3A_487] : memref<8x8x129xf32, #tpu.memory_space<vmem>> -> memref<8x8x128xf32, #tpu.memory_space<vmem>>
      tpu.enqueue_dma source(%dma_start3A_488 : memref<8x8x128xf32, #tpu.memory_space<vmem>>) target(%dma_start3A_484 : memref<8x8x128xf32, #tpu.memory_space<hbm>>) target_semaphore(%arg15 : memref<!tpu.dma_semaphore, #tpu.memory_space<semaphore_mem>>)
      %add3A_489 = arith.constant 1 : i32
      %add3A_490 = arith.addi %add3A_278, %add3A_489 : i32
      %add3A_491 = arith.constant 1 : i32
      %add3A_492 = arith.addi %add3A_490, %add3A_491 : i32
      %dma_wait3A_493 = arith.constant 0 : i32
      %dma_wait3A_494 = arith.constant 0 : i32
      %dma_wait3A_495 = tpu.memref_slice %arg6[%dma_wait3A_493, %dma_wait3A_494] : memref<25x1024xi32, #tpu.memory_space<vmem>> -> memref<1x512xi32, #tpu.memory_space<vmem>>
      %dma_wait3A_496 = tpu.memref_squeeze %dma_wait3A_495 : memref<1x512xi32, #tpu.memory_space<vmem>> -> memref<512xi32, #tpu.memory_space<vmem>>
      %dma_wait3A_497 = arith.constant 0 : i32
      %dma_wait3A_498 = arith.constant 0 : i32
      %dma_wait3A_499 = tpu.memref_slice %arg3[%dma_wait3A_497, %dma_wait3A_498] : memref<100000x64xf32, #tpu.memory_space<hbm>> -> memref<100000x64xf32, #tpu.memory_space<hbm>>
      tpu.wait_indirect_dma semaphore(%arg13 : memref<!tpu.dma_semaphore, #tpu.memory_space<semaphore_mem>>) src(%dma_wait3A_499 : memref<100000x64xf32, #tpu.memory_space<hbm>>) dst(%arg8 : memref<512x64xf32, #tpu.memory_space<vmem>>)
      %lt3A_500 = arith.constant 50 : i32
      %lt3A_501 = arith.cmpi slt, %add3A_492, %lt3A_500 : i32
      %convert_element_type3A_502 = arith.extui %lt3A_501 : i1 to i32
      %cond3A_503 = arith.constant 0 : i32
      %cond3A_504 = arith.cmpi ne, %convert_element_type3A_502, %cond3A_503 : i32
      scf.if %cond3A_504 {
        %jit3A_705 = arith.constant 2 : i32
        %div3A_706 = arith.divsi %add3A_492, %jit3A_705 : i32
        %sign3A_707 = arith.constant 0 : i32
        %sign3A_708 = arith.cmpi sgt, %add3A_492, %sign3A_707 : i32
        %sign3A_709 = arith.extui %sign3A_708 : i1 to i32
        %sign3A_710 = arith.constant 0 : i32
        %sign3A_711 = arith.cmpi slt, %add3A_492, %sign3A_710 : i32
        %sign3A_712 = arith.extui %sign3A_711 : i1 to i32
        %sign3A_713 = arith.subi %sign3A_709, %sign3A_712 : i32
        %sign3A_714 = arith.constant 0 : i32
        %sign3A_715 = arith.cmpi sgt, %jit3A_705, %sign3A_714 : i32
        %sign3A_716 = arith.extui %sign3A_715 : i1 to i32
        %sign3A_717 = arith.constant 0 : i32
        %sign3A_718 = arith.cmpi slt, %jit3A_705, %sign3A_717 : i32
        %sign3A_719 = arith.extui %sign3A_718 : i1 to i32
        %sign3A_720 = arith.subi %sign3A_716, %sign3A_719 : i32
        %ne3A_721 = arith.cmpi ne, %sign3A_713, %sign3A_720 : i32
        %rem3A_722 = arith.remsi %add3A_492, %jit3A_705 : i32
        %ne3A_723 = arith.constant 0 : i32
        %ne3A_724 = arith.cmpi ne, %rem3A_722, %ne3A_723 : i32
        %and3A_725 = arith.andi %ne3A_721, %ne3A_724 : i1
        %sub3A_726 = arith.constant 1 : i32
        %sub3A_727 = arith.subi %div3A_706, %sub3A_726 : i32
        %select_n3A_728 = arith.select %and3A_725, %sub3A_727, %div3A_706 : i32
        %jit3A_729 = arith.constant 2 : i32
        %eq3A_730 = arith.constant 0 : i32
        %eq3A_731 = arith.cmpi eq, %jit3A_729, %eq3A_730 : i32
        %jit3A_732 = arith.constant 1 : i32
        %select_n3A_733 = arith.select %eq3A_731, %jit3A_732, %jit3A_729 : i32
        %rem3A_734 = arith.remsi %add3A_492, %select_n3A_733 : i32
        %ne3A_735 = arith.constant 0 : i32
        %ne3A_736 = arith.cmpi ne, %rem3A_734, %ne3A_735 : i32
        %lt3A_737 = arith.constant 0 : i32
        %lt3A_738 = arith.cmpi slt, %rem3A_734, %lt3A_737 : i32
        %lt3A_739 = arith.constant 0 : i32
        %lt3A_740 = arith.cmpi slt, %select_n3A_733, %lt3A_739 : i32
        %ne3A_741 = arith.xori %lt3A_738, %lt3A_740 : i1
        %and3A_742 = arith.andi %ne3A_741, %ne3A_736 : i1
        %add3A_743 = arith.addi %rem3A_734, %select_n3A_733 : i32
        %select_n3A_744 = arith.select %and3A_742, %add3A_743, %rem3A_734 : i32
        %mul3A_745 = arith.constant 4 : i32
        %mul3A_746 = arith.muli %select_n3A_744, %mul3A_745 : i32
        %mul3A_747 = arith.constant 128 : i32
        %mul3A_748 = arith.muli %mul3A_746, %mul3A_747 : i32
        %dma_start3A_749 = tpu.memref_slice %arg6[%select_n3A_728, %mul3A_748] : memref<25x1024xi32, #tpu.memory_space<vmem>> -> memref<1x512xi32, #tpu.memory_space<vmem>>
        %dma_start3A_750 = tpu.memref_squeeze %dma_start3A_749 : memref<1x512xi32, #tpu.memory_space<vmem>> -> memref<512xi32, #tpu.memory_space<vmem>>
        %dma_start3A_751 = arith.constant 0 : i32
        %dma_start3A_752 = arith.constant 0 : i32
        %dma_start3A_753 = tpu.memref_slice %arg3[%dma_start3A_751, %dma_start3A_752] : memref<100000x64xf32, #tpu.memory_space<hbm>> -> memref<100000x64xf32, #tpu.memory_space<hbm>>
        tpu.enqueue_indirect_dma source(%dma_start3A_753 : memref<100000x64xf32, #tpu.memory_space<hbm>>) target(%arg7 : memref<512x64xf32, #tpu.memory_space<vmem>>) offsets(%dma_start3A_750 : memref<512xi32, #tpu.memory_space<vmem>>) semaphore(%arg12 : memref<!tpu.dma_semaphore, #tpu.memory_space<semaphore_mem>>)
      } else {
      }
      %mul3A_505 = arith.constant 4 : i32
      %mul3A_506 = arith.muli %add3A_490, %mul3A_505 : i32
      %add3A_507 = arith.constant 0 : i32
      %add3A_508 = arith.addi %mul3A_506, %add3A_507 : i32
      %mul3A_509 = arith.constant 64 : i32
      %mul3A_510 = arith.muli %add3A_508, %mul3A_509 : i32
      %ge3A_511 = arith.constant 2 : i32
      %ge3A_512 = arith.cmpi sge, %add3A_508, %ge3A_511 : i32
      %convert_element_type3A_513 = arith.extui %ge3A_512 : i1 to i32
      %cond3A_514 = arith.constant 0 : i32
      %cond3A_515 = arith.cmpi ne, %convert_element_type3A_513, %cond3A_514 : i32
      scf.if %cond3A_515 {
        %dma_wait3A_705 = arith.constant 0 : i32
        %dma_wait3A_706 = arith.constant 0 : i32
        %dma_wait3A_707 = arith.constant 0 : i32
        %dma_wait3A_708 = arith.constant 0 : i32
        %dma_wait3A_709 = tpu.memref_slice %arg9[%dma_wait3A_706, %dma_wait3A_707, %dma_wait3A_708] : memref<8x8x129xf32, #tpu.memory_space<vmem>> -> memref<8x8x128xf32, #tpu.memory_space<vmem>>
        %dma_wait3A_710 = arith.constant 0 : i32
        %dma_wait3A_711 = arith.constant 0 : i32
        %dma_wait3A_712 = arith.constant 0 : i32
        %dma_wait3A_713 = tpu.memref_slice %arg5[%dma_wait3A_705, %dma_wait3A_710, %add3A, %dma_wait3A_711, %dma_wait3A_712] : memref<200x8x32x8x128xf32, #tpu.memory_space<hbm>> -> memref<1x8x1x8x128xf32, #tpu.memory_space<hbm>>
        %dma_wait3A_714 = tpu.memref_squeeze %dma_wait3A_713 : memref<1x8x1x8x128xf32, #tpu.memory_space<hbm>> -> memref<8x8x128xf32, #tpu.memory_space<hbm>>
        %dma_wait3A_715 = arith.constant 0 : i32
        %dma_wait3A_716 = arith.constant 0 : i32
        %dma_wait3A_717 = arith.constant 0 : i32
        %dma_wait3A_718 = tpu.memref_slice %arg5[%dma_wait3A_705, %dma_wait3A_715, %add3A, %dma_wait3A_716, %dma_wait3A_717] : memref<200x8x32x8x128xf32, #tpu.memory_space<hbm>> -> memref<1x8x1x8x128xf32, #tpu.memory_space<hbm>>
        %dma_wait3A_719 = tpu.memref_squeeze %dma_wait3A_718 : memref<1x8x1x8x128xf32, #tpu.memory_space<hbm>> -> memref<8x8x128xf32, #tpu.memory_space<hbm>>
        %dma_wait3A_720 = arith.constant 0 : i32
        %dma_wait3A_721 = arith.constant 0 : i32
        %dma_wait3A_722 = arith.constant 0 : i32
        %dma_wait3A_723 = tpu.memref_slice %arg9[%dma_wait3A_720, %dma_wait3A_721, %dma_wait3A_722] : memref<8x8x129xf32, #tpu.memory_space<vmem>> -> memref<8x8x128xf32, #tpu.memory_space<vmem>>
        tpu.wait_dma2 semaphore(%arg14 : memref<!tpu.dma_semaphore, #tpu.memory_space<semaphore_mem>>) src(%dma_wait3A_723 : memref<8x8x128xf32, #tpu.memory_space<vmem>>) dst(%dma_wait3A_719 : memref<8x8x128xf32, #tpu.memory_space<hbm>>)
      } else {
      }
      %add3A_516 = arith.constant 0 : i32
      %add3A_517 = arith.addi %mul3A_510, %add3A_516 : i32
      %get3A_518 = arith.index_cast %add3A_517 : i32 to index
      %get3A_519 = tpu.vector_load %arg11[%get3A_518] {strides = array<i32>} : memref<12800xf32, #tpu.memory_space<vmem>>, vector<16xf32>,
      %add3A_520 = arith.constant 16 : i32
      %add3A_521 = arith.addi %mul3A_510, %add3A_520 : i32
      %get3A_522 = arith.index_cast %add3A_521 : i32 to index
      %get3A_523 = tpu.vector_load %arg11[%get3A_522] {strides = array<i32>} : memref<12800xf32, #tpu.memory_space<vmem>>, vector<16xf32>,
      %add3A_524 = arith.constant 32 : i32
      %add3A_525 = arith.addi %mul3A_510, %add3A_524 : i32
      %get3A_526 = arith.index_cast %add3A_525 : i32 to index
      %get3A_527 = tpu.vector_load %arg11[%get3A_526] {strides = array<i32>} : memref<12800xf32, #tpu.memory_space<vmem>>, vector<16xf32>,
      %add3A_528 = arith.constant 48 : i32
      %add3A_529 = arith.addi %mul3A_510, %add3A_528 : i32
      %get3A_530 = arith.index_cast %add3A_529 : i32 to index
      %get3A_531 = tpu.vector_load %arg11[%get3A_530] {strides = array<i32>} : memref<12800xf32, #tpu.memory_space<vmem>>, vector<16xf32>,
      %scan3A_532 = arith.constant 0 : i32
      %scan3A_533 = arith.constant 128 : i32
      %scan3A_534 = arith.addi %scan3A_532, %scan3A_533 : i32
      %scan3A_535 = arith.constant 4 : i32
      scf.for %scan3A_705 = %scan3A_532 to %scan3A_534 step %scan3A_535  : i32 {
        %mul3A_706 = arith.constant 1 : i32
        %mul3A_707 = arith.muli %scan3A_705, %mul3A_706 : i32
        %add3A_708 = arith.constant 0 : i32
        %add3A_709 = arith.addi %add3A_708, %mul3A_707 : i32
        %add3A_710 = arith.constant 0 : i32
        %add3A_711 = arith.addi %add3A_710, %add3A_709 : i32
        %broadcast_in_dim3A = vector.broadcast %add3A_709 : i32 to vector<16xi32>
        %get3A_712 = arith.index_cast %add3A_711 : i32 to index
        %get3A_713 = arith.constant 0 : index
        %get3A_714 = tpu.vector_load %arg8[%get3A_712, %get3A_713] {strides = array<i32>} : memref<512x64xf32, #tpu.memory_space<vmem>>, vector<16xf32>,
        %add3A_715 = arith.addf %get3A_714, %get3A_519 : vector<16xf32>
        tpu.vector_store_idx %arg9[%select_n3A, %select_n3A_151, %broadcast_in_dim3A], %add3A_715 : memref<8x8x129xf32, #tpu.memory_space<vmem>>[vector<16xi32>, vector<16xi32>, vector<16xi32>], vector<16xf32>,
        %get3A_716 = arith.index_cast %add3A_711 : i32 to index
        %get3A_717 = arith.constant 16 : index
        %get3A_718 = tpu.vector_load %arg8[%get3A_716, %get3A_717] {strides = array<i32>} : memref<512x64xf32, #tpu.memory_space<vmem>>, vector<16xf32>,
        %add3A_719 = arith.addf %get3A_718, %get3A_523 : vector<16xf32>
        tpu.vector_store_idx %arg9[%select_n3A_60, %select_n3A_176, %broadcast_in_dim3A], %add3A_719 : memref<8x8x129xf32, #tpu.memory_space<vmem>>[vector<16xi32>, vector<16xi32>, vector<16xi32>], vector<16xf32>,
        %get3A_720 = arith.index_cast %add3A_711 : i32 to index
        %get3A_721 = arith.constant 32 : index
        %get3A_722 = tpu.vector_load %arg8[%get3A_720, %get3A_721] {strides = array<i32>} : memref<512x64xf32, #tpu.memory_space<vmem>>, vector<16xf32>,
        %add3A_723 = arith.addf %get3A_722, %get3A_527 : vector<16xf32>
        tpu.vector_store_idx %arg9[%select_n3A_94, %select_n3A_201, %broadcast_in_dim3A], %add3A_723 : memref<8x8x129xf32, #tpu.memory_space<vmem>>[vector<16xi32>, vector<16xi32>, vector<16xi32>], vector<16xf32>,
        %get3A_724 = arith.index_cast %add3A_711 : i32 to index
        %get3A_725 = arith.constant 48 : index
        %get3A_726 = tpu.vector_load %arg8[%get3A_724, %get3A_725] {strides = array<i32>} : memref<512x64xf32, #tpu.memory_space<vmem>>, vector<16xf32>,
        %add3A_727 = arith.addf %get3A_726, %get3A_531 : vector<16xf32>
        tpu.vector_store_idx %arg9[%select_n3A_128, %select_n3A_226, %broadcast_in_dim3A], %add3A_727 : memref<8x8x129xf32, #tpu.memory_space<vmem>>[vector<16xi32>, vector<16xi32>, vector<16xi32>], vector<16xf32>,
        %scan3A_728 = arith.constant 1 : i32
        %scan3A_729 = arith.addi %scan3A_705, %scan3A_728 : i32
        %mul3A_730 = arith.constant 1 : i32
        %mul3A_731 = arith.muli %scan3A_729, %mul3A_730 : i32
        %add3A_732 = arith.constant 0 : i32
        %add3A_733 = arith.addi %add3A_732, %mul3A_731 : i32
        %add3A_734 = arith.constant 0 : i32
        %add3A_735 = arith.addi %add3A_734, %add3A_733 : i32
        %broadcast_in_dim3A_736 = vector.broadcast %add3A_733 : i32 to vector<16xi32>
        %get3A_737 = arith.index_cast %add3A_735 : i32 to index
        %get3A_738 = arith.constant 0 : index
        %get3A_739 = tpu.vector_load %arg8[%get3A_737, %get3A_738] {strides = array<i32>} : memref<512x64xf32, #tpu.memory_space<vmem>>, vector<16xf32>,
        %add3A_740 = arith.addf %get3A_739, %get3A_519 : vector<16xf32>
        tpu.vector_store_idx %arg9[%select_n3A, %select_n3A_151, %broadcast_in_dim3A_736], %add3A_740 : memref<8x8x129xf32, #tpu.memory_space<vmem>>[vector<16xi32>, vector<16xi32>, vector<16xi32>], vector<16xf32>,
        %get3A_741 = arith.index_cast %add3A_735 : i32 to index
        %get3A_742 = arith.constant 16 : index
        %get3A_743 = tpu.vector_load %arg8[%get3A_741, %get3A_742] {strides = array<i32>} : memref<512x64xf32, #tpu.memory_space<vmem>>, vector<16xf32>,
        %add3A_744 = arith.addf %get3A_743, %get3A_523 : vector<16xf32>
        tpu.vector_store_idx %arg9[%select_n3A_60, %select_n3A_176, %broadcast_in_dim3A_736], %add3A_744 : memref<8x8x129xf32, #tpu.memory_space<vmem>>[vector<16xi32>, vector<16xi32>, vector<16xi32>], vector<16xf32>,
        %get3A_745 = arith.index_cast %add3A_735 : i32 to index
        %get3A_746 = arith.constant 32 : index
        %get3A_747 = tpu.vector_load %arg8[%get3A_745, %get3A_746] {strides = array<i32>} : memref<512x64xf32, #tpu.memory_space<vmem>>, vector<16xf32>,
        %add3A_748 = arith.addf %get3A_747, %get3A_527 : vector<16xf32>
        tpu.vector_store_idx %arg9[%select_n3A_94, %select_n3A_201, %broadcast_in_dim3A_736], %add3A_748 : memref<8x8x129xf32, #tpu.memory_space<vmem>>[vector<16xi32>, vector<16xi32>, vector<16xi32>], vector<16xf32>,
        %get3A_749 = arith.index_cast %add3A_735 : i32 to index
        %get3A_750 = arith.constant 48 : index
        %get3A_751 = tpu.vector_load %arg8[%get3A_749, %get3A_750] {strides = array<i32>} : memref<512x64xf32, #tpu.memory_space<vmem>>, vector<16xf32>,
        %add3A_752 = arith.addf %get3A_751, %get3A_531 : vector<16xf32>
        tpu.vector_store_idx %arg9[%select_n3A_128, %select_n3A_226, %broadcast_in_dim3A_736], %add3A_752 : memref<8x8x129xf32, #tpu.memory_space<vmem>>[vector<16xi32>, vector<16xi32>, vector<16xi32>], vector<16xf32>,
        %scan3A_753 = arith.constant 2 : i32
        %scan3A_754 = arith.addi %scan3A_705, %scan3A_753 : i32
        %mul3A_755 = arith.constant 1 : i32
        %mul3A_756 = arith.muli %scan3A_754, %mul3A_755 : i32
        %add3A_757 = arith.constant 0 : i32
        %add3A_758 = arith.addi %add3A_757, %mul3A_756 : i32
        %add3A_759 = arith.constant 0 : i32
        %add3A_760 = arith.addi %add3A_759, %add3A_758 : i32
        %broadcast_in_dim3A_761 = vector.broadcast %add3A_758 : i32 to vector<16xi32>
        %get3A_762 = arith.index_cast %add3A_760 : i32 to index
        %get3A_763 = arith.constant 0 : index
        %get3A_764 = tpu.vector_load %arg8[%get3A_762, %get3A_763] {strides = array<i32>} : memref<512x64xf32, #tpu.memory_space<vmem>>, vector<16xf32>,
        %add3A_765 = arith.addf %get3A_764, %get3A_519 : vector<16xf32>
        tpu.vector_store_idx %arg9[%select_n3A, %select_n3A_151, %broadcast_in_dim3A_761], %add3A_765 : memref<8x8x129xf32, #tpu.memory_space<vmem>>[vector<16xi32>, vector<16xi32>, vector<16xi32>], vector<16xf32>,
        %get3A_766 = arith.index_cast %add3A_760 : i32 to index
        %get3A_767 = arith.constant 16 : index
        %get3A_768 = tpu.vector_load %arg8[%get3A_766, %get3A_767] {strides = array<i32>} : memref<512x64xf32, #tpu.memory_space<vmem>>, vector<16xf32>,
        %add3A_769 = arith.addf %get3A_768, %get3A_523 : vector<16xf32>
        tpu.vector_store_idx %arg9[%select_n3A_60, %select_n3A_176, %broadcast_in_dim3A_761], %add3A_769 : memref<8x8x129xf32, #tpu.memory_space<vmem>>[vector<16xi32>, vector<16xi32>, vector<16xi32>], vector<16xf32>,
        %get3A_770 = arith.index_cast %add3A_760 : i32 to index
        %get3A_771 = arith.constant 32 : index
        %get3A_772 = tpu.vector_load %arg8[%get3A_770, %get3A_771] {strides = array<i32>} : memref<512x64xf32, #tpu.memory_space<vmem>>, vector<16xf32>,
        %add3A_773 = arith.addf %get3A_772, %get3A_527 : vector<16xf32>
        tpu.vector_store_idx %arg9[%select_n3A_94, %select_n3A_201, %broadcast_in_dim3A_761], %add3A_773 : memref<8x8x129xf32, #tpu.memory_space<vmem>>[vector<16xi32>, vector<16xi32>, vector<16xi32>], vector<16xf32>,
        %get3A_774 = arith.index_cast %add3A_760 : i32 to index
        %get3A_775 = arith.constant 48 : index
        %get3A_776 = tpu.vector_load %arg8[%get3A_774, %get3A_775] {strides = array<i32>} : memref<512x64xf32, #tpu.memory_space<vmem>>, vector<16xf32>,
        %add3A_777 = arith.addf %get3A_776, %get3A_531 : vector<16xf32>
        tpu.vector_store_idx %arg9[%select_n3A_128, %select_n3A_226, %broadcast_in_dim3A_761], %add3A_777 : memref<8x8x129xf32, #tpu.memory_space<vmem>>[vector<16xi32>, vector<16xi32>, vector<16xi32>], vector<16xf32>,
        %scan3A_778 = arith.constant 3 : i32
        %scan3A_779 = arith.addi %scan3A_705, %scan3A_778 : i32
        %mul3A_780 = arith.constant 1 : i32
        %mul3A_781 = arith.muli %scan3A_779, %mul3A_780 : i32
        %add3A_782 = arith.constant 0 : i32
        %add3A_783 = arith.addi %add3A_782, %mul3A_781 : i32
        %add3A_784 = arith.constant 0 : i32
        %add3A_785 = arith.addi %add3A_784, %add3A_783 : i32
        %broadcast_in_dim3A_786 = vector.broadcast %add3A_783 : i32 to vector<16xi32>
        %get3A_787 = arith.index_cast %add3A_785 : i32 to index
        %get3A_788 = arith.constant 0 : index
        %get3A_789 = tpu.vector_load %arg8[%get3A_787, %get3A_788] {strides = array<i32>} : memref<512x64xf32, #tpu.memory_space<vmem>>, vector<16xf32>,
        %add3A_790 = arith.addf %get3A_789, %get3A_519 : vector<16xf32>
        tpu.vector_store_idx %arg9[%select_n3A, %select_n3A_151, %broadcast_in_dim3A_786], %add3A_790 : memref<8x8x129xf32, #tpu.memory_space<vmem>>[vector<16xi32>, vector<16xi32>, vector<16xi32>], vector<16xf32>,
        %get3A_791 = arith.index_cast %add3A_785 : i32 to index
        %get3A_792 = arith.constant 16 : index
        %get3A_793 = tpu.vector_load %arg8[%get3A_791, %get3A_792] {strides = array<i32>} : memref<512x64xf32, #tpu.memory_space<vmem>>, vector<16xf32>,
        %add3A_794 = arith.addf %get3A_793, %get3A_523 : vector<16xf32>
        tpu.vector_store_idx %arg9[%select_n3A_60, %select_n3A_176, %broadcast_in_dim3A_786], %add3A_794 : memref<8x8x129xf32, #tpu.memory_space<vmem>>[vector<16xi32>, vector<16xi32>, vector<16xi32>], vector<16xf32>,
        %get3A_795 = arith.index_cast %add3A_785 : i32 to index
        %get3A_796 = arith.constant 32 : index
        %get3A_797 = tpu.vector_load %arg8[%get3A_795, %get3A_796] {strides = array<i32>} : memref<512x64xf32, #tpu.memory_space<vmem>>, vector<16xf32>,
        %add3A_798 = arith.addf %get3A_797, %get3A_527 : vector<16xf32>
        tpu.vector_store_idx %arg9[%select_n3A_94, %select_n3A_201, %broadcast_in_dim3A_786], %add3A_798 : memref<8x8x129xf32, #tpu.memory_space<vmem>>[vector<16xi32>, vector<16xi32>, vector<16xi32>], vector<16xf32>,
        %get3A_799 = arith.index_cast %add3A_785 : i32 to index
        %get3A_800 = arith.constant 48 : index
        %get3A_801 = tpu.vector_load %arg8[%get3A_799, %get3A_800] {strides = array<i32>} : memref<512x64xf32, #tpu.memory_space<vmem>>, vector<16xf32>,
        %add3A_802 = arith.addf %get3A_801, %get3A_531 : vector<16xf32>
        tpu.vector_store_idx %arg9[%select_n3A_128, %select_n3A_226, %broadcast_in_dim3A_786], %add3A_802 : memref<8x8x129xf32, #tpu.memory_space<vmem>>[vector<16xi32>, vector<16xi32>, vector<16xi32>], vector<16xf32>,
      }
      %scan3A_536 = arith.constant 128 : i32
      %dma_start3A_537 = arith.constant 0 : i32
      %dma_start3A_538 = arith.constant 0 : i32
      %dma_start3A_539 = arith.constant 0 : i32
      %dma_start3A_540 = tpu.memref_slice %arg9[%dma_start3A_537, %dma_start3A_538, %dma_start3A_539] : memref<8x8x129xf32, #tpu.memory_space<vmem>> -> memref<8x8x128xf32, #tpu.memory_space<vmem>>
      %dma_start3A_541 = arith.constant 0 : i32
      %dma_start3A_542 = arith.constant 0 : i32
      %dma_start3A_543 = arith.constant 0 : i32
      %dma_start3A_544 = tpu.memref_slice %arg5[%add3A_508, %dma_start3A_541, %add3A, %dma_start3A_542, %dma_start3A_543] : memref<200x8x32x8x128xf32, #tpu.memory_space<hbm>> -> memref<1x8x1x8x128xf32, #tpu.memory_space<hbm>>
      %dma_start3A_545 = tpu.memref_squeeze %dma_start3A_544 : memref<1x8x1x8x128xf32, #tpu.memory_space<hbm>> -> memref<8x8x128xf32, #tpu.memory_space<hbm>>
      %dma_start3A_546 = arith.constant 0 : i32
      %dma_start3A_547 = arith.constant 0 : i32
      %dma_start3A_548 = arith.constant 0 : i32
      %dma_start3A_549 = tpu.memref_slice %arg5[%add3A_508, %dma_start3A_546, %add3A, %dma_start3A_547, %dma_start3A_548] : memref<200x8x32x8x128xf32, #tpu.memory_space<hbm>> -> memref<1x8x1x8x128xf32, #tpu.memory_space<hbm>>
      %dma_start3A_550 = tpu.memref_squeeze %dma_start3A_549 : memref<1x8x1x8x128xf32, #tpu.memory_space<hbm>> -> memref<8x8x128xf32, #tpu.memory_space<hbm>>
      %dma_start3A_551 = arith.constant 0 : i32
      %dma_start3A_552 = arith.constant 0 : i32
      %dma_start3A_553 = arith.constant 0 : i32
      %dma_start3A_554 = tpu.memref_slice %arg9[%dma_start3A_551, %dma_start3A_552, %dma_start3A_553] : memref<8x8x129xf32, #tpu.memory_space<vmem>> -> memref<8x8x128xf32, #tpu.memory_space<vmem>>
      tpu.enqueue_dma source(%dma_start3A_554 : memref<8x8x128xf32, #tpu.memory_space<vmem>>) target(%dma_start3A_550 : memref<8x8x128xf32, #tpu.memory_space<hbm>>) target_semaphore(%arg14 : memref<!tpu.dma_semaphore, #tpu.memory_space<semaphore_mem>>)
      %mul3A_555 = arith.constant 4 : i32
      %mul3A_556 = arith.muli %add3A_490, %mul3A_555 : i32
      %add3A_557 = arith.constant 1 : i32
      %add3A_558 = arith.addi %mul3A_556, %add3A_557 : i32
      %mul3A_559 = arith.constant 64 : i32
      %mul3A_560 = arith.muli %add3A_558, %mul3A_559 : i32
      %ge3A_561 = arith.constant 2 : i32
      %ge3A_562 = arith.cmpi sge, %add3A_558, %ge3A_561 : i32
      %convert_element_type3A_563 = arith.extui %ge3A_562 : i1 to i32
      %cond3A_564 = arith.constant 0 : i32
      %cond3A_565 = arith.cmpi ne, %convert_element_type3A_563, %cond3A_564 : i32
      scf.if %cond3A_565 {
        %dma_wait3A_705 = arith.constant 0 : i32
        %dma_wait3A_706 = arith.constant 0 : i32
        %dma_wait3A_707 = arith.constant 0 : i32
        %dma_wait3A_708 = arith.constant 0 : i32
        %dma_wait3A_709 = tpu.memref_slice %arg10[%dma_wait3A_706, %dma_wait3A_707, %dma_wait3A_708] : memref<8x8x129xf32, #tpu.memory_space<vmem>> -> memref<8x8x128xf32, #tpu.memory_space<vmem>>
        %dma_wait3A_710 = arith.constant 0 : i32
        %dma_wait3A_711 = arith.constant 0 : i32
        %dma_wait3A_712 = arith.constant 0 : i32
        %dma_wait3A_713 = tpu.memref_slice %arg5[%dma_wait3A_705, %dma_wait3A_710, %add3A, %dma_wait3A_711, %dma_wait3A_712] : memref<200x8x32x8x128xf32, #tpu.memory_space<hbm>> -> memref<1x8x1x8x128xf32, #tpu.memory_space<hbm>>
        %dma_wait3A_714 = tpu.memref_squeeze %dma_wait3A_713 : memref<1x8x1x8x128xf32, #tpu.memory_space<hbm>> -> memref<8x8x128xf32, #tpu.memory_space<hbm>>
        %dma_wait3A_715 = arith.constant 0 : i32
        %dma_wait3A_716 = arith.constant 0 : i32
        %dma_wait3A_717 = arith.constant 0 : i32
        %dma_wait3A_718 = tpu.memref_slice %arg5[%dma_wait3A_705, %dma_wait3A_715, %add3A, %dma_wait3A_716, %dma_wait3A_717] : memref<200x8x32x8x128xf32, #tpu.memory_space<hbm>> -> memref<1x8x1x8x128xf32, #tpu.memory_space<hbm>>
        %dma_wait3A_719 = tpu.memref_squeeze %dma_wait3A_718 : memref<1x8x1x8x128xf32, #tpu.memory_space<hbm>> -> memref<8x8x128xf32, #tpu.memory_space<hbm>>
        %dma_wait3A_720 = arith.constant 0 : i32
        %dma_wait3A_721 = arith.constant 0 : i32
        %dma_wait3A_722 = arith.constant 0 : i32
        %dma_wait3A_723 = tpu.memref_slice %arg10[%dma_wait3A_720, %dma_wait3A_721, %dma_wait3A_722] : memref<8x8x129xf32, #tpu.memory_space<vmem>> -> memref<8x8x128xf32, #tpu.memory_space<vmem>>
        tpu.wait_dma2 semaphore(%arg15 : memref<!tpu.dma_semaphore, #tpu.memory_space<semaphore_mem>>) src(%dma_wait3A_723 : memref<8x8x128xf32, #tpu.memory_space<vmem>>) dst(%dma_wait3A_719 : memref<8x8x128xf32, #tpu.memory_space<hbm>>)
      } else {
      }
      %add3A_566 = arith.constant 0 : i32
      %add3A_567 = arith.addi %mul3A_560, %add3A_566 : i32
      %get3A_568 = arith.index_cast %add3A_567 : i32 to index
      %get3A_569 = tpu.vector_load %arg11[%get3A_568] {strides = array<i32>} : memref<12800xf32, #tpu.memory_space<vmem>>, vector<16xf32>,
      %add3A_570 = arith.constant 16 : i32
      %add3A_571 = arith.addi %mul3A_560, %add3A_570 : i32
      %get3A_572 = arith.index_cast %add3A_571 : i32 to index
      %get3A_573 = tpu.vector_load %arg11[%get3A_572] {strides = array<i32>} : memref<12800xf32, #tpu.memory_space<vmem>>, vector<16xf32>,
      %add3A_574 = arith.constant 32 : i32
      %add3A_575 = arith.addi %mul3A_560, %add3A_574 : i32
      %get3A_576 = arith.index_cast %add3A_575 : i32 to index
      %get3A_577 = tpu.vector_load %arg11[%get3A_576] {strides = array<i32>} : memref<12800xf32, #tpu.memory_space<vmem>>, vector<16xf32>,
      %add3A_578 = arith.constant 48 : i32
      %add3A_579 = arith.addi %mul3A_560, %add3A_578 : i32
      %get3A_580 = arith.index_cast %add3A_579 : i32 to index
      %get3A_581 = tpu.vector_load %arg11[%get3A_580] {strides = array<i32>} : memref<12800xf32, #tpu.memory_space<vmem>>, vector<16xf32>,
      %scan3A_582 = arith.constant 0 : i32
      %scan3A_583 = arith.constant 128 : i32
      %scan3A_584 = arith.addi %scan3A_582, %scan3A_583 : i32
      %scan3A_585 = arith.constant 4 : i32
      scf.for %scan3A_705 = %scan3A_582 to %scan3A_584 step %scan3A_585  : i32 {
        %mul3A_706 = arith.constant 1 : i32
        %mul3A_707 = arith.muli %scan3A_705, %mul3A_706 : i32
        %add3A_708 = arith.constant 0 : i32
        %add3A_709 = arith.addi %add3A_708, %mul3A_707 : i32
        %add3A_710 = arith.constant 128 : i32
        %add3A_711 = arith.addi %add3A_710, %add3A_709 : i32
        %broadcast_in_dim3A = vector.broadcast %add3A_709 : i32 to vector<16xi32>
        %get3A_712 = arith.index_cast %add3A_711 : i32 to index
        %get3A_713 = arith.constant 0 : index
        %get3A_714 = tpu.vector_load %arg8[%get3A_712, %get3A_713] {strides = array<i32>} : memref<512x64xf32, #tpu.memory_space<vmem>>, vector<16xf32>,
        %add3A_715 = arith.addf %get3A_714, %get3A_569 : vector<16xf32>
        tpu.vector_store_idx %arg10[%select_n3A, %select_n3A_151, %broadcast_in_dim3A], %add3A_715 : memref<8x8x129xf32, #tpu.memory_space<vmem>>[vector<16xi32>, vector<16xi32>, vector<16xi32>], vector<16xf32>,
        %get3A_716 = arith.index_cast %add3A_711 : i32 to index
        %get3A_717 = arith.constant 16 : index
        %get3A_718 = tpu.vector_load %arg8[%get3A_716, %get3A_717] {strides = array<i32>} : memref<512x64xf32, #tpu.memory_space<vmem>>, vector<16xf32>,
        %add3A_719 = arith.addf %get3A_718, %get3A_573 : vector<16xf32>
        tpu.vector_store_idx %arg10[%select_n3A_60, %select_n3A_176, %broadcast_in_dim3A], %add3A_719 : memref<8x8x129xf32, #tpu.memory_space<vmem>>[vector<16xi32>, vector<16xi32>, vector<16xi32>], vector<16xf32>,
        %get3A_720 = arith.index_cast %add3A_711 : i32 to index
        %get3A_721 = arith.constant 32 : index
        %get3A_722 = tpu.vector_load %arg8[%get3A_720, %get3A_721] {strides = array<i32>} : memref<512x64xf32, #tpu.memory_space<vmem>>, vector<16xf32>,
        %add3A_723 = arith.addf %get3A_722, %get3A_577 : vector<16xf32>
        tpu.vector_store_idx %arg10[%select_n3A_94, %select_n3A_201, %broadcast_in_dim3A], %add3A_723 : memref<8x8x129xf32, #tpu.memory_space<vmem>>[vector<16xi32>, vector<16xi32>, vector<16xi32>], vector<16xf32>,
        %get3A_724 = arith.index_cast %add3A_711 : i32 to index
        %get3A_725 = arith.constant 48 : index
        %get3A_726 = tpu.vector_load %arg8[%get3A_724, %get3A_725] {strides = array<i32>} : memref<512x64xf32, #tpu.memory_space<vmem>>, vector<16xf32>,
        %add3A_727 = arith.addf %get3A_726, %get3A_581 : vector<16xf32>
        tpu.vector_store_idx %arg10[%select_n3A_128, %select_n3A_226, %broadcast_in_dim3A], %add3A_727 : memref<8x8x129xf32, #tpu.memory_space<vmem>>[vector<16xi32>, vector<16xi32>, vector<16xi32>], vector<16xf32>,
        %scan3A_728 = arith.constant 1 : i32
        %scan3A_729 = arith.addi %scan3A_705, %scan3A_728 : i32
        %mul3A_730 = arith.constant 1 : i32
        %mul3A_731 = arith.muli %scan3A_729, %mul3A_730 : i32
        %add3A_732 = arith.constant 0 : i32
        %add3A_733 = arith.addi %add3A_732, %mul3A_731 : i32
        %add3A_734 = arith.constant 128 : i32
        %add3A_735 = arith.addi %add3A_734, %add3A_733 : i32
        %broadcast_in_dim3A_736 = vector.broadcast %add3A_733 : i32 to vector<16xi32>
        %get3A_737 = arith.index_cast %add3A_735 : i32 to index
        %get3A_738 = arith.constant 0 : index
        %get3A_739 = tpu.vector_load %arg8[%get3A_737, %get3A_738] {strides = array<i32>} : memref<512x64xf32, #tpu.memory_space<vmem>>, vector<16xf32>,
        %add3A_740 = arith.addf %get3A_739, %get3A_569 : vector<16xf32>
        tpu.vector_store_idx %arg10[%select_n3A, %select_n3A_151, %broadcast_in_dim3A_736], %add3A_740 : memref<8x8x129xf32, #tpu.memory_space<vmem>>[vector<16xi32>, vector<16xi32>, vector<16xi32>], vector<16xf32>,
        %get3A_741 = arith.index_cast %add3A_735 : i32 to index
        %get3A_742 = arith.constant 16 : index
        %get3A_743 = tpu.vector_load %arg8[%get3A_741, %get3A_742] {strides = array<i32>} : memref<512x64xf32, #tpu.memory_space<vmem>>, vector<16xf32>,
        %add3A_744 = arith.addf %get3A_743, %get3A_573 : vector<16xf32>
        tpu.vector_store_idx %arg10[%select_n3A_60, %select_n3A_176, %broadcast_in_dim3A_736], %add3A_744 : memref<8x8x129xf32, #tpu.memory_space<vmem>>[vector<16xi32>, vector<16xi32>, vector<16xi32>], vector<16xf32>,
        %get3A_745 = arith.index_cast %add3A_735 : i32 to index
        %get3A_746 = arith.constant 32 : index
        %get3A_747 = tpu.vector_load %arg8[%get3A_745, %get3A_746] {strides = array<i32>} : memref<512x64xf32, #tpu.memory_space<vmem>>, vector<16xf32>,
        %add3A_748 = arith.addf %get3A_747, %get3A_577 : vector<16xf32>
        tpu.vector_store_idx %arg10[%select_n3A_94, %select_n3A_201, %broadcast_in_dim3A_736], %add3A_748 : memref<8x8x129xf32, #tpu.memory_space<vmem>>[vector<16xi32>, vector<16xi32>, vector<16xi32>], vector<16xf32>,
        %get3A_749 = arith.index_cast %add3A_735 : i32 to index
        %get3A_750 = arith.constant 48 : index
        %get3A_751 = tpu.vector_load %arg8[%get3A_749, %get3A_750] {strides = array<i32>} : memref<512x64xf32, #tpu.memory_space<vmem>>, vector<16xf32>,
        %add3A_752 = arith.addf %get3A_751, %get3A_581 : vector<16xf32>
        tpu.vector_store_idx %arg10[%select_n3A_128, %select_n3A_226, %broadcast_in_dim3A_736], %add3A_752 : memref<8x8x129xf32, #tpu.memory_space<vmem>>[vector<16xi32>, vector<16xi32>, vector<16xi32>], vector<16xf32>,
        %scan3A_753 = arith.constant 2 : i32
        %scan3A_754 = arith.addi %scan3A_705, %scan3A_753 : i32
        %mul3A_755 = arith.constant 1 : i32
        %mul3A_756 = arith.muli %scan3A_754, %mul3A_755 : i32
        %add3A_757 = arith.constant 0 : i32
        %add3A_758 = arith.addi %add3A_757, %mul3A_756 : i32
        %add3A_759 = arith.constant 128 : i32
        %add3A_760 = arith.addi %add3A_759, %add3A_758 : i32
        %broadcast_in_dim3A_761 = vector.broadcast %add3A_758 : i32 to vector<16xi32>
        %get3A_762 = arith.index_cast %add3A_760 : i32 to index
        %get3A_763 = arith.constant 0 : index
        %get3A_764 = tpu.vector_load %arg8[%get3A_762, %get3A_763] {strides = array<i32>} : memref<512x64xf32, #tpu.memory_space<vmem>>, vector<16xf32>,
        %add3A_765 = arith.addf %get3A_764, %get3A_569 : vector<16xf32>
        tpu.vector_store_idx %arg10[%select_n3A, %select_n3A_151, %broadcast_in_dim3A_761], %add3A_765 : memref<8x8x129xf32, #tpu.memory_space<vmem>>[vector<16xi32>, vector<16xi32>, vector<16xi32>], vector<16xf32>,
        %get3A_766 = arith.index_cast %add3A_760 : i32 to index
        %get3A_767 = arith.constant 16 : index
        %get3A_768 = tpu.vector_load %arg8[%get3A_766, %get3A_767] {strides = array<i32>} : memref<512x64xf32, #tpu.memory_space<vmem>>, vector<16xf32>,
        %add3A_769 = arith.addf %get3A_768, %get3A_573 : vector<16xf32>
        tpu.vector_store_idx %arg10[%select_n3A_60, %select_n3A_176, %broadcast_in_dim3A_761], %add3A_769 : memref<8x8x129xf32, #tpu.memory_space<vmem>>[vector<16xi32>, vector<16xi32>, vector<16xi32>], vector<16xf32>,
        %get3A_770 = arith.index_cast %add3A_760 : i32 to index
        %get3A_771 = arith.constant 32 : index
        %get3A_772 = tpu.vector_load %arg8[%get3A_770, %get3A_771] {strides = array<i32>} : memref<512x64xf32, #tpu.memory_space<vmem>>, vector<16xf32>,
        %add3A_773 = arith.addf %get3A_772, %get3A_577 : vector<16xf32>
        tpu.vector_store_idx %arg10[%select_n3A_94, %select_n3A_201, %broadcast_in_dim3A_761], %add3A_773 : memref<8x8x129xf32, #tpu.memory_space<vmem>>[vector<16xi32>, vector<16xi32>, vector<16xi32>], vector<16xf32>,
        %get3A_774 = arith.index_cast %add3A_760 : i32 to index
        %get3A_775 = arith.constant 48 : index
        %get3A_776 = tpu.vector_load %arg8[%get3A_774, %get3A_775] {strides = array<i32>} : memref<512x64xf32, #tpu.memory_space<vmem>>, vector<16xf32>,
        %add3A_777 = arith.addf %get3A_776, %get3A_581 : vector<16xf32>
        tpu.vector_store_idx %arg10[%select_n3A_128, %select_n3A_226, %broadcast_in_dim3A_761], %add3A_777 : memref<8x8x129xf32, #tpu.memory_space<vmem>>[vector<16xi32>, vector<16xi32>, vector<16xi32>], vector<16xf32>,
        %scan3A_778 = arith.constant 3 : i32
        %scan3A_779 = arith.addi %scan3A_705, %scan3A_778 : i32
        %mul3A_780 = arith.constant 1 : i32
        %mul3A_781 = arith.muli %scan3A_779, %mul3A_780 : i32
        %add3A_782 = arith.constant 0 : i32
        %add3A_783 = arith.addi %add3A_782, %mul3A_781 : i32
        %add3A_784 = arith.constant 128 : i32
        %add3A_785 = arith.addi %add3A_784, %add3A_783 : i32
        %broadcast_in_dim3A_786 = vector.broadcast %add3A_783 : i32 to vector<16xi32>
        %get3A_787 = arith.index_cast %add3A_785 : i32 to index
        %get3A_788 = arith.constant 0 : index
        %get3A_789 = tpu.vector_load %arg8[%get3A_787, %get3A_788] {strides = array<i32>} : memref<512x64xf32, #tpu.memory_space<vmem>>, vector<16xf32>,
        %add3A_790 = arith.addf %get3A_789, %get3A_569 : vector<16xf32>
        tpu.vector_store_idx %arg10[%select_n3A, %select_n3A_151, %broadcast_in_dim3A_786], %add3A_790 : memref<8x8x129xf32, #tpu.memory_space<vmem>>[vector<16xi32>, vector<16xi32>, vector<16xi32>], vector<16xf32>,
        %get3A_791 = arith.index_cast %add3A_785 : i32 to index
        %get3A_792 = arith.constant 16 : index
        %get3A_793 = tpu.vector_load %arg8[%get3A_791, %get3A_792] {strides = array<i32>} : memref<512x64xf32, #tpu.memory_space<vmem>>, vector<16xf32>,
        %add3A_794 = arith.addf %get3A_793, %get3A_573 : vector<16xf32>
        tpu.vector_store_idx %arg10[%select_n3A_60, %select_n3A_176, %broadcast_in_dim3A_786], %add3A_794 : memref<8x8x129xf32, #tpu.memory_space<vmem>>[vector<16xi32>, vector<16xi32>, vector<16xi32>], vector<16xf32>,
        %get3A_795 = arith.index_cast %add3A_785 : i32 to index
        %get3A_796 = arith.constant 32 : index
        %get3A_797 = tpu.vector_load %arg8[%get3A_795, %get3A_796] {strides = array<i32>} : memref<512x64xf32, #tpu.memory_space<vmem>>, vector<16xf32>,
        %add3A_798 = arith.addf %get3A_797, %get3A_577 : vector<16xf32>
        tpu.vector_store_idx %arg10[%select_n3A_94, %select_n3A_201, %broadcast_in_dim3A_786], %add3A_798 : memref<8x8x129xf32, #tpu.memory_space<vmem>>[vector<16xi32>, vector<16xi32>, vector<16xi32>], vector<16xf32>,
        %get3A_799 = arith.index_cast %add3A_785 : i32 to index
        %get3A_800 = arith.constant 48 : index
        %get3A_801 = tpu.vector_load %arg8[%get3A_799, %get3A_800] {strides = array<i32>} : memref<512x64xf32, #tpu.memory_space<vmem>>, vector<16xf32>,
        %add3A_802 = arith.addf %get3A_801, %get3A_581 : vector<16xf32>
        tpu.vector_store_idx %arg10[%select_n3A_128, %select_n3A_226, %broadcast_in_dim3A_786], %add3A_802 : memref<8x8x129xf32, #tpu.memory_space<vmem>>[vector<16xi32>, vector<16xi32>, vector<16xi32>], vector<16xf32>,
      }
      %scan3A_586 = arith.constant 128 : i32
      %dma_start3A_587 = arith.constant 0 : i32
      %dma_start3A_588 = arith.constant 0 : i32
      %dma_start3A_589 = arith.constant 0 : i32
      %dma_start3A_590 = tpu.memref_slice %arg10[%dma_start3A_587, %dma_start3A_588, %dma_start3A_589] : memref<8x8x129xf32, #tpu.memory_space<vmem>> -> memref<8x8x128xf32, #tpu.memory_space<vmem>>
      %dma_start3A_591 = arith.constant 0 : i32
      %dma_start3A_592 = arith.constant 0 : i32
      %dma_start3A_593 = arith.constant 0 : i32
      %dma_start3A_594 = tpu.memref_slice %arg5[%add3A_558, %dma_start3A_591, %add3A, %dma_start3A_592, %dma_start3A_593] : memref<200x8x32x8x128xf32, #tpu.memory_space<hbm>> -> memref<1x8x1x8x128xf32, #tpu.memory_space<hbm>>
      %dma_start3A_595 = tpu.memref_squeeze %dma_start3A_594 : memref<1x8x1x8x128xf32, #tpu.memory_space<hbm>> -> memref<8x8x128xf32, #tpu.memory_space<hbm>>
      %dma_start3A_596 = arith.constant 0 : i32
      %dma_start3A_597 = arith.constant 0 : i32
      %dma_start3A_598 = arith.constant 0 : i32
      %dma_start3A_599 = tpu.memref_slice %arg5[%add3A_558, %dma_start3A_596, %add3A, %dma_start3A_597, %dma_start3A_598] : memref<200x8x32x8x128xf32, #tpu.memory_space<hbm>> -> memref<1x8x1x8x128xf32, #tpu.memory_space<hbm>>
      %dma_start3A_600 = tpu.memref_squeeze %dma_start3A_599 : memref<1x8x1x8x128xf32, #tpu.memory_space<hbm>> -> memref<8x8x128xf32, #tpu.memory_space<hbm>>
      %dma_start3A_601 = arith.constant 0 : i32
      %dma_start3A_602 = arith.constant 0 : i32
      %dma_start3A_603 = arith.constant 0 : i32
      %dma_start3A_604 = tpu.memref_slice %arg10[%dma_start3A_601, %dma_start3A_602, %dma_start3A_603] : memref<8x8x129xf32, #tpu.memory_space<vmem>> -> memref<8x8x128xf32, #tpu.memory_space<vmem>>
      tpu.enqueue_dma source(%dma_start3A_604 : memref<8x8x128xf32, #tpu.memory_space<vmem>>) target(%dma_start3A_600 : memref<8x8x128xf32, #tpu.memory_space<hbm>>) target_semaphore(%arg15 : memref<!tpu.dma_semaphore, #tpu.memory_space<semaphore_mem>>)
      %mul3A_605 = arith.constant 4 : i32
      %mul3A_606 = arith.muli %add3A_490, %mul3A_605 : i32
      %add3A_607 = arith.constant 2 : i32
      %add3A_608 = arith.addi %mul3A_606, %add3A_607 : i32
      %mul3A_609 = arith.constant 64 : i32
      %mul3A_610 = arith.muli %add3A_608, %mul3A_609 : i32
      %ge3A_611 = arith.constant 2 : i32
      %ge3A_612 = arith.cmpi sge, %add3A_608, %ge3A_611 : i32
      %convert_element_type3A_613 = arith.extui %ge3A_612 : i1 to i32
      %cond3A_614 = arith.constant 0 : i32
      %cond3A_615 = arith.cmpi ne, %convert_element_type3A_613, %cond3A_614 : i32
      scf.if %cond3A_615 {
        %dma_wait3A_705 = arith.constant 0 : i32
        %dma_wait3A_706 = arith.constant 0 : i32
        %dma_wait3A_707 = arith.constant 0 : i32
        %dma_wait3A_708 = arith.constant 0 : i32
        %dma_wait3A_709 = tpu.memref_slice %arg9[%dma_wait3A_706, %dma_wait3A_707, %dma_wait3A_708] : memref<8x8x129xf32, #tpu.memory_space<vmem>> -> memref<8x8x128xf32, #tpu.memory_space<vmem>>
        %dma_wait3A_710 = arith.constant 0 : i32
        %dma_wait3A_711 = arith.constant 0 : i32
        %dma_wait3A_712 = arith.constant 0 : i32
        %dma_wait3A_713 = tpu.memref_slice %arg5[%dma_wait3A_705, %dma_wait3A_710, %add3A, %dma_wait3A_711, %dma_wait3A_712] : memref<200x8x32x8x128xf32, #tpu.memory_space<hbm>> -> memref<1x8x1x8x128xf32, #tpu.memory_space<hbm>>
        %dma_wait3A_714 = tpu.memref_squeeze %dma_wait3A_713 : memref<1x8x1x8x128xf32, #tpu.memory_space<hbm>> -> memref<8x8x128xf32, #tpu.memory_space<hbm>>
        %dma_wait3A_715 = arith.constant 0 : i32
        %dma_wait3A_716 = arith.constant 0 : i32
        %dma_wait3A_717 = arith.constant 0 : i32
        %dma_wait3A_718 = tpu.memref_slice %arg5[%dma_wait3A_705, %dma_wait3A_715, %add3A, %dma_wait3A_716, %dma_wait3A_717] : memref<200x8x32x8x128xf32, #tpu.memory_space<hbm>> -> memref<1x8x1x8x128xf32, #tpu.memory_space<hbm>>
        %dma_wait3A_719 = tpu.memref_squeeze %dma_wait3A_718 : memref<1x8x1x8x128xf32, #tpu.memory_space<hbm>> -> memref<8x8x128xf32, #tpu.memory_space<hbm>>
        %dma_wait3A_720 = arith.constant 0 : i32
        %dma_wait3A_721 = arith.constant 0 : i32
        %dma_wait3A_722 = arith.constant 0 : i32
        %dma_wait3A_723 = tpu.memref_slice %arg9[%dma_wait3A_720, %dma_wait3A_721, %dma_wait3A_722] : memref<8x8x129xf32, #tpu.memory_space<vmem>> -> memref<8x8x128xf32, #tpu.memory_space<vmem>>
        tpu.wait_dma2 semaphore(%arg14 : memref<!tpu.dma_semaphore, #tpu.memory_space<semaphore_mem>>) src(%dma_wait3A_723 : memref<8x8x128xf32, #tpu.memory_space<vmem>>) dst(%dma_wait3A_719 : memref<8x8x128xf32, #tpu.memory_space<hbm>>)
      } else {
      }
      %add3A_616 = arith.constant 0 : i32
      %add3A_617 = arith.addi %mul3A_610, %add3A_616 : i32
      %get3A_618 = arith.index_cast %add3A_617 : i32 to index
      %get3A_619 = tpu.vector_load %arg11[%get3A_618] {strides = array<i32>} : memref<12800xf32, #tpu.memory_space<vmem>>, vector<16xf32>,
      %add3A_620 = arith.constant 16 : i32
      %add3A_621 = arith.addi %mul3A_610, %add3A_620 : i32
      %get3A_622 = arith.index_cast %add3A_621 : i32 to index
      %get3A_623 = tpu.vector_load %arg11[%get3A_622] {strides = array<i32>} : memref<12800xf32, #tpu.memory_space<vmem>>, vector<16xf32>,
      %add3A_624 = arith.constant 32 : i32
      %add3A_625 = arith.addi %mul3A_610, %add3A_624 : i32
      %get3A_626 = arith.index_cast %add3A_625 : i32 to index
      %get3A_627 = tpu.vector_load %arg11[%get3A_626] {strides = array<i32>} : memref<12800xf32, #tpu.memory_space<vmem>>, vector<16xf32>,
      %add3A_628 = arith.constant 48 : i32
      %add3A_629 = arith.addi %mul3A_610, %add3A_628 : i32
      %get3A_630 = arith.index_cast %add3A_629 : i32 to index
      %get3A_631 = tpu.vector_load %arg11[%get3A_630] {strides = array<i32>} : memref<12800xf32, #tpu.memory_space<vmem>>, vector<16xf32>,
      %scan3A_632 = arith.constant 0 : i32
      %scan3A_633 = arith.constant 128 : i32
      %scan3A_634 = arith.addi %scan3A_632, %scan3A_633 : i32
      %scan3A_635 = arith.constant 4 : i32
      scf.for %scan3A_705 = %scan3A_632 to %scan3A_634 step %scan3A_635  : i32 {
        %mul3A_706 = arith.constant 1 : i32
        %mul3A_707 = arith.muli %scan3A_705, %mul3A_706 : i32
        %add3A_708 = arith.constant 0 : i32
        %add3A_709 = arith.addi %add3A_708, %mul3A_707 : i32
        %add3A_710 = arith.constant 256 : i32
        %add3A_711 = arith.addi %add3A_710, %add3A_709 : i32
        %broadcast_in_dim3A = vector.broadcast %add3A_709 : i32 to vector<16xi32>
        %get3A_712 = arith.index_cast %add3A_711 : i32 to index
        %get3A_713 = arith.constant 0 : index
        %get3A_714 = tpu.vector_load %arg8[%get3A_712, %get3A_713] {strides = array<i32>} : memref<512x64xf32, #tpu.memory_space<vmem>>, vector<16xf32>,
        %add3A_715 = arith.addf %get3A_714, %get3A_619 : vector<16xf32>
        tpu.vector_store_idx %arg9[%select_n3A, %select_n3A_151, %broadcast_in_dim3A], %add3A_715 : memref<8x8x129xf32, #tpu.memory_space<vmem>>[vector<16xi32>, vector<16xi32>, vector<16xi32>], vector<16xf32>,
        %get3A_716 = arith.index_cast %add3A_711 : i32 to index
        %get3A_717 = arith.constant 16 : index
        %get3A_718 = tpu.vector_load %arg8[%get3A_716, %get3A_717] {strides = array<i32>} : memref<512x64xf32, #tpu.memory_space<vmem>>, vector<16xf32>,
        %add3A_719 = arith.addf %get3A_718, %get3A_623 : vector<16xf32>
        tpu.vector_store_idx %arg9[%select_n3A_60, %select_n3A_176, %broadcast_in_dim3A], %add3A_719 : memref<8x8x129xf32, #tpu.memory_space<vmem>>[vector<16xi32>, vector<16xi32>, vector<16xi32>], vector<16xf32>,
        %get3A_720 = arith.index_cast %add3A_711 : i32 to index
        %get3A_721 = arith.constant 32 : index
        %get3A_722 = tpu.vector_load %arg8[%get3A_720, %get3A_721] {strides = array<i32>} : memref<512x64xf32, #tpu.memory_space<vmem>>, vector<16xf32>,
        %add3A_723 = arith.addf %get3A_722, %get3A_627 : vector<16xf32>
        tpu.vector_store_idx %arg9[%select_n3A_94, %select_n3A_201, %broadcast_in_dim3A], %add3A_723 : memref<8x8x129xf32, #tpu.memory_space<vmem>>[vector<16xi32>, vector<16xi32>, vector<16xi32>], vector<16xf32>,
        %get3A_724 = arith.index_cast %add3A_711 : i32 to index
        %get3A_725 = arith.constant 48 : index
        %get3A_726 = tpu.vector_load %arg8[%get3A_724, %get3A_725] {strides = array<i32>} : memref<512x64xf32, #tpu.memory_space<vmem>>, vector<16xf32>,
        %add3A_727 = arith.addf %get3A_726, %get3A_631 : vector<16xf32>
        tpu.vector_store_idx %arg9[%select_n3A_128, %select_n3A_226, %broadcast_in_dim3A], %add3A_727 : memref<8x8x129xf32, #tpu.memory_space<vmem>>[vector<16xi32>, vector<16xi32>, vector<16xi32>], vector<16xf32>,
        %scan3A_728 = arith.constant 1 : i32
        %scan3A_729 = arith.addi %scan3A_705, %scan3A_728 : i32
        %mul3A_730 = arith.constant 1 : i32
        %mul3A_731 = arith.muli %scan3A_729, %mul3A_730 : i32
        %add3A_732 = arith.constant 0 : i32
        %add3A_733 = arith.addi %add3A_732, %mul3A_731 : i32
        %add3A_734 = arith.constant 256 : i32
        %add3A_735 = arith.addi %add3A_734, %add3A_733 : i32
        %broadcast_in_dim3A_736 = vector.broadcast %add3A_733 : i32 to vector<16xi32>
        %get3A_737 = arith.index_cast %add3A_735 : i32 to index
        %get3A_738 = arith.constant 0 : index
        %get3A_739 = tpu.vector_load %arg8[%get3A_737, %get3A_738] {strides = array<i32>} : memref<512x64xf32, #tpu.memory_space<vmem>>, vector<16xf32>,
        %add3A_740 = arith.addf %get3A_739, %get3A_619 : vector<16xf32>
        tpu.vector_store_idx %arg9[%select_n3A, %select_n3A_151, %broadcast_in_dim3A_736], %add3A_740 : memref<8x8x129xf32, #tpu.memory_space<vmem>>[vector<16xi32>, vector<16xi32>, vector<16xi32>], vector<16xf32>,
        %get3A_741 = arith.index_cast %add3A_735 : i32 to index
        %get3A_742 = arith.constant 16 : index
        %get3A_743 = tpu.vector_load %arg8[%get3A_741, %get3A_742] {strides = array<i32>} : memref<512x64xf32, #tpu.memory_space<vmem>>, vector<16xf32>,
        %add3A_744 = arith.addf %get3A_743, %get3A_623 : vector<16xf32>
        tpu.vector_store_idx %arg9[%select_n3A_60, %select_n3A_176, %broadcast_in_dim3A_736], %add3A_744 : memref<8x8x129xf32, #tpu.memory_space<vmem>>[vector<16xi32>, vector<16xi32>, vector<16xi32>], vector<16xf32>,
        %get3A_745 = arith.index_cast %add3A_735 : i32 to index
        %get3A_746 = arith.constant 32 : index
        %get3A_747 = tpu.vector_load %arg8[%get3A_745, %get3A_746] {strides = array<i32>} : memref<512x64xf32, #tpu.memory_space<vmem>>, vector<16xf32>,
        %add3A_748 = arith.addf %get3A_747, %get3A_627 : vector<16xf32>
        tpu.vector_store_idx %arg9[%select_n3A_94, %select_n3A_201, %broadcast_in_dim3A_736], %add3A_748 : memref<8x8x129xf32, #tpu.memory_space<vmem>>[vector<16xi32>, vector<16xi32>, vector<16xi32>], vector<16xf32>,
        %get3A_749 = arith.index_cast %add3A_735 : i32 to index
        %get3A_750 = arith.constant 48 : index
        %get3A_751 = tpu.vector_load %arg8[%get3A_749, %get3A_750] {strides = array<i32>} : memref<512x64xf32, #tpu.memory_space<vmem>>, vector<16xf32>,
        %add3A_752 = arith.addf %get3A_751, %get3A_631 : vector<16xf32>
        tpu.vector_store_idx %arg9[%select_n3A_128, %select_n3A_226, %broadcast_in_dim3A_736], %add3A_752 : memref<8x8x129xf32, #tpu.memory_space<vmem>>[vector<16xi32>, vector<16xi32>, vector<16xi32>], vector<16xf32>,
        %scan3A_753 = arith.constant 2 : i32
        %scan3A_754 = arith.addi %scan3A_705, %scan3A_753 : i32
        %mul3A_755 = arith.constant 1 : i32
        %mul3A_756 = arith.muli %scan3A_754, %mul3A_755 : i32
        %add3A_757 = arith.constant 0 : i32
        %add3A_758 = arith.addi %add3A_757, %mul3A_756 : i32
        %add3A_759 = arith.constant 256 : i32
        %add3A_760 = arith.addi %add3A_759, %add3A_758 : i32
        %broadcast_in_dim3A_761 = vector.broadcast %add3A_758 : i32 to vector<16xi32>
        %get3A_762 = arith.index_cast %add3A_760 : i32 to index
        %get3A_763 = arith.constant 0 : index
        %get3A_764 = tpu.vector_load %arg8[%get3A_762, %get3A_763] {strides = array<i32>} : memref<512x64xf32, #tpu.memory_space<vmem>>, vector<16xf32>,
        %add3A_765 = arith.addf %get3A_764, %get3A_619 : vector<16xf32>
        tpu.vector_store_idx %arg9[%select_n3A, %select_n3A_151, %broadcast_in_dim3A_761], %add3A_765 : memref<8x8x129xf32, #tpu.memory_space<vmem>>[vector<16xi32>, vector<16xi32>, vector<16xi32>], vector<16xf32>,
        %get3A_766 = arith.index_cast %add3A_760 : i32 to index
        %get3A_767 = arith.constant 16 : index
        %get3A_768 = tpu.vector_load %arg8[%get3A_766, %get3A_767] {strides = array<i32>} : memref<512x64xf32, #tpu.memory_space<vmem>>, vector<16xf32>,
        %add3A_769 = arith.addf %get3A_768, %get3A_623 : vector<16xf32>
        tpu.vector_store_idx %arg9[%select_n3A_60, %select_n3A_176, %broadcast_in_dim3A_761], %add3A_769 : memref<8x8x129xf32, #tpu.memory_space<vmem>>[vector<16xi32>, vector<16xi32>, vector<16xi32>], vector<16xf32>,
        %get3A_770 = arith.index_cast %add3A_760 : i32 to index
        %get3A_771 = arith.constant 32 : index
        %get3A_772 = tpu.vector_load %arg8[%get3A_770, %get3A_771] {strides = array<i32>} : memref<512x64xf32, #tpu.memory_space<vmem>>, vector<16xf32>,
        %add3A_773 = arith.addf %get3A_772, %get3A_627 : vector<16xf32>
        tpu.vector_store_idx %arg9[%select_n3A_94, %select_n3A_201, %broadcast_in_dim3A_761], %add3A_773 : memref<8x8x129xf32, #tpu.memory_space<vmem>>[vector<16xi32>, vector<16xi32>, vector<16xi32>], vector<16xf32>,
        %get3A_774 = arith.index_cast %add3A_760 : i32 to index
        %get3A_775 = arith.constant 48 : index
        %get3A_776 = tpu.vector_load %arg8[%get3A_774, %get3A_775] {strides = array<i32>} : memref<512x64xf32, #tpu.memory_space<vmem>>, vector<16xf32>,
        %add3A_777 = arith.addf %get3A_776, %get3A_631 : vector<16xf32>
        tpu.vector_store_idx %arg9[%select_n3A_128, %select_n3A_226, %broadcast_in_dim3A_761], %add3A_777 : memref<8x8x129xf32, #tpu.memory_space<vmem>>[vector<16xi32>, vector<16xi32>, vector<16xi32>], vector<16xf32>,
        %scan3A_778 = arith.constant 3 : i32
        %scan3A_779 = arith.addi %scan3A_705, %scan3A_778 : i32
        %mul3A_780 = arith.constant 1 : i32
        %mul3A_781 = arith.muli %scan3A_779, %mul3A_780 : i32
        %add3A_782 = arith.constant 0 : i32
        %add3A_783 = arith.addi %add3A_782, %mul3A_781 : i32
        %add3A_784 = arith.constant 256 : i32
        %add3A_785 = arith.addi %add3A_784, %add3A_783 : i32
        %broadcast_in_dim3A_786 = vector.broadcast %add3A_783 : i32 to vector<16xi32>
        %get3A_787 = arith.index_cast %add3A_785 : i32 to index
        %get3A_788 = arith.constant 0 : index
        %get3A_789 = tpu.vector_load %arg8[%get3A_787, %get3A_788] {strides = array<i32>} : memref<512x64xf32, #tpu.memory_space<vmem>>, vector<16xf32>,
        %add3A_790 = arith.addf %get3A_789, %get3A_619 : vector<16xf32>
        tpu.vector_store_idx %arg9[%select_n3A, %select_n3A_151, %broadcast_in_dim3A_786], %add3A_790 : memref<8x8x129xf32, #tpu.memory_space<vmem>>[vector<16xi32>, vector<16xi32>, vector<16xi32>], vector<16xf32>,
        %get3A_791 = arith.index_cast %add3A_785 : i32 to index
        %get3A_792 = arith.constant 16 : index
        %get3A_793 = tpu.vector_load %arg8[%get3A_791, %get3A_792] {strides = array<i32>} : memref<512x64xf32, #tpu.memory_space<vmem>>, vector<16xf32>,
        %add3A_794 = arith.addf %get3A_793, %get3A_623 : vector<16xf32>
        tpu.vector_store_idx %arg9[%select_n3A_60, %select_n3A_176, %broadcast_in_dim3A_786], %add3A_794 : memref<8x8x129xf32, #tpu.memory_space<vmem>>[vector<16xi32>, vector<16xi32>, vector<16xi32>], vector<16xf32>,
        %get3A_795 = arith.index_cast %add3A_785 : i32 to index
        %get3A_796 = arith.constant 32 : index
        %get3A_797 = tpu.vector_load %arg8[%get3A_795, %get3A_796] {strides = array<i32>} : memref<512x64xf32, #tpu.memory_space<vmem>>, vector<16xf32>,
        %add3A_798 = arith.addf %get3A_797, %get3A_627 : vector<16xf32>
        tpu.vector_store_idx %arg9[%select_n3A_94, %select_n3A_201, %broadcast_in_dim3A_786], %add3A_798 : memref<8x8x129xf32, #tpu.memory_space<vmem>>[vector<16xi32>, vector<16xi32>, vector<16xi32>], vector<16xf32>,
        %get3A_799 = arith.index_cast %add3A_785 : i32 to index
        %get3A_800 = arith.constant 48 : index
        %get3A_801 = tpu.vector_load %arg8[%get3A_799, %get3A_800] {strides = array<i32>} : memref<512x64xf32, #tpu.memory_space<vmem>>, vector<16xf32>,
        %add3A_802 = arith.addf %get3A_801, %get3A_631 : vector<16xf32>
        tpu.vector_store_idx %arg9[%select_n3A_128, %select_n3A_226, %broadcast_in_dim3A_786], %add3A_802 : memref<8x8x129xf32, #tpu.memory_space<vmem>>[vector<16xi32>, vector<16xi32>, vector<16xi32>], vector<16xf32>,
      }
      %scan3A_636 = arith.constant 128 : i32
      %dma_start3A_637 = arith.constant 0 : i32
      %dma_start3A_638 = arith.constant 0 : i32
      %dma_start3A_639 = arith.constant 0 : i32
      %dma_start3A_640 = tpu.memref_slice %arg9[%dma_start3A_637, %dma_start3A_638, %dma_start3A_639] : memref<8x8x129xf32, #tpu.memory_space<vmem>> -> memref<8x8x128xf32, #tpu.memory_space<vmem>>
      %dma_start3A_641 = arith.constant 0 : i32
      %dma_start3A_642 = arith.constant 0 : i32
      %dma_start3A_643 = arith.constant 0 : i32
      %dma_start3A_644 = tpu.memref_slice %arg5[%add3A_608, %dma_start3A_641, %add3A, %dma_start3A_642, %dma_start3A_643] : memref<200x8x32x8x128xf32, #tpu.memory_space<hbm>> -> memref<1x8x1x8x128xf32, #tpu.memory_space<hbm>>
      %dma_start3A_645 = tpu.memref_squeeze %dma_start3A_644 : memref<1x8x1x8x128xf32, #tpu.memory_space<hbm>> -> memref<8x8x128xf32, #tpu.memory_space<hbm>>
      %dma_start3A_646 = arith.constant 0 : i32
      %dma_start3A_647 = arith.constant 0 : i32
      %dma_start3A_648 = arith.constant 0 : i32
      %dma_start3A_649 = tpu.memref_slice %arg5[%add3A_608, %dma_start3A_646, %add3A, %dma_start3A_647, %dma_start3A_648] : memref<200x8x32x8x128xf32, #tpu.memory_space<hbm>> -> memref<1x8x1x8x128xf32, #tpu.memory_space<hbm>>
      %dma_start3A_650 = tpu.memref_squeeze %dma_start3A_649 : memref<1x8x1x8x128xf32, #tpu.memory_space<hbm>> -> memref<8x8x128xf32, #tpu.memory_space<hbm>>
      %dma_start3A_651 = arith.constant 0 : i32
      %dma_start3A_652 = arith.constant 0 : i32
      %dma_start3A_653 = arith.constant 0 : i32
      %dma_start3A_654 = tpu.memref_slice %arg9[%dma_start3A_651, %dma_start3A_652, %dma_start3A_653] : memref<8x8x129xf32, #tpu.memory_space<vmem>> -> memref<8x8x128xf32, #tpu.memory_space<vmem>>
      tpu.enqueue_dma source(%dma_start3A_654 : memref<8x8x128xf32, #tpu.memory_space<vmem>>) target(%dma_start3A_650 : memref<8x8x128xf32, #tpu.memory_space<hbm>>) target_semaphore(%arg14 : memref<!tpu.dma_semaphore, #tpu.memory_space<semaphore_mem>>)
      %mul3A_655 = arith.constant 4 : i32
      %mul3A_656 = arith.muli %add3A_490, %mul3A_655 : i32
      %add3A_657 = arith.constant 3 : i32
      %add3A_658 = arith.addi %mul3A_656, %add3A_657 : i32
      %mul3A_659 = arith.constant 64 : i32
      %mul3A_660 = arith.muli %add3A_658, %mul3A_659 : i32
      %ge3A_661 = arith.constant 2 : i32
      %ge3A_662 = arith.cmpi sge, %add3A_658, %ge3A_661 : i32
      %convert_element_type3A_663 = arith.extui %ge3A_662 : i1 to i32
      %cond3A_664 = arith.constant 0 : i32
      %cond3A_665 = arith.cmpi ne, %convert_element_type3A_663, %cond3A_664 : i32
      scf.if %cond3A_665 {
        %dma_wait3A_705 = arith.constant 0 : i32
        %dma_wait3A_706 = arith.constant 0 : i32
        %dma_wait3A_707 = arith.constant 0 : i32
        %dma_wait3A_708 = arith.constant 0 : i32
        %dma_wait3A_709 = tpu.memref_slice %arg10[%dma_wait3A_706, %dma_wait3A_707, %dma_wait3A_708] : memref<8x8x129xf32, #tpu.memory_space<vmem>> -> memref<8x8x128xf32, #tpu.memory_space<vmem>>
        %dma_wait3A_710 = arith.constant 0 : i32
        %dma_wait3A_711 = arith.constant 0 : i32
        %dma_wait3A_712 = arith.constant 0 : i32
        %dma_wait3A_713 = tpu.memref_slice %arg5[%dma_wait3A_705, %dma_wait3A_710, %add3A, %dma_wait3A_711, %dma_wait3A_712] : memref<200x8x32x8x128xf32, #tpu.memory_space<hbm>> -> memref<1x8x1x8x128xf32, #tpu.memory_space<hbm>>
        %dma_wait3A_714 = tpu.memref_squeeze %dma_wait3A_713 : memref<1x8x1x8x128xf32, #tpu.memory_space<hbm>> -> memref<8x8x128xf32, #tpu.memory_space<hbm>>
        %dma_wait3A_715 = arith.constant 0 : i32
        %dma_wait3A_716 = arith.constant 0 : i32
        %dma_wait3A_717 = arith.constant 0 : i32
        %dma_wait3A_718 = tpu.memref_slice %arg5[%dma_wait3A_705, %dma_wait3A_715, %add3A, %dma_wait3A_716, %dma_wait3A_717] : memref<200x8x32x8x128xf32, #tpu.memory_space<hbm>> -> memref<1x8x1x8x128xf32, #tpu.memory_space<hbm>>
        %dma_wait3A_719 = tpu.memref_squeeze %dma_wait3A_718 : memref<1x8x1x8x128xf32, #tpu.memory_space<hbm>> -> memref<8x8x128xf32, #tpu.memory_space<hbm>>
        %dma_wait3A_720 = arith.constant 0 : i32
        %dma_wait3A_721 = arith.constant 0 : i32
        %dma_wait3A_722 = arith.constant 0 : i32
        %dma_wait3A_723 = tpu.memref_slice %arg10[%dma_wait3A_720, %dma_wait3A_721, %dma_wait3A_722] : memref<8x8x129xf32, #tpu.memory_space<vmem>> -> memref<8x8x128xf32, #tpu.memory_space<vmem>>
        tpu.wait_dma2 semaphore(%arg15 : memref<!tpu.dma_semaphore, #tpu.memory_space<semaphore_mem>>) src(%dma_wait3A_723 : memref<8x8x128xf32, #tpu.memory_space<vmem>>) dst(%dma_wait3A_719 : memref<8x8x128xf32, #tpu.memory_space<hbm>>)
      } else {
      }
      %add3A_666 = arith.constant 0 : i32
      %add3A_667 = arith.addi %mul3A_660, %add3A_666 : i32
      %get3A_668 = arith.index_cast %add3A_667 : i32 to index
      %get3A_669 = tpu.vector_load %arg11[%get3A_668] {strides = array<i32>} : memref<12800xf32, #tpu.memory_space<vmem>>, vector<16xf32>,
      %add3A_670 = arith.constant 16 : i32
      %add3A_671 = arith.addi %mul3A_660, %add3A_670 : i32
      %get3A_672 = arith.index_cast %add3A_671 : i32 to index
      %get3A_673 = tpu.vector_load %arg11[%get3A_672] {strides = array<i32>} : memref<12800xf32, #tpu.memory_space<vmem>>, vector<16xf32>,
      %add3A_674 = arith.constant 32 : i32
      %add3A_675 = arith.addi %mul3A_660, %add3A_674 : i32
      %get3A_676 = arith.index_cast %add3A_675 : i32 to index
      %get3A_677 = tpu.vector_load %arg11[%get3A_676] {strides = array<i32>} : memref<12800xf32, #tpu.memory_space<vmem>>, vector<16xf32>,
      %add3A_678 = arith.constant 48 : i32
      %add3A_679 = arith.addi %mul3A_660, %add3A_678 : i32
      %get3A_680 = arith.index_cast %add3A_679 : i32 to index
      %get3A_681 = tpu.vector_load %arg11[%get3A_680] {strides = array<i32>} : memref<12800xf32, #tpu.memory_space<vmem>>, vector<16xf32>,
      %scan3A_682 = arith.constant 0 : i32
      %scan3A_683 = arith.constant 128 : i32
      %scan3A_684 = arith.addi %scan3A_682, %scan3A_683 : i32
      %scan3A_685 = arith.constant 4 : i32
      scf.for %scan3A_705 = %scan3A_682 to %scan3A_684 step %scan3A_685  : i32 {
        %mul3A_706 = arith.constant 1 : i32
        %mul3A_707 = arith.muli %scan3A_705, %mul3A_706 : i32
        %add3A_708 = arith.constant 0 : i32
        %add3A_709 = arith.addi %add3A_708, %mul3A_707 : i32
        %add3A_710 = arith.constant 384 : i32
        %add3A_711 = arith.addi %add3A_710, %add3A_709 : i32
        %broadcast_in_dim3A = vector.broadcast %add3A_709 : i32 to vector<16xi32>
        %get3A_712 = arith.index_cast %add3A_711 : i32 to index
        %get3A_713 = arith.constant 0 : index
        %get3A_714 = tpu.vector_load %arg8[%get3A_712, %get3A_713] {strides = array<i32>} : memref<512x64xf32, #tpu.memory_space<vmem>>, vector<16xf32>,
        %add3A_715 = arith.addf %get3A_714, %get3A_669 : vector<16xf32>
        tpu.vector_store_idx %arg10[%select_n3A, %select_n3A_151, %broadcast_in_dim3A], %add3A_715 : memref<8x8x129xf32, #tpu.memory_space<vmem>>[vector<16xi32>, vector<16xi32>, vector<16xi32>], vector<16xf32>,
        %get3A_716 = arith.index_cast %add3A_711 : i32 to index
        %get3A_717 = arith.constant 16 : index
        %get3A_718 = tpu.vector_load %arg8[%get3A_716, %get3A_717] {strides = array<i32>} : memref<512x64xf32, #tpu.memory_space<vmem>>, vector<16xf32>,
        %add3A_719 = arith.addf %get3A_718, %get3A_673 : vector<16xf32>
        tpu.vector_store_idx %arg10[%select_n3A_60, %select_n3A_176, %broadcast_in_dim3A], %add3A_719 : memref<8x8x129xf32, #tpu.memory_space<vmem>>[vector<16xi32>, vector<16xi32>, vector<16xi32>], vector<16xf32>,
        %get3A_720 = arith.index_cast %add3A_711 : i32 to index
        %get3A_721 = arith.constant 32 : index
        %get3A_722 = tpu.vector_load %arg8[%get3A_720, %get3A_721] {strides = array<i32>} : memref<512x64xf32, #tpu.memory_space<vmem>>, vector<16xf32>,
        %add3A_723 = arith.addf %get3A_722, %get3A_677 : vector<16xf32>
        tpu.vector_store_idx %arg10[%select_n3A_94, %select_n3A_201, %broadcast_in_dim3A], %add3A_723 : memref<8x8x129xf32, #tpu.memory_space<vmem>>[vector<16xi32>, vector<16xi32>, vector<16xi32>], vector<16xf32>,
        %get3A_724 = arith.index_cast %add3A_711 : i32 to index
        %get3A_725 = arith.constant 48 : index
        %get3A_726 = tpu.vector_load %arg8[%get3A_724, %get3A_725] {strides = array<i32>} : memref<512x64xf32, #tpu.memory_space<vmem>>, vector<16xf32>,
        %add3A_727 = arith.addf %get3A_726, %get3A_681 : vector<16xf32>
        tpu.vector_store_idx %arg10[%select_n3A_128, %select_n3A_226, %broadcast_in_dim3A], %add3A_727 : memref<8x8x129xf32, #tpu.memory_space<vmem>>[vector<16xi32>, vector<16xi32>, vector<16xi32>], vector<16xf32>,
        %scan3A_728 = arith.constant 1 : i32
        %scan3A_729 = arith.addi %scan3A_705, %scan3A_728 : i32
        %mul3A_730 = arith.constant 1 : i32
        %mul3A_731 = arith.muli %scan3A_729, %mul3A_730 : i32
        %add3A_732 = arith.constant 0 : i32
        %add3A_733 = arith.addi %add3A_732, %mul3A_731 : i32
        %add3A_734 = arith.constant 384 : i32
        %add3A_735 = arith.addi %add3A_734, %add3A_733 : i32
        %broadcast_in_dim3A_736 = vector.broadcast %add3A_733 : i32 to vector<16xi32>
        %get3A_737 = arith.index_cast %add3A_735 : i32 to index
        %get3A_738 = arith.constant 0 : index
        %get3A_739 = tpu.vector_load %arg8[%get3A_737, %get3A_738] {strides = array<i32>} : memref<512x64xf32, #tpu.memory_space<vmem>>, vector<16xf32>,
        %add3A_740 = arith.addf %get3A_739, %get3A_669 : vector<16xf32>
        tpu.vector_store_idx %arg10[%select_n3A, %select_n3A_151, %broadcast_in_dim3A_736], %add3A_740 : memref<8x8x129xf32, #tpu.memory_space<vmem>>[vector<16xi32>, vector<16xi32>, vector<16xi32>], vector<16xf32>,
        %get3A_741 = arith.index_cast %add3A_735 : i32 to index
        %get3A_742 = arith.constant 16 : index
        %get3A_743 = tpu.vector_load %arg8[%get3A_741, %get3A_742] {strides = array<i32>} : memref<512x64xf32, #tpu.memory_space<vmem>>, vector<16xf32>,
        %add3A_744 = arith.addf %get3A_743, %get3A_673 : vector<16xf32>
        tpu.vector_store_idx %arg10[%select_n3A_60, %select_n3A_176, %broadcast_in_dim3A_736], %add3A_744 : memref<8x8x129xf32, #tpu.memory_space<vmem>>[vector<16xi32>, vector<16xi32>, vector<16xi32>], vector<16xf32>,
        %get3A_745 = arith.index_cast %add3A_735 : i32 to index
        %get3A_746 = arith.constant 32 : index
        %get3A_747 = tpu.vector_load %arg8[%get3A_745, %get3A_746] {strides = array<i32>} : memref<512x64xf32, #tpu.memory_space<vmem>>, vector<16xf32>,
        %add3A_748 = arith.addf %get3A_747, %get3A_677 : vector<16xf32>
        tpu.vector_store_idx %arg10[%select_n3A_94, %select_n3A_201, %broadcast_in_dim3A_736], %add3A_748 : memref<8x8x129xf32, #tpu.memory_space<vmem>>[vector<16xi32>, vector<16xi32>, vector<16xi32>], vector<16xf32>,
        %get3A_749 = arith.index_cast %add3A_735 : i32 to index
        %get3A_750 = arith.constant 48 : index
        %get3A_751 = tpu.vector_load %arg8[%get3A_749, %get3A_750] {strides = array<i32>} : memref<512x64xf32, #tpu.memory_space<vmem>>, vector<16xf32>,
        %add3A_752 = arith.addf %get3A_751, %get3A_681 : vector<16xf32>
        tpu.vector_store_idx %arg10[%select_n3A_128, %select_n3A_226, %broadcast_in_dim3A_736], %add3A_752 : memref<8x8x129xf32, #tpu.memory_space<vmem>>[vector<16xi32>, vector<16xi32>, vector<16xi32>], vector<16xf32>,
        %scan3A_753 = arith.constant 2 : i32
        %scan3A_754 = arith.addi %scan3A_705, %scan3A_753 : i32
        %mul3A_755 = arith.constant 1 : i32
        %mul3A_756 = arith.muli %scan3A_754, %mul3A_755 : i32
        %add3A_757 = arith.constant 0 : i32
        %add3A_758 = arith.addi %add3A_757, %mul3A_756 : i32
        %add3A_759 = arith.constant 384 : i32
        %add3A_760 = arith.addi %add3A_759, %add3A_758 : i32
        %broadcast_in_dim3A_761 = vector.broadcast %add3A_758 : i32 to vector<16xi32>
        %get3A_762 = arith.index_cast %add3A_760 : i32 to index
        %get3A_763 = arith.constant 0 : index
        %get3A_764 = tpu.vector_load %arg8[%get3A_762, %get3A_763] {strides = array<i32>} : memref<512x64xf32, #tpu.memory_space<vmem>>, vector<16xf32>,
        %add3A_765 = arith.addf %get3A_764, %get3A_669 : vector<16xf32>
        tpu.vector_store_idx %arg10[%select_n3A, %select_n3A_151, %broadcast_in_dim3A_761], %add3A_765 : memref<8x8x129xf32, #tpu.memory_space<vmem>>[vector<16xi32>, vector<16xi32>, vector<16xi32>], vector<16xf32>,
        %get3A_766 = arith.index_cast %add3A_760 : i32 to index
        %get3A_767 = arith.constant 16 : index
        %get3A_768 = tpu.vector_load %arg8[%get3A_766, %get3A_767] {strides = array<i32>} : memref<512x64xf32, #tpu.memory_space<vmem>>, vector<16xf32>,
        %add3A_769 = arith.addf %get3A_768, %get3A_673 : vector<16xf32>
        tpu.vector_store_idx %arg10[%select_n3A_60, %select_n3A_176, %broadcast_in_dim3A_761], %add3A_769 : memref<8x8x129xf32, #tpu.memory_space<vmem>>[vector<16xi32>, vector<16xi32>, vector<16xi32>], vector<16xf32>,
        %get3A_770 = arith.index_cast %add3A_760 : i32 to index
        %get3A_771 = arith.constant 32 : index
        %get3A_772 = tpu.vector_load %arg8[%get3A_770, %get3A_771] {strides = array<i32>} : memref<512x64xf32, #tpu.memory_space<vmem>>, vector<16xf32>,
        %add3A_773 = arith.addf %get3A_772, %get3A_677 : vector<16xf32>
        tpu.vector_store_idx %arg10[%select_n3A_94, %select_n3A_201, %broadcast_in_dim3A_761], %add3A_773 : memref<8x8x129xf32, #tpu.memory_space<vmem>>[vector<16xi32>, vector<16xi32>, vector<16xi32>], vector<16xf32>,
        %get3A_774 = arith.index_cast %add3A_760 : i32 to index
        %get3A_775 = arith.constant 48 : index
        %get3A_776 = tpu.vector_load %arg8[%get3A_774, %get3A_775] {strides = array<i32>} : memref<512x64xf32, #tpu.memory_space<vmem>>, vector<16xf32>,
        %add3A_777 = arith.addf %get3A_776, %get3A_681 : vector<16xf32>
        tpu.vector_store_idx %arg10[%select_n3A_128, %select_n3A_226, %broadcast_in_dim3A_761], %add3A_777 : memref<8x8x129xf32, #tpu.memory_space<vmem>>[vector<16xi32>, vector<16xi32>, vector<16xi32>], vector<16xf32>,
        %scan3A_778 = arith.constant 3 : i32
        %scan3A_779 = arith.addi %scan3A_705, %scan3A_778 : i32
        %mul3A_780 = arith.constant 1 : i32
        %mul3A_781 = arith.muli %scan3A_779, %mul3A_780 : i32
        %add3A_782 = arith.constant 0 : i32
        %add3A_783 = arith.addi %add3A_782, %mul3A_781 : i32
        %add3A_784 = arith.constant 384 : i32
        %add3A_785 = arith.addi %add3A_784, %add3A_783 : i32
        %broadcast_in_dim3A_786 = vector.broadcast %add3A_783 : i32 to vector<16xi32>
        %get3A_787 = arith.index_cast %add3A_785 : i32 to index
        %get3A_788 = arith.constant 0 : index
        %get3A_789 = tpu.vector_load %arg8[%get3A_787, %get3A_788] {strides = array<i32>} : memref<512x64xf32, #tpu.memory_space<vmem>>, vector<16xf32>,
        %add3A_790 = arith.addf %get3A_789, %get3A_669 : vector<16xf32>
        tpu.vector_store_idx %arg10[%select_n3A, %select_n3A_151, %broadcast_in_dim3A_786], %add3A_790 : memref<8x8x129xf32, #tpu.memory_space<vmem>>[vector<16xi32>, vector<16xi32>, vector<16xi32>], vector<16xf32>,
        %get3A_791 = arith.index_cast %add3A_785 : i32 to index
        %get3A_792 = arith.constant 16 : index
        %get3A_793 = tpu.vector_load %arg8[%get3A_791, %get3A_792] {strides = array<i32>} : memref<512x64xf32, #tpu.memory_space<vmem>>, vector<16xf32>,
        %add3A_794 = arith.addf %get3A_793, %get3A_673 : vector<16xf32>
        tpu.vector_store_idx %arg10[%select_n3A_60, %select_n3A_176, %broadcast_in_dim3A_786], %add3A_794 : memref<8x8x129xf32, #tpu.memory_space<vmem>>[vector<16xi32>, vector<16xi32>, vector<16xi32>], vector<16xf32>,
        %get3A_795 = arith.index_cast %add3A_785 : i32 to index
        %get3A_796 = arith.constant 32 : index
        %get3A_797 = tpu.vector_load %arg8[%get3A_795, %get3A_796] {strides = array<i32>} : memref<512x64xf32, #tpu.memory_space<vmem>>, vector<16xf32>,
        %add3A_798 = arith.addf %get3A_797, %get3A_677 : vector<16xf32>
        tpu.vector_store_idx %arg10[%select_n3A_94, %select_n3A_201, %broadcast_in_dim3A_786], %add3A_798 : memref<8x8x129xf32, #tpu.memory_space<vmem>>[vector<16xi32>, vector<16xi32>, vector<16xi32>], vector<16xf32>,
        %get3A_799 = arith.index_cast %add3A_785 : i32 to index
        %get3A_800 = arith.constant 48 : index
        %get3A_801 = tpu.vector_load %arg8[%get3A_799, %get3A_800] {strides = array<i32>} : memref<512x64xf32, #tpu.memory_space<vmem>>, vector<16xf32>,
        %add3A_802 = arith.addf %get3A_801, %get3A_681 : vector<16xf32>
        tpu.vector_store_idx %arg10[%select_n3A_128, %select_n3A_226, %broadcast_in_dim3A_786], %add3A_802 : memref<8x8x129xf32, #tpu.memory_space<vmem>>[vector<16xi32>, vector<16xi32>, vector<16xi32>], vector<16xf32>,
      }
      %scan3A_686 = arith.constant 128 : i32
      %dma_start3A_687 = arith.constant 0 : i32
      %dma_start3A_688 = arith.constant 0 : i32
      %dma_start3A_689 = arith.constant 0 : i32
      %dma_start3A_690 = tpu.memref_slice %arg10[%dma_start3A_687, %dma_start3A_688, %dma_start3A_689] : memref<8x8x129xf32, #tpu.memory_space<vmem>> -> memref<8x8x128xf32, #tpu.memory_space<vmem>>
      %dma_start3A_691 = arith.constant 0 : i32
      %dma_start3A_692 = arith.constant 0 : i32
      %dma_start3A_693 = arith.constant 0 : i32
      %dma_start3A_694 = tpu.memref_slice %arg5[%add3A_658, %dma_start3A_691, %add3A, %dma_start3A_692, %dma_start3A_693] : memref<200x8x32x8x128xf32, #tpu.memory_space<hbm>> -> memref<1x8x1x8x128xf32, #tpu.memory_space<hbm>>
      %dma_start3A_695 = tpu.memref_squeeze %dma_start3A_694 : memref<1x8x1x8x128xf32, #tpu.memory_space<hbm>> -> memref<8x8x128xf32, #tpu.memory_space<hbm>>
      %dma_start3A_696 = arith.constant 0 : i32
      %dma_start3A_697 = arith.constant 0 : i32
      %dma_start3A_698 = arith.constant 0 : i32
      %dma_start3A_699 = tpu.memref_slice %arg5[%add3A_658, %dma_start3A_696, %add3A, %dma_start3A_697, %dma_start3A_698] : memref<200x8x32x8x128xf32, #tpu.memory_space<hbm>> -> memref<1x8x1x8x128xf32, #tpu.memory_space<hbm>>
      %dma_start3A_700 = tpu.memref_squeeze %dma_start3A_699 : memref<1x8x1x8x128xf32, #tpu.memory_space<hbm>> -> memref<8x8x128xf32, #tpu.memory_space<hbm>>
      %dma_start3A_701 = arith.constant 0 : i32
      %dma_start3A_702 = arith.constant 0 : i32
      %dma_start3A_703 = arith.constant 0 : i32
      %dma_start3A_704 = tpu.memref_slice %arg10[%dma_start3A_701, %dma_start3A_702, %dma_start3A_703] : memref<8x8x129xf32, #tpu.memory_space<vmem>> -> memref<8x8x128xf32, #tpu.memory_space<vmem>>
      tpu.enqueue_dma source(%dma_start3A_704 : memref<8x8x128xf32, #tpu.memory_space<vmem>>) target(%dma_start3A_700 : memref<8x8x128xf32, #tpu.memory_space<hbm>>) target_semaphore(%arg15 : memref<!tpu.dma_semaphore, #tpu.memory_space<semaphore_mem>>)
    }
    %scan3A_236 = arith.constant 25 : i32
    %dma_wait3A = arith.constant 0 : i32
    %dma_wait3A_237 = arith.constant 0 : i32
    %dma_wait3A_238 = arith.constant 0 : i32
    %dma_wait3A_239 = arith.constant 0 : i32
    %dma_wait3A_240 = tpu.memref_slice %arg9[%dma_wait3A_237, %dma_wait3A_238, %dma_wait3A_239] : memref<8x8x129xf32, #tpu.memory_space<vmem>> -> memref<8x8x128xf32, #tpu.memory_space<vmem>>
    %dma_wait3A_241 = arith.constant 0 : i32
    %dma_wait3A_242 = arith.constant 0 : i32
    %dma_wait3A_243 = arith.constant 0 : i32
    %dma_wait3A_244 = tpu.memref_slice %arg5[%dma_wait3A, %dma_wait3A_241, %add3A, %dma_wait3A_242, %dma_wait3A_243] : memref<200x8x32x8x128xf32, #tpu.memory_space<hbm>> -> memref<1x8x1x8x128xf32, #tpu.memory_space<hbm>>
    %dma_wait3A_245 = tpu.memref_squeeze %dma_wait3A_244 : memref<1x8x1x8x128xf32, #tpu.memory_space<hbm>> -> memref<8x8x128xf32, #tpu.memory_space<hbm>>
    %dma_wait3A_246 = arith.constant 0 : i32
    %dma_wait3A_247 = arith.constant 0 : i32
    %dma_wait3A_248 = arith.constant 0 : i32
    %dma_wait3A_249 = tpu.memref_slice %arg5[%dma_wait3A, %dma_wait3A_246, %add3A, %dma_wait3A_247, %dma_wait3A_248] : memref<200x8x32x8x128xf32, #tpu.memory_space<hbm>> -> memref<1x8x1x8x128xf32, #tpu.memory_space<hbm>>
    %dma_wait3A_250 = tpu.memref_squeeze %dma_wait3A_249 : memref<1x8x1x8x128xf32, #tpu.memory_space<hbm>> -> memref<8x8x128xf32, #tpu.memory_space<hbm>>
    %dma_wait3A_251 = arith.constant 0 : i32
    %dma_wait3A_252 = arith.constant 0 : i32
    %dma_wait3A_253 = arith.constant 0 : i32
    %dma_wait3A_254 = tpu.memref_slice %arg9[%dma_wait3A_251, %dma_wait3A_252, %dma_wait3A_253] : memref<8x8x129xf32, #tpu.memory_space<vmem>> -> memref<8x8x128xf32, #tpu.memory_space<vmem>>
    tpu.wait_dma2 semaphore(%arg14 : memref<!tpu.dma_semaphore, #tpu.memory_space<semaphore_mem>>) src(%dma_wait3A_254 : memref<8x8x128xf32, #tpu.memory_space<vmem>>) dst(%dma_wait3A_250 : memref<8x8x128xf32, #tpu.memory_space<hbm>>)
    %dma_wait3A_255 = arith.constant 0 : i32
    %dma_wait3A_256 = arith.constant 0 : i32
    %dma_wait3A_257 = arith.constant 0 : i32
    %dma_wait3A_258 = arith.constant 0 : i32
    %dma_wait3A_259 = tpu.memref_slice %arg10[%dma_wait3A_256, %dma_wait3A_257, %dma_wait3A_258] : memref<8x8x129xf32, #tpu.memory_space<vmem>> -> memref<8x8x128xf32, #tpu.memory_space<vmem>>
    %dma_wait3A_260 = arith.constant 0 : i32
    %dma_wait3A_261 = arith.constant 0 : i32
    %dma_wait3A_262 = arith.constant 0 : i32
    %dma_wait3A_263 = tpu.memref_slice %arg5[%dma_wait3A_255, %dma_wait3A_260, %add3A, %dma_wait3A_261, %dma_wait3A_262] : memref<200x8x32x8x128xf32, #tpu.memory_space<hbm>> -> memref<1x8x1x8x128xf32, #tpu.memory_space<hbm>>
    %dma_wait3A_264 = tpu.memref_squeeze %dma_wait3A_263 : memref<1x8x1x8x128xf32, #tpu.memory_space<hbm>> -> memref<8x8x128xf32, #tpu.memory_space<hbm>>
    %dma_wait3A_265 = arith.constant 0 : i32
    %dma_wait3A_266 = arith.constant 0 : i32
    %dma_wait3A_267 = arith.constant 0 : i32
    %dma_wait3A_268 = tpu.memref_slice %arg5[%dma_wait3A_255, %dma_wait3A_265, %add3A, %dma_wait3A_266, %dma_wait3A_267] : memref<200x8x32x8x128xf32, #tpu.memory_space<hbm>> -> memref<1x8x1x8x128xf32, #tpu.memory_space<hbm>>
    %dma_wait3A_269 = tpu.memref_squeeze %dma_wait3A_268 : memref<1x8x1x8x128xf32, #tpu.memory_space<hbm>> -> memref<8x8x128xf32, #tpu.memory_space<hbm>>
    %dma_wait3A_270 = arith.constant 0 : i32
    %dma_wait3A_271 = arith.constant 0 : i32
    %dma_wait3A_272 = arith.constant 0 : i32
    %dma_wait3A_273 = tpu.memref_slice %arg10[%dma_wait3A_270, %dma_wait3A_271, %dma_wait3A_272] : memref<8x8x129xf32, #tpu.memory_space<vmem>> -> memref<8x8x128xf32, #tpu.memory_space<vmem>>
    tpu.wait_dma2 semaphore(%arg15 : memref<!tpu.dma_semaphore, #tpu.memory_space<semaphore_mem>>) src(%dma_wait3A_273 : memref<8x8x128xf32, #tpu.memory_space<vmem>>) dst(%dma_wait3A_269 : memref<8x8x128xf32, #tpu.memory_space<hbm>>)
    return
  }
}

</mosaic_0001>

<sc_bundles>
// kernel: _embed.3.cloned.1.call-start
scs
__scs_entry_jumppad:
0x0: {  	(pc) =	sbr.rel $0x88, $3  }
0x1: {  	(tag) =	ssettag $0x0;
	lr =	simm.s32 $0x1  }
0x2: {  	[smem:$0x3F9E] =	sst lr;
	_ =	strace $0xD0000000  }
0x3: {  	_ = 	snop  }
0x4: {  	_ = 	snop  }
0x5: {  	_ = 	snop  }
0x6: {  	_ = 	snop  }
0x7: {  	_ = 	snop  }
__scs_overlays_trampoline_lowered:
0x8: {  	[smem:$0x3FAD] =	sst s0  }
0x9: {  	[smem:$0x3FAE] =	sst s1  }
0xa: {  	[smem:$0x3FAF] =	sst s2  }
0xb: {  	[smem:$0x3FB0] =	sst s3  }
0xc: {  	[smem:$0x3FB1] =	sst s4  }
0xd: {  	[smem:$0x3FB2] =	sst s5  }
0xe: {  	[smem:$0x3FB3] =	sst s6  }
0xf: {  	[smem:$0x3FB4] =	sst s7  }
0x10: {  	[smem:$0x3FB5] =	sst s8  }
0x11: {  	[smem:$0x3FB6] =	sst s9;
	s0 =	simm.s32 @!p0 $0x0  }
0x12: {  	s1 =	sld [smem:$0x3F9C];
	s0 =	simm.s32 @p0 $0x1  }
0x13: {  	[smem:$0x3FB7] =	sst s0;
	s0 =	simm.s32 @!p1 $0x0  }
0x14: {  	s2 =	sld [smem:$0x3F9B];
	s0 =	simm.s32 @p1 $0x1  }
0x15: {  	[smem:$0x3FB8] =	sst s0;
	s0 =	simm.s32 @!p2 $0x0  }
0x16: {  	s3 =	sld [smem:$0x3FDB];
	s0 =	simm.s32 @p2 $0x1  }
0x17: {  	s4 =	simm.s32 $0x1BF5;
	[smem:$0x3FBA] =	sst s0  }
0x18: {  	s0 =	sld [smem:$0x3F9D];
	_ =	swait.ge [sflag:s4], $0x0  }
0x19: {  	s7 =	sld [smem:$0x3F9E]  }
0x1a: {  	s8 =	sadd.s32 $0xFFFFE003, lr  }
0x1b: {  	s9 =	sadd.s32 $0xFFFFFEF7, lr;
	s5 =	simm.s32 $0xFFFFFFFF;
	p2 =	slt.u32 s8, $0xFFFFF086  }
0x1c: {  	p1 =	slt.u32 s9, $0xF7A;
	s5 =	simm.s32 @!p2 $0x0  }
0x1d: {  	s5 =	simm.s32 @p1 $0x1;
	p0 =	seq.s32 s7, s2  }
0x1e: {  	s7 =	smul.u32 @!p0 $0xF7A, s2;
	p2 =	seq.s32 @!p0 s5, $0x0  }
0x1f: {  	s9 =	smul.u32 $0xF7A, s1;
	s8 =	simm.s32 @!p0 $0x1BF5;
	p2 =	por !p2, p0  }
0x20: {  	[sflag:s8] =	ssyncset.s32 @!p0 $0xFFFFF086;
	s6 =	sadd.s32 @!p0 s3, s7;
	s7 =	simm.s32 @!p0 $0x108  }
0x21: {  	s3 =	sadd.s32 s3, s9;
	s6 =	sadd.s32 @!p0 $0x88, s6;
	s7 =	simm.s32 @p2 $0x1082  }
0x22: {  	[simem:s7], [sflag:s8] =	dma.local @!p0 [hbm:s6], $0xF7A  }
0x23: {  	s9 =	sor.u32 $0xD0000000, s2;
	s6 =	simm.s32 $0x108;
	_ =	swait.ge @!p0 [sflag:s8], $0x0  }
0x24: {  	s3 =	sadd.s32 $0x88, s3;
	s6 =	simm.s32 @!p1 $0x1082;
	[sflag:s4] =	ssyncset.s32 $0xFFFFF086  }
0x25: {  	[simem:s6], [sflag:s4] =	dma.local [hbm:s3], $0xF7A  }
0x26: {  	[smem:$0x3F9E] =	sst s1;
	(tag) =	ssettag s2;
	_ =	strace s9  }
0x27: {  	s1 =	sld [smem:$0x3FAE]  }
0x28: {  	s2 =	sld [smem:$0x3FAF]  }
0x29: {  	s4 =	sld [smem:$0x3FB1]  }
0x2a: {  	p0 =	seq.s32 s5, $0x0;
	s5 =	sld [smem:$0x3FB2]  }
0x2b: {  	s6 =	sld [smem:$0x3FB3]  }
0x2c: {  	s7 =	sld [smem:$0x3FB4]  }
0x2d: {  	s3 =	simm.s32 $0x108;
	s8 =	sld [smem:$0x3FB5]  }
0x2e: {  	s3 =	simm.s32 @!p0 $0x1082;
	s9 =	sld [smem:$0x3FB6]  }
0x2f: {  	lr =	sadd.s32 s0, s3;
	s0 =	sld [smem:$0x3FAD]  }
0x30: {  	s3 =	sld [smem:$0x3FB0]  }
0x31: {  	[smem:$0x3FB9] =	sst s10  }
0x32: {  	s10 =	sld [smem:$0x3FB7];
	_ =	sdelay $0x3  }
0x33: {  	p0 =	seq.s32 s10, $0x1;
	s10 =	sld [smem:$0x3FB9];
	_ =	sdelay $0x3  }
0x34: {  	[smem:$0x3FB9] =	sst s10  }
0x35: {  	s10 =	sld [smem:$0x3FB8];
	_ =	sdelay $0x3  }
0x36: {  	p1 =	seq.s32 s10, $0x1;
	s10 =	sld [smem:$0x3FB9];
	_ =	sdelay $0x3  }
0x37: {  	[smem:$0x3FB9] =	sst s10  }
0x38: {  	s10 =	sld [smem:$0x3FBA]  }
0x39: {  	_ = 	snop;
	(pc) =	sbr.ind lr, $3  }
0x3a: {  	_ = 	snop  }
0x3b: {  	_ = 	snop  }
0x3c: {  	p2 =	seq.s32 s10, $0x1;
	s10 =	sld [smem:$0x3FB9]  }
0x3d: {  	_ =	shalt  }
0x3e: {  	_ =	shalt  }
0x3f: {  	_ =	shalt  }
0x40: {  	_ =	shalt  }
0x41: {  	_ =	shalt  }
0x42: {  	_ =	shalt  }
0x43: {  	_ =	shalt  }
0x44: {  	_ =	shalt  }
0x45: {  	_ =	shalt  }
0x46: {  	_ =	shalt  }
0x47: {  	_ =	shalt  }
0x48: {  	_ =	shalt  }
0x49: {  	_ =	shalt  }
0x4a: {  	_ =	shalt  }
0x4b: {  	_ =	shalt  }
0x4c: {  	_ =	shalt  }
0x4d: {  	_ =	shalt  }
0x4e: {  	_ =	shalt  }
0x4f: {  	_ =	shalt  }
0x50: {  	_ =	shalt  }
0x51: {  	_ =	shalt  }
0x52: {  	_ =	shalt  }
0x53: {  	_ =	shalt  }
0x54: {  	_ =	shalt  }
0x55: {  	_ =	shalt  }
0x56: {  	_ =	shalt  }
0x57: {  	_ =	shalt  }
0x58: {  	_ =	shalt  }
0x59: {  	_ =	shalt  }
0x5a: {  	_ =	shalt  }
0x5b: {  	_ =	shalt  }
0x5c: {  	_ =	shalt  }
0x5d: {  	_ =	shalt  }
0x5e: {  	_ =	shalt  }
0x5f: {  	_ =	shalt  }
0x60: {  	_ =	shalt  }
0x61: {  	_ =	shalt  }
0x62: {  	_ =	shalt  }
0x63: {  	_ =	shalt  }
0x64: {  	_ =	shalt  }
0x65: {  	_ =	shalt  }
0x66: {  	_ =	shalt  }
0x67: {  	_ =	shalt  }
0x68: {  	_ =	shalt  }
0x69: {  	_ =	shalt  }
0x6a: {  	_ =	shalt  }
0x6b: {  	_ =	shalt  }
0x6c: {  	_ =	shalt  }
0x6d: {  	_ =	shalt  }
0x6e: {  	_ =	shalt  }
0x6f: {  	_ =	shalt  }
0x70: {  	_ =	shalt  }
0x71: {  	_ =	shalt  }
0x72: {  	_ =	shalt  }
0x73: {  	_ =	shalt  }
0x74: {  	_ =	shalt  }
0x75: {  	_ =	shalt  }
0x76: {  	_ =	shalt  }
0x77: {  	_ =	shalt  }
0x78: {  	_ =	shalt  }
0x79: {  	_ =	shalt  }
0x7a: {  	_ =	shalt  }
0x7b: {  	_ =	shalt  }
0x7c: {  	_ =	shalt  }
0x7d: {  	_ =	shalt  }
0x7e: {  	_ =	shalt  }
0x7f: {  	_ =	shalt  }
0x80: {  	_ =	shalt  }
0x81: {  	_ =	shalt  }
0x82: {  	_ =	shalt  }
0x83: {  	_ =	shalt  }
0x84: {  	_ =	shalt  }
0x85: {  	_ =	shalt  }
0x86: {  	_ =	shalt  }
0x87: {  	_ =	shalt  }
.Lfunc_end0:
.L_simem_size_0:
called_computation_lowered:
.L_overlay_start_0:
0x88: {  	s2 =	sld [smem:$0x3FD9]  }
0x89: {  	s3 =	sld [smem:$0x3FFE];
	_ =	sdelay $0x1  }
0x8a: {  	s1 =	srdreg.scid  }
0x8b: {  	s0 =	sand.u32 $0x1, s1  }
0x8c: {  	s17 =	sshll.u32 s0, $0xA;
	s2 =	sadd.s32 s3, s2  }
0x8d: {  	s2 =	sadd.s32 s2, s17  }
0x8e: {  	[smem:$0x3FC5] =	sst s2  }
0x8f: {  	_ = 	snop  }
0x90: {  	s2 =	sld [smem:$0x3FC7]  }
0x91: {  	s18 =	sld [smem:$0x3FD0];
	(tm) =	ssettm $0x1  }
0x92: {  	s4 =	sld [smem:$0x3FFB];
	_ =	sdelay $0x3  }
0x93: {  	_ =	strace s4  }
0x94: {  	s4 =	sld [smem:$0x3FFC];
	_ =	sdelay $0x3  }
0x95: {  	_ =	strace s4  }
0x96: {  	s4 =	sld [smem:$0x3FFD];
	_ =	sdelay $0x3  }
0x97: {  	_ =	strace s4  }
0x98: {  	_ =	strace $0x8FFFFFFF  }
0x99: {  	s19 =	sld [smem:$0x3FDB];
	_ =	sdelay $0x1  }
0x9a: {  	s5 =	simm.s32 $_scs_section_size  }
0x9b: {  	s6 =	simm.s32 $_size__tile_overlayer_lowered;
	s7 =	simm.s32 $_tile_overlayer_lowered  }
0x9c: {  	s22 =	simm.s32 $0x1BFF;
	s21 =	sshll.u32 s7, $0x1;
	s4 =	sadd.s32 s5, s19  }
0x9d: {  	s8 =	simm.s32 $0x0;
	s20 =	sshll.u32 s6, $0x1;
	s6 =	sadd.s32 s21, s4  }
0x9e: {  	[timem:s8], [sflag:s22] =	dma.local [hbm:s6], s20  }
0x9f: {  	_ =	swait.ge [sflag:s22], s20  }
0xa0: {  	s5 =	ssub.s32 $0x0, s20;
	[sflag:s22] =	ssyncset.done $0x0  }
0xa1: {  	[sflag:s22] =	ssyncadd.s32 s5;
	_ =	sdelay $0x1  }
0xa2: {  	s23 =	simm.s32 $0x1B8B  }
0xa3: {  	_ =	swait.ge [sflag:s23], $0x1  }
0xa4: {  	[sflag:s23] =	ssyncset.done $0x0  }
0xa5: {  	s25 =	simm.s32 $0x1B8E;
	s24 =	sld [smem:$0x3FFE];
	[sflag:s23] =	ssyncadd.s32 $0xFFFFFFFF  }
0xa6: {  	s26 =	simm.s32 $execute0_lowered;
	[smem:$0x3FD2] =	sst s25  }
0xa7: {  	s6 =	sshll.u32 s26, $0x1;
	_ =	strace $0x80000046;
	[dreg:$0x1] =	wrdreg $0xFFFFFFFF  }
0xa8: {  	s28 =	simm.s32 $_size_execute0_lowered;
	s4 =	sadd.s32 s4, s6;
	[dreg:$0x0] =	wrdreg $0x0  }
0xa9: {  	s6 =	sshll.u32 s28, $0x1;
	[dreg:$0x2] =	wrdreg s4  }
0xaa: {  	[dreg:$0x3] =	wrdreg s6  }
0xab: {  	[dreg:$0x4] =	wrdreg $0xC0  }
0xac: {  	_ =	task [dreg:s8], $0x5FFFF  }
0xad: {  	[dreg:$0x1] =	wrdreg $0xFFFFFFFF  }
0xae: {  	[dreg:$0x0] =	wrdreg $0x60  }
0xaf: {  	[dreg:$0x2] =	wrdreg s24  }
0xb0: {  	[dreg:$0x3] =	wrdreg s2  }
0xb1: {  	[dreg:$0x4] =	wrdreg s18  }
0xb2: {  	[dreg:$0x5] =	wrdreg $0x9  }
0xb3: {  	_ =	task.clear_ibuf [dreg:s8], $0x6FFFF;
	_ =	strace $0x90000046  }
0xb4: {  	s29 =	simm.s32 $0x9;
	_ =	strace $0x80000048  }
0xb5: {  	_ =	swait.ge [sflag:s29], $0x1  }
0xb6: {  	[sflag:s29] =	ssyncadd.s32 $0xFFFFFFFF  }
0xb7: {  	_ =	strace $0x90000048  }
0xb8: {  	_ =	sfence  }
0xb9: {  	s30 =	sld [smem:$0x0];
	_ =	sdelay $0x2  }
0xba: {  	s31 =	sshll.u32 s1, $0xD;
	s1 =	sshrl.u32 s1, $0x2  }
0xbb: {  	s3 =	sand.u32 $0x4000, s31;
	s1 =	sadd.s32 s1, s30  }
0xbc: {  	s0 =	sor.u32 s3, s0;
	s1 =	sshll.u32 s1, $0x11  }
0xbd: {  	s0 =	sor.u32 s1, s0  }
0xbe: {  	s0 =	sadd.s32 $0x8F2B, s0  }
0xbf: {  	[sflag:s0] =	ssyncadd.remote.s32 $0x1  }
0xc0: {  	_ =	sfence.sel $0xFFFF  }
0xc1: {  	[dreg:$0x0] =	wrdreg $0xFFFFFFFF;
	(pc) =	sbr.abs _section_cstart, $3  }
0xc2: {  	[dreg:$0x1] =	wrdreg $0xFFFFFFFF  }
0xc3: {  	_ =	task.clear_ibuf [dreg:s8], $0x2FFFF;
	_ =	strace $0x9FFFFFFF  }
0xc4: {  	(tm) =	ssettm $0x7FFFFFFF  }
0xc5: {  	_ =	shalt  }
tec
execute0_lowered:
.L_overlay_start_1:
0x0: {  	(tag) =	ssettag $0x1  }
0x1: {  	s1 =	rddreg [dreg:$0x0]  }
0x2: {  	s3 =	srdreg.scid;
	s0 =	stileid.u32  }
0x3: {  	s4 =	simm.s32 $0x0;
	s10 =	simm.s32 $0x5;
	s11 =	simm.s32 $0x400  }
0x4: {  	s12 =	simm.s32 $0x8000;
	s13 =	simm.s32 $0x200;
	s14 =	simm.s32 $0x6400  }
0x5: {  	s15 =	simm.s32 $0x1;
	s16 =	simm.s32 $0xE400;
	s17 =	simm.s32 $0x16400  }
0x6: {  	s18 =	simm.s32 $0x18600;
	s19 =	simm.s32 $0x3;
	s20 =	simm.s32 $0x4  }
0x7: {  	s21 =	simm.s32 $0x2;
	s22 =	simm.s32 $0x0;
	s6 =	sand.u32 $0x1, s3  }
0x8: {  	s3 =	rddreg [dreg:$0x2];
	s5 =	sshll.u32 s0, $0xB;
	s7 =	sshll.u32 s6, $0xA  }
0x9: {  	v0 =	vlaneseq.u32;
	[smem:$0x7FF] =	sst s4;
	s8 =	ssub.s32 $0x2, s6;
	s5 =	sor.u32 s7, s5  }
0xa: {  	v0 =	vmul.u32 $0x88, v0;
	_ =	strace $0x80000047;
	s9 =	sshrl.u32 s8, $0x1;
	s7 =	sshrl.u32 s5, $0x3  }
0xb: {  	s6 =	sadd.s32 $0x19400, s1;
	s31 =	ssub.s32 s8, s9;
	s7 =	sadd.s32 s7, s1  }
0xc: {  	v1 =	vadd.s32 $0x880, v0;
	v2 =	vadd.s32 $0x1100, v0;
	v3 =	vadd.s32 $0x1980, v0;
	s9 =	simm.s32 $0x1A800;
	s8 =	smax.u32 s31, $0x1;
	s7 =	sadd.s32 $0x400, s7  }
.LBB2_1:
0xd: {  	s0 =	rddreg [dreg:$0x1]  }
0xe: {  	[tilespmem:s9], [sflag:$0x5] =	stream.linear.gather [hbm4b:s0+s4], $0x3200, $0x38;
	[tilespmem:$0x1DA00] =	vst v63  }
0xf: {  	_ =	swait.ge [sflag:s10], $0x3200  }
0x10: {  	[sflag:s10] =	ssyncset.done $0x0  }
0x11: {  	[sflag:s10] =	ssyncadd.s32 $0xFFFFCE00  }
0x12: {  	[tilespmem:s4], [sflag:$0x5] =	stream.strided.gather [hbm4b:s7+s11], $0x6400, s12, s11, $0x38;
	[tilespmem:$0x1DA00] =	vst v63  }
0x13: {  	_ =	swait.ge [sflag:s10], $0x6400  }
0x14: {  	[sflag:s10] =	ssyncset.done $0x0  }
0x15: {  	s23 =	simm.s32 $0x0;
	[sflag:s10] =	ssyncadd.s32 $0xFFFF9C00  }
0x16: {  	[tilespmem:s14], [sflag:$0x1] =	stream.indirect.gather [hbm4b:s6+s13], $0x40, s4, s13, $0xb8;
	[tilespmem:$0x1DA00] =	vst v63  }
.LBB2_2:
0x17: {  	_ =	swait.ge [sflag:s15], $0x8000;
	s1 =	sshll.u32 s23, $0xA  }
0x18: {  	[sflag:s15] =	ssyncset.done $0x0;
	s25 =	sand.u32 $0x3FFFFC00, s1  }
0x19: {  	p0 =	seq.s32 s23, $0x0;
	[sflag:s15] =	ssyncadd.s32 $0xFFFF8000;
	s1 =	sor.u32 $0x200, s25  }
0x1a: {  	[tilespmem:s16], [sflag:$0x2] =	stream.indirect.gather [hbm4b:s6+s13], $0x40, s1, s13, $0xb8;
	[tilespmem:$0x1DA00] =	vst v63  }
0x1b: {  	s1 =	simm.s32 @!p0 $0x3  }
0x1c: {  	_ =	swait.ge @!p0 [sflag:s1], $0x2000  }
0x1d: {  	s24 =	sshll.u32 s23, $0x9;
	[sflag:s1] =	ssyncset.done @!p0 $0x0  }
0x1e: {  	s0 =	sand.u32 $0x3FFFFE00, s24;
	[sflag:s1] =	ssyncadd.s32 @!p0 $0xFFFFE000  }
0x1f: {  	s2 =	simm.s32 $0x0;
	s28 =	simm.s32 $0x6480;
	v4 =	vld [tilespmem:s0+$0x1A800]  }
0x20: {  	v5 =	vmov s2;
	v7 =	vld [tilespmem:s28+$0xFFFFFF80]  }
0x21: {  	v8 =	vand.u32 $0x7C, v5  }
0x22: {  	v9 =	vadd.s32 v0, v8;
	_ =	sdelay $0x2  }
0x23: {  	v5 =	vld [tilespmem:s0+$0x1A810];
	v10 =	vadd.f32 v7, v4  }
0x24: {  	v6 =	vld [tilespmem:s0+$0x1A820]  }
0x25: {  	v7 =	vld [tilespmem:s0+$0x1A830];
	[tilespmem:v9+s17+$0x0] =	vst.idx.msk $0xffff, v10  }
0x26: {  	v9 =	vld [tilespmem:s28+$0xFFFFFF90];
	_ =	sdelay $0x1  }
0x27: {  	v10 =	vadd.s32 v1, v8;
	_ =	sdelay $0x2  }
0x28: {  	v9 =	vadd.f32 v9, v5;
	_ =	sdelay $0x1  }
0x29: {  	[tilespmem:v10+s17+$0x0] =	vst.idx.msk $0xffff, v9  }
0x2a: {  	v9 =	vld [tilespmem:s28+$0xFFFFFFA0];
	_ =	sdelay $0x1  }
0x2b: {  	v10 =	vadd.s32 v2, v8;
	_ =	sdelay $0x2  }
0x2c: {  	v9 =	vadd.f32 v9, v6;
	_ =	sdelay $0x1  }
0x2d: {  	[tilespmem:v10+s17+$0x0] =	vst.idx.msk $0xffff, v9  }
0x2e: {  	v9 =	vld [tilespmem:s28+$0xFFFFFFB0];
	_ =	sdelay $0x1  }
0x2f: {  	v8 =	vadd.s32 v3, v8;
	_ =	sdelay $0x2  }
0x30: {  	v9 =	vadd.f32 v9, v7;
	_ =	sdelay $0x1  }
0x31: {  	s26 =	simm.s32 $0x1;
	[tilespmem:v8+s17+$0x0] =	vst.idx.msk $0xffff, v9  }
0x32: {  	v8 =	vmov s26;
	v9 =	vld [tilespmem:s28+$0xFFFFFFC0]  }
0x33: {  	v8 =	vand.u32 $0x7D, v8  }
0x34: {  	v10 =	vadd.s32 v0, v8;
	_ =	sdelay $0x2  }
0x35: {  	v9 =	vadd.f32 v9, v4;
	_ =	sdelay $0x1  }
0x36: {  	[tilespmem:v10+s17+$0x0] =	vst.idx.msk $0xffff, v9  }
0x37: {  	v9 =	vld [tilespmem:s28+$0xFFFFFFD0];
	_ =	sdelay $0x1  }
0x38: {  	v10 =	vadd.s32 v1, v8;
	_ =	sdelay $0x2  }
0x39: {  	v9 =	vadd.f32 v9, v5;
	_ =	sdelay $0x1  }
0x3a: {  	[tilespmem:v10+s17+$0x0] =	vst.idx.msk $0xffff, v9  }
0x3b: {  	v9 =	vld [tilespmem:s28+$0xFFFFFFE0];
	_ =	sdelay $0x1  }
0x3c: {  	v10 =	vadd.s32 v2, v8;
	_ =	sdelay $0x2  }
0x3d: {  	v9 =	vadd.f32 v9, v6;
	_ =	sdelay $0x1  }
0x3e: {  	[tilespmem:v10+s17+$0x0] =	vst.idx.msk $0xffff, v9  }
0x3f: {  	v9 =	vld [tilespmem:s28+$0xFFFFFFF0];
	_ =	sdelay $0x1  }
0x40: {  	v8 =	vadd.s32 v3, v8;
	_ =	sdelay $0x2  }
0x41: {  	v9 =	vadd.f32 v9, v7;
	_ =	sdelay $0x1  }
0x42: {  	s30 =	simm.s32 $0x2;
	[tilespmem:v8+s17+$0x0] =	vst.idx.msk $0xffff, v9  }
0x43: {  	v8 =	vmov s30;
	v9 =	vld [tilespmem:s28+$0x0]  }
0x44: {  	v8 =	vand.u32 $0x7E, v8  }
0x45: {  	v10 =	vadd.s32 v0, v8;
	_ =	sdelay $0x2  }
0x46: {  	v9 =	vadd.f32 v9, v4;
	_ =	sdelay $0x1  }
0x47: {  	[tilespmem:v10+s17+$0x0] =	vst.idx.msk $0xffff, v9  }
0x48: {  	v9 =	vld [tilespmem:s28+$0x10];
	_ =	sdelay $0x1  }
0x49: {  	v10 =	vadd.s32 v1, v8;
	_ =	sdelay $0x2  }
0x4a: {  	v9 =	vadd.f32 v9, v5;
	_ =	sdelay $0x1  }
0x4b: {  	[tilespmem:v10+s17+$0x0] =	vst.idx.msk $0xffff, v9  }
0x4c: {  	v9 =	vld [tilespmem:s28+$0x20];
	_ =	sdelay $0x1  }
0x4d: {  	v10 =	vadd.s32 v2, v8;
	_ =	sdelay $0x2  }
0x4e: {  	v9 =	vadd.f32 v9, v6;
	_ =	sdelay $0x1  }
0x4f: {  	[tilespmem:v10+s17+$0x0] =	vst.idx.msk $0xffff, v9  }
0x50: {  	v9 =	vld [tilespmem:s28+$0x30];
	_ =	sdelay $0x1  }
0x51: {  	v8 =	vadd.s32 v3, v8;
	_ =	sdelay $0x2  }
0x52: {  	v9 =	vadd.f32 v9, v7;
	_ =	sdelay $0x1  }
0x53: {  	s31 =	simm.s32 $0x3;
	[tilespmem:v8+s17+$0x0] =	vst.idx.msk $0xffff, v9  }
0x54: {  	v8 =	vmov s31;
	v9 =	vld [tilespmem:s28+$0x40]  }
0x55: {  	v8 =	vand.u32 $0x7F, v8  }
0x56: {  	v10 =	vadd.s32 v0, v8;
	_ =	sdelay $0x2  }
0x57: {  	v9 =	vadd.f32 v9, v4;
	_ =	sdelay $0x1  }
0x58: {  	[tilespmem:v10+s17+$0x0] =	vst.idx.msk $0xffff, v9  }
0x59: {  	v9 =	vld [tilespmem:s28+$0x50];
	_ =	sdelay $0x1  }
0x5a: {  	v10 =	vadd.s32 v1, v8;
	_ =	sdelay $0x2  }
0x5b: {  	v9 =	vadd.f32 v9, v5;
	_ =	sdelay $0x1  }
0x5c: {  	[tilespmem:v10+s17+$0x0] =	vst.idx.msk $0xffff, v9  }
0x5d: {  	v9 =	vld [tilespmem:s28+$0x60];
	_ =	sdelay $0x1  }
0x5e: {  	v10 =	vadd.s32 v2, v8;
	_ =	sdelay $0x2  }
0x5f: {  	v9 =	vadd.f32 v9, v6;
	_ =	sdelay $0x1  }
0x60: {  	[tilespmem:v10+s17+$0x0] =	vst.idx.msk $0xffff, v9  }
0x61: {  	v9 =	vld [tilespmem:s28+$0x70];
	_ =	sdelay $0x1  }
0x62: {  	v8 =	vadd.s32 v3, v8;
	_ =	sdelay $0x2  }
0x63: {  	s29 =	simm.s32 $0x4;
	s24 =	sshllo.u32 s23, $0x1;
	s26 =	sshll.u32 s23, $0x3;
	v9 =	vadd.f32 v9, v7  }
.LBB2_3:
0x64: {  	p1 =	slt.u32 s29, $0x7C  }
0x65: {  	s28 =	sadd.s32 $0x100, s28;
	s30 =	smov.u32 s29;
	s29 =	sadd.s32 $0x4, s29;
	[tilespmem:v8+s17+$0x0] =	vst.idx.msk $0xffff, v9  }
0x66: {  	v8 =	vmov s30;
	v9 =	vld [tilespmem:s28+$0xFFFFFF80]  }
0x67: {  	v8 =	vand.u32 $0x7C, v8  }
0x68: {  	v10 =	vadd.s32 v0, v8;
	_ =	sdelay $0x2  }
0x69: {  	v9 =	vadd.f32 v9, v4;
	_ =	sdelay $0x1  }
0x6a: {  	[tilespmem:v10+s17+$0x0] =	vst.idx.msk $0xffff, v9  }
0x6b: {  	v9 =	vld [tilespmem:s28+$0xFFFFFF90];
	_ =	sdelay $0x1  }
0x6c: {  	v10 =	vadd.s32 v1, v8;
	_ =	sdelay $0x2  }
0x6d: {  	v9 =	vadd.f32 v9, v5;
	_ =	sdelay $0x1  }
0x6e: {  	[tilespmem:v10+s17+$0x0] =	vst.idx.msk $0xffff, v9  }
0x6f: {  	v9 =	vld [tilespmem:s28+$0xFFFFFFA0];
	_ =	sdelay $0x1  }
0x70: {  	v10 =	vadd.s32 v2, v8;
	_ =	sdelay $0x2  }
0x71: {  	v9 =	vadd.f32 v9, v6;
	_ =	sdelay $0x1  }
0x72: {  	[tilespmem:v10+s17+$0x0] =	vst.idx.msk $0xffff, v9  }
0x73: {  	v9 =	vld [tilespmem:s28+$0xFFFFFFB0];
	_ =	sdelay $0x1  }
0x74: {  	v8 =	vadd.s32 v3, v8;
	_ =	sdelay $0x2  }
0x75: {  	v9 =	vadd.f32 v9, v7;
	_ =	sdelay $0x1  }
0x76: {  	s1 =	sadd.s32 $0x1, s30;
	[tilespmem:v8+s17+$0x0] =	vst.idx.msk $0xffff, v9  }
0x77: {  	v8 =	vmov s1;
	v9 =	vld [tilespmem:s28+$0xFFFFFFC0]  }
0x78: {  	v8 =	vand.u32 $0x7D, v8  }
0x79: {  	v10 =	vadd.s32 v0, v8;
	_ =	sdelay $0x2  }
0x7a: {  	v9 =	vadd.f32 v9, v4;
	_ =	sdelay $0x1  }
0x7b: {  	[tilespmem:v10+s17+$0x0] =	vst.idx.msk $0xffff, v9  }
0x7c: {  	v9 =	vld [tilespmem:s28+$0xFFFFFFD0];
	_ =	sdelay $0x1  }
0x7d: {  	v10 =	vadd.s32 v1, v8;
	_ =	sdelay $0x2  }
0x7e: {  	v9 =	vadd.f32 v9, v5;
	_ =	sdelay $0x1  }
0x7f: {  	[tilespmem:v10+s17+$0x0] =	vst.idx.msk $0xffff, v9  }
0x80: {  	v9 =	vld [tilespmem:s28+$0xFFFFFFE0];
	_ =	sdelay $0x1  }
0x81: {  	v10 =	vadd.s32 v2, v8;
	_ =	sdelay $0x2  }
0x82: {  	v9 =	vadd.f32 v9, v6;
	_ =	sdelay $0x1  }
0x83: {  	[tilespmem:v10+s17+$0x0] =	vst.idx.msk $0xffff, v9  }
0x84: {  	v9 =	vld [tilespmem:s28+$0xFFFFFFF0];
	_ =	sdelay $0x1  }
0x85: {  	v8 =	vadd.s32 v3, v8;
	_ =	sdelay $0x2  }
0x86: {  	v9 =	vadd.f32 v9, v7;
	_ =	sdelay $0x1  }
0x87: {  	s1 =	sadd.s32 $0x2, s30;
	[tilespmem:v8+s17+$0x0] =	vst.idx.msk $0xffff, v9  }
0x88: {  	v8 =	vmov s1;
	v9 =	vld [tilespmem:s28+$0x0]  }
0x89: {  	v8 =	vand.u32 $0x7E, v8  }
0x8a: {  	v10 =	vadd.s32 v0, v8;
	_ =	sdelay $0x2  }
0x8b: {  	v9 =	vadd.f32 v9, v4;
	_ =	sdelay $0x1  }
0x8c: {  	[tilespmem:v10+s17+$0x0] =	vst.idx.msk $0xffff, v9  }
0x8d: {  	v9 =	vld [tilespmem:s28+$0x10];
	_ =	sdelay $0x1  }
0x8e: {  	v10 =	vadd.s32 v1, v8;
	_ =	sdelay $0x2  }
0x8f: {  	v9 =	vadd.f32 v9, v5;
	_ =	sdelay $0x1  }
0x90: {  	[tilespmem:v10+s17+$0x0] =	vst.idx.msk $0xffff, v9  }
0x91: {  	v9 =	vld [tilespmem:s28+$0x20];
	_ =	sdelay $0x1  }
0x92: {  	v10 =	vadd.s32 v2, v8;
	_ =	sdelay $0x2  }
0x93: {  	v9 =	vadd.f32 v9, v6;
	_ =	sdelay $0x1  }
0x94: {  	[tilespmem:v10+s17+$0x0] =	vst.idx.msk $0xffff, v9  }
0x95: {  	v9 =	vld [tilespmem:s28+$0x30];
	_ =	sdelay $0x1  }
0x96: {  	v8 =	vadd.s32 v3, v8;
	_ =	sdelay $0x2  }
0x97: {  	v9 =	vadd.f32 v9, v7;
	_ =	sdelay $0x1  }
0x98: {  	s1 =	sadd.s32 $0x3, s30;
	[tilespmem:v8+s17+$0x0] =	vst.idx.msk $0xffff, v9  }
0x99: {  	v8 =	vmov s1;
	v9 =	vld [tilespmem:s28+$0x40]  }
0x9a: {  	v8 =	vand.u32 $0x7F, v8  }
0x9b: {  	v10 =	vadd.s32 v0, v8;
	_ =	sdelay $0x2  }
0x9c: {  	v9 =	vadd.f32 v9, v4;
	_ =	sdelay $0x1  }
0x9d: {  	[tilespmem:v10+s17+$0x0] =	vst.idx.msk $0xffff, v9  }
0x9e: {  	v9 =	vld [tilespmem:s28+$0x50];
	_ =	sdelay $0x1  }
0x9f: {  	v10 =	vadd.s32 v1, v8;
	_ =	sdelay $0x2  }
0xa0: {  	v9 =	vadd.f32 v9, v5;
	_ =	sdelay $0x1  }
0xa1: {  	[tilespmem:v10+s17+$0x0] =	vst.idx.msk $0xffff, v9  }
0xa2: {  	v9 =	vld [tilespmem:s28+$0x60];
	_ =	sdelay $0x1  }
0xa3: {  	v10 =	vadd.s32 v2, v8;
	_ =	sdelay $0x2  }
0xa4: {  	v9 =	vadd.f32 v9, v6;
	_ =	sdelay $0x1  }
0xa5: {  	[tilespmem:v10+s17+$0x0] =	vst.idx.msk $0xffff, v9  }
0xa6: {  	v9 =	vld [tilespmem:s28+$0x70]  }
.Ltmp0:
0xa7: {  	(pc) =	sbr.rel @p1 .LBB2_3-.Ltmp0, $2  }
0xa8: {  	v8 =	vadd.s32 v3, v8;
	_ =	sdelay $0x2  }
0xa9: {  	v9 =	vadd.f32 v9, v7  }
0xaa: {  	_ = 	snop  }
0xab: {  	s1 =	sshll.u32 s23, $0x15  }
0xac: {  	s1 =	sor.u32 s5, s1  }
0xad: {  	s1 =	sshrl.u32 s1, $0x3  }
0xae: {  	s2 =	simm.s32 $0x16400;
	[tilespmem:v8+s17+$0x0] =	vst.idx.msk $0xffff, v9;
	s29 =	sadd.s32 s3, s1  }
0xaf: {  	[hbm4b:s29+s4] =	stream.linear.scatter [tilespmem:s2], [sflag:$0x3], $0x80, $0x38;
	[tilespmem:$0x1DA00] =	vst v63  }
0xb0: {  	s0 =	simm.s32 $0x16488;
	s28 =	sadd.s32 $0x10, s29  }
0xb1: {  	[hbm4b:s28+s4] =	stream.linear.scatter [tilespmem:s0], [sflag:$0x3], $0x80, $0x38;
	[tilespmem:$0x1DA00] =	vst v63  }
0xb2: {  	s2 =	simm.s32 $0x16510;
	s28 =	sadd.s32 $0x20, s29  }
0xb3: {  	[hbm4b:s28+s4] =	stream.linear.scatter [tilespmem:s2], [sflag:$0x3], $0x80, $0x38;
	[tilespmem:$0x1DA00] =	vst v63  }
0xb4: {  	s0 =	simm.s32 $0x16598;
	s28 =	sadd.s32 $0x30, s29  }
0xb5: {  	[hbm4b:s28+s4] =	stream.linear.scatter [tilespmem:s0], [sflag:$0x3], $0x80, $0x38;
	[tilespmem:$0x1DA00] =	vst v63  }
0xb6: {  	s2 =	simm.s32 $0x16620;
	s28 =	sadd.s32 $0x40, s29  }
0xb7: {  	[hbm4b:s28+s4] =	stream.linear.scatter [tilespmem:s2], [sflag:$0x3], $0x80, $0x38;
	[tilespmem:$0x1DA00] =	vst v63  }
0xb8: {  	s30 =	simm.s32 $0x2200;
	s0 =	simm.s32 $0x166A8;
	s28 =	sadd.s32 $0x50, s29  }
0xb9: {  	[hbm4b:s28+s4] =	stream.linear.scatter [tilespmem:s0], [sflag:$0x3], $0x80, $0x38;
	[tilespmem:$0x1DA00] =	vst v63  }
0xba: {  	s31 =	simm.s32 $0x167B8;
	s2 =	simm.s32 $0x16730;
	s28 =	sadd.s32 $0x60, s29  }
0xbb: {  	[hbm4b:s28+s4] =	stream.linear.scatter [tilespmem:s2], [sflag:$0x3], $0x80, $0x38;
	[tilespmem:$0x1DA00] =	vst v63  }
0xbc: {  	s1 =	sadd.s32 $0x70, s29;
	s29 =	sadd.s32 $0x1000, s29;
	s28 =	simm.s32 $0x440  }
.LBB2_5:
0xbd: {  	[hbm4b:s1+s4] =	stream.linear.scatter [tilespmem:s31], [sflag:$0x3], $0x80, $0x38;
	[tilespmem:$0x1DA00] =	vst v63  }
0xbe: {  	s1 =	smov.u32 s28;
	s28 =	smov.u32 s30  }
0xbf: {  	s0 =	sadd.s32 $0x1100, s30;
	s28 =	sshra.s32 s28, $0x2;
	s31 =	sadd.s32 $0x16400, s1  }
0xc0: {  	[hbm4b:s29+s4] =	stream.linear.scatter [tilespmem:s31], [sflag:$0x3], $0x80, $0x38;
	[tilespmem:$0x1DA00] =	vst v63  }
0xc1: {  	p1 =	sne.s32 s30, $0x7700;
	s30 =	sadd.s32 $0x16488, s1;
	s31 =	sadd.s32 $0x10, s29  }
0xc2: {  	[hbm4b:s31+s4] =	stream.linear.scatter [tilespmem:s30], [sflag:$0x3], $0x80, $0x38;
	[tilespmem:$0x1DA00] =	vst v63  }
0xc3: {  	s30 =	sadd.s32 $0x16510, s1;
	s31 =	sadd.s32 $0x20, s29  }
0xc4: {  	[hbm4b:s31+s4] =	stream.linear.scatter [tilespmem:s30], [sflag:$0x3], $0x80, $0x38;
	[tilespmem:$0x1DA00] =	vst v63  }
0xc5: {  	s30 =	sadd.s32 $0x16598, s1;
	s31 =	sadd.s32 $0x30, s29  }
0xc6: {  	[hbm4b:s31+s4] =	stream.linear.scatter [tilespmem:s30], [sflag:$0x3], $0x80, $0x38;
	[tilespmem:$0x1DA00] =	vst v63  }
0xc7: {  	s30 =	sadd.s32 $0x16620, s1;
	s31 =	sadd.s32 $0x40, s29  }
0xc8: {  	[hbm4b:s31+s4] =	stream.linear.scatter [tilespmem:s30], [sflag:$0x3], $0x80, $0x38;
	[tilespmem:$0x1DA00] =	vst v63  }
0xc9: {  	s30 =	sadd.s32 $0x166A8, s1;
	s31 =	sadd.s32 $0x50, s29  }
0xca: {  	[hbm4b:s31+s4] =	stream.linear.scatter [tilespmem:s30], [sflag:$0x3], $0x80, $0x38;
	[tilespmem:$0x1DA00] =	vst v63  }
.Ltmp1:
0xcb: {  	_ = 	snop;
	(pc) =	sbr.rel @p1 .LBB2_5-.Ltmp1, $4  }
0xcc: {  	s30 =	sadd.s32 $0x16730, s1;
	s31 =	sadd.s32 $0x60, s29  }
0xcd: {  	[hbm4b:s31+s4] =	stream.linear.scatter [tilespmem:s30], [sflag:$0x3], $0x80, $0x38;
	[tilespmem:$0x1DA00] =	vst v63  }
0xce: {  	s31 =	sadd.s32 $0x167B8, s1  }
0xcf: {  	s1 =	sadd.s32 $0x70, s29;
	s29 =	sadd.s32 $0x1000, s29;
	s30 =	smov.u32 s0  }
0xd0: {  	[hbm4b:s1+s4] =	stream.linear.scatter [tilespmem:s31], [sflag:$0x3], $0x80, $0x38;
	[tilespmem:$0x1DA00] =	vst v63  }
0xd1: {  	s0 =	sadd.s32 $0x16400, s28  }
0xd2: {  	[hbm4b:s29+s4] =	stream.linear.scatter [tilespmem:s0], [sflag:$0x3], $0x80, $0x38;
	[tilespmem:$0x1DA00] =	vst v63  }
0xd3: {  	s2 =	sadd.s32 $0x16488, s28;
	s31 =	sadd.s32 $0x10, s29  }
0xd4: {  	[hbm4b:s31+s4] =	stream.linear.scatter [tilespmem:s2], [sflag:$0x3], $0x80, $0x38;
	[tilespmem:$0x1DA00] =	vst v63  }
0xd5: {  	s2 =	sadd.s32 $0x16510, s28;
	s31 =	sadd.s32 $0x20, s29  }
0xd6: {  	[hbm4b:s31+s4] =	stream.linear.scatter [tilespmem:s2], [sflag:$0x3], $0x80, $0x38;
	[tilespmem:$0x1DA00] =	vst v63  }
0xd7: {  	s2 =	sadd.s32 $0x16598, s28;
	s31 =	sadd.s32 $0x30, s29  }
0xd8: {  	[hbm4b:s31+s4] =	stream.linear.scatter [tilespmem:s2], [sflag:$0x3], $0x80, $0x38;
	[tilespmem:$0x1DA00] =	vst v63  }
0xd9: {  	s2 =	sadd.s32 $0x16620, s28;
	s31 =	sadd.s32 $0x40, s29  }
0xda: {  	[hbm4b:s31+s4] =	stream.linear.scatter [tilespmem:s2], [sflag:$0x3], $0x80, $0x38;
	[tilespmem:$0x1DA00] =	vst v63  }
0xdb: {  	s2 =	sadd.s32 $0x166A8, s28;
	s31 =	sadd.s32 $0x50, s29  }
0xdc: {  	[hbm4b:s31+s4] =	stream.linear.scatter [tilespmem:s2], [sflag:$0x3], $0x80, $0x38;
	[tilespmem:$0x1DA00] =	vst v63  }
0xdd: {  	s2 =	sadd.s32 $0x16730, s28;
	s31 =	sadd.s32 $0x60, s29  }
0xde: {  	[hbm4b:s31+s4] =	stream.linear.scatter [tilespmem:s2], [sflag:$0x3], $0x80, $0x38;
	[tilespmem:$0x1DA00] =	vst v63  }
0xdf: {  	s1 =	sadd.s32 $0x167B8, s28;
	s0 =	simm.s32 @!p0 $0x4;
	s2 =	sadd.s32 $0x70, s29  }
0xe0: {  	[hbm4b:s2+s4] =	stream.linear.scatter [tilespmem:s1], [sflag:$0x3], $0x80, $0x38;
	[tilespmem:$0x1DA00] =	vst v63  }
0xe1: {  	s28 =	sor.u32 $0x1, s26;
	_ =	swait.ge @!p0 [sflag:s0], $0x2000  }
0xe2: {  	s31 =	sshll.u32 s28, $0x6;
	[sflag:s0] =	ssyncset.done @!p0 $0x0  }
0xe3: {  	s2 =	sand.u32 $0x3FFFFFC0, s31;
	[sflag:s0] =	ssyncadd.s32 @!p0 $0xFFFFE000  }
0xe4: {  	s29 =	simm.s32 $0x84F0;
	s31 =	simm.s32 $0x0;
	v4 =	vld [tilespmem:s2+$0x1A800]  }
0xe5: {  	v5 =	vmov s31;
	v7 =	vld [tilespmem:s29+$0xFFFFFF10]  }
0xe6: {  	v8 =	vand.u32 $0x7C, v5  }
0xe7: {  	v9 =	vadd.s32 v0, v8;
	_ =	sdelay $0x2  }
0xe8: {  	v5 =	vld [tilespmem:s2+$0x1A810];
	v10 =	vadd.f32 v7, v4  }
0xe9: {  	v6 =	vld [tilespmem:s2+$0x1A820]  }
0xea: {  	v7 =	vld [tilespmem:s2+$0x1A830];
	[tilespmem:v9+s18+$0x0] =	vst.idx.msk $0xffff, v10  }
0xeb: {  	v9 =	vld [tilespmem:s29+$0xFFFFFF20];
	_ =	sdelay $0x1  }
0xec: {  	v10 =	vadd.s32 v1, v8;
	_ =	sdelay $0x2  }
0xed: {  	v9 =	vadd.f32 v9, v5;
	_ =	sdelay $0x1  }
0xee: {  	[tilespmem:v10+s18+$0x0] =	vst.idx.msk $0xffff, v9  }
0xef: {  	v9 =	vld [tilespmem:s29+$0xFFFFFF30];
	_ =	sdelay $0x1  }
0xf0: {  	v10 =	vadd.s32 v2, v8;
	_ =	sdelay $0x2  }
0xf1: {  	v9 =	vadd.f32 v9, v6;
	_ =	sdelay $0x1  }
0xf2: {  	[tilespmem:v10+s18+$0x0] =	vst.idx.msk $0xffff, v9  }
0xf3: {  	v9 =	vld [tilespmem:s29+$0xFFFFFF40];
	_ =	sdelay $0x1  }
0xf4: {  	v8 =	vadd.s32 v3, v8;
	_ =	sdelay $0x2  }
0xf5: {  	v9 =	vadd.f32 v9, v7;
	_ =	sdelay $0x1  }
0xf6: {  	s1 =	simm.s32 $0x1;
	[tilespmem:v8+s18+$0x0] =	vst.idx.msk $0xffff, v9  }
0xf7: {  	v8 =	vmov s1;
	v9 =	vld [tilespmem:s29+$0xFFFFFF50]  }
0xf8: {  	v8 =	vand.u32 $0x7D, v8  }
0xf9: {  	v10 =	vadd.s32 v0, v8;
	_ =	sdelay $0x2  }
0xfa: {  	v9 =	vadd.f32 v9, v4;
	_ =	sdelay $0x1  }
0xfb: {  	[tilespmem:v10+s18+$0x0] =	vst.idx.msk $0xffff, v9  }
0xfc: {  	v9 =	vld [tilespmem:s29+$0xFFFFFF60];
	_ =	sdelay $0x1  }
0xfd: {  	v10 =	vadd.s32 v1, v8;
	_ =	sdelay $0x2  }
0xfe: {  	v9 =	vadd.f32 v9, v5;
	_ =	sdelay $0x1  }
0xff: {  	[tilespmem:v10+s18+$0x0] =	vst.idx.msk $0xffff, v9  }
0x100: {  	v9 =	vld [tilespmem:s29+$0xFFFFFF70];
	_ =	sdelay $0x1  }
0x101: {  	v10 =	vadd.s32 v2, v8;
	_ =	sdelay $0x2  }
0x102: {  	v9 =	vadd.f32 v9, v6;
	_ =	sdelay $0x1  }
0x103: {  	[tilespmem:v10+s18+$0x0] =	vst.idx.msk $0xffff, v9  }
0x104: {  	v9 =	vld [tilespmem:s29+$0xFFFFFF80];
	_ =	sdelay $0x1  }
0x105: {  	v8 =	vadd.s32 v3, v8;
	_ =	sdelay $0x2  }
0x106: {  	v9 =	vadd.f32 v9, v7;
	_ =	sdelay $0x1  }
0x107: {  	s2 =	simm.s32 $0x2;
	[tilespmem:v8+s18+$0x0] =	vst.idx.msk $0xffff, v9  }
0x108: {  	v8 =	vmov s2;
	v9 =	vld [tilespmem:s29+$0xFFFFFF90]  }
0x109: {  	v8 =	vand.u32 $0x7E, v8  }
0x10a: {  	v10 =	vadd.s32 v0, v8;
	_ =	sdelay $0x2  }
0x10b: {  	v9 =	vadd.f32 v9, v4;
	_ =	sdelay $0x1  }
0x10c: {  	[tilespmem:v10+s18+$0x0] =	vst.idx.msk $0xffff, v9  }
0x10d: {  	v9 =	vld [tilespmem:s29+$0xFFFFFFA0];
	_ =	sdelay $0x1  }
0x10e: {  	v10 =	vadd.s32 v1, v8;
	_ =	sdelay $0x2  }
0x10f: {  	v9 =	vadd.f32 v9, v5;
	_ =	sdelay $0x1  }
0x110: {  	[tilespmem:v10+s18+$0x0] =	vst.idx.msk $0xffff, v9  }
0x111: {  	v9 =	vld [tilespmem:s29+$0xFFFFFFB0];
	_ =	sdelay $0x1  }
0x112: {  	v10 =	vadd.s32 v2, v8;
	_ =	sdelay $0x2  }
0x113: {  	v9 =	vadd.f32 v9, v6;
	_ =	sdelay $0x1  }
0x114: {  	[tilespmem:v10+s18+$0x0] =	vst.idx.msk $0xffff, v9  }
0x115: {  	v9 =	vld [tilespmem:s29+$0xFFFFFFC0];
	_ =	sdelay $0x1  }
0x116: {  	v8 =	vadd.s32 v3, v8;
	_ =	sdelay $0x2  }
0x117: {  	v9 =	vadd.f32 v9, v7;
	_ =	sdelay $0x1  }
0x118: {  	s31 =	simm.s32 $0x3;
	[tilespmem:v8+s18+$0x0] =	vst.idx.msk $0xffff, v9  }
0x119: {  	v8 =	vmov s31;
	v9 =	vld [tilespmem:s29+$0xFFFFFFD0]  }
0x11a: {  	v8 =	vand.u32 $0x7F, v8  }
0x11b: {  	v10 =	vadd.s32 v0, v8;
	_ =	sdelay $0x2  }
0x11c: {  	v9 =	vadd.f32 v9, v4;
	_ =	sdelay $0x1  }
0x11d: {  	[tilespmem:v10+s18+$0x0] =	vst.idx.msk $0xffff, v9  }
0x11e: {  	v9 =	vld [tilespmem:s29+$0xFFFFFFE0];
	_ =	sdelay $0x1  }
0x11f: {  	v10 =	vadd.s32 v1, v8;
	_ =	sdelay $0x2  }
0x120: {  	v9 =	vadd.f32 v9, v5;
	_ =	sdelay $0x1  }
0x121: {  	[tilespmem:v10+s18+$0x0] =	vst.idx.msk $0xffff, v9  }
0x122: {  	v9 =	vld [tilespmem:s29+$0xFFFFFFF0];
	_ =	sdelay $0x1  }
0x123: {  	v10 =	vadd.s32 v2, v8;
	_ =	sdelay $0x2  }
0x124: {  	v9 =	vadd.f32 v9, v6;
	_ =	sdelay $0x1  }
0x125: {  	[tilespmem:v10+s18+$0x0] =	vst.idx.msk $0xffff, v9  }
0x126: {  	v9 =	vld [tilespmem:s29+$0x0];
	_ =	sdelay $0x1  }
0x127: {  	v8 =	vadd.s32 v3, v8;
	_ =	sdelay $0x2  }
0x128: {  	s30 =	simm.s32 $0x4;
	v9 =	vadd.f32 v9, v7  }
.LBB2_7:
0x129: {  	p0 =	slt.u32 s30, $0x7C  }
0x12a: {  	s29 =	sadd.s32 $0x100, s29;
	s31 =	smov.u32 s30;
	s30 =	sadd.s32 $0x4, s30;
	[tilespmem:v8+s18+$0x0] =	vst.idx.msk $0xffff, v9  }
0x12b: {  	v8 =	vmov s31;
	v9 =	vld [tilespmem:s29+$0xFFFFFF10]  }
0x12c: {  	v8 =	vand.u32 $0x7C, v8  }
0x12d: {  	v10 =	vadd.s32 v0, v8;
	_ =	sdelay $0x2  }
0x12e: {  	v9 =	vadd.f32 v9, v4;
	_ =	sdelay $0x1  }
0x12f: {  	[tilespmem:v10+s18+$0x0] =	vst.idx.msk $0xffff, v9  }
0x130: {  	v9 =	vld [tilespmem:s29+$0xFFFFFF20];
	_ =	sdelay $0x1  }
0x131: {  	v10 =	vadd.s32 v1, v8;
	_ =	sdelay $0x2  }
0x132: {  	v9 =	vadd.f32 v9, v5;
	_ =	sdelay $0x1  }
0x133: {  	[tilespmem:v10+s18+$0x0] =	vst.idx.msk $0xffff, v9  }
0x134: {  	v9 =	vld [tilespmem:s29+$0xFFFFFF30];
	_ =	sdelay $0x1  }
0x135: {  	v10 =	vadd.s32 v2, v8;
	_ =	sdelay $0x2  }
0x136: {  	v9 =	vadd.f32 v9, v6;
	_ =	sdelay $0x1  }
0x137: {  	[tilespmem:v10+s18+$0x0] =	vst.idx.msk $0xffff, v9  }
0x138: {  	v9 =	vld [tilespmem:s29+$0xFFFFFF40];
	_ =	sdelay $0x1  }
0x139: {  	v8 =	vadd.s32 v3, v8;
	_ =	sdelay $0x2  }
0x13a: {  	v9 =	vadd.f32 v9, v7;
	_ =	sdelay $0x1  }
0x13b: {  	s0 =	sadd.s32 $0x1, s31;
	[tilespmem:v8+s18+$0x0] =	vst.idx.msk $0xffff, v9  }
0x13c: {  	v8 =	vmov s0;
	v9 =	vld [tilespmem:s29+$0xFFFFFF50]  }
0x13d: {  	v8 =	vand.u32 $0x7D, v8  }
0x13e: {  	v10 =	vadd.s32 v0, v8;
	_ =	sdelay $0x2  }
0x13f: {  	v9 =	vadd.f32 v9, v4;
	_ =	sdelay $0x1  }
0x140: {  	[tilespmem:v10+s18+$0x0] =	vst.idx.msk $0xffff, v9  }
0x141: {  	v9 =	vld [tilespmem:s29+$0xFFFFFF60];
	_ =	sdelay $0x1  }
0x142: {  	v10 =	vadd.s32 v1, v8;
	_ =	sdelay $0x2  }
0x143: {  	v9 =	vadd.f32 v9, v5;
	_ =	sdelay $0x1  }
0x144: {  	[tilespmem:v10+s18+$0x0] =	vst.idx.msk $0xffff, v9  }
0x145: {  	v9 =	vld [tilespmem:s29+$0xFFFFFF70];
	_ =	sdelay $0x1  }
0x146: {  	v10 =	vadd.s32 v2, v8;
	_ =	sdelay $0x2  }
0x147: {  	v9 =	vadd.f32 v9, v6;
	_ =	sdelay $0x1  }
0x148: {  	[tilespmem:v10+s18+$0x0] =	vst.idx.msk $0xffff, v9  }
0x149: {  	v9 =	vld [tilespmem:s29+$0xFFFFFF80];
	_ =	sdelay $0x1  }
0x14a: {  	v8 =	vadd.s32 v3, v8;
	_ =	sdelay $0x2  }
0x14b: {  	v9 =	vadd.f32 v9, v7;
	_ =	sdelay $0x1  }
0x14c: {  	s0 =	sadd.s32 $0x2, s31;
	[tilespmem:v8+s18+$0x0] =	vst.idx.msk $0xffff, v9  }
0x14d: {  	v8 =	vmov s0;
	v9 =	vld [tilespmem:s29+$0xFFFFFF90]  }
0x14e: {  	v8 =	vand.u32 $0x7E, v8  }
0x14f: {  	v10 =	vadd.s32 v0, v8;
	_ =	sdelay $0x2  }
0x150: {  	v9 =	vadd.f32 v9, v4;
	_ =	sdelay $0x1  }
0x151: {  	[tilespmem:v10+s18+$0x0] =	vst.idx.msk $0xffff, v9  }
0x152: {  	v9 =	vld [tilespmem:s29+$0xFFFFFFA0];
	_ =	sdelay $0x1  }
0x153: {  	v10 =	vadd.s32 v1, v8;
	_ =	sdelay $0x2  }
0x154: {  	v9 =	vadd.f32 v9, v5;
	_ =	sdelay $0x1  }
0x155: {  	[tilespmem:v10+s18+$0x0] =	vst.idx.msk $0xffff, v9  }
0x156: {  	v9 =	vld [tilespmem:s29+$0xFFFFFFB0];
	_ =	sdelay $0x1  }
0x157: {  	v10 =	vadd.s32 v2, v8;
	_ =	sdelay $0x2  }
0x158: {  	v9 =	vadd.f32 v9, v6;
	_ =	sdelay $0x1  }
0x159: {  	[tilespmem:v10+s18+$0x0] =	vst.idx.msk $0xffff, v9  }
0x15a: {  	v9 =	vld [tilespmem:s29+$0xFFFFFFC0];
	_ =	sdelay $0x1  }
0x15b: {  	v8 =	vadd.s32 v3, v8;
	_ =	sdelay $0x2  }
0x15c: {  	v9 =	vadd.f32 v9, v7;
	_ =	sdelay $0x1  }
0x15d: {  	s0 =	sadd.s32 $0x3, s31;
	[tilespmem:v8+s18+$0x0] =	vst.idx.msk $0xffff, v9  }
0x15e: {  	v8 =	vmov s0;
	v9 =	vld [tilespmem:s29+$0xFFFFFFD0]  }
0x15f: {  	v8 =	vand.u32 $0x7F, v8  }
0x160: {  	v10 =	vadd.s32 v0, v8;
	_ =	sdelay $0x2  }
0x161: {  	v9 =	vadd.f32 v9, v4;
	_ =	sdelay $0x1  }
0x162: {  	[tilespmem:v10+s18+$0x0] =	vst.idx.msk $0xffff, v9  }
0x163: {  	v9 =	vld [tilespmem:s29+$0xFFFFFFE0];
	_ =	sdelay $0x1  }
0x164: {  	v10 =	vadd.s32 v1, v8;
	_ =	sdelay $0x2  }
0x165: {  	v9 =	vadd.f32 v9, v5;
	_ =	sdelay $0x1  }
0x166: {  	[tilespmem:v10+s18+$0x0] =	vst.idx.msk $0xffff, v9  }
0x167: {  	v9 =	vld [tilespmem:s29+$0xFFFFFFF0];
	_ =	sdelay $0x1  }
0x168: {  	v10 =	vadd.s32 v2, v8;
	_ =	sdelay $0x2  }
0x169: {  	v9 =	vadd.f32 v9, v6;
	_ =	sdelay $0x1  }
0x16a: {  	[tilespmem:v10+s18+$0x0] =	vst.idx.msk $0xffff, v9  }
0x16b: {  	v9 =	vld [tilespmem:s29+$0x0]  }
.Ltmp2:
0x16c: {  	(pc) =	sbr.rel @p0 .LBB2_7-.Ltmp2, $2  }
0x16d: {  	v8 =	vadd.s32 v3, v8;
	_ =	sdelay $0x2  }
0x16e: {  	v9 =	vadd.f32 v9, v7  }
0x16f: {  	_ = 	snop  }
0x170: {  	s0 =	sshll.u32 s28, $0x12  }
0x171: {  	s0 =	sor.u32 s5, s0  }
0x172: {  	s0 =	sshrl.u32 s0, $0x3  }
0x173: {  	s1 =	simm.s32 $0x18600;
	[tilespmem:v8+s18+$0x0] =	vst.idx.msk $0xffff, v9;
	s0 =	sadd.s32 s3, s0  }
0x174: {  	[hbm4b:s0+s4] =	stream.linear.scatter [tilespmem:s1], [sflag:$0x4], $0x80, $0x38;
	[tilespmem:$0x1DA00] =	vst v63  }
0x175: {  	s2 =	simm.s32 $0x18688;
	s28 =	sadd.s32 $0x10, s0  }
0x176: {  	[hbm4b:s28+s4] =	stream.linear.scatter [tilespmem:s2], [sflag:$0x4], $0x80, $0x38;
	[tilespmem:$0x1DA00] =	vst v63  }
0x177: {  	s2 =	simm.s32 $0x18710;
	s28 =	sadd.s32 $0x20, s0  }
0x178: {  	[hbm4b:s28+s4] =	stream.linear.scatter [tilespmem:s2], [sflag:$0x4], $0x80, $0x38;
	[tilespmem:$0x1DA00] =	vst v63  }
0x179: {  	s2 =	simm.s32 $0x18798;
	s28 =	sadd.s32 $0x30, s0  }
0x17a: {  	[hbm4b:s28+s4] =	stream.linear.scatter [tilespmem:s2], [sflag:$0x4], $0x80, $0x38;
	[tilespmem:$0x1DA00] =	vst v63  }
0x17b: {  	s2 =	simm.s32 $0x18820;
	s28 =	sadd.s32 $0x40, s0  }
0x17c: {  	[hbm4b:s28+s4] =	stream.linear.scatter [tilespmem:s2], [sflag:$0x4], $0x80, $0x38;
	[tilespmem:$0x1DA00] =	vst v63  }
0x17d: {  	s30 =	simm.s32 $0x2200;
	s2 =	simm.s32 $0x188A8;
	s28 =	sadd.s32 $0x50, s0  }
0x17e: {  	[hbm4b:s28+s4] =	stream.linear.scatter [tilespmem:s2], [sflag:$0x4], $0x80, $0x38;
	[tilespmem:$0x1DA00] =	vst v63  }
0x17f: {  	s31 =	simm.s32 $0x189B8;
	s2 =	simm.s32 $0x18930;
	s28 =	sadd.s32 $0x60, s0  }
0x180: {  	[hbm4b:s28+s4] =	stream.linear.scatter [tilespmem:s2], [sflag:$0x4], $0x80, $0x38;
	[tilespmem:$0x1DA00] =	vst v63  }
0x181: {  	s1 =	sadd.s32 $0x70, s0;
	s29 =	sadd.s32 $0x1000, s0;
	s28 =	simm.s32 $0x440  }
.LBB2_9:
0x182: {  	[hbm4b:s1+s4] =	stream.linear.scatter [tilespmem:s31], [sflag:$0x4], $0x80, $0x38;
	[tilespmem:$0x1DA00] =	vst v63  }
0x183: {  	s0 =	smov.u32 s28;
	s1 =	smov.u32 s30  }
0x184: {  	s2 =	sadd.s32 $0x1100, s30;
	s28 =	sshra.s32 s1, $0x2;
	s1 =	sadd.s32 $0x18600, s0  }
0x185: {  	[hbm4b:s29+s4] =	stream.linear.scatter [tilespmem:s1], [sflag:$0x4], $0x80, $0x38;
	[tilespmem:$0x1DA00] =	vst v63  }
0x186: {  	p0 =	sne.s32 s30, $0x7700;
	s30 =	sadd.s32 $0x10, s29;
	s1 =	sadd.s32 $0x18688, s0  }
0x187: {  	[hbm4b:s30+s4] =	stream.linear.scatter [tilespmem:s1], [sflag:$0x4], $0x80, $0x38;
	[tilespmem:$0x1DA00] =	vst v63  }
0x188: {  	s1 =	sadd.s32 $0x18710, s0;
	s30 =	sadd.s32 $0x20, s29  }
0x189: {  	[hbm4b:s30+s4] =	stream.linear.scatter [tilespmem:s1], [sflag:$0x4], $0x80, $0x38;
	[tilespmem:$0x1DA00] =	vst v63  }
0x18a: {  	s1 =	sadd.s32 $0x18798, s0;
	s30 =	sadd.s32 $0x30, s29  }
0x18b: {  	[hbm4b:s30+s4] =	stream.linear.scatter [tilespmem:s1], [sflag:$0x4], $0x80, $0x38;
	[tilespmem:$0x1DA00] =	vst v63  }
0x18c: {  	s1 =	sadd.s32 $0x18820, s0;
	s30 =	sadd.s32 $0x40, s29  }
0x18d: {  	[hbm4b:s30+s4] =	stream.linear.scatter [tilespmem:s1], [sflag:$0x4], $0x80, $0x38;
	[tilespmem:$0x1DA00] =	vst v63  }
.Ltmp3:
0x18e: {  	s1 =	sadd.s32 $0x188A8, s0;
	s30 =	sadd.s32 $0x50, s29;
	(pc) =	sbr.rel @p0 .LBB2_9-.Ltmp3, $4  }
0x18f: {  	[hbm4b:s30+s4] =	stream.linear.scatter [tilespmem:s1], [sflag:$0x4], $0x80, $0x38;
	[tilespmem:$0x1DA00] =	vst v63  }
0x190: {  	s31 =	sadd.s32 $0x189B8, s0;
	s1 =	sadd.s32 $0x18930, s0;
	s30 =	sadd.s32 $0x60, s29  }
0x191: {  	[hbm4b:s30+s4] =	stream.linear.scatter [tilespmem:s1], [sflag:$0x4], $0x80, $0x38;
	[tilespmem:$0x1DA00] =	vst v63  }
0x192: {  	s1 =	sadd.s32 $0x70, s29;
	s29 =	sadd.s32 $0x1000, s29;
	s30 =	smov.u32 s2  }
0x193: {  	[hbm4b:s1+s4] =	stream.linear.scatter [tilespmem:s31], [sflag:$0x4], $0x80, $0x38;
	[tilespmem:$0x1DA00] =	vst v63  }
0x194: {  	s0 =	sadd.s32 $0x18600, s28  }
0x195: {  	[hbm4b:s29+s4] =	stream.linear.scatter [tilespmem:s0], [sflag:$0x4], $0x80, $0x38;
	[tilespmem:$0x1DA00] =	vst v63  }
0x196: {  	s2 =	sadd.s32 $0x18688, s28;
	s31 =	sadd.s32 $0x10, s29  }
0x197: {  	[hbm4b:s31+s4] =	stream.linear.scatter [tilespmem:s2], [sflag:$0x4], $0x80, $0x38;
	[tilespmem:$0x1DA00] =	vst v63  }
0x198: {  	s2 =	sadd.s32 $0x18710, s28;
	s31 =	sadd.s32 $0x20, s29  }
0x199: {  	[hbm4b:s31+s4] =	stream.linear.scatter [tilespmem:s2], [sflag:$0x4], $0x80, $0x38;
	[tilespmem:$0x1DA00] =	vst v63  }
0x19a: {  	s2 =	sadd.s32 $0x18798, s28;
	s31 =	sadd.s32 $0x30, s29  }
0x19b: {  	[hbm4b:s31+s4] =	stream.linear.scatter [tilespmem:s2], [sflag:$0x4], $0x80, $0x38;
	[tilespmem:$0x1DA00] =	vst v63  }
0x19c: {  	s2 =	sadd.s32 $0x18820, s28;
	s31 =	sadd.s32 $0x40, s29  }
0x19d: {  	[hbm4b:s31+s4] =	stream.linear.scatter [tilespmem:s2], [sflag:$0x4], $0x80, $0x38;
	[tilespmem:$0x1DA00] =	vst v63  }
0x19e: {  	s2 =	sadd.s32 $0x188A8, s28;
	s31 =	sadd.s32 $0x50, s29  }
0x19f: {  	[hbm4b:s31+s4] =	stream.linear.scatter [tilespmem:s2], [sflag:$0x4], $0x80, $0x38;
	[tilespmem:$0x1DA00] =	vst v63  }
0x1a0: {  	s2 =	sadd.s32 $0x18930, s28;
	s31 =	sadd.s32 $0x60, s29  }
0x1a1: {  	[hbm4b:s31+s4] =	stream.linear.scatter [tilespmem:s2], [sflag:$0x4], $0x80, $0x38;
	[tilespmem:$0x1DA00] =	vst v63  }
0x1a2: {  	s2 =	sadd.s32 $0x189B8, s28;
	s31 =	sadd.s32 $0x70, s29  }
0x1a3: {  	[hbm4b:s31+s4] =	stream.linear.scatter [tilespmem:s2], [sflag:$0x4], $0x80, $0x38;
	[tilespmem:$0x1DA00] =	vst v63  }
0x1a4: {  	s28 =	sor.u32 $0x2, s26;
	_ =	swait.ge [sflag:s19], $0x2000  }
0x1a5: {  	s2 =	sshll.u32 s28, $0x6;
	[sflag:s19] =	ssyncset.done $0x0  }
0x1a6: {  	s0 =	sand.u32 $0x3FFFFFC0, s2;
	[sflag:s19] =	ssyncadd.s32 $0xFFFFE000  }
0x1a7: {  	s29 =	simm.s32 $0xA400;
	s31 =	simm.s32 $0x0;
	v4 =	vld [tilespmem:s0+$0x1A800]  }
0x1a8: {  	v5 =	vmov s31;
	v7 =	vld [tilespmem:s29+$0x0]  }
0x1a9: {  	v8 =	vand.u32 $0x7C, v5  }
0x1aa: {  	v9 =	vadd.s32 v0, v8;
	_ =	sdelay $0x2  }
0x1ab: {  	v5 =	vld [tilespmem:s0+$0x1A810];
	v10 =	vadd.f32 v7, v4  }
0x1ac: {  	v6 =	vld [tilespmem:s0+$0x1A820]  }
0x1ad: {  	v7 =	vld [tilespmem:s0+$0x1A830];
	[tilespmem:v9+s17+$0x0] =	vst.idx.msk $0xffff, v10  }
0x1ae: {  	v9 =	vld [tilespmem:s29+$0x10];
	_ =	sdelay $0x1  }
0x1af: {  	v10 =	vadd.s32 v1, v8;
	_ =	sdelay $0x2  }
0x1b0: {  	v9 =	vadd.f32 v9, v5;
	_ =	sdelay $0x1  }
0x1b1: {  	[tilespmem:v10+s17+$0x0] =	vst.idx.msk $0xffff, v9  }
0x1b2: {  	v9 =	vld [tilespmem:s29+$0x20];
	_ =	sdelay $0x1  }
0x1b3: {  	v10 =	vadd.s32 v2, v8;
	_ =	sdelay $0x2  }
0x1b4: {  	v9 =	vadd.f32 v9, v6;
	_ =	sdelay $0x1  }
0x1b5: {  	[tilespmem:v10+s17+$0x0] =	vst.idx.msk $0xffff, v9  }
0x1b6: {  	v9 =	vld [tilespmem:s29+$0x30];
	_ =	sdelay $0x1  }
0x1b7: {  	v8 =	vadd.s32 v3, v8;
	_ =	sdelay $0x2  }
0x1b8: {  	v9 =	vadd.f32 v9, v7;
	_ =	sdelay $0x1  }
0x1b9: {  	s1 =	simm.s32 $0x1;
	[tilespmem:v8+s17+$0x0] =	vst.idx.msk $0xffff, v9  }
0x1ba: {  	v8 =	vmov s1;
	v9 =	vld [tilespmem:s29+$0x40]  }
0x1bb: {  	v8 =	vand.u32 $0x7D, v8  }
0x1bc: {  	v10 =	vadd.s32 v0, v8;
	_ =	sdelay $0x2  }
0x1bd: {  	v9 =	vadd.f32 v9, v4;
	_ =	sdelay $0x1  }
0x1be: {  	[tilespmem:v10+s17+$0x0] =	vst.idx.msk $0xffff, v9  }
0x1bf: {  	v9 =	vld [tilespmem:s29+$0x50];
	_ =	sdelay $0x1  }
0x1c0: {  	v10 =	vadd.s32 v1, v8;
	_ =	sdelay $0x2  }
0x1c1: {  	v9 =	vadd.f32 v9, v5;
	_ =	sdelay $0x1  }
0x1c2: {  	[tilespmem:v10+s17+$0x0] =	vst.idx.msk $0xffff, v9  }
0x1c3: {  	v9 =	vld [tilespmem:s29+$0x60];
	_ =	sdelay $0x1  }
0x1c4: {  	v10 =	vadd.s32 v2, v8;
	_ =	sdelay $0x2  }
0x1c5: {  	v9 =	vadd.f32 v9, v6;
	_ =	sdelay $0x1  }
0x1c6: {  	[tilespmem:v10+s17+$0x0] =	vst.idx.msk $0xffff, v9  }
0x1c7: {  	v9 =	vld [tilespmem:s29+$0x70];
	_ =	sdelay $0x1  }
0x1c8: {  	v8 =	vadd.s32 v3, v8;
	_ =	sdelay $0x2  }
0x1c9: {  	v9 =	vadd.f32 v9, v7;
	_ =	sdelay $0x1  }
0x1ca: {  	s2 =	simm.s32 $0x2;
	[tilespmem:v8+s17+$0x0] =	vst.idx.msk $0xffff, v9  }
0x1cb: {  	v8 =	vmov s2;
	v9 =	vld [tilespmem:s29+$0x80]  }
0x1cc: {  	v8 =	vand.u32 $0x7E, v8  }
0x1cd: {  	v10 =	vadd.s32 v0, v8;
	_ =	sdelay $0x2  }
0x1ce: {  	v9 =	vadd.f32 v9, v4;
	_ =	sdelay $0x1  }
0x1cf: {  	[tilespmem:v10+s17+$0x0] =	vst.idx.msk $0xffff, v9  }
0x1d0: {  	v9 =	vld [tilespmem:s29+$0x90];
	_ =	sdelay $0x1  }
0x1d1: {  	v10 =	vadd.s32 v1, v8;
	_ =	sdelay $0x2  }
0x1d2: {  	v9 =	vadd.f32 v9, v5;
	_ =	sdelay $0x1  }
0x1d3: {  	[tilespmem:v10+s17+$0x0] =	vst.idx.msk $0xffff, v9  }
0x1d4: {  	v9 =	vld [tilespmem:s29+$0xA0];
	_ =	sdelay $0x1  }
0x1d5: {  	v10 =	vadd.s32 v2, v8;
	_ =	sdelay $0x2  }
0x1d6: {  	v9 =	vadd.f32 v9, v6;
	_ =	sdelay $0x1  }
0x1d7: {  	[tilespmem:v10+s17+$0x0] =	vst.idx.msk $0xffff, v9  }
0x1d8: {  	v9 =	vld [tilespmem:s29+$0xB0];
	_ =	sdelay $0x1  }
0x1d9: {  	v8 =	vadd.s32 v3, v8;
	_ =	sdelay $0x2  }
0x1da: {  	v9 =	vadd.f32 v9, v7;
	_ =	sdelay $0x1  }
0x1db: {  	s31 =	simm.s32 $0x3;
	[tilespmem:v8+s17+$0x0] =	vst.idx.msk $0xffff, v9  }
0x1dc: {  	v8 =	vmov s31;
	v9 =	vld [tilespmem:s29+$0xC0]  }
0x1dd: {  	v8 =	vand.u32 $0x7F, v8  }
0x1de: {  	v10 =	vadd.s32 v0, v8;
	_ =	sdelay $0x2  }
0x1df: {  	v9 =	vadd.f32 v9, v4;
	_ =	sdelay $0x1  }
0x1e0: {  	[tilespmem:v10+s17+$0x0] =	vst.idx.msk $0xffff, v9  }
0x1e1: {  	v9 =	vld [tilespmem:s29+$0xD0];
	_ =	sdelay $0x1  }
0x1e2: {  	v10 =	vadd.s32 v1, v8;
	_ =	sdelay $0x2  }
0x1e3: {  	v9 =	vadd.f32 v9, v5;
	_ =	sdelay $0x1  }
0x1e4: {  	[tilespmem:v10+s17+$0x0] =	vst.idx.msk $0xffff, v9  }
0x1e5: {  	v9 =	vld [tilespmem:s29+$0xE0];
	_ =	sdelay $0x1  }
0x1e6: {  	v10 =	vadd.s32 v2, v8;
	_ =	sdelay $0x2  }
0x1e7: {  	v9 =	vadd.f32 v9, v6;
	_ =	sdelay $0x1  }
0x1e8: {  	[tilespmem:v10+s17+$0x0] =	vst.idx.msk $0xffff, v9  }
0x1e9: {  	v9 =	vld [tilespmem:s29+$0xF0];
	_ =	sdelay $0x1  }
0x1ea: {  	v8 =	vadd.s32 v3, v8;
	_ =	sdelay $0x2  }
0x1eb: {  	s30 =	simm.s32 $0x4;
	v9 =	vadd.f32 v9, v7  }
.LBB2_11:
0x1ec: {  	p0 =	slt.u32 s30, $0x7C  }
0x1ed: {  	s29 =	sadd.s32 $0x100, s29;
	s31 =	smov.u32 s30;
	s30 =	sadd.s32 $0x4, s30;
	[tilespmem:v8+s17+$0x0] =	vst.idx.msk $0xffff, v9  }
0x1ee: {  	v8 =	vmov s31;
	v9 =	vld [tilespmem:s29+$0x0]  }
0x1ef: {  	v8 =	vand.u32 $0x7C, v8  }
0x1f0: {  	v10 =	vadd.s32 v0, v8;
	_ =	sdelay $0x2  }
0x1f1: {  	v9 =	vadd.f32 v9, v4;
	_ =	sdelay $0x1  }
0x1f2: {  	[tilespmem:v10+s17+$0x0] =	vst.idx.msk $0xffff, v9  }
0x1f3: {  	v9 =	vld [tilespmem:s29+$0x10];
	_ =	sdelay $0x1  }
0x1f4: {  	v10 =	vadd.s32 v1, v8;
	_ =	sdelay $0x2  }
0x1f5: {  	v9 =	vadd.f32 v9, v5;
	_ =	sdelay $0x1  }
0x1f6: {  	[tilespmem:v10+s17+$0x0] =	vst.idx.msk $0xffff, v9  }
0x1f7: {  	v9 =	vld [tilespmem:s29+$0x20];
	_ =	sdelay $0x1  }
0x1f8: {  	v10 =	vadd.s32 v2, v8;
	_ =	sdelay $0x2  }
0x1f9: {  	v9 =	vadd.f32 v9, v6;
	_ =	sdelay $0x1  }
0x1fa: {  	[tilespmem:v10+s17+$0x0] =	vst.idx.msk $0xffff, v9  }
0x1fb: {  	v9 =	vld [tilespmem:s29+$0x30];
	_ =	sdelay $0x1  }
0x1fc: {  	v8 =	vadd.s32 v3, v8;
	_ =	sdelay $0x2  }
0x1fd: {  	v9 =	vadd.f32 v9, v7;
	_ =	sdelay $0x1  }
0x1fe: {  	s0 =	sadd.s32 $0x1, s31;
	[tilespmem:v8+s17+$0x0] =	vst.idx.msk $0xffff, v9  }
0x1ff: {  	v8 =	vmov s0;
	v9 =	vld [tilespmem:s29+$0x40]  }
0x200: {  	v8 =	vand.u32 $0x7D, v8  }
0x201: {  	v10 =	vadd.s32 v0, v8;
	_ =	sdelay $0x2  }
0x202: {  	v9 =	vadd.f32 v9, v4;
	_ =	sdelay $0x1  }
0x203: {  	[tilespmem:v10+s17+$0x0] =	vst.idx.msk $0xffff, v9  }
0x204: {  	v9 =	vld [tilespmem:s29+$0x50];
	_ =	sdelay $0x1  }
0x205: {  	v10 =	vadd.s32 v1, v8;
	_ =	sdelay $0x2  }
0x206: {  	v9 =	vadd.f32 v9, v5;
	_ =	sdelay $0x1  }
0x207: {  	[tilespmem:v10+s17+$0x0] =	vst.idx.msk $0xffff, v9  }
0x208: {  	v9 =	vld [tilespmem:s29+$0x60];
	_ =	sdelay $0x1  }
0x209: {  	v10 =	vadd.s32 v2, v8;
	_ =	sdelay $0x2  }
0x20a: {  	v9 =	vadd.f32 v9, v6;
	_ =	sdelay $0x1  }
0x20b: {  	[tilespmem:v10+s17+$0x0] =	vst.idx.msk $0xffff, v9  }
0x20c: {  	v9 =	vld [tilespmem:s29+$0x70];
	_ =	sdelay $0x1  }
0x20d: {  	v8 =	vadd.s32 v3, v8;
	_ =	sdelay $0x2  }
0x20e: {  	v9 =	vadd.f32 v9, v7;
	_ =	sdelay $0x1  }
0x20f: {  	s0 =	sadd.s32 $0x2, s31;
	[tilespmem:v8+s17+$0x0] =	vst.idx.msk $0xffff, v9  }
0x210: {  	v8 =	vmov s0;
	v9 =	vld [tilespmem:s29+$0x80]  }
0x211: {  	v8 =	vand.u32 $0x7E, v8  }
0x212: {  	v10 =	vadd.s32 v0, v8;
	_ =	sdelay $0x2  }
0x213: {  	v9 =	vadd.f32 v9, v4;
	_ =	sdelay $0x1  }
0x214: {  	[tilespmem:v10+s17+$0x0] =	vst.idx.msk $0xffff, v9  }
0x215: {  	v9 =	vld [tilespmem:s29+$0x90];
	_ =	sdelay $0x1  }
0x216: {  	v10 =	vadd.s32 v1, v8;
	_ =	sdelay $0x2  }
0x217: {  	v9 =	vadd.f32 v9, v5;
	_ =	sdelay $0x1  }
0x218: {  	[tilespmem:v10+s17+$0x0] =	vst.idx.msk $0xffff, v9  }
0x219: {  	v9 =	vld [tilespmem:s29+$0xA0];
	_ =	sdelay $0x1  }
0x21a: {  	v10 =	vadd.s32 v2, v8;
	_ =	sdelay $0x2  }
0x21b: {  	v9 =	vadd.f32 v9, v6;
	_ =	sdelay $0x1  }
0x21c: {  	[tilespmem:v10+s17+$0x0] =	vst.idx.msk $0xffff, v9  }
0x21d: {  	v9 =	vld [tilespmem:s29+$0xB0];
	_ =	sdelay $0x1  }
0x21e: {  	v8 =	vadd.s32 v3, v8;
	_ =	sdelay $0x2  }
0x21f: {  	v9 =	vadd.f32 v9, v7;
	_ =	sdelay $0x1  }
0x220: {  	s0 =	sadd.s32 $0x3, s31;
	[tilespmem:v8+s17+$0x0] =	vst.idx.msk $0xffff, v9  }
0x221: {  	v8 =	vmov s0;
	v9 =	vld [tilespmem:s29+$0xC0]  }
0x222: {  	v8 =	vand.u32 $0x7F, v8  }
0x223: {  	v10 =	vadd.s32 v0, v8;
	_ =	sdelay $0x2  }
0x224: {  	v9 =	vadd.f32 v9, v4;
	_ =	sdelay $0x1  }
0x225: {  	[tilespmem:v10+s17+$0x0] =	vst.idx.msk $0xffff, v9  }
0x226: {  	v9 =	vld [tilespmem:s29+$0xD0];
	_ =	sdelay $0x1  }
0x227: {  	v10 =	vadd.s32 v1, v8;
	_ =	sdelay $0x2  }
0x228: {  	v9 =	vadd.f32 v9, v5;
	_ =	sdelay $0x1  }
0x229: {  	[tilespmem:v10+s17+$0x0] =	vst.idx.msk $0xffff, v9  }
0x22a: {  	v9 =	vld [tilespmem:s29+$0xE0];
	_ =	sdelay $0x1  }
0x22b: {  	v10 =	vadd.s32 v2, v8;
	_ =	sdelay $0x2  }
0x22c: {  	v9 =	vadd.f32 v9, v6;
	_ =	sdelay $0x1  }
0x22d: {  	[tilespmem:v10+s17+$0x0] =	vst.idx.msk $0xffff, v9  }
0x22e: {  	v9 =	vld [tilespmem:s29+$0xF0]  }
.Ltmp4:
0x22f: {  	(pc) =	sbr.rel @p0 .LBB2_11-.Ltmp4, $2  }
0x230: {  	v8 =	vadd.s32 v3, v8;
	_ =	sdelay $0x2  }
0x231: {  	v9 =	vadd.f32 v9, v7  }
0x232: {  	_ = 	snop  }
0x233: {  	s0 =	sshll.u32 s28, $0x12  }
0x234: {  	s0 =	sor.u32 s5, s0  }
0x235: {  	s0 =	sshrl.u32 s0, $0x3  }
0x236: {  	s1 =	simm.s32 $0x16400;
	[tilespmem:v8+s17+$0x0] =	vst.idx.msk $0xffff, v9;
	s0 =	sadd.s32 s3, s0  }
0x237: {  	[hbm4b:s0+s4] =	stream.linear.scatter [tilespmem:s1], [sflag:$0x3], $0x80, $0x38;
	[tilespmem:$0x1DA00] =	vst v63  }
0x238: {  	s1 =	simm.s32 $0x16488;
	s2 =	sadd.s32 $0x10, s0  }
0x239: {  	[hbm4b:s2+s4] =	stream.linear.scatter [tilespmem:s1], [sflag:$0x3], $0x80, $0x38;
	[tilespmem:$0x1DA00] =	vst v63  }
0x23a: {  	s1 =	simm.s32 $0x16510;
	s2 =	sadd.s32 $0x20, s0  }
0x23b: {  	[hbm4b:s2+s4] =	stream.linear.scatter [tilespmem:s1], [sflag:$0x3], $0x80, $0x38;
	[tilespmem:$0x1DA00] =	vst v63  }
0x23c: {  	s1 =	simm.s32 $0x16598;
	s2 =	sadd.s32 $0x30, s0  }
0x23d: {  	[hbm4b:s2+s4] =	stream.linear.scatter [tilespmem:s1], [sflag:$0x3], $0x80, $0x38;
	[tilespmem:$0x1DA00] =	vst v63  }
0x23e: {  	s1 =	simm.s32 $0x16620;
	s2 =	sadd.s32 $0x40, s0  }
0x23f: {  	[hbm4b:s2+s4] =	stream.linear.scatter [tilespmem:s1], [sflag:$0x3], $0x80, $0x38;
	[tilespmem:$0x1DA00] =	vst v63  }
0x240: {  	s28 =	simm.s32 $0x440;
	s1 =	simm.s32 $0x166A8;
	s2 =	sadd.s32 $0x50, s0  }
0x241: {  	[hbm4b:s2+s4] =	stream.linear.scatter [tilespmem:s1], [sflag:$0x3], $0x80, $0x38;
	[tilespmem:$0x1DA00] =	vst v63  }
0x242: {  	s30 =	simm.s32 $0x2200;
	s1 =	simm.s32 $0x16730;
	s2 =	sadd.s32 $0x60, s0  }
0x243: {  	[hbm4b:s2+s4] =	stream.linear.scatter [tilespmem:s1], [sflag:$0x3], $0x80, $0x38;
	[tilespmem:$0x1DA00] =	vst v63  }
0x244: {  	s31 =	simm.s32 $0x167B8;
	s29 =	sadd.s32 $0x1000, s0;
	s1 =	sadd.s32 $0x70, s0  }
.LBB2_13:
0x245: {  	[hbm4b:s1+s4] =	stream.linear.scatter [tilespmem:s31], [sflag:$0x3], $0x80, $0x38;
	[tilespmem:$0x1DA00] =	vst v63  }
0x246: {  	s0 =	smov.u32 s28;
	s1 =	smov.u32 s30  }
0x247: {  	s2 =	sadd.s32 $0x1100, s30;
	s28 =	sshra.s32 s1, $0x2;
	s1 =	sadd.s32 $0x16400, s0  }
0x248: {  	[hbm4b:s29+s4] =	stream.linear.scatter [tilespmem:s1], [sflag:$0x3], $0x80, $0x38;
	[tilespmem:$0x1DA00] =	vst v63  }
0x249: {  	p0 =	sne.s32 s30, $0x7700;
	s30 =	sadd.s32 $0x10, s29;
	s1 =	sadd.s32 $0x16488, s0  }
0x24a: {  	[hbm4b:s30+s4] =	stream.linear.scatter [tilespmem:s1], [sflag:$0x3], $0x80, $0x38;
	[tilespmem:$0x1DA00] =	vst v63  }
0x24b: {  	s1 =	sadd.s32 $0x16510, s0;
	s30 =	sadd.s32 $0x20, s29  }
0x24c: {  	[hbm4b:s30+s4] =	stream.linear.scatter [tilespmem:s1], [sflag:$0x3], $0x80, $0x38;
	[tilespmem:$0x1DA00] =	vst v63  }
0x24d: {  	s1 =	sadd.s32 $0x16598, s0;
	s30 =	sadd.s32 $0x30, s29  }
0x24e: {  	[hbm4b:s30+s4] =	stream.linear.scatter [tilespmem:s1], [sflag:$0x3], $0x80, $0x38;
	[tilespmem:$0x1DA00] =	vst v63  }
0x24f: {  	s1 =	sadd.s32 $0x16620, s0;
	s30 =	sadd.s32 $0x40, s29  }
0x250: {  	[hbm4b:s30+s4] =	stream.linear.scatter [tilespmem:s1], [sflag:$0x3], $0x80, $0x38;
	[tilespmem:$0x1DA00] =	vst v63  }
.Ltmp5:
0x251: {  	s1 =	sadd.s32 $0x166A8, s0;
	s30 =	sadd.s32 $0x50, s29;
	(pc) =	sbr.rel @p0 .LBB2_13-.Ltmp5, $4  }
0x252: {  	[hbm4b:s30+s4] =	stream.linear.scatter [tilespmem:s1], [sflag:$0x3], $0x80, $0x38;
	[tilespmem:$0x1DA00] =	vst v63  }
0x253: {  	s31 =	sadd.s32 $0x167B8, s0;
	s1 =	sadd.s32 $0x16730, s0;
	s30 =	sadd.s32 $0x60, s29  }
0x254: {  	[hbm4b:s30+s4] =	stream.linear.scatter [tilespmem:s1], [sflag:$0x3], $0x80, $0x38;
	[tilespmem:$0x1DA00] =	vst v63  }
0x255: {  	s1 =	sadd.s32 $0x70, s29;
	s29 =	sadd.s32 $0x1000, s29;
	s30 =	smov.u32 s2  }
0x256: {  	[hbm4b:s1+s4] =	stream.linear.scatter [tilespmem:s31], [sflag:$0x3], $0x80, $0x38;
	[tilespmem:$0x1DA00] =	vst v63  }
0x257: {  	s0 =	sadd.s32 $0x16400, s28  }
0x258: {  	[hbm4b:s29+s4] =	stream.linear.scatter [tilespmem:s0], [sflag:$0x3], $0x80, $0x38;
	[tilespmem:$0x1DA00] =	vst v63  }
0x259: {  	s1 =	sadd.s32 $0x16488, s28;
	s2 =	sadd.s32 $0x10, s29  }
0x25a: {  	[hbm4b:s2+s4] =	stream.linear.scatter [tilespmem:s1], [sflag:$0x3], $0x80, $0x38;
	[tilespmem:$0x1DA00] =	vst v63  }
0x25b: {  	s30 =	sadd.s32 $0x16510, s28;
	s31 =	sadd.s32 $0x20, s29  }
0x25c: {  	[hbm4b:s31+s4] =	stream.linear.scatter [tilespmem:s30], [sflag:$0x3], $0x80, $0x38;
	[tilespmem:$0x1DA00] =	vst v63  }
0x25d: {  	s1 =	sadd.s32 $0x16598, s28;
	s2 =	sadd.s32 $0x30, s29  }
0x25e: {  	[hbm4b:s2+s4] =	stream.linear.scatter [tilespmem:s1], [sflag:$0x3], $0x80, $0x38;
	[tilespmem:$0x1DA00] =	vst v63  }
0x25f: {  	s30 =	sadd.s32 $0x16620, s28;
	s31 =	sadd.s32 $0x40, s29  }
0x260: {  	[hbm4b:s31+s4] =	stream.linear.scatter [tilespmem:s30], [sflag:$0x3], $0x80, $0x38;
	[tilespmem:$0x1DA00] =	vst v63  }
0x261: {  	s1 =	sadd.s32 $0x166A8, s28;
	s2 =	sadd.s32 $0x50, s29  }
0x262: {  	[hbm4b:s2+s4] =	stream.linear.scatter [tilespmem:s1], [sflag:$0x3], $0x80, $0x38;
	[tilespmem:$0x1DA00] =	vst v63  }
0x263: {  	s30 =	sadd.s32 $0x16730, s28;
	s31 =	sadd.s32 $0x60, s29  }
0x264: {  	[hbm4b:s31+s4] =	stream.linear.scatter [tilespmem:s30], [sflag:$0x3], $0x80, $0x38;
	[tilespmem:$0x1DA00] =	vst v63  }
0x265: {  	s1 =	sadd.s32 $0x167B8, s28;
	s2 =	sadd.s32 $0x70, s29  }
0x266: {  	[hbm4b:s2+s4] =	stream.linear.scatter [tilespmem:s1], [sflag:$0x3], $0x80, $0x38;
	[tilespmem:$0x1DA00] =	vst v63  }
0x267: {  	s26 =	sor.u32 $0x3, s26;
	_ =	swait.ge [sflag:s20], $0x2000  }
0x268: {  	s30 =	sshll.u32 s26, $0x6;
	[sflag:s20] =	ssyncset.done $0x0  }
0x269: {  	s0 =	sand.u32 $0x3FFFFFC0, s30;
	[sflag:s20] =	ssyncadd.s32 $0xFFFFE000  }
0x26a: {  	s28 =	simm.s32 $0xC400;
	s31 =	simm.s32 $0x0;
	v4 =	vld [tilespmem:s0+$0x1A800]  }
0x26b: {  	v5 =	vmov s31;
	v7 =	vld [tilespmem:s28+$0x0]  }
0x26c: {  	v8 =	vand.u32 $0x7C, v5  }
0x26d: {  	v9 =	vadd.s32 v0, v8;
	_ =	sdelay $0x2  }
0x26e: {  	v5 =	vld [tilespmem:s0+$0x1A810];
	v10 =	vadd.f32 v7, v4  }
0x26f: {  	v6 =	vld [tilespmem:s0+$0x1A820]  }
0x270: {  	v7 =	vld [tilespmem:s0+$0x1A830];
	[tilespmem:v9+s18+$0x0] =	vst.idx.msk $0xffff, v10  }
0x271: {  	v9 =	vld [tilespmem:s28+$0x10];
	_ =	sdelay $0x1  }
0x272: {  	v10 =	vadd.s32 v1, v8;
	_ =	sdelay $0x2  }
0x273: {  	v9 =	vadd.f32 v9, v5;
	_ =	sdelay $0x1  }
0x274: {  	[tilespmem:v10+s18+$0x0] =	vst.idx.msk $0xffff, v9  }
0x275: {  	v9 =	vld [tilespmem:s28+$0x20];
	_ =	sdelay $0x1  }
0x276: {  	v10 =	vadd.s32 v2, v8;
	_ =	sdelay $0x2  }
0x277: {  	v9 =	vadd.f32 v9, v6;
	_ =	sdelay $0x1  }
0x278: {  	[tilespmem:v10+s18+$0x0] =	vst.idx.msk $0xffff, v9  }
0x279: {  	v9 =	vld [tilespmem:s28+$0x30];
	_ =	sdelay $0x1  }
0x27a: {  	v8 =	vadd.s32 v3, v8;
	_ =	sdelay $0x2  }
0x27b: {  	v9 =	vadd.f32 v9, v7;
	_ =	sdelay $0x1  }
0x27c: {  	s2 =	simm.s32 $0x1;
	[tilespmem:v8+s18+$0x0] =	vst.idx.msk $0xffff, v9  }
0x27d: {  	v8 =	vmov s2;
	v9 =	vld [tilespmem:s28+$0x40]  }
0x27e: {  	v8 =	vand.u32 $0x7D, v8  }
0x27f: {  	v10 =	vadd.s32 v0, v8;
	_ =	sdelay $0x2  }
0x280: {  	v9 =	vadd.f32 v9, v4;
	_ =	sdelay $0x1  }
0x281: {  	[tilespmem:v10+s18+$0x0] =	vst.idx.msk $0xffff, v9  }
0x282: {  	v9 =	vld [tilespmem:s28+$0x50];
	_ =	sdelay $0x1  }
0x283: {  	v10 =	vadd.s32 v1, v8;
	_ =	sdelay $0x2  }
0x284: {  	v9 =	vadd.f32 v9, v5;
	_ =	sdelay $0x1  }
0x285: {  	[tilespmem:v10+s18+$0x0] =	vst.idx.msk $0xffff, v9  }
0x286: {  	v9 =	vld [tilespmem:s28+$0x60];
	_ =	sdelay $0x1  }
0x287: {  	v10 =	vadd.s32 v2, v8;
	_ =	sdelay $0x2  }
0x288: {  	v9 =	vadd.f32 v9, v6;
	_ =	sdelay $0x1  }
0x289: {  	[tilespmem:v10+s18+$0x0] =	vst.idx.msk $0xffff, v9  }
0x28a: {  	v9 =	vld [tilespmem:s28+$0x70];
	_ =	sdelay $0x1  }
0x28b: {  	v8 =	vadd.s32 v3, v8;
	_ =	sdelay $0x2  }
0x28c: {  	v9 =	vadd.f32 v9, v7;
	_ =	sdelay $0x1  }
0x28d: {  	s30 =	simm.s32 $0x2;
	[tilespmem:v8+s18+$0x0] =	vst.idx.msk $0xffff, v9  }
0x28e: {  	v8 =	vmov s30;
	v9 =	vld [tilespmem:s28+$0x80]  }
0x28f: {  	v8 =	vand.u32 $0x7E, v8  }
0x290: {  	v10 =	vadd.s32 v0, v8;
	_ =	sdelay $0x2  }
0x291: {  	v9 =	vadd.f32 v9, v4;
	_ =	sdelay $0x1  }
0x292: {  	[tilespmem:v10+s18+$0x0] =	vst.idx.msk $0xffff, v9  }
0x293: {  	v9 =	vld [tilespmem:s28+$0x90];
	_ =	sdelay $0x1  }
0x294: {  	v10 =	vadd.s32 v1, v8;
	_ =	sdelay $0x2  }
0x295: {  	v9 =	vadd.f32 v9, v5;
	_ =	sdelay $0x1  }
0x296: {  	[tilespmem:v10+s18+$0x0] =	vst.idx.msk $0xffff, v9  }
0x297: {  	v9 =	vld [tilespmem:s28+$0xA0];
	_ =	sdelay $0x1  }
0x298: {  	v10 =	vadd.s32 v2, v8;
	_ =	sdelay $0x2  }
0x299: {  	v9 =	vadd.f32 v9, v6;
	_ =	sdelay $0x1  }
0x29a: {  	[tilespmem:v10+s18+$0x0] =	vst.idx.msk $0xffff, v9  }
0x29b: {  	v9 =	vld [tilespmem:s28+$0xB0];
	_ =	sdelay $0x1  }
0x29c: {  	v8 =	vadd.s32 v3, v8;
	_ =	sdelay $0x2  }
0x29d: {  	v9 =	vadd.f32 v9, v7;
	_ =	sdelay $0x1  }
0x29e: {  	s31 =	simm.s32 $0x3;
	[tilespmem:v8+s18+$0x0] =	vst.idx.msk $0xffff, v9  }
0x29f: {  	v8 =	vmov s31;
	v9 =	vld [tilespmem:s28+$0xC0]  }
0x2a0: {  	v8 =	vand.u32 $0x7F, v8  }
0x2a1: {  	v10 =	vadd.s32 v0, v8;
	_ =	sdelay $0x2  }
0x2a2: {  	v9 =	vadd.f32 v9, v4;
	_ =	sdelay $0x1  }
0x2a3: {  	[tilespmem:v10+s18+$0x0] =	vst.idx.msk $0xffff, v9  }
0x2a4: {  	v9 =	vld [tilespmem:s28+$0xD0];
	_ =	sdelay $0x1  }
0x2a5: {  	v10 =	vadd.s32 v1, v8;
	_ =	sdelay $0x2  }
0x2a6: {  	v9 =	vadd.f32 v9, v5;
	_ =	sdelay $0x1  }
0x2a7: {  	[tilespmem:v10+s18+$0x0] =	vst.idx.msk $0xffff, v9  }
0x2a8: {  	v9 =	vld [tilespmem:s28+$0xE0];
	_ =	sdelay $0x1  }
0x2a9: {  	v10 =	vadd.s32 v2, v8;
	_ =	sdelay $0x2  }
0x2aa: {  	v9 =	vadd.f32 v9, v6;
	_ =	sdelay $0x1  }
0x2ab: {  	[tilespmem:v10+s18+$0x0] =	vst.idx.msk $0xffff, v9  }
0x2ac: {  	v9 =	vld [tilespmem:s28+$0xF0];
	_ =	sdelay $0x1  }
0x2ad: {  	v8 =	vadd.s32 v3, v8;
	_ =	sdelay $0x2  }
0x2ae: {  	s29 =	simm.s32 $0x4;
	v9 =	vadd.f32 v9, v7  }
.LBB2_15:
0x2af: {  	p0 =	slt.u32 s29, $0x7C  }
0x2b0: {  	s28 =	sadd.s32 $0x100, s28;
	s30 =	smov.u32 s29;
	s29 =	sadd.s32 $0x4, s29;
	[tilespmem:v8+s18+$0x0] =	vst.idx.msk $0xffff, v9  }
0x2b1: {  	v8 =	vmov s30;
	v9 =	vld [tilespmem:s28+$0x0]  }
0x2b2: {  	v8 =	vand.u32 $0x7C, v8  }
0x2b3: {  	v10 =	vadd.s32 v0, v8;
	_ =	sdelay $0x2  }
0x2b4: {  	v9 =	vadd.f32 v9, v4;
	_ =	sdelay $0x1  }
0x2b5: {  	[tilespmem:v10+s18+$0x0] =	vst.idx.msk $0xffff, v9  }
0x2b6: {  	v9 =	vld [tilespmem:s28+$0x10];
	_ =	sdelay $0x1  }
0x2b7: {  	v10 =	vadd.s32 v1, v8;
	_ =	sdelay $0x2  }
0x2b8: {  	v9 =	vadd.f32 v9, v5;
	_ =	sdelay $0x1  }
0x2b9: {  	[tilespmem:v10+s18+$0x0] =	vst.idx.msk $0xffff, v9  }
0x2ba: {  	v9 =	vld [tilespmem:s28+$0x20];
	_ =	sdelay $0x1  }
0x2bb: {  	v10 =	vadd.s32 v2, v8;
	_ =	sdelay $0x2  }
0x2bc: {  	v9 =	vadd.f32 v9, v6;
	_ =	sdelay $0x1  }
0x2bd: {  	[tilespmem:v10+s18+$0x0] =	vst.idx.msk $0xffff, v9  }
0x2be: {  	v9 =	vld [tilespmem:s28+$0x30];
	_ =	sdelay $0x1  }
0x2bf: {  	v8 =	vadd.s32 v3, v8;
	_ =	sdelay $0x2  }
0x2c0: {  	v9 =	vadd.f32 v9, v7;
	_ =	sdelay $0x1  }
0x2c1: {  	s0 =	sadd.s32 $0x1, s30;
	[tilespmem:v8+s18+$0x0] =	vst.idx.msk $0xffff, v9  }
0x2c2: {  	v8 =	vmov s0;
	v9 =	vld [tilespmem:s28+$0x40]  }
0x2c3: {  	v8 =	vand.u32 $0x7D, v8  }
0x2c4: {  	v10 =	vadd.s32 v0, v8;
	_ =	sdelay $0x2  }
0x2c5: {  	v9 =	vadd.f32 v9, v4;
	_ =	sdelay $0x1  }
0x2c6: {  	[tilespmem:v10+s18+$0x0] =	vst.idx.msk $0xffff, v9  }
0x2c7: {  	v9 =	vld [tilespmem:s28+$0x50];
	_ =	sdelay $0x1  }
0x2c8: {  	v10 =	vadd.s32 v1, v8;
	_ =	sdelay $0x2  }
0x2c9: {  	v9 =	vadd.f32 v9, v5;
	_ =	sdelay $0x1  }
0x2ca: {  	[tilespmem:v10+s18+$0x0] =	vst.idx.msk $0xffff, v9  }
0x2cb: {  	v9 =	vld [tilespmem:s28+$0x60];
	_ =	sdelay $0x1  }
0x2cc: {  	v10 =	vadd.s32 v2, v8;
	_ =	sdelay $0x2  }
0x2cd: {  	v9 =	vadd.f32 v9, v6;
	_ =	sdelay $0x1  }
0x2ce: {  	[tilespmem:v10+s18+$0x0] =	vst.idx.msk $0xffff, v9  }
0x2cf: {  	v9 =	vld [tilespmem:s28+$0x70];
	_ =	sdelay $0x1  }
0x2d0: {  	v8 =	vadd.s32 v3, v8;
	_ =	sdelay $0x2  }
0x2d1: {  	v9 =	vadd.f32 v9, v7;
	_ =	sdelay $0x1  }
0x2d2: {  	s0 =	sadd.s32 $0x2, s30;
	[tilespmem:v8+s18+$0x0] =	vst.idx.msk $0xffff, v9  }
0x2d3: {  	v8 =	vmov s0;
	v9 =	vld [tilespmem:s28+$0x80]  }
0x2d4: {  	v8 =	vand.u32 $0x7E, v8  }
0x2d5: {  	v10 =	vadd.s32 v0, v8;
	_ =	sdelay $0x2  }
0x2d6: {  	v9 =	vadd.f32 v9, v4;
	_ =	sdelay $0x1  }
0x2d7: {  	[tilespmem:v10+s18+$0x0] =	vst.idx.msk $0xffff, v9  }
0x2d8: {  	v9 =	vld [tilespmem:s28+$0x90];
	_ =	sdelay $0x1  }
0x2d9: {  	v10 =	vadd.s32 v1, v8;
	_ =	sdelay $0x2  }
0x2da: {  	v9 =	vadd.f32 v9, v5;
	_ =	sdelay $0x1  }
0x2db: {  	[tilespmem:v10+s18+$0x0] =	vst.idx.msk $0xffff, v9  }
0x2dc: {  	v9 =	vld [tilespmem:s28+$0xA0];
	_ =	sdelay $0x1  }
0x2dd: {  	v10 =	vadd.s32 v2, v8;
	_ =	sdelay $0x2  }
0x2de: {  	v9 =	vadd.f32 v9, v6;
	_ =	sdelay $0x1  }
0x2df: {  	[tilespmem:v10+s18+$0x0] =	vst.idx.msk $0xffff, v9  }
0x2e0: {  	v9 =	vld [tilespmem:s28+$0xB0];
	_ =	sdelay $0x1  }
0x2e1: {  	v8 =	vadd.s32 v3, v8;
	_ =	sdelay $0x2  }
0x2e2: {  	v9 =	vadd.f32 v9, v7;
	_ =	sdelay $0x1  }
0x2e3: {  	s0 =	sadd.s32 $0x3, s30;
	[tilespmem:v8+s18+$0x0] =	vst.idx.msk $0xffff, v9  }
0x2e4: {  	v8 =	vmov s0;
	v9 =	vld [tilespmem:s28+$0xC0]  }
0x2e5: {  	v8 =	vand.u32 $0x7F, v8  }
0x2e6: {  	v10 =	vadd.s32 v0, v8;
	_ =	sdelay $0x2  }
0x2e7: {  	v9 =	vadd.f32 v9, v4;
	_ =	sdelay $0x1  }
0x2e8: {  	[tilespmem:v10+s18+$0x0] =	vst.idx.msk $0xffff, v9  }
0x2e9: {  	v9 =	vld [tilespmem:s28+$0xD0];
	_ =	sdelay $0x1  }
0x2ea: {  	v10 =	vadd.s32 v1, v8;
	_ =	sdelay $0x2  }
0x2eb: {  	v9 =	vadd.f32 v9, v5;
	_ =	sdelay $0x1  }
0x2ec: {  	[tilespmem:v10+s18+$0x0] =	vst.idx.msk $0xffff, v9  }
0x2ed: {  	v9 =	vld [tilespmem:s28+$0xE0];
	_ =	sdelay $0x1  }
0x2ee: {  	v10 =	vadd.s32 v2, v8;
	_ =	sdelay $0x2  }
0x2ef: {  	v9 =	vadd.f32 v9, v6;
	_ =	sdelay $0x1  }
0x2f0: {  	[tilespmem:v10+s18+$0x0] =	vst.idx.msk $0xffff, v9  }
0x2f1: {  	v9 =	vld [tilespmem:s28+$0xF0]  }
.Ltmp6:
0x2f2: {  	(pc) =	sbr.rel @p0 .LBB2_15-.Ltmp6, $2  }
0x2f3: {  	v8 =	vadd.s32 v3, v8;
	_ =	sdelay $0x2  }
0x2f4: {  	v9 =	vadd.f32 v9, v7  }
0x2f5: {  	_ = 	snop  }
0x2f6: {  	s0 =	sshll.u32 s26, $0x12  }
0x2f7: {  	s0 =	sor.u32 s5, s0  }
0x2f8: {  	s0 =	sshrl.u32 s0, $0x3  }
0x2f9: {  	s1 =	simm.s32 $0x18600;
	[tilespmem:v8+s18+$0x0] =	vst.idx.msk $0xffff, v9;
	s0 =	sadd.s32 s3, s0  }
0x2fa: {  	[hbm4b:s0+s4] =	stream.linear.scatter [tilespmem:s1], [sflag:$0x4], $0x80, $0x38;
	[tilespmem:$0x1DA00] =	vst v63  }
0x2fb: {  	s31 =	simm.s32 $0x18688;
	s2 =	sadd.s32 $0x10, s0  }
0x2fc: {  	[hbm4b:s2+s4] =	stream.linear.scatter [tilespmem:s31], [sflag:$0x4], $0x80, $0x38;
	[tilespmem:$0x1DA00] =	vst v63  }
0x2fd: {  	s26 =	simm.s32 $0x18710;
	s31 =	sadd.s32 $0x20, s0  }
0x2fe: {  	[hbm4b:s31+s4] =	stream.linear.scatter [tilespmem:s26], [sflag:$0x4], $0x80, $0x38;
	[tilespmem:$0x1DA00] =	vst v63  }
0x2ff: {  	s26 =	simm.s32 $0x18798;
	s31 =	sadd.s32 $0x30, s0  }
0x300: {  	[hbm4b:s31+s4] =	stream.linear.scatter [tilespmem:s26], [sflag:$0x4], $0x80, $0x38;
	[tilespmem:$0x1DA00] =	vst v63  }
0x301: {  	s26 =	simm.s32 $0x18820;
	s31 =	sadd.s32 $0x40, s0  }
0x302: {  	[hbm4b:s31+s4] =	stream.linear.scatter [tilespmem:s26], [sflag:$0x4], $0x80, $0x38;
	[tilespmem:$0x1DA00] =	vst v63  }
0x303: {  	s29 =	simm.s32 $0x2200;
	s26 =	simm.s32 $0x188A8;
	s31 =	sadd.s32 $0x50, s0  }
0x304: {  	[hbm4b:s31+s4] =	stream.linear.scatter [tilespmem:s26], [sflag:$0x4], $0x80, $0x38;
	[tilespmem:$0x1DA00] =	vst v63  }
0x305: {  	s30 =	simm.s32 $0x189B8;
	s26 =	simm.s32 $0x18930;
	s31 =	sadd.s32 $0x60, s0  }
0x306: {  	[hbm4b:s31+s4] =	stream.linear.scatter [tilespmem:s26], [sflag:$0x4], $0x80, $0x38;
	[tilespmem:$0x1DA00] =	vst v63  }
0x307: {  	s1 =	sadd.s32 $0x70, s0;
	s28 =	sadd.s32 $0x1000, s0;
	s26 =	simm.s32 $0x440  }
.LBB2_17:
0x308: {  	[hbm4b:s1+s4] =	stream.linear.scatter [tilespmem:s30], [sflag:$0x4], $0x80, $0x38;
	[tilespmem:$0x1DA00] =	vst v63  }
0x309: {  	s0 =	smov.u32 s26;
	s1 =	smov.u32 s29  }
0x30a: {  	s2 =	sadd.s32 $0x1100, s29;
	s26 =	sshra.s32 s1, $0x2;
	s1 =	sadd.s32 $0x18600, s0  }
0x30b: {  	[hbm4b:s28+s4] =	stream.linear.scatter [tilespmem:s1], [sflag:$0x4], $0x80, $0x38;
	[tilespmem:$0x1DA00] =	vst v63  }
0x30c: {  	p0 =	sne.s32 s29, $0x7700;
	s29 =	sadd.s32 $0x10, s28;
	s1 =	sadd.s32 $0x18688, s0  }
0x30d: {  	[hbm4b:s29+s4] =	stream.linear.scatter [tilespmem:s1], [sflag:$0x4], $0x80, $0x38;
	[tilespmem:$0x1DA00] =	vst v63  }
0x30e: {  	s1 =	sadd.s32 $0x18710, s0;
	s29 =	sadd.s32 $0x20, s28  }
0x30f: {  	[hbm4b:s29+s4] =	stream.linear.scatter [tilespmem:s1], [sflag:$0x4], $0x80, $0x38;
	[tilespmem:$0x1DA00] =	vst v63  }
0x310: {  	s1 =	sadd.s32 $0x18798, s0;
	s29 =	sadd.s32 $0x30, s28  }
0x311: {  	[hbm4b:s29+s4] =	stream.linear.scatter [tilespmem:s1], [sflag:$0x4], $0x80, $0x38;
	[tilespmem:$0x1DA00] =	vst v63  }
0x312: {  	s1 =	sadd.s32 $0x18820, s0;
	s29 =	sadd.s32 $0x40, s28  }
0x313: {  	[hbm4b:s29+s4] =	stream.linear.scatter [tilespmem:s1], [sflag:$0x4], $0x80, $0x38;
	[tilespmem:$0x1DA00] =	vst v63  }
.Ltmp7:
0x314: {  	s1 =	sadd.s32 $0x188A8, s0;
	s29 =	sadd.s32 $0x50, s28;
	(pc) =	sbr.rel @p0 .LBB2_17-.Ltmp7, $4  }
0x315: {  	[hbm4b:s29+s4] =	stream.linear.scatter [tilespmem:s1], [sflag:$0x4], $0x80, $0x38;
	[tilespmem:$0x1DA00] =	vst v63  }
0x316: {  	s30 =	sadd.s32 $0x189B8, s0;
	s1 =	sadd.s32 $0x18930, s0;
	s29 =	sadd.s32 $0x60, s28  }
0x317: {  	[hbm4b:s29+s4] =	stream.linear.scatter [tilespmem:s1], [sflag:$0x4], $0x80, $0x38;
	[tilespmem:$0x1DA00] =	vst v63  }
0x318: {  	s1 =	sadd.s32 $0x70, s28;
	s28 =	sadd.s32 $0x1000, s28;
	s29 =	smov.u32 s2  }
0x319: {  	[hbm4b:s1+s4] =	stream.linear.scatter [tilespmem:s30], [sflag:$0x4], $0x80, $0x38;
	[tilespmem:$0x1DA00] =	vst v63  }
0x31a: {  	s0 =	sadd.s32 $0x18600, s26  }
0x31b: {  	[hbm4b:s28+s4] =	stream.linear.scatter [tilespmem:s0], [sflag:$0x4], $0x80, $0x38;
	[tilespmem:$0x1DA00] =	vst v63  }
0x31c: {  	s2 =	sadd.s32 $0x18688, s26;
	s29 =	sadd.s32 $0x10, s28  }
0x31d: {  	[hbm4b:s29+s4] =	stream.linear.scatter [tilespmem:s2], [sflag:$0x4], $0x80, $0x38;
	[tilespmem:$0x1DA00] =	vst v63  }
0x31e: {  	s30 =	sadd.s32 $0x18710, s26;
	s31 =	sadd.s32 $0x20, s28  }
0x31f: {  	[hbm4b:s31+s4] =	stream.linear.scatter [tilespmem:s30], [sflag:$0x4], $0x80, $0x38;
	[tilespmem:$0x1DA00] =	vst v63  }
0x320: {  	s2 =	sadd.s32 $0x18798, s26;
	s29 =	sadd.s32 $0x30, s28  }
0x321: {  	[hbm4b:s29+s4] =	stream.linear.scatter [tilespmem:s2], [sflag:$0x4], $0x80, $0x38;
	[tilespmem:$0x1DA00] =	vst v63  }
0x322: {  	s30 =	sadd.s32 $0x18820, s26;
	s31 =	sadd.s32 $0x40, s28  }
0x323: {  	[hbm4b:s31+s4] =	stream.linear.scatter [tilespmem:s30], [sflag:$0x4], $0x80, $0x38;
	[tilespmem:$0x1DA00] =	vst v63  }
0x324: {  	s2 =	sadd.s32 $0x188A8, s26;
	s29 =	sadd.s32 $0x50, s28  }
0x325: {  	[hbm4b:s29+s4] =	stream.linear.scatter [tilespmem:s2], [sflag:$0x4], $0x80, $0x38;
	[tilespmem:$0x1DA00] =	vst v63  }
0x326: {  	s30 =	sadd.s32 $0x18930, s26;
	s31 =	sadd.s32 $0x60, s28  }
0x327: {  	[hbm4b:s31+s4] =	stream.linear.scatter [tilespmem:s30], [sflag:$0x4], $0x80, $0x38;
	[tilespmem:$0x1DA00] =	vst v63  }
0x328: {  	s1 =	sadd.s32 $0x189B8, s26;
	s2 =	sadd.s32 $0x70, s28  }
0x329: {  	[hbm4b:s2+s4] =	stream.linear.scatter [tilespmem:s1], [sflag:$0x4], $0x80, $0x38;
	[tilespmem:$0x1DA00] =	vst v63  }
0x32a: {  	p0 =	seq.s32 s23, $0x18;
	_ =	swait.ge [sflag:s21], $0x8000  }
0x32b: {  	s0 =	sadd.s32 @!p0 $0x400, s25;
	[sflag:s21] =	ssyncset.done $0x0  }
0x32c: {  	s1 =	simm.s32 @!p0 $0x200;
	s2 =	simm.s32 @!p0 $0x6400;
	[sflag:s21] =	ssyncadd.s32 $0xFFFF8000  }
0x32d: {  	[tilespmem:s2], [sflag:$0x1] =	stream.indirect.gather @!p0 [hbm4b:s6+s1], $0x40, s0, s1, $0xb8;
	[tilespmem:$0x1DA00] =	vst v63  }
0x32e: {  	_ =	swait.ge [sflag:s19], $0x2000  }
0x32f: {  	s26 =	sshll.u32 s24, $0x8;
	[sflag:s19] =	ssyncset.done $0x0  }
0x330: {  	s0 =	sand.u32 $0x3FFFFF00, s26;
	[sflag:s19] =	ssyncadd.s32 $0xFFFFE000  }
0x331: {  	s25 =	simm.s32 $0xE480;
	s28 =	simm.s32 $0x0;
	v4 =	vld [tilespmem:s0+$0x1A800]  }
0x332: {  	v5 =	vmov s28;
	v7 =	vld [tilespmem:s25+$0xFFFFFF80]  }
0x333: {  	v8 =	vand.u32 $0x7C, v5  }
0x334: {  	v9 =	vadd.s32 v0, v8;
	_ =	sdelay $0x2  }
0x335: {  	v5 =	vld [tilespmem:s0+$0x1A810];
	v10 =	vadd.f32 v7, v4  }
0x336: {  	v6 =	vld [tilespmem:s0+$0x1A820]  }
0x337: {  	v7 =	vld [tilespmem:s0+$0x1A830];
	[tilespmem:v9+s17+$0x0] =	vst.idx.msk $0xffff, v10  }
0x338: {  	v9 =	vld [tilespmem:s25+$0xFFFFFF90];
	_ =	sdelay $0x1  }
0x339: {  	v10 =	vadd.s32 v1, v8;
	_ =	sdelay $0x2  }
0x33a: {  	v9 =	vadd.f32 v9, v5;
	_ =	sdelay $0x1  }
0x33b: {  	[tilespmem:v10+s17+$0x0] =	vst.idx.msk $0xffff, v9  }
0x33c: {  	v9 =	vld [tilespmem:s25+$0xFFFFFFA0];
	_ =	sdelay $0x1  }
0x33d: {  	v10 =	vadd.s32 v2, v8;
	_ =	sdelay $0x2  }
0x33e: {  	v9 =	vadd.f32 v9, v6;
	_ =	sdelay $0x1  }
0x33f: {  	[tilespmem:v10+s17+$0x0] =	vst.idx.msk $0xffff, v9  }
0x340: {  	v9 =	vld [tilespmem:s25+$0xFFFFFFB0];
	_ =	sdelay $0x1  }
0x341: {  	v8 =	vadd.s32 v3, v8;
	_ =	sdelay $0x2  }
0x342: {  	v9 =	vadd.f32 v9, v7;
	_ =	sdelay $0x1  }
0x343: {  	s29 =	simm.s32 $0x1;
	[tilespmem:v8+s17+$0x0] =	vst.idx.msk $0xffff, v9  }
0x344: {  	v8 =	vmov s29;
	v9 =	vld [tilespmem:s25+$0xFFFFFFC0]  }
0x345: {  	v8 =	vand.u32 $0x7D, v8  }
0x346: {  	v10 =	vadd.s32 v0, v8;
	_ =	sdelay $0x2  }
0x347: {  	v9 =	vadd.f32 v9, v4;
	_ =	sdelay $0x1  }
0x348: {  	[tilespmem:v10+s17+$0x0] =	vst.idx.msk $0xffff, v9  }
0x349: {  	v9 =	vld [tilespmem:s25+$0xFFFFFFD0];
	_ =	sdelay $0x1  }
0x34a: {  	v10 =	vadd.s32 v1, v8;
	_ =	sdelay $0x2  }
0x34b: {  	v9 =	vadd.f32 v9, v5;
	_ =	sdelay $0x1  }
0x34c: {  	[tilespmem:v10+s17+$0x0] =	vst.idx.msk $0xffff, v9  }
0x34d: {  	v9 =	vld [tilespmem:s25+$0xFFFFFFE0];
	_ =	sdelay $0x1  }
0x34e: {  	v10 =	vadd.s32 v2, v8;
	_ =	sdelay $0x2  }
0x34f: {  	v9 =	vadd.f32 v9, v6;
	_ =	sdelay $0x1  }
0x350: {  	[tilespmem:v10+s17+$0x0] =	vst.idx.msk $0xffff, v9  }
0x351: {  	v9 =	vld [tilespmem:s25+$0xFFFFFFF0];
	_ =	sdelay $0x1  }
0x352: {  	v8 =	vadd.s32 v3, v8;
	_ =	sdelay $0x2  }
0x353: {  	v9 =	vadd.f32 v9, v7;
	_ =	sdelay $0x1  }
0x354: {  	s30 =	simm.s32 $0x2;
	[tilespmem:v8+s17+$0x0] =	vst.idx.msk $0xffff, v9  }
0x355: {  	v8 =	vmov s30;
	v9 =	vld [tilespmem:s25+$0x0]  }
0x356: {  	v8 =	vand.u32 $0x7E, v8  }
0x357: {  	v10 =	vadd.s32 v0, v8;
	_ =	sdelay $0x2  }
0x358: {  	v9 =	vadd.f32 v9, v4;
	_ =	sdelay $0x1  }
0x359: {  	[tilespmem:v10+s17+$0x0] =	vst.idx.msk $0xffff, v9  }
0x35a: {  	v9 =	vld [tilespmem:s25+$0x10];
	_ =	sdelay $0x1  }
0x35b: {  	v10 =	vadd.s32 v1, v8;
	_ =	sdelay $0x2  }
0x35c: {  	v9 =	vadd.f32 v9, v5;
	_ =	sdelay $0x1  }
0x35d: {  	[tilespmem:v10+s17+$0x0] =	vst.idx.msk $0xffff, v9  }
0x35e: {  	v9 =	vld [tilespmem:s25+$0x20];
	_ =	sdelay $0x1  }
0x35f: {  	v10 =	vadd.s32 v2, v8;
	_ =	sdelay $0x2  }
0x360: {  	v9 =	vadd.f32 v9, v6;
	_ =	sdelay $0x1  }
0x361: {  	[tilespmem:v10+s17+$0x0] =	vst.idx.msk $0xffff, v9  }
0x362: {  	v9 =	vld [tilespmem:s25+$0x30];
	_ =	sdelay $0x1  }
0x363: {  	v8 =	vadd.s32 v3, v8;
	_ =	sdelay $0x2  }
0x364: {  	v9 =	vadd.f32 v9, v7;
	_ =	sdelay $0x1  }
0x365: {  	s31 =	simm.s32 $0x3;
	[tilespmem:v8+s17+$0x0] =	vst.idx.msk $0xffff, v9  }
0x366: {  	v8 =	vmov s31;
	v9 =	vld [tilespmem:s25+$0x40]  }
0x367: {  	v8 =	vand.u32 $0x7F, v8  }
0x368: {  	v10 =	vadd.s32 v0, v8;
	_ =	sdelay $0x2  }
0x369: {  	v9 =	vadd.f32 v9, v4;
	_ =	sdelay $0x1  }
0x36a: {  	[tilespmem:v10+s17+$0x0] =	vst.idx.msk $0xffff, v9  }
0x36b: {  	v9 =	vld [tilespmem:s25+$0x50];
	_ =	sdelay $0x1  }
0x36c: {  	v10 =	vadd.s32 v1, v8;
	_ =	sdelay $0x2  }
0x36d: {  	v9 =	vadd.f32 v9, v5;
	_ =	sdelay $0x1  }
0x36e: {  	[tilespmem:v10+s17+$0x0] =	vst.idx.msk $0xffff, v9  }
0x36f: {  	v9 =	vld [tilespmem:s25+$0x60];
	_ =	sdelay $0x1  }
0x370: {  	v10 =	vadd.s32 v2, v8;
	_ =	sdelay $0x2  }
0x371: {  	v9 =	vadd.f32 v9, v6;
	_ =	sdelay $0x1  }
0x372: {  	[tilespmem:v10+s17+$0x0] =	vst.idx.msk $0xffff, v9  }
0x373: {  	v9 =	vld [tilespmem:s25+$0x70];
	_ =	sdelay $0x1  }
0x374: {  	v8 =	vadd.s32 v3, v8;
	_ =	sdelay $0x2  }
0x375: {  	s26 =	simm.s32 $0x4;
	v9 =	vadd.f32 v9, v7  }
.LBB2_19:
0x376: {  	p0 =	slt.u32 s26, $0x7C  }
0x377: {  	s25 =	sadd.s32 $0x100, s25;
	s28 =	smov.u32 s26;
	s26 =	sadd.s32 $0x4, s26;
	[tilespmem:v8+s17+$0x0] =	vst.idx.msk $0xffff, v9  }
0x378: {  	v8 =	vmov s28;
	v9 =	vld [tilespmem:s25+$0xFFFFFF80]  }
0x379: {  	v8 =	vand.u32 $0x7C, v8  }
0x37a: {  	v10 =	vadd.s32 v0, v8;
	_ =	sdelay $0x2  }
0x37b: {  	v9 =	vadd.f32 v9, v4;
	_ =	sdelay $0x1  }
0x37c: {  	[tilespmem:v10+s17+$0x0] =	vst.idx.msk $0xffff, v9  }
0x37d: {  	v9 =	vld [tilespmem:s25+$0xFFFFFF90];
	_ =	sdelay $0x1  }
0x37e: {  	v10 =	vadd.s32 v1, v8;
	_ =	sdelay $0x2  }
0x37f: {  	v9 =	vadd.f32 v9, v5;
	_ =	sdelay $0x1  }
0x380: {  	[tilespmem:v10+s17+$0x0] =	vst.idx.msk $0xffff, v9  }
0x381: {  	v9 =	vld [tilespmem:s25+$0xFFFFFFA0];
	_ =	sdelay $0x1  }
0x382: {  	v10 =	vadd.s32 v2, v8;
	_ =	sdelay $0x2  }
0x383: {  	v9 =	vadd.f32 v9, v6;
	_ =	sdelay $0x1  }
0x384: {  	[tilespmem:v10+s17+$0x0] =	vst.idx.msk $0xffff, v9  }
0x385: {  	v9 =	vld [tilespmem:s25+$0xFFFFFFB0];
	_ =	sdelay $0x1  }
0x386: {  	v8 =	vadd.s32 v3, v8;
	_ =	sdelay $0x2  }
0x387: {  	v9 =	vadd.f32 v9, v7;
	_ =	sdelay $0x1  }
0x388: {  	s0 =	sadd.s32 $0x1, s28;
	[tilespmem:v8+s17+$0x0] =	vst.idx.msk $0xffff, v9  }
0x389: {  	v8 =	vmov s0;
	v9 =	vld [tilespmem:s25+$0xFFFFFFC0]  }
0x38a: {  	v8 =	vand.u32 $0x7D, v8  }
0x38b: {  	v10 =	vadd.s32 v0, v8;
	_ =	sdelay $0x2  }
0x38c: {  	v9 =	vadd.f32 v9, v4;
	_ =	sdelay $0x1  }
0x38d: {  	[tilespmem:v10+s17+$0x0] =	vst.idx.msk $0xffff, v9  }
0x38e: {  	v9 =	vld [tilespmem:s25+$0xFFFFFFD0];
	_ =	sdelay $0x1  }
0x38f: {  	v10 =	vadd.s32 v1, v8;
	_ =	sdelay $0x2  }
0x390: {  	v9 =	vadd.f32 v9, v5;
	_ =	sdelay $0x1  }
0x391: {  	[tilespmem:v10+s17+$0x0] =	vst.idx.msk $0xffff, v9  }
0x392: {  	v9 =	vld [tilespmem:s25+$0xFFFFFFE0];
	_ =	sdelay $0x1  }
0x393: {  	v10 =	vadd.s32 v2, v8;
	_ =	sdelay $0x2  }
0x394: {  	v9 =	vadd.f32 v9, v6;
	_ =	sdelay $0x1  }
0x395: {  	[tilespmem:v10+s17+$0x0] =	vst.idx.msk $0xffff, v9  }
0x396: {  	v9 =	vld [tilespmem:s25+$0xFFFFFFF0];
	_ =	sdelay $0x1  }
0x397: {  	v8 =	vadd.s32 v3, v8;
	_ =	sdelay $0x2  }
0x398: {  	v9 =	vadd.f32 v9, v7;
	_ =	sdelay $0x1  }
0x399: {  	s0 =	sadd.s32 $0x2, s28;
	[tilespmem:v8+s17+$0x0] =	vst.idx.msk $0xffff, v9  }
0x39a: {  	v8 =	vmov s0;
	v9 =	vld [tilespmem:s25+$0x0]  }
0x39b: {  	v8 =	vand.u32 $0x7E, v8  }
0x39c: {  	v10 =	vadd.s32 v0, v8;
	_ =	sdelay $0x2  }
0x39d: {  	v9 =	vadd.f32 v9, v4;
	_ =	sdelay $0x1  }
0x39e: {  	[tilespmem:v10+s17+$0x0] =	vst.idx.msk $0xffff, v9  }
0x39f: {  	v9 =	vld [tilespmem:s25+$0x10];
	_ =	sdelay $0x1  }
0x3a0: {  	v10 =	vadd.s32 v1, v8;
	_ =	sdelay $0x2  }
0x3a1: {  	v9 =	vadd.f32 v9, v5;
	_ =	sdelay $0x1  }
0x3a2: {  	[tilespmem:v10+s17+$0x0] =	vst.idx.msk $0xffff, v9  }
0x3a3: {  	v9 =	vld [tilespmem:s25+$0x20];
	_ =	sdelay $0x1  }
0x3a4: {  	v10 =	vadd.s32 v2, v8;
	_ =	sdelay $0x2  }
0x3a5: {  	v9 =	vadd.f32 v9, v6;
	_ =	sdelay $0x1  }
0x3a6: {  	[tilespmem:v10+s17+$0x0] =	vst.idx.msk $0xffff, v9  }
0x3a7: {  	v9 =	vld [tilespmem:s25+$0x30];
	_ =	sdelay $0x1  }
0x3a8: {  	v8 =	vadd.s32 v3, v8;
	_ =	sdelay $0x2  }
0x3a9: {  	v9 =	vadd.f32 v9, v7;
	_ =	sdelay $0x1  }
0x3aa: {  	s0 =	sadd.s32 $0x3, s28;
	[tilespmem:v8+s17+$0x0] =	vst.idx.msk $0xffff, v9  }
0x3ab: {  	v8 =	vmov s0;
	v9 =	vld [tilespmem:s25+$0x40]  }
0x3ac: {  	v8 =	vand.u32 $0x7F, v8  }
0x3ad: {  	v10 =	vadd.s32 v0, v8;
	_ =	sdelay $0x2  }
0x3ae: {  	v9 =	vadd.f32 v9, v4;
	_ =	sdelay $0x1  }
0x3af: {  	[tilespmem:v10+s17+$0x0] =	vst.idx.msk $0xffff, v9  }
0x3b0: {  	v9 =	vld [tilespmem:s25+$0x50];
	_ =	sdelay $0x1  }
0x3b1: {  	v10 =	vadd.s32 v1, v8;
	_ =	sdelay $0x2  }
0x3b2: {  	v9 =	vadd.f32 v9, v5;
	_ =	sdelay $0x1  }
0x3b3: {  	[tilespmem:v10+s17+$0x0] =	vst.idx.msk $0xffff, v9  }
0x3b4: {  	v9 =	vld [tilespmem:s25+$0x60];
	_ =	sdelay $0x1  }
0x3b5: {  	v10 =	vadd.s32 v2, v8;
	_ =	sdelay $0x2  }
0x3b6: {  	v9 =	vadd.f32 v9, v6;
	_ =	sdelay $0x1  }
0x3b7: {  	[tilespmem:v10+s17+$0x0] =	vst.idx.msk $0xffff, v9  }
0x3b8: {  	v9 =	vld [tilespmem:s25+$0x70]  }
.Ltmp8:
0x3b9: {  	(pc) =	sbr.rel @p0 .LBB2_19-.Ltmp8, $2  }
0x3ba: {  	v8 =	vadd.s32 v3, v8;
	_ =	sdelay $0x2  }
0x3bb: {  	v9 =	vadd.f32 v9, v7  }
0x3bc: {  	_ = 	snop  }
0x3bd: {  	s0 =	sshll.u32 s24, $0x14  }
0x3be: {  	s0 =	sor.u32 s5, s0  }
0x3bf: {  	s0 =	sshrl.u32 s0, $0x3  }
0x3c0: {  	s1 =	simm.s32 $0x16400;
	[tilespmem:v8+s17+$0x0] =	vst.idx.msk $0xffff, v9;
	s0 =	sadd.s32 s3, s0  }
0x3c1: {  	[hbm4b:s0+s4] =	stream.linear.scatter [tilespmem:s1], [sflag:$0x3], $0x80, $0x38;
	[tilespmem:$0x1DA00] =	vst v63  }
0x3c2: {  	s26 =	simm.s32 $0x16488;
	s2 =	sadd.s32 $0x10, s0  }
0x3c3: {  	[hbm4b:s2+s4] =	stream.linear.scatter [tilespmem:s26], [sflag:$0x3], $0x80, $0x38;
	[tilespmem:$0x1DA00] =	vst v63  }
0x3c4: {  	s30 =	simm.s32 $0x16510;
	s25 =	simm.s32 $0x16598;
	s31 =	sadd.s32 $0x20, s0  }
0x3c5: {  	[hbm4b:s31+s4] =	stream.linear.scatter [tilespmem:s30], [sflag:$0x3], $0x80, $0x38;
	[tilespmem:$0x1DA00] =	vst v63  }
0x3c6: {  	s28 =	simm.s32 $0x2200;
	s29 =	simm.s32 $0x167B8;
	s26 =	sadd.s32 $0x30, s0  }
0x3c7: {  	[hbm4b:s26+s4] =	stream.linear.scatter [tilespmem:s25], [sflag:$0x3], $0x80, $0x38;
	[tilespmem:$0x1DA00] =	vst v63  }
0x3c8: {  	s1 =	sadd.s32 $0x70, s0;
	s30 =	simm.s32 $0x16620;
	s31 =	sadd.s32 $0x40, s0  }
0x3c9: {  	[hbm4b:s31+s4] =	stream.linear.scatter [tilespmem:s30], [sflag:$0x3], $0x80, $0x38;
	[tilespmem:$0x1DA00] =	vst v63  }
0x3ca: {  	s25 =	simm.s32 $0x166A8;
	s26 =	sadd.s32 $0x50, s0;
	s30 =	simm.s32 $0x16730  }
0x3cb: {  	[hbm4b:s26+s4] =	stream.linear.scatter [tilespmem:s25], [sflag:$0x3], $0x80, $0x38;
	[tilespmem:$0x1DA00] =	vst v63  }
0x3cc: {  	s31 =	sadd.s32 $0x60, s0;
	s25 =	simm.s32 $0x440;
	s26 =	sadd.s32 $0x1000, s0  }
0x3cd: {  	[hbm4b:s31+s4] =	stream.linear.scatter [tilespmem:s30], [sflag:$0x3], $0x80, $0x38;
	[tilespmem:$0x1DA00] =	vst v63  }
.LBB2_21:
0x3ce: {  	[hbm4b:s1+s4] =	stream.linear.scatter [tilespmem:s29], [sflag:$0x3], $0x80, $0x38;
	[tilespmem:$0x1DA00] =	vst v63  }
0x3cf: {  	s0 =	smov.u32 s25;
	s1 =	smov.u32 s28  }
0x3d0: {  	s2 =	sadd.s32 $0x1100, s28;
	s25 =	sshra.s32 s1, $0x2;
	s1 =	sadd.s32 $0x16400, s0  }
0x3d1: {  	[hbm4b:s26+s4] =	stream.linear.scatter [tilespmem:s1], [sflag:$0x3], $0x80, $0x38;
	[tilespmem:$0x1DA00] =	vst v63  }
0x3d2: {  	p0 =	sne.s32 s28, $0x7700;
	s28 =	sadd.s32 $0x10, s26;
	s1 =	sadd.s32 $0x16488, s0  }
0x3d3: {  	[hbm4b:s28+s4] =	stream.linear.scatter [tilespmem:s1], [sflag:$0x3], $0x80, $0x38;
	[tilespmem:$0x1DA00] =	vst v63  }
0x3d4: {  	s1 =	sadd.s32 $0x16510, s0;
	s28 =	sadd.s32 $0x20, s26  }
0x3d5: {  	[hbm4b:s28+s4] =	stream.linear.scatter [tilespmem:s1], [sflag:$0x3], $0x80, $0x38;
	[tilespmem:$0x1DA00] =	vst v63  }
0x3d6: {  	s1 =	sadd.s32 $0x16598, s0;
	s28 =	sadd.s32 $0x30, s26  }
0x3d7: {  	[hbm4b:s28+s4] =	stream.linear.scatter [tilespmem:s1], [sflag:$0x3], $0x80, $0x38;
	[tilespmem:$0x1DA00] =	vst v63  }
0x3d8: {  	s1 =	sadd.s32 $0x16620, s0;
	s28 =	sadd.s32 $0x40, s26  }
0x3d9: {  	[hbm4b:s28+s4] =	stream.linear.scatter [tilespmem:s1], [sflag:$0x3], $0x80, $0x38;
	[tilespmem:$0x1DA00] =	vst v63  }
.Ltmp9:
0x3da: {  	s1 =	sadd.s32 $0x166A8, s0;
	s28 =	sadd.s32 $0x50, s26;
	(pc) =	sbr.rel @p0 .LBB2_21-.Ltmp9, $4  }
0x3db: {  	[hbm4b:s28+s4] =	stream.linear.scatter [tilespmem:s1], [sflag:$0x3], $0x80, $0x38;
	[tilespmem:$0x1DA00] =	vst v63  }
0x3dc: {  	s29 =	sadd.s32 $0x167B8, s0;
	s1 =	sadd.s32 $0x16730, s0;
	s28 =	sadd.s32 $0x60, s26  }
0x3dd: {  	[hbm4b:s28+s4] =	stream.linear.scatter [tilespmem:s1], [sflag:$0x3], $0x80, $0x38;
	[tilespmem:$0x1DA00] =	vst v63  }
0x3de: {  	s1 =	sadd.s32 $0x70, s26;
	s26 =	sadd.s32 $0x1000, s26;
	s28 =	smov.u32 s2  }
0x3df: {  	[hbm4b:s1+s4] =	stream.linear.scatter [tilespmem:s29], [sflag:$0x3], $0x80, $0x38;
	[tilespmem:$0x1DA00] =	vst v63  }
0x3e0: {  	s0 =	sadd.s32 $0x16400, s25  }
0x3e1: {  	[hbm4b:s26+s4] =	stream.linear.scatter [tilespmem:s0], [sflag:$0x3], $0x80, $0x38;
	[tilespmem:$0x1DA00] =	vst v63  }
0x3e2: {  	s30 =	sadd.s32 $0x16488, s25;
	s31 =	sadd.s32 $0x10, s26  }
0x3e3: {  	[hbm4b:s31+s4] =	stream.linear.scatter [tilespmem:s30], [sflag:$0x3], $0x80, $0x38;
	[tilespmem:$0x1DA00] =	vst v63  }
0x3e4: {  	s2 =	sadd.s32 $0x16510, s25;
	s29 =	sadd.s32 $0x20, s26  }
0x3e5: {  	[hbm4b:s29+s4] =	stream.linear.scatter [tilespmem:s2], [sflag:$0x3], $0x80, $0x38;
	[tilespmem:$0x1DA00] =	vst v63  }
0x3e6: {  	s30 =	sadd.s32 $0x16598, s25;
	s31 =	sadd.s32 $0x30, s26  }
0x3e7: {  	[hbm4b:s31+s4] =	stream.linear.scatter [tilespmem:s30], [sflag:$0x3], $0x80, $0x38;
	[tilespmem:$0x1DA00] =	vst v63  }
0x3e8: {  	s2 =	sadd.s32 $0x16620, s25;
	s29 =	sadd.s32 $0x40, s26  }
0x3e9: {  	[hbm4b:s29+s4] =	stream.linear.scatter [tilespmem:s2], [sflag:$0x3], $0x80, $0x38;
	[tilespmem:$0x1DA00] =	vst v63  }
0x3ea: {  	s30 =	sadd.s32 $0x166A8, s25;
	s31 =	sadd.s32 $0x50, s26  }
0x3eb: {  	[hbm4b:s31+s4] =	stream.linear.scatter [tilespmem:s30], [sflag:$0x3], $0x80, $0x38;
	[tilespmem:$0x1DA00] =	vst v63  }
0x3ec: {  	s2 =	sadd.s32 $0x16730, s25;
	s29 =	sadd.s32 $0x60, s26  }
0x3ed: {  	[hbm4b:s29+s4] =	stream.linear.scatter [tilespmem:s2], [sflag:$0x3], $0x80, $0x38;
	[tilespmem:$0x1DA00] =	vst v63  }
0x3ee: {  	s24 =	sshll.u32 s24, $0x2;
	s30 =	sadd.s32 $0x167B8, s25;
	s31 =	sadd.s32 $0x70, s26  }
0x3ef: {  	[hbm4b:s31+s4] =	stream.linear.scatter [tilespmem:s30], [sflag:$0x3], $0x80, $0x38;
	[tilespmem:$0x1DA00] =	vst v63  }
0x3f0: {  	s25 =	sor.u32 $0x1, s24;
	_ =	swait.ge [sflag:s20], $0x2000  }
0x3f1: {  	s1 =	sshll.u32 s25, $0x6;
	[sflag:s20] =	ssyncset.done $0x0  }
0x3f2: {  	s0 =	sand.u32 $0x3FFFFF40, s1;
	[sflag:s20] =	ssyncadd.s32 $0xFFFFE000  }
0x3f3: {  	s26 =	simm.s32 $0x104F0;
	s2 =	simm.s32 $0x0;
	v4 =	vld [tilespmem:s0+$0x1A800]  }
0x3f4: {  	v5 =	vmov s2;
	v7 =	vld [tilespmem:s26+$0xFFFFFF10]  }
0x3f5: {  	v8 =	vand.u32 $0x7C, v5  }
0x3f6: {  	v9 =	vadd.s32 v0, v8;
	_ =	sdelay $0x2  }
0x3f7: {  	v5 =	vld [tilespmem:s0+$0x1A810];
	v10 =	vadd.f32 v7, v4  }
0x3f8: {  	v6 =	vld [tilespmem:s0+$0x1A820]  }
0x3f9: {  	v7 =	vld [tilespmem:s0+$0x1A830];
	[tilespmem:v9+s18+$0x0] =	vst.idx.msk $0xffff, v10  }
0x3fa: {  	v9 =	vld [tilespmem:s26+$0xFFFFFF20];
	_ =	sdelay $0x1  }
0x3fb: {  	v10 =	vadd.s32 v1, v8;
	_ =	sdelay $0x2  }
0x3fc: {  	v9 =	vadd.f32 v9, v5;
	_ =	sdelay $0x1  }
0x3fd: {  	[tilespmem:v10+s18+$0x0] =	vst.idx.msk $0xffff, v9  }
0x3fe: {  	v9 =	vld [tilespmem:s26+$0xFFFFFF30];
	_ =	sdelay $0x1  }
0x3ff: {  	v10 =	vadd.s32 v2, v8;
	_ =	sdelay $0x2  }
0x400: {  	v9 =	vadd.f32 v9, v6;
	_ =	sdelay $0x1  }
0x401: {  	[tilespmem:v10+s18+$0x0] =	vst.idx.msk $0xffff, v9  }
0x402: {  	v9 =	vld [tilespmem:s26+$0xFFFFFF40];
	_ =	sdelay $0x1  }
0x403: {  	v8 =	vadd.s32 v3, v8;
	_ =	sdelay $0x2  }
0x404: {  	v9 =	vadd.f32 v9, v7;
	_ =	sdelay $0x1  }
0x405: {  	s29 =	simm.s32 $0x1;
	[tilespmem:v8+s18+$0x0] =	vst.idx.msk $0xffff, v9  }
0x406: {  	v8 =	vmov s29;
	v9 =	vld [tilespmem:s26+$0xFFFFFF50]  }
0x407: {  	v8 =	vand.u32 $0x7D, v8  }
0x408: {  	v10 =	vadd.s32 v0, v8;
	_ =	sdelay $0x2  }
0x409: {  	v9 =	vadd.f32 v9, v4;
	_ =	sdelay $0x1  }
0x40a: {  	[tilespmem:v10+s18+$0x0] =	vst.idx.msk $0xffff, v9  }
0x40b: {  	v9 =	vld [tilespmem:s26+$0xFFFFFF60];
	_ =	sdelay $0x1  }
0x40c: {  	v10 =	vadd.s32 v1, v8;
	_ =	sdelay $0x2  }
0x40d: {  	v9 =	vadd.f32 v9, v5;
	_ =	sdelay $0x1  }
0x40e: {  	[tilespmem:v10+s18+$0x0] =	vst.idx.msk $0xffff, v9  }
0x40f: {  	v9 =	vld [tilespmem:s26+$0xFFFFFF70];
	_ =	sdelay $0x1  }
0x410: {  	v10 =	vadd.s32 v2, v8;
	_ =	sdelay $0x2  }
0x411: {  	v9 =	vadd.f32 v9, v6;
	_ =	sdelay $0x1  }
0x412: {  	[tilespmem:v10+s18+$0x0] =	vst.idx.msk $0xffff, v9  }
0x413: {  	v9 =	vld [tilespmem:s26+$0xFFFFFF80];
	_ =	sdelay $0x1  }
0x414: {  	v8 =	vadd.s32 v3, v8;
	_ =	sdelay $0x2  }
0x415: {  	v9 =	vadd.f32 v9, v7;
	_ =	sdelay $0x1  }
0x416: {  	s30 =	simm.s32 $0x2;
	[tilespmem:v8+s18+$0x0] =	vst.idx.msk $0xffff, v9  }
0x417: {  	v8 =	vmov s30;
	v9 =	vld [tilespmem:s26+$0xFFFFFF90]  }
0x418: {  	v8 =	vand.u32 $0x7E, v8  }
0x419: {  	v10 =	vadd.s32 v0, v8;
	_ =	sdelay $0x2  }
0x41a: {  	v9 =	vadd.f32 v9, v4;
	_ =	sdelay $0x1  }
0x41b: {  	[tilespmem:v10+s18+$0x0] =	vst.idx.msk $0xffff, v9  }
0x41c: {  	v9 =	vld [tilespmem:s26+$0xFFFFFFA0];
	_ =	sdelay $0x1  }
0x41d: {  	v10 =	vadd.s32 v1, v8;
	_ =	sdelay $0x2  }
0x41e: {  	v9 =	vadd.f32 v9, v5;
	_ =	sdelay $0x1  }
0x41f: {  	[tilespmem:v10+s18+$0x0] =	vst.idx.msk $0xffff, v9  }
0x420: {  	v9 =	vld [tilespmem:s26+$0xFFFFFFB0];
	_ =	sdelay $0x1  }
0x421: {  	v10 =	vadd.s32 v2, v8;
	_ =	sdelay $0x2  }
0x422: {  	v9 =	vadd.f32 v9, v6;
	_ =	sdelay $0x1  }
0x423: {  	[tilespmem:v10+s18+$0x0] =	vst.idx.msk $0xffff, v9  }
0x424: {  	v9 =	vld [tilespmem:s26+$0xFFFFFFC0];
	_ =	sdelay $0x1  }
0x425: {  	v8 =	vadd.s32 v3, v8;
	_ =	sdelay $0x2  }
0x426: {  	v9 =	vadd.f32 v9, v7;
	_ =	sdelay $0x1  }
0x427: {  	s31 =	simm.s32 $0x3;
	[tilespmem:v8+s18+$0x0] =	vst.idx.msk $0xffff, v9  }
0x428: {  	v8 =	vmov s31;
	v9 =	vld [tilespmem:s26+$0xFFFFFFD0]  }
0x429: {  	v8 =	vand.u32 $0x7F, v8  }
0x42a: {  	v10 =	vadd.s32 v0, v8;
	_ =	sdelay $0x2  }
0x42b: {  	v9 =	vadd.f32 v9, v4;
	_ =	sdelay $0x1  }
0x42c: {  	[tilespmem:v10+s18+$0x0] =	vst.idx.msk $0xffff, v9  }
0x42d: {  	v9 =	vld [tilespmem:s26+$0xFFFFFFE0];
	_ =	sdelay $0x1  }
0x42e: {  	v10 =	vadd.s32 v1, v8;
	_ =	sdelay $0x2  }
0x42f: {  	v9 =	vadd.f32 v9, v5;
	_ =	sdelay $0x1  }
0x430: {  	[tilespmem:v10+s18+$0x0] =	vst.idx.msk $0xffff, v9  }
0x431: {  	v9 =	vld [tilespmem:s26+$0xFFFFFFF0];
	_ =	sdelay $0x1  }
0x432: {  	v10 =	vadd.s32 v2, v8;
	_ =	sdelay $0x2  }
0x433: {  	v9 =	vadd.f32 v9, v6;
	_ =	sdelay $0x1  }
0x434: {  	[tilespmem:v10+s18+$0x0] =	vst.idx.msk $0xffff, v9  }
0x435: {  	v9 =	vld [tilespmem:s26+$0x0];
	_ =	sdelay $0x1  }
0x436: {  	v8 =	vadd.s32 v3, v8;
	_ =	sdelay $0x2  }
0x437: {  	s28 =	simm.s32 $0x4;
	v9 =	vadd.f32 v9, v7  }
.LBB2_23:
0x438: {  	p0 =	slt.u32 s28, $0x7C  }
0x439: {  	s26 =	sadd.s32 $0x100, s26;
	s29 =	smov.u32 s28;
	s28 =	sadd.s32 $0x4, s28;
	[tilespmem:v8+s18+$0x0] =	vst.idx.msk $0xffff, v9  }
0x43a: {  	v8 =	vmov s29;
	v9 =	vld [tilespmem:s26+$0xFFFFFF10]  }
0x43b: {  	v8 =	vand.u32 $0x7C, v8  }
0x43c: {  	v10 =	vadd.s32 v0, v8;
	_ =	sdelay $0x2  }
0x43d: {  	v9 =	vadd.f32 v9, v4;
	_ =	sdelay $0x1  }
0x43e: {  	[tilespmem:v10+s18+$0x0] =	vst.idx.msk $0xffff, v9  }
0x43f: {  	v9 =	vld [tilespmem:s26+$0xFFFFFF20];
	_ =	sdelay $0x1  }
0x440: {  	v10 =	vadd.s32 v1, v8;
	_ =	sdelay $0x2  }
0x441: {  	v9 =	vadd.f32 v9, v5;
	_ =	sdelay $0x1  }
0x442: {  	[tilespmem:v10+s18+$0x0] =	vst.idx.msk $0xffff, v9  }
0x443: {  	v9 =	vld [tilespmem:s26+$0xFFFFFF30];
	_ =	sdelay $0x1  }
0x444: {  	v10 =	vadd.s32 v2, v8;
	_ =	sdelay $0x2  }
0x445: {  	v9 =	vadd.f32 v9, v6;
	_ =	sdelay $0x1  }
0x446: {  	[tilespmem:v10+s18+$0x0] =	vst.idx.msk $0xffff, v9  }
0x447: {  	v9 =	vld [tilespmem:s26+$0xFFFFFF40];
	_ =	sdelay $0x1  }
0x448: {  	v8 =	vadd.s32 v3, v8;
	_ =	sdelay $0x2  }
0x449: {  	v9 =	vadd.f32 v9, v7;
	_ =	sdelay $0x1  }
0x44a: {  	s0 =	sadd.s32 $0x1, s29;
	[tilespmem:v8+s18+$0x0] =	vst.idx.msk $0xffff, v9  }
0x44b: {  	v8 =	vmov s0;
	v9 =	vld [tilespmem:s26+$0xFFFFFF50]  }
0x44c: {  	v8 =	vand.u32 $0x7D, v8  }
0x44d: {  	v10 =	vadd.s32 v0, v8;
	_ =	sdelay $0x2  }
0x44e: {  	v9 =	vadd.f32 v9, v4;
	_ =	sdelay $0x1  }
0x44f: {  	[tilespmem:v10+s18+$0x0] =	vst.idx.msk $0xffff, v9  }
0x450: {  	v9 =	vld [tilespmem:s26+$0xFFFFFF60];
	_ =	sdelay $0x1  }
0x451: {  	v10 =	vadd.s32 v1, v8;
	_ =	sdelay $0x2  }
0x452: {  	v9 =	vadd.f32 v9, v5;
	_ =	sdelay $0x1  }
0x453: {  	[tilespmem:v10+s18+$0x0] =	vst.idx.msk $0xffff, v9  }
0x454: {  	v9 =	vld [tilespmem:s26+$0xFFFFFF70];
	_ =	sdelay $0x1  }
0x455: {  	v10 =	vadd.s32 v2, v8;
	_ =	sdelay $0x2  }
0x456: {  	v9 =	vadd.f32 v9, v6;
	_ =	sdelay $0x1  }
0x457: {  	[tilespmem:v10+s18+$0x0] =	vst.idx.msk $0xffff, v9  }
0x458: {  	v9 =	vld [tilespmem:s26+$0xFFFFFF80];
	_ =	sdelay $0x1  }
0x459: {  	v8 =	vadd.s32 v3, v8;
	_ =	sdelay $0x2  }
0x45a: {  	v9 =	vadd.f32 v9, v7;
	_ =	sdelay $0x1  }
0x45b: {  	s0 =	sadd.s32 $0x2, s29;
	[tilespmem:v8+s18+$0x0] =	vst.idx.msk $0xffff, v9  }
0x45c: {  	v8 =	vmov s0;
	v9 =	vld [tilespmem:s26+$0xFFFFFF90]  }
0x45d: {  	v8 =	vand.u32 $0x7E, v8  }
0x45e: {  	v10 =	vadd.s32 v0, v8;
	_ =	sdelay $0x2  }
0x45f: {  	v9 =	vadd.f32 v9, v4;
	_ =	sdelay $0x1  }
0x460: {  	[tilespmem:v10+s18+$0x0] =	vst.idx.msk $0xffff, v9  }
0x461: {  	v9 =	vld [tilespmem:s26+$0xFFFFFFA0];
	_ =	sdelay $0x1  }
0x462: {  	v10 =	vadd.s32 v1, v8;
	_ =	sdelay $0x2  }
0x463: {  	v9 =	vadd.f32 v9, v5;
	_ =	sdelay $0x1  }
0x464: {  	[tilespmem:v10+s18+$0x0] =	vst.idx.msk $0xffff, v9  }
0x465: {  	v9 =	vld [tilespmem:s26+$0xFFFFFFB0];
	_ =	sdelay $0x1  }
0x466: {  	v10 =	vadd.s32 v2, v8;
	_ =	sdelay $0x2  }
0x467: {  	v9 =	vadd.f32 v9, v6;
	_ =	sdelay $0x1  }
0x468: {  	[tilespmem:v10+s18+$0x0] =	vst.idx.msk $0xffff, v9  }
0x469: {  	v9 =	vld [tilespmem:s26+$0xFFFFFFC0];
	_ =	sdelay $0x1  }
0x46a: {  	v8 =	vadd.s32 v3, v8;
	_ =	sdelay $0x2  }
0x46b: {  	v9 =	vadd.f32 v9, v7;
	_ =	sdelay $0x1  }
0x46c: {  	s0 =	sadd.s32 $0x3, s29;
	[tilespmem:v8+s18+$0x0] =	vst.idx.msk $0xffff, v9  }
0x46d: {  	v8 =	vmov s0;
	v9 =	vld [tilespmem:s26+$0xFFFFFFD0]  }
0x46e: {  	v8 =	vand.u32 $0x7F, v8  }
0x46f: {  	v10 =	vadd.s32 v0, v8;
	_ =	sdelay $0x2  }
0x470: {  	v9 =	vadd.f32 v9, v4;
	_ =	sdelay $0x1  }
0x471: {  	[tilespmem:v10+s18+$0x0] =	vst.idx.msk $0xffff, v9  }
0x472: {  	v9 =	vld [tilespmem:s26+$0xFFFFFFE0];
	_ =	sdelay $0x1  }
0x473: {  	v10 =	vadd.s32 v1, v8;
	_ =	sdelay $0x2  }
0x474: {  	v9 =	vadd.f32 v9, v5;
	_ =	sdelay $0x1  }
0x475: {  	[tilespmem:v10+s18+$0x0] =	vst.idx.msk $0xffff, v9  }
0x476: {  	v9 =	vld [tilespmem:s26+$0xFFFFFFF0];
	_ =	sdelay $0x1  }
0x477: {  	v10 =	vadd.s32 v2, v8;
	_ =	sdelay $0x2  }
0x478: {  	v9 =	vadd.f32 v9, v6;
	_ =	sdelay $0x1  }
0x479: {  	[tilespmem:v10+s18+$0x0] =	vst.idx.msk $0xffff, v9  }
0x47a: {  	v9 =	vld [tilespmem:s26+$0x0]  }
.Ltmp10:
0x47b: {  	(pc) =	sbr.rel @p0 .LBB2_23-.Ltmp10, $2  }
0x47c: {  	v8 =	vadd.s32 v3, v8;
	_ =	sdelay $0x2  }
0x47d: {  	v9 =	vadd.f32 v9, v7  }
0x47e: {  	_ = 	snop  }
0x47f: {  	s0 =	sshll.u32 s25, $0x12  }
0x480: {  	s0 =	sor.u32 s5, s0  }
0x481: {  	s0 =	sshrl.u32 s0, $0x3  }
0x482: {  	s1 =	simm.s32 $0x18600;
	[tilespmem:v8+s18+$0x0] =	vst.idx.msk $0xffff, v9;
	s0 =	sadd.s32 s3, s0  }
0x483: {  	[hbm4b:s0+s4] =	stream.linear.scatter [tilespmem:s1], [sflag:$0x4], $0x80, $0x38;
	[tilespmem:$0x1DA00] =	vst v63  }
0x484: {  	s26 =	simm.s32 $0x18688;
	s2 =	sadd.s32 $0x10, s0  }
0x485: {  	[hbm4b:s2+s4] =	stream.linear.scatter [tilespmem:s26], [sflag:$0x4], $0x80, $0x38;
	[tilespmem:$0x1DA00] =	vst v63  }
0x486: {  	s30 =	simm.s32 $0x18710;
	s25 =	simm.s32 $0x18798;
	s31 =	sadd.s32 $0x20, s0  }
0x487: {  	[hbm4b:s31+s4] =	stream.linear.scatter [tilespmem:s30], [sflag:$0x4], $0x80, $0x38;
	[tilespmem:$0x1DA00] =	vst v63  }
0x488: {  	s28 =	simm.s32 $0x2200;
	s29 =	simm.s32 $0x189B8;
	s26 =	sadd.s32 $0x30, s0  }
0x489: {  	[hbm4b:s26+s4] =	stream.linear.scatter [tilespmem:s25], [sflag:$0x4], $0x80, $0x38;
	[tilespmem:$0x1DA00] =	vst v63  }
0x48a: {  	s1 =	sadd.s32 $0x70, s0;
	s30 =	simm.s32 $0x18820;
	s31 =	sadd.s32 $0x40, s0  }
0x48b: {  	[hbm4b:s31+s4] =	stream.linear.scatter [tilespmem:s30], [sflag:$0x4], $0x80, $0x38;
	[tilespmem:$0x1DA00] =	vst v63  }
0x48c: {  	s25 =	simm.s32 $0x188A8;
	s26 =	sadd.s32 $0x50, s0;
	s30 =	simm.s32 $0x18930  }
0x48d: {  	[hbm4b:s26+s4] =	stream.linear.scatter [tilespmem:s25], [sflag:$0x4], $0x80, $0x38;
	[tilespmem:$0x1DA00] =	vst v63  }
0x48e: {  	s31 =	sadd.s32 $0x60, s0;
	s25 =	simm.s32 $0x440;
	s26 =	sadd.s32 $0x1000, s0  }
0x48f: {  	[hbm4b:s31+s4] =	stream.linear.scatter [tilespmem:s30], [sflag:$0x4], $0x80, $0x38;
	[tilespmem:$0x1DA00] =	vst v63  }
.LBB2_25:
0x490: {  	[hbm4b:s1+s4] =	stream.linear.scatter [tilespmem:s29], [sflag:$0x4], $0x80, $0x38;
	[tilespmem:$0x1DA00] =	vst v63  }
0x491: {  	s0 =	smov.u32 s25;
	s1 =	smov.u32 s28  }
0x492: {  	s2 =	sadd.s32 $0x1100, s28;
	s25 =	sshra.s32 s1, $0x2;
	s1 =	sadd.s32 $0x18600, s0  }
0x493: {  	[hbm4b:s26+s4] =	stream.linear.scatter [tilespmem:s1], [sflag:$0x4], $0x80, $0x38;
	[tilespmem:$0x1DA00] =	vst v63  }
0x494: {  	p0 =	sne.s32 s28, $0x7700;
	s28 =	sadd.s32 $0x10, s26;
	s1 =	sadd.s32 $0x18688, s0  }
0x495: {  	[hbm4b:s28+s4] =	stream.linear.scatter [tilespmem:s1], [sflag:$0x4], $0x80, $0x38;
	[tilespmem:$0x1DA00] =	vst v63  }
0x496: {  	s1 =	sadd.s32 $0x18710, s0;
	s28 =	sadd.s32 $0x20, s26  }
0x497: {  	[hbm4b:s28+s4] =	stream.linear.scatter [tilespmem:s1], [sflag:$0x4], $0x80, $0x38;
	[tilespmem:$0x1DA00] =	vst v63  }
0x498: {  	s1 =	sadd.s32 $0x18798, s0;
	s28 =	sadd.s32 $0x30, s26  }
0x499: {  	[hbm4b:s28+s4] =	stream.linear.scatter [tilespmem:s1], [sflag:$0x4], $0x80, $0x38;
	[tilespmem:$0x1DA00] =	vst v63  }
0x49a: {  	s1 =	sadd.s32 $0x18820, s0;
	s28 =	sadd.s32 $0x40, s26  }
0x49b: {  	[hbm4b:s28+s4] =	stream.linear.scatter [tilespmem:s1], [sflag:$0x4], $0x80, $0x38;
	[tilespmem:$0x1DA00] =	vst v63  }
.Ltmp11:
0x49c: {  	s1 =	sadd.s32 $0x188A8, s0;
	s28 =	sadd.s32 $0x50, s26;
	(pc) =	sbr.rel @p0 .LBB2_25-.Ltmp11, $4  }
0x49d: {  	[hbm4b:s28+s4] =	stream.linear.scatter [tilespmem:s1], [sflag:$0x4], $0x80, $0x38;
	[tilespmem:$0x1DA00] =	vst v63  }
0x49e: {  	s29 =	sadd.s32 $0x189B8, s0;
	s1 =	sadd.s32 $0x18930, s0;
	s28 =	sadd.s32 $0x60, s26  }
0x49f: {  	[hbm4b:s28+s4] =	stream.linear.scatter [tilespmem:s1], [sflag:$0x4], $0x80, $0x38;
	[tilespmem:$0x1DA00] =	vst v63  }
0x4a0: {  	s1 =	sadd.s32 $0x70, s26;
	s26 =	sadd.s32 $0x1000, s26;
	s28 =	smov.u32 s2  }
0x4a1: {  	[hbm4b:s1+s4] =	stream.linear.scatter [tilespmem:s29], [sflag:$0x4], $0x80, $0x38;
	[tilespmem:$0x1DA00] =	vst v63  }
0x4a2: {  	s0 =	sadd.s32 $0x18600, s25  }
0x4a3: {  	[hbm4b:s26+s4] =	stream.linear.scatter [tilespmem:s0], [sflag:$0x4], $0x80, $0x38;
	[tilespmem:$0x1DA00] =	vst v63  }
0x4a4: {  	s30 =	sadd.s32 $0x18688, s25;
	s31 =	sadd.s32 $0x10, s26  }
0x4a5: {  	[hbm4b:s31+s4] =	stream.linear.scatter [tilespmem:s30], [sflag:$0x4], $0x80, $0x38;
	[tilespmem:$0x1DA00] =	vst v63  }
0x4a6: {  	s2 =	sadd.s32 $0x18710, s25;
	s29 =	sadd.s32 $0x20, s26  }
0x4a7: {  	[hbm4b:s29+s4] =	stream.linear.scatter [tilespmem:s2], [sflag:$0x4], $0x80, $0x38;
	[tilespmem:$0x1DA00] =	vst v63  }
0x4a8: {  	s30 =	sadd.s32 $0x18798, s25;
	s31 =	sadd.s32 $0x30, s26  }
0x4a9: {  	[hbm4b:s31+s4] =	stream.linear.scatter [tilespmem:s30], [sflag:$0x4], $0x80, $0x38;
	[tilespmem:$0x1DA00] =	vst v63  }
0x4aa: {  	s2 =	sadd.s32 $0x18820, s25;
	s29 =	sadd.s32 $0x40, s26  }
0x4ab: {  	[hbm4b:s29+s4] =	stream.linear.scatter [tilespmem:s2], [sflag:$0x4], $0x80, $0x38;
	[tilespmem:$0x1DA00] =	vst v63  }
0x4ac: {  	s30 =	sadd.s32 $0x188A8, s25;
	s31 =	sadd.s32 $0x50, s26  }
0x4ad: {  	[hbm4b:s31+s4] =	stream.linear.scatter [tilespmem:s30], [sflag:$0x4], $0x80, $0x38;
	[tilespmem:$0x1DA00] =	vst v63  }
0x4ae: {  	s2 =	sadd.s32 $0x18930, s25;
	s29 =	sadd.s32 $0x60, s26  }
0x4af: {  	[hbm4b:s29+s4] =	stream.linear.scatter [tilespmem:s2], [sflag:$0x4], $0x80, $0x38;
	[tilespmem:$0x1DA00] =	vst v63  }
0x4b0: {  	s30 =	sadd.s32 $0x189B8, s25;
	s31 =	sadd.s32 $0x70, s26  }
0x4b1: {  	[hbm4b:s31+s4] =	stream.linear.scatter [tilespmem:s30], [sflag:$0x4], $0x80, $0x38;
	[tilespmem:$0x1DA00] =	vst v63  }
0x4b2: {  	s25 =	sor.u32 $0x2, s24;
	_ =	swait.ge [sflag:s19], $0x2000  }
0x4b3: {  	s1 =	sshll.u32 s25, $0x6;
	[sflag:s19] =	ssyncset.done $0x0  }
0x4b4: {  	s0 =	sand.u32 $0x3FFFFFC0, s1;
	[sflag:s19] =	ssyncadd.s32 $0xFFFFE000  }
0x4b5: {  	s26 =	simm.s32 $0x12400;
	s2 =	simm.s32 $0x0;
	v4 =	vld [tilespmem:s0+$0x1A800]  }
0x4b6: {  	v5 =	vmov s2;
	v7 =	vld [tilespmem:s26+$0x0]  }
0x4b7: {  	v8 =	vand.u32 $0x7C, v5  }
0x4b8: {  	v9 =	vadd.s32 v0, v8;
	_ =	sdelay $0x2  }
0x4b9: {  	v5 =	vld [tilespmem:s0+$0x1A810];
	v10 =	vadd.f32 v7, v4  }
0x4ba: {  	v6 =	vld [tilespmem:s0+$0x1A820]  }
0x4bb: {  	v7 =	vld [tilespmem:s0+$0x1A830];
	[tilespmem:v9+s17+$0x0] =	vst.idx.msk $0xffff, v10  }
0x4bc: {  	v9 =	vld [tilespmem:s26+$0x10];
	_ =	sdelay $0x1  }
0x4bd: {  	v10 =	vadd.s32 v1, v8;
	_ =	sdelay $0x2  }
0x4be: {  	v9 =	vadd.f32 v9, v5;
	_ =	sdelay $0x1  }
0x4bf: {  	[tilespmem:v10+s17+$0x0] =	vst.idx.msk $0xffff, v9  }
0x4c0: {  	v9 =	vld [tilespmem:s26+$0x20];
	_ =	sdelay $0x1  }
0x4c1: {  	v10 =	vadd.s32 v2, v8;
	_ =	sdelay $0x2  }
0x4c2: {  	v9 =	vadd.f32 v9, v6;
	_ =	sdelay $0x1  }
0x4c3: {  	[tilespmem:v10+s17+$0x0] =	vst.idx.msk $0xffff, v9  }
0x4c4: {  	v9 =	vld [tilespmem:s26+$0x30];
	_ =	sdelay $0x1  }
0x4c5: {  	v8 =	vadd.s32 v3, v8;
	_ =	sdelay $0x2  }
0x4c6: {  	v9 =	vadd.f32 v9, v7;
	_ =	sdelay $0x1  }
0x4c7: {  	s29 =	simm.s32 $0x1;
	[tilespmem:v8+s17+$0x0] =	vst.idx.msk $0xffff, v9  }
0x4c8: {  	v8 =	vmov s29;
	v9 =	vld [tilespmem:s26+$0x40]  }
0x4c9: {  	v8 =	vand.u32 $0x7D, v8  }
0x4ca: {  	v10 =	vadd.s32 v0, v8;
	_ =	sdelay $0x2  }
0x4cb: {  	v9 =	vadd.f32 v9, v4;
	_ =	sdelay $0x1  }
0x4cc: {  	[tilespmem:v10+s17+$0x0] =	vst.idx.msk $0xffff, v9  }
0x4cd: {  	v9 =	vld [tilespmem:s26+$0x50];
	_ =	sdelay $0x1  }
0x4ce: {  	v10 =	vadd.s32 v1, v8;
	_ =	sdelay $0x2  }
0x4cf: {  	v9 =	vadd.f32 v9, v5;
	_ =	sdelay $0x1  }
0x4d0: {  	[tilespmem:v10+s17+$0x0] =	vst.idx.msk $0xffff, v9  }
0x4d1: {  	v9 =	vld [tilespmem:s26+$0x60];
	_ =	sdelay $0x1  }
0x4d2: {  	v10 =	vadd.s32 v2, v8;
	_ =	sdelay $0x2  }
0x4d3: {  	v9 =	vadd.f32 v9, v6;
	_ =	sdelay $0x1  }
0x4d4: {  	[tilespmem:v10+s17+$0x0] =	vst.idx.msk $0xffff, v9  }
0x4d5: {  	v9 =	vld [tilespmem:s26+$0x70];
	_ =	sdelay $0x1  }
0x4d6: {  	v8 =	vadd.s32 v3, v8;
	_ =	sdelay $0x2  }
0x4d7: {  	v9 =	vadd.f32 v9, v7;
	_ =	sdelay $0x1  }
0x4d8: {  	s30 =	simm.s32 $0x2;
	[tilespmem:v8+s17+$0x0] =	vst.idx.msk $0xffff, v9  }
0x4d9: {  	v8 =	vmov s30;
	v9 =	vld [tilespmem:s26+$0x80]  }
0x4da: {  	v8 =	vand.u32 $0x7E, v8  }
0x4db: {  	v10 =	vadd.s32 v0, v8;
	_ =	sdelay $0x2  }
0x4dc: {  	v9 =	vadd.f32 v9, v4;
	_ =	sdelay $0x1  }
0x4dd: {  	[tilespmem:v10+s17+$0x0] =	vst.idx.msk $0xffff, v9  }
0x4de: {  	v9 =	vld [tilespmem:s26+$0x90];
	_ =	sdelay $0x1  }
0x4df: {  	v10 =	vadd.s32 v1, v8;
	_ =	sdelay $0x2  }
0x4e0: {  	v9 =	vadd.f32 v9, v5;
	_ =	sdelay $0x1  }
0x4e1: {  	[tilespmem:v10+s17+$0x0] =	vst.idx.msk $0xffff, v9  }
0x4e2: {  	v9 =	vld [tilespmem:s26+$0xA0];
	_ =	sdelay $0x1  }
0x4e3: {  	v10 =	vadd.s32 v2, v8;
	_ =	sdelay $0x2  }
0x4e4: {  	v9 =	vadd.f32 v9, v6;
	_ =	sdelay $0x1  }
0x4e5: {  	[tilespmem:v10+s17+$0x0] =	vst.idx.msk $0xffff, v9  }
0x4e6: {  	v9 =	vld [tilespmem:s26+$0xB0];
	_ =	sdelay $0x1  }
0x4e7: {  	v8 =	vadd.s32 v3, v8;
	_ =	sdelay $0x2  }
0x4e8: {  	v9 =	vadd.f32 v9, v7;
	_ =	sdelay $0x1  }
0x4e9: {  	s31 =	simm.s32 $0x3;
	[tilespmem:v8+s17+$0x0] =	vst.idx.msk $0xffff, v9  }
0x4ea: {  	v8 =	vmov s31;
	v9 =	vld [tilespmem:s26+$0xC0]  }
0x4eb: {  	v8 =	vand.u32 $0x7F, v8  }
0x4ec: {  	v10 =	vadd.s32 v0, v8;
	_ =	sdelay $0x2  }
0x4ed: {  	v9 =	vadd.f32 v9, v4;
	_ =	sdelay $0x1  }
0x4ee: {  	[tilespmem:v10+s17+$0x0] =	vst.idx.msk $0xffff, v9  }
0x4ef: {  	v9 =	vld [tilespmem:s26+$0xD0];
	_ =	sdelay $0x1  }
0x4f0: {  	v10 =	vadd.s32 v1, v8;
	_ =	sdelay $0x2  }
0x4f1: {  	v9 =	vadd.f32 v9, v5;
	_ =	sdelay $0x1  }
0x4f2: {  	[tilespmem:v10+s17+$0x0] =	vst.idx.msk $0xffff, v9  }
0x4f3: {  	v9 =	vld [tilespmem:s26+$0xE0];
	_ =	sdelay $0x1  }
0x4f4: {  	v10 =	vadd.s32 v2, v8;
	_ =	sdelay $0x2  }
0x4f5: {  	v9 =	vadd.f32 v9, v6;
	_ =	sdelay $0x1  }
0x4f6: {  	[tilespmem:v10+s17+$0x0] =	vst.idx.msk $0xffff, v9  }
0x4f7: {  	v9 =	vld [tilespmem:s26+$0xF0];
	_ =	sdelay $0x1  }
0x4f8: {  	v8 =	vadd.s32 v3, v8;
	_ =	sdelay $0x2  }
0x4f9: {  	s28 =	simm.s32 $0x4;
	v9 =	vadd.f32 v9, v7  }
.LBB2_27:
0x4fa: {  	p0 =	slt.u32 s28, $0x7C  }
0x4fb: {  	s26 =	sadd.s32 $0x100, s26;
	s29 =	smov.u32 s28;
	s28 =	sadd.s32 $0x4, s28;
	[tilespmem:v8+s17+$0x0] =	vst.idx.msk $0xffff, v9  }
0x4fc: {  	v8 =	vmov s29;
	v9 =	vld [tilespmem:s26+$0x0]  }
0x4fd: {  	v8 =	vand.u32 $0x7C, v8  }
0x4fe: {  	v10 =	vadd.s32 v0, v8;
	_ =	sdelay $0x2  }
0x4ff: {  	v9 =	vadd.f32 v9, v4;
	_ =	sdelay $0x1  }
0x500: {  	[tilespmem:v10+s17+$0x0] =	vst.idx.msk $0xffff, v9  }
0x501: {  	v9 =	vld [tilespmem:s26+$0x10];
	_ =	sdelay $0x1  }
0x502: {  	v10 =	vadd.s32 v1, v8;
	_ =	sdelay $0x2  }
0x503: {  	v9 =	vadd.f32 v9, v5;
	_ =	sdelay $0x1  }
0x504: {  	[tilespmem:v10+s17+$0x0] =	vst.idx.msk $0xffff, v9  }
0x505: {  	v9 =	vld [tilespmem:s26+$0x20];
	_ =	sdelay $0x1  }
0x506: {  	v10 =	vadd.s32 v2, v8;
	_ =	sdelay $0x2  }
0x507: {  	v9 =	vadd.f32 v9, v6;
	_ =	sdelay $0x1  }
0x508: {  	[tilespmem:v10+s17+$0x0] =	vst.idx.msk $0xffff, v9  }
0x509: {  	v9 =	vld [tilespmem:s26+$0x30];
	_ =	sdelay $0x1  }
0x50a: {  	v8 =	vadd.s32 v3, v8;
	_ =	sdelay $0x2  }
0x50b: {  	v9 =	vadd.f32 v9, v7;
	_ =	sdelay $0x1  }
0x50c: {  	s0 =	sadd.s32 $0x1, s29;
	[tilespmem:v8+s17+$0x0] =	vst.idx.msk $0xffff, v9  }
0x50d: {  	v8 =	vmov s0;
	v9 =	vld [tilespmem:s26+$0x40]  }
0x50e: {  	v8 =	vand.u32 $0x7D, v8  }
0x50f: {  	v10 =	vadd.s32 v0, v8;
	_ =	sdelay $0x2  }
0x510: {  	v9 =	vadd.f32 v9, v4;
	_ =	sdelay $0x1  }
0x511: {  	[tilespmem:v10+s17+$0x0] =	vst.idx.msk $0xffff, v9  }
0x512: {  	v9 =	vld [tilespmem:s26+$0x50];
	_ =	sdelay $0x1  }
0x513: {  	v10 =	vadd.s32 v1, v8;
	_ =	sdelay $0x2  }
0x514: {  	v9 =	vadd.f32 v9, v5;
	_ =	sdelay $0x1  }
0x515: {  	[tilespmem:v10+s17+$0x0] =	vst.idx.msk $0xffff, v9  }
0x516: {  	v9 =	vld [tilespmem:s26+$0x60];
	_ =	sdelay $0x1  }
0x517: {  	v10 =	vadd.s32 v2, v8;
	_ =	sdelay $0x2  }
0x518: {  	v9 =	vadd.f32 v9, v6;
	_ =	sdelay $0x1  }
0x519: {  	[tilespmem:v10+s17+$0x0] =	vst.idx.msk $0xffff, v9  }
0x51a: {  	v9 =	vld [tilespmem:s26+$0x70];
	_ =	sdelay $0x1  }
0x51b: {  	v8 =	vadd.s32 v3, v8;
	_ =	sdelay $0x2  }
0x51c: {  	v9 =	vadd.f32 v9, v7;
	_ =	sdelay $0x1  }
0x51d: {  	s0 =	sadd.s32 $0x2, s29;
	[tilespmem:v8+s17+$0x0] =	vst.idx.msk $0xffff, v9  }
0x51e: {  	v8 =	vmov s0;
	v9 =	vld [tilespmem:s26+$0x80]  }
0x51f: {  	v8 =	vand.u32 $0x7E, v8  }
0x520: {  	v10 =	vadd.s32 v0, v8;
	_ =	sdelay $0x2  }
0x521: {  	v9 =	vadd.f32 v9, v4;
	_ =	sdelay $0x1  }
0x522: {  	[tilespmem:v10+s17+$0x0] =	vst.idx.msk $0xffff, v9  }
0x523: {  	v9 =	vld [tilespmem:s26+$0x90];
	_ =	sdelay $0x1  }
0x524: {  	v10 =	vadd.s32 v1, v8;
	_ =	sdelay $0x2  }
0x525: {  	v9 =	vadd.f32 v9, v5;
	_ =	sdelay $0x1  }
0x526: {  	[tilespmem:v10+s17+$0x0] =	vst.idx.msk $0xffff, v9  }
0x527: {  	v9 =	vld [tilespmem:s26+$0xA0];
	_ =	sdelay $0x1  }
0x528: {  	v10 =	vadd.s32 v2, v8;
	_ =	sdelay $0x2  }
0x529: {  	v9 =	vadd.f32 v9, v6;
	_ =	sdelay $0x1  }
0x52a: {  	[tilespmem:v10+s17+$0x0] =	vst.idx.msk $0xffff, v9  }
0x52b: {  	v9 =	vld [tilespmem:s26+$0xB0];
	_ =	sdelay $0x1  }
0x52c: {  	v8 =	vadd.s32 v3, v8;
	_ =	sdelay $0x2  }
0x52d: {  	v9 =	vadd.f32 v9, v7;
	_ =	sdelay $0x1  }
0x52e: {  	s0 =	sadd.s32 $0x3, s29;
	[tilespmem:v8+s17+$0x0] =	vst.idx.msk $0xffff, v9  }
0x52f: {  	v8 =	vmov s0;
	v9 =	vld [tilespmem:s26+$0xC0]  }
0x530: {  	v8 =	vand.u32 $0x7F, v8  }
0x531: {  	v10 =	vadd.s32 v0, v8;
	_ =	sdelay $0x2  }
0x532: {  	v9 =	vadd.f32 v9, v4;
	_ =	sdelay $0x1  }
0x533: {  	[tilespmem:v10+s17+$0x0] =	vst.idx.msk $0xffff, v9  }
0x534: {  	v9 =	vld [tilespmem:s26+$0xD0];
	_ =	sdelay $0x1  }
0x535: {  	v10 =	vadd.s32 v1, v8;
	_ =	sdelay $0x2  }
0x536: {  	v9 =	vadd.f32 v9, v5;
	_ =	sdelay $0x1  }
0x537: {  	[tilespmem:v10+s17+$0x0] =	vst.idx.msk $0xffff, v9  }
0x538: {  	v9 =	vld [tilespmem:s26+$0xE0];
	_ =	sdelay $0x1  }
0x539: {  	v10 =	vadd.s32 v2, v8;
	_ =	sdelay $0x2  }
0x53a: {  	v9 =	vadd.f32 v9, v6;
	_ =	sdelay $0x1  }
0x53b: {  	[tilespmem:v10+s17+$0x0] =	vst.idx.msk $0xffff, v9  }
0x53c: {  	v9 =	vld [tilespmem:s26+$0xF0]  }
.Ltmp12:
0x53d: {  	(pc) =	sbr.rel @p0 .LBB2_27-.Ltmp12, $2  }
0x53e: {  	v8 =	vadd.s32 v3, v8;
	_ =	sdelay $0x2  }
0x53f: {  	v9 =	vadd.f32 v9, v7  }
0x540: {  	_ = 	snop  }
0x541: {  	s0 =	sshll.u32 s25, $0x12  }
0x542: {  	s0 =	sor.u32 s5, s0  }
0x543: {  	s0 =	sshrl.u32 s0, $0x3  }
0x544: {  	s1 =	simm.s32 $0x16400;
	[tilespmem:v8+s17+$0x0] =	vst.idx.msk $0xffff, v9;
	s0 =	sadd.s32 s3, s0  }
0x545: {  	[hbm4b:s0+s4] =	stream.linear.scatter [tilespmem:s1], [sflag:$0x3], $0x80, $0x38;
	[tilespmem:$0x1DA00] =	vst v63  }
0x546: {  	s26 =	simm.s32 $0x16488;
	s2 =	sadd.s32 $0x10, s0  }
0x547: {  	[hbm4b:s2+s4] =	stream.linear.scatter [tilespmem:s26], [sflag:$0x3], $0x80, $0x38;
	[tilespmem:$0x1DA00] =	vst v63  }
0x548: {  	s30 =	simm.s32 $0x16510;
	s25 =	simm.s32 $0x16598;
	s31 =	sadd.s32 $0x20, s0  }
0x549: {  	[hbm4b:s31+s4] =	stream.linear.scatter [tilespmem:s30], [sflag:$0x3], $0x80, $0x38;
	[tilespmem:$0x1DA00] =	vst v63  }
0x54a: {  	s28 =	simm.s32 $0x2200;
	s29 =	simm.s32 $0x167B8;
	s26 =	sadd.s32 $0x30, s0  }
0x54b: {  	[hbm4b:s26+s4] =	stream.linear.scatter [tilespmem:s25], [sflag:$0x3], $0x80, $0x38;
	[tilespmem:$0x1DA00] =	vst v63  }
0x54c: {  	s1 =	sadd.s32 $0x70, s0;
	s30 =	simm.s32 $0x16620;
	s31 =	sadd.s32 $0x40, s0  }
0x54d: {  	[hbm4b:s31+s4] =	stream.linear.scatter [tilespmem:s30], [sflag:$0x3], $0x80, $0x38;
	[tilespmem:$0x1DA00] =	vst v63  }
0x54e: {  	s25 =	simm.s32 $0x166A8;
	s26 =	sadd.s32 $0x50, s0;
	s30 =	simm.s32 $0x16730  }
0x54f: {  	[hbm4b:s26+s4] =	stream.linear.scatter [tilespmem:s25], [sflag:$0x3], $0x80, $0x38;
	[tilespmem:$0x1DA00] =	vst v63  }
0x550: {  	s31 =	sadd.s32 $0x60, s0;
	s25 =	simm.s32 $0x440;
	s26 =	sadd.s32 $0x1000, s0  }
0x551: {  	[hbm4b:s31+s4] =	stream.linear.scatter [tilespmem:s30], [sflag:$0x3], $0x80, $0x38;
	[tilespmem:$0x1DA00] =	vst v63  }
.LBB2_29:
0x552: {  	[hbm4b:s1+s4] =	stream.linear.scatter [tilespmem:s29], [sflag:$0x3], $0x80, $0x38;
	[tilespmem:$0x1DA00] =	vst v63  }
0x553: {  	s0 =	smov.u32 s25;
	s1 =	smov.u32 s28  }
0x554: {  	s2 =	sadd.s32 $0x1100, s28;
	s25 =	sshra.s32 s1, $0x2;
	s1 =	sadd.s32 $0x16400, s0  }
0x555: {  	[hbm4b:s26+s4] =	stream.linear.scatter [tilespmem:s1], [sflag:$0x3], $0x80, $0x38;
	[tilespmem:$0x1DA00] =	vst v63  }
0x556: {  	p0 =	sne.s32 s28, $0x7700;
	s28 =	sadd.s32 $0x10, s26;
	s1 =	sadd.s32 $0x16488, s0  }
0x557: {  	[hbm4b:s28+s4] =	stream.linear.scatter [tilespmem:s1], [sflag:$0x3], $0x80, $0x38;
	[tilespmem:$0x1DA00] =	vst v63  }
0x558: {  	s1 =	sadd.s32 $0x16510, s0;
	s28 =	sadd.s32 $0x20, s26  }
0x559: {  	[hbm4b:s28+s4] =	stream.linear.scatter [tilespmem:s1], [sflag:$0x3], $0x80, $0x38;
	[tilespmem:$0x1DA00] =	vst v63  }
0x55a: {  	s1 =	sadd.s32 $0x16598, s0;
	s28 =	sadd.s32 $0x30, s26  }
0x55b: {  	[hbm4b:s28+s4] =	stream.linear.scatter [tilespmem:s1], [sflag:$0x3], $0x80, $0x38;
	[tilespmem:$0x1DA00] =	vst v63  }
0x55c: {  	s1 =	sadd.s32 $0x16620, s0;
	s28 =	sadd.s32 $0x40, s26  }
0x55d: {  	[hbm4b:s28+s4] =	stream.linear.scatter [tilespmem:s1], [sflag:$0x3], $0x80, $0x38;
	[tilespmem:$0x1DA00] =	vst v63  }
.Ltmp13:
0x55e: {  	s1 =	sadd.s32 $0x166A8, s0;
	s28 =	sadd.s32 $0x50, s26;
	(pc) =	sbr.rel @p0 .LBB2_29-.Ltmp13, $4  }
0x55f: {  	[hbm4b:s28+s4] =	stream.linear.scatter [tilespmem:s1], [sflag:$0x3], $0x80, $0x38;
	[tilespmem:$0x1DA00] =	vst v63  }
0x560: {  	s29 =	sadd.s32 $0x167B8, s0;
	s1 =	sadd.s32 $0x16730, s0;
	s28 =	sadd.s32 $0x60, s26  }
0x561: {  	[hbm4b:s28+s4] =	stream.linear.scatter [tilespmem:s1], [sflag:$0x3], $0x80, $0x38;
	[tilespmem:$0x1DA00] =	vst v63  }
0x562: {  	s1 =	sadd.s32 $0x70, s26;
	s26 =	sadd.s32 $0x1000, s26;
	s28 =	smov.u32 s2  }
0x563: {  	[hbm4b:s1+s4] =	stream.linear.scatter [tilespmem:s29], [sflag:$0x3], $0x80, $0x38;
	[tilespmem:$0x1DA00] =	vst v63  }
0x564: {  	s0 =	sadd.s32 $0x16400, s25  }
0x565: {  	[hbm4b:s26+s4] =	stream.linear.scatter [tilespmem:s0], [sflag:$0x3], $0x80, $0x38;
	[tilespmem:$0x1DA00] =	vst v63  }
0x566: {  	s1 =	sadd.s32 $0x16488, s25;
	s2 =	sadd.s32 $0x10, s26  }
0x567: {  	[hbm4b:s2+s4] =	stream.linear.scatter [tilespmem:s1], [sflag:$0x3], $0x80, $0x38;
	[tilespmem:$0x1DA00] =	vst v63  }
0x568: {  	s28 =	sadd.s32 $0x16510, s25;
	s29 =	sadd.s32 $0x20, s26  }
0x569: {  	[hbm4b:s29+s4] =	stream.linear.scatter [tilespmem:s28], [sflag:$0x3], $0x80, $0x38;
	[tilespmem:$0x1DA00] =	vst v63  }
0x56a: {  	s30 =	sadd.s32 $0x16598, s25;
	s31 =	sadd.s32 $0x30, s26  }
0x56b: {  	[hbm4b:s31+s4] =	stream.linear.scatter [tilespmem:s30], [sflag:$0x3], $0x80, $0x38;
	[tilespmem:$0x1DA00] =	vst v63  }
0x56c: {  	s1 =	sadd.s32 $0x16620, s25;
	s2 =	sadd.s32 $0x40, s26  }
0x56d: {  	[hbm4b:s2+s4] =	stream.linear.scatter [tilespmem:s1], [sflag:$0x3], $0x80, $0x38;
	[tilespmem:$0x1DA00] =	vst v63  }
0x56e: {  	s28 =	sadd.s32 $0x166A8, s25;
	s29 =	sadd.s32 $0x50, s26  }
0x56f: {  	[hbm4b:s29+s4] =	stream.linear.scatter [tilespmem:s28], [sflag:$0x3], $0x80, $0x38;
	[tilespmem:$0x1DA00] =	vst v63  }
0x570: {  	s30 =	sadd.s32 $0x16730, s25;
	s31 =	sadd.s32 $0x60, s26  }
0x571: {  	[hbm4b:s31+s4] =	stream.linear.scatter [tilespmem:s30], [sflag:$0x3], $0x80, $0x38;
	[tilespmem:$0x1DA00] =	vst v63  }
0x572: {  	s2 =	sadd.s32 $0x167B8, s25;
	s25 =	sadd.s32 $0x70, s26  }
0x573: {  	[hbm4b:s25+s4] =	stream.linear.scatter [tilespmem:s2], [sflag:$0x3], $0x80, $0x38;
	[tilespmem:$0x1DA00] =	vst v63  }
0x574: {  	s24 =	sor.u32 $0x3, s24;
	_ =	swait.ge [sflag:s20], $0x2000  }
0x575: {  	s26 =	sshll.u32 s24, $0x6;
	[sflag:s20] =	ssyncset.done $0x0  }
0x576: {  	s0 =	sand.u32 $0x3FFFFFC0, s26;
	[sflag:s20] =	ssyncadd.s32 $0xFFFFE000  }
0x577: {  	s28 =	simm.s32 $0x0;
	s25 =	simm.s32 $0x14400;
	v4 =	vld [tilespmem:s0+$0x1A800]  }
0x578: {  	v5 =	vmov s28;
	v7 =	vld [tilespmem:s25+$0x0]  }
0x579: {  	v8 =	vand.u32 $0x7C, v5  }
0x57a: {  	v9 =	vadd.s32 v0, v8;
	_ =	sdelay $0x2  }
0x57b: {  	v5 =	vld [tilespmem:s0+$0x1A810];
	v10 =	vadd.f32 v7, v4  }
0x57c: {  	v6 =	vld [tilespmem:s0+$0x1A820]  }
0x57d: {  	v7 =	vld [tilespmem:s0+$0x1A830];
	[tilespmem:v9+s18+$0x0] =	vst.idx.msk $0xffff, v10  }
0x57e: {  	v9 =	vld [tilespmem:s25+$0x10];
	_ =	sdelay $0x1  }
0x57f: {  	v10 =	vadd.s32 v1, v8;
	_ =	sdelay $0x2  }
0x580: {  	v9 =	vadd.f32 v9, v5;
	_ =	sdelay $0x1  }
0x581: {  	[tilespmem:v10+s18+$0x0] =	vst.idx.msk $0xffff, v9  }
0x582: {  	v9 =	vld [tilespmem:s25+$0x20];
	_ =	sdelay $0x1  }
0x583: {  	v10 =	vadd.s32 v2, v8;
	_ =	sdelay $0x2  }
0x584: {  	v9 =	vadd.f32 v9, v6;
	_ =	sdelay $0x1  }
0x585: {  	[tilespmem:v10+s18+$0x0] =	vst.idx.msk $0xffff, v9  }
0x586: {  	v9 =	vld [tilespmem:s25+$0x30];
	_ =	sdelay $0x1  }
0x587: {  	v8 =	vadd.s32 v3, v8;
	_ =	sdelay $0x2  }
0x588: {  	v9 =	vadd.f32 v9, v7;
	_ =	sdelay $0x1  }
0x589: {  	s29 =	simm.s32 $0x1;
	[tilespmem:v8+s18+$0x0] =	vst.idx.msk $0xffff, v9  }
0x58a: {  	v8 =	vmov s29;
	v9 =	vld [tilespmem:s25+$0x40]  }
0x58b: {  	v8 =	vand.u32 $0x7D, v8  }
0x58c: {  	v10 =	vadd.s32 v0, v8;
	_ =	sdelay $0x2  }
0x58d: {  	v9 =	vadd.f32 v9, v4;
	_ =	sdelay $0x1  }
0x58e: {  	[tilespmem:v10+s18+$0x0] =	vst.idx.msk $0xffff, v9  }
0x58f: {  	v9 =	vld [tilespmem:s25+$0x50];
	_ =	sdelay $0x1  }
0x590: {  	v10 =	vadd.s32 v1, v8;
	_ =	sdelay $0x2  }
0x591: {  	v9 =	vadd.f32 v9, v5;
	_ =	sdelay $0x1  }
0x592: {  	[tilespmem:v10+s18+$0x0] =	vst.idx.msk $0xffff, v9  }
0x593: {  	v9 =	vld [tilespmem:s25+$0x60];
	_ =	sdelay $0x1  }
0x594: {  	v10 =	vadd.s32 v2, v8;
	_ =	sdelay $0x2  }
0x595: {  	v9 =	vadd.f32 v9, v6;
	_ =	sdelay $0x1  }
0x596: {  	[tilespmem:v10+s18+$0x0] =	vst.idx.msk $0xffff, v9  }
0x597: {  	v9 =	vld [tilespmem:s25+$0x70];
	_ =	sdelay $0x1  }
0x598: {  	v8 =	vadd.s32 v3, v8;
	_ =	sdelay $0x2  }
0x599: {  	v9 =	vadd.f32 v9, v7;
	_ =	sdelay $0x1  }
0x59a: {  	s30 =	simm.s32 $0x2;
	[tilespmem:v8+s18+$0x0] =	vst.idx.msk $0xffff, v9  }
0x59b: {  	v8 =	vmov s30;
	v9 =	vld [tilespmem:s25+$0x80]  }
0x59c: {  	v8 =	vand.u32 $0x7E, v8  }
0x59d: {  	v10 =	vadd.s32 v0, v8;
	_ =	sdelay $0x2  }
0x59e: {  	v9 =	vadd.f32 v9, v4;
	_ =	sdelay $0x1  }
0x59f: {  	[tilespmem:v10+s18+$0x0] =	vst.idx.msk $0xffff, v9  }
0x5a0: {  	v9 =	vld [tilespmem:s25+$0x90];
	_ =	sdelay $0x1  }
0x5a1: {  	v10 =	vadd.s32 v1, v8;
	_ =	sdelay $0x2  }
0x5a2: {  	v9 =	vadd.f32 v9, v5;
	_ =	sdelay $0x1  }
0x5a3: {  	[tilespmem:v10+s18+$0x0] =	vst.idx.msk $0xffff, v9  }
0x5a4: {  	v9 =	vld [tilespmem:s25+$0xA0];
	_ =	sdelay $0x1  }
0x5a5: {  	v10 =	vadd.s32 v2, v8;
	_ =	sdelay $0x2  }
0x5a6: {  	v9 =	vadd.f32 v9, v6;
	_ =	sdelay $0x1  }
0x5a7: {  	[tilespmem:v10+s18+$0x0] =	vst.idx.msk $0xffff, v9  }
0x5a8: {  	v9 =	vld [tilespmem:s25+$0xB0];
	_ =	sdelay $0x1  }
0x5a9: {  	v8 =	vadd.s32 v3, v8;
	_ =	sdelay $0x2  }
0x5aa: {  	v9 =	vadd.f32 v9, v7;
	_ =	sdelay $0x1  }
0x5ab: {  	s31 =	simm.s32 $0x3;
	[tilespmem:v8+s18+$0x0] =	vst.idx.msk $0xffff, v9  }
0x5ac: {  	v8 =	vmov s31;
	v9 =	vld [tilespmem:s25+$0xC0]  }
0x5ad: {  	v8 =	vand.u32 $0x7F, v8  }
0x5ae: {  	v10 =	vadd.s32 v0, v8;
	_ =	sdelay $0x2  }
0x5af: {  	v9 =	vadd.f32 v9, v4;
	_ =	sdelay $0x1  }
0x5b0: {  	[tilespmem:v10+s18+$0x0] =	vst.idx.msk $0xffff, v9  }
0x5b1: {  	v9 =	vld [tilespmem:s25+$0xD0];
	_ =	sdelay $0x1  }
0x5b2: {  	v10 =	vadd.s32 v1, v8;
	_ =	sdelay $0x2  }
0x5b3: {  	v9 =	vadd.f32 v9, v5;
	_ =	sdelay $0x1  }
0x5b4: {  	[tilespmem:v10+s18+$0x0] =	vst.idx.msk $0xffff, v9  }
0x5b5: {  	v9 =	vld [tilespmem:s25+$0xE0];
	_ =	sdelay $0x1  }
0x5b6: {  	v10 =	vadd.s32 v2, v8;
	_ =	sdelay $0x2  }
0x5b7: {  	v9 =	vadd.f32 v9, v6;
	_ =	sdelay $0x1  }
0x5b8: {  	[tilespmem:v10+s18+$0x0] =	vst.idx.msk $0xffff, v9  }
0x5b9: {  	v9 =	vld [tilespmem:s25+$0xF0];
	_ =	sdelay $0x1  }
0x5ba: {  	v8 =	vadd.s32 v3, v8;
	_ =	sdelay $0x2  }
0x5bb: {  	s26 =	simm.s32 $0x4;
	v9 =	vadd.f32 v9, v7  }
.LBB2_31:
0x5bc: {  	p0 =	slt.u32 s26, $0x7C  }
0x5bd: {  	s25 =	sadd.s32 $0x100, s25;
	s28 =	smov.u32 s26;
	s26 =	sadd.s32 $0x4, s26;
	[tilespmem:v8+s18+$0x0] =	vst.idx.msk $0xffff, v9  }
0x5be: {  	v8 =	vmov s28;
	v9 =	vld [tilespmem:s25+$0x0]  }
0x5bf: {  	v8 =	vand.u32 $0x7C, v8  }
0x5c0: {  	v10 =	vadd.s32 v0, v8;
	_ =	sdelay $0x2  }
0x5c1: {  	v9 =	vadd.f32 v9, v4;
	_ =	sdelay $0x1  }
0x5c2: {  	[tilespmem:v10+s18+$0x0] =	vst.idx.msk $0xffff, v9  }
0x5c3: {  	v9 =	vld [tilespmem:s25+$0x10];
	_ =	sdelay $0x1  }
0x5c4: {  	v10 =	vadd.s32 v1, v8;
	_ =	sdelay $0x2  }
0x5c5: {  	v9 =	vadd.f32 v9, v5;
	_ =	sdelay $0x1  }
0x5c6: {  	[tilespmem:v10+s18+$0x0] =	vst.idx.msk $0xffff, v9  }
0x5c7: {  	v9 =	vld [tilespmem:s25+$0x20];
	_ =	sdelay $0x1  }
0x5c8: {  	v10 =	vadd.s32 v2, v8;
	_ =	sdelay $0x2  }
0x5c9: {  	v9 =	vadd.f32 v9, v6;
	_ =	sdelay $0x1  }
0x5ca: {  	[tilespmem:v10+s18+$0x0] =	vst.idx.msk $0xffff, v9  }
0x5cb: {  	v9 =	vld [tilespmem:s25+$0x30];
	_ =	sdelay $0x1  }
0x5cc: {  	v8 =	vadd.s32 v3, v8;
	_ =	sdelay $0x2  }
0x5cd: {  	v9 =	vadd.f32 v9, v7;
	_ =	sdelay $0x1  }
0x5ce: {  	s0 =	sadd.s32 $0x1, s28;
	[tilespmem:v8+s18+$0x0] =	vst.idx.msk $0xffff, v9  }
0x5cf: {  	v8 =	vmov s0;
	v9 =	vld [tilespmem:s25+$0x40]  }
0x5d0: {  	v8 =	vand.u32 $0x7D, v8  }
0x5d1: {  	v10 =	vadd.s32 v0, v8;
	_ =	sdelay $0x2  }
0x5d2: {  	v9 =	vadd.f32 v9, v4;
	_ =	sdelay $0x1  }
0x5d3: {  	[tilespmem:v10+s18+$0x0] =	vst.idx.msk $0xffff, v9  }
0x5d4: {  	v9 =	vld [tilespmem:s25+$0x50];
	_ =	sdelay $0x1  }
0x5d5: {  	v10 =	vadd.s32 v1, v8;
	_ =	sdelay $0x2  }
0x5d6: {  	v9 =	vadd.f32 v9, v5;
	_ =	sdelay $0x1  }
0x5d7: {  	[tilespmem:v10+s18+$0x0] =	vst.idx.msk $0xffff, v9  }
0x5d8: {  	v9 =	vld [tilespmem:s25+$0x60];
	_ =	sdelay $0x1  }
0x5d9: {  	v10 =	vadd.s32 v2, v8;
	_ =	sdelay $0x2  }
0x5da: {  	v9 =	vadd.f32 v9, v6;
	_ =	sdelay $0x1  }
0x5db: {  	[tilespmem:v10+s18+$0x0] =	vst.idx.msk $0xffff, v9  }
0x5dc: {  	v9 =	vld [tilespmem:s25+$0x70];
	_ =	sdelay $0x1  }
0x5dd: {  	v8 =	vadd.s32 v3, v8;
	_ =	sdelay $0x2  }
0x5de: {  	v9 =	vadd.f32 v9, v7;
	_ =	sdelay $0x1  }
0x5df: {  	s0 =	sadd.s32 $0x2, s28;
	[tilespmem:v8+s18+$0x0] =	vst.idx.msk $0xffff, v9  }
0x5e0: {  	v8 =	vmov s0;
	v9 =	vld [tilespmem:s25+$0x80]  }
0x5e1: {  	v8 =	vand.u32 $0x7E, v8  }
0x5e2: {  	v10 =	vadd.s32 v0, v8;
	_ =	sdelay $0x2  }
0x5e3: {  	v9 =	vadd.f32 v9, v4;
	_ =	sdelay $0x1  }
0x5e4: {  	[tilespmem:v10+s18+$0x0] =	vst.idx.msk $0xffff, v9  }
0x5e5: {  	v9 =	vld [tilespmem:s25+$0x90];
	_ =	sdelay $0x1  }
0x5e6: {  	v10 =	vadd.s32 v1, v8;
	_ =	sdelay $0x2  }
0x5e7: {  	v9 =	vadd.f32 v9, v5;
	_ =	sdelay $0x1  }
0x5e8: {  	[tilespmem:v10+s18+$0x0] =	vst.idx.msk $0xffff, v9  }
0x5e9: {  	v9 =	vld [tilespmem:s25+$0xA0];
	_ =	sdelay $0x1  }
0x5ea: {  	v10 =	vadd.s32 v2, v8;
	_ =	sdelay $0x2  }
0x5eb: {  	v9 =	vadd.f32 v9, v6;
	_ =	sdelay $0x1  }
0x5ec: {  	[tilespmem:v10+s18+$0x0] =	vst.idx.msk $0xffff, v9  }
0x5ed: {  	v9 =	vld [tilespmem:s25+$0xB0];
	_ =	sdelay $0x1  }
0x5ee: {  	v8 =	vadd.s32 v3, v8;
	_ =	sdelay $0x2  }
0x5ef: {  	v9 =	vadd.f32 v9, v7;
	_ =	sdelay $0x1  }
0x5f0: {  	s0 =	sadd.s32 $0x3, s28;
	[tilespmem:v8+s18+$0x0] =	vst.idx.msk $0xffff, v9  }
0x5f1: {  	v8 =	vmov s0;
	v9 =	vld [tilespmem:s25+$0xC0]  }
0x5f2: {  	v8 =	vand.u32 $0x7F, v8  }
0x5f3: {  	v10 =	vadd.s32 v0, v8;
	_ =	sdelay $0x2  }
0x5f4: {  	v9 =	vadd.f32 v9, v4;
	_ =	sdelay $0x1  }
0x5f5: {  	[tilespmem:v10+s18+$0x0] =	vst.idx.msk $0xffff, v9  }
0x5f6: {  	v9 =	vld [tilespmem:s25+$0xD0];
	_ =	sdelay $0x1  }
0x5f7: {  	v10 =	vadd.s32 v1, v8;
	_ =	sdelay $0x2  }
0x5f8: {  	v9 =	vadd.f32 v9, v5;
	_ =	sdelay $0x1  }
0x5f9: {  	[tilespmem:v10+s18+$0x0] =	vst.idx.msk $0xffff, v9  }
0x5fa: {  	v9 =	vld [tilespmem:s25+$0xE0];
	_ =	sdelay $0x1  }
0x5fb: {  	v10 =	vadd.s32 v2, v8;
	_ =	sdelay $0x2  }
0x5fc: {  	v9 =	vadd.f32 v9, v6;
	_ =	sdelay $0x1  }
0x5fd: {  	[tilespmem:v10+s18+$0x0] =	vst.idx.msk $0xffff, v9  }
0x5fe: {  	v9 =	vld [tilespmem:s25+$0xF0]  }
.Ltmp14:
0x5ff: {  	(pc) =	sbr.rel @p0 .LBB2_31-.Ltmp14, $2  }
0x600: {  	v8 =	vadd.s32 v3, v8;
	_ =	sdelay $0x2  }
0x601: {  	v9 =	vadd.f32 v9, v7  }
0x602: {  	_ = 	snop  }
0x603: {  	s0 =	sshll.u32 s24, $0x12  }
0x604: {  	s0 =	sor.u32 s5, s0  }
0x605: {  	s0 =	sshrl.u32 s0, $0x3  }
0x606: {  	s1 =	simm.s32 $0x18600;
	[tilespmem:v8+s18+$0x0] =	vst.idx.msk $0xffff, v9;
	s0 =	sadd.s32 s3, s0  }
0x607: {  	[hbm4b:s0+s4] =	stream.linear.scatter [tilespmem:s1], [sflag:$0x4], $0x80, $0x38;
	[tilespmem:$0x1DA00] =	vst v63  }
0x608: {  	s25 =	simm.s32 $0x18688;
	s2 =	sadd.s32 $0x10, s0  }
0x609: {  	[hbm4b:s2+s4] =	stream.linear.scatter [tilespmem:s25], [sflag:$0x4], $0x80, $0x38;
	[tilespmem:$0x1DA00] =	vst v63  }
0x60a: {  	s26 =	simm.s32 $0x18710;
	s30 =	simm.s32 $0x18798;
	s29 =	sadd.s32 $0x20, s0  }
0x60b: {  	[hbm4b:s29+s4] =	stream.linear.scatter [tilespmem:s26], [sflag:$0x4], $0x80, $0x38;
	[tilespmem:$0x1DA00] =	vst v63  }
0x60c: {  	s24 =	simm.s32 $0x18820;
	s28 =	simm.s32 $0x189B8;
	s31 =	sadd.s32 $0x30, s0  }
0x60d: {  	[hbm4b:s31+s4] =	stream.linear.scatter [tilespmem:s30], [sflag:$0x4], $0x80, $0x38;
	[tilespmem:$0x1DA00] =	vst v63  }
0x60e: {  	s1 =	sadd.s32 $0x70, s0;
	s25 =	sadd.s32 $0x40, s0;
	s26 =	simm.s32 $0x188A8  }
0x60f: {  	[hbm4b:s25+s4] =	stream.linear.scatter [tilespmem:s24], [sflag:$0x4], $0x80, $0x38;
	[tilespmem:$0x1DA00] =	vst v63  }
0x610: {  	s29 =	sadd.s32 $0x50, s0;
	s30 =	simm.s32 $0x18930;
	s31 =	sadd.s32 $0x60, s0  }
0x611: {  	[hbm4b:s29+s4] =	stream.linear.scatter [tilespmem:s26], [sflag:$0x4], $0x80, $0x38;
	[tilespmem:$0x1DA00] =	vst v63  }
0x612: {  	s24 =	simm.s32 $0x440;
	s25 =	sadd.s32 $0x1000, s0;
	s26 =	simm.s32 $0x2200  }
0x613: {  	[hbm4b:s31+s4] =	stream.linear.scatter [tilespmem:s30], [sflag:$0x4], $0x80, $0x38;
	[tilespmem:$0x1DA00] =	vst v63  }
.LBB2_33:
0x614: {  	[hbm4b:s1+s4] =	stream.linear.scatter [tilespmem:s28], [sflag:$0x4], $0x80, $0x38;
	[tilespmem:$0x1DA00] =	vst v63  }
0x615: {  	s0 =	smov.u32 s24;
	s1 =	smov.u32 s26  }
0x616: {  	s2 =	sadd.s32 $0x1100, s26;
	s24 =	sshra.s32 s1, $0x2;
	s1 =	sadd.s32 $0x18600, s0  }
0x617: {  	[hbm4b:s25+s4] =	stream.linear.scatter [tilespmem:s1], [sflag:$0x4], $0x80, $0x38;
	[tilespmem:$0x1DA00] =	vst v63  }
0x618: {  	p0 =	sne.s32 s26, $0x7700;
	s26 =	sadd.s32 $0x10, s25;
	s1 =	sadd.s32 $0x18688, s0  }
0x619: {  	[hbm4b:s26+s4] =	stream.linear.scatter [tilespmem:s1], [sflag:$0x4], $0x80, $0x38;
	[tilespmem:$0x1DA00] =	vst v63  }
0x61a: {  	s1 =	sadd.s32 $0x18710, s0;
	s26 =	sadd.s32 $0x20, s25  }
0x61b: {  	[hbm4b:s26+s4] =	stream.linear.scatter [tilespmem:s1], [sflag:$0x4], $0x80, $0x38;
	[tilespmem:$0x1DA00] =	vst v63  }
0x61c: {  	s1 =	sadd.s32 $0x18798, s0;
	s26 =	sadd.s32 $0x30, s25  }
0x61d: {  	[hbm4b:s26+s4] =	stream.linear.scatter [tilespmem:s1], [sflag:$0x4], $0x80, $0x38;
	[tilespmem:$0x1DA00] =	vst v63  }
0x61e: {  	s1 =	sadd.s32 $0x18820, s0;
	s26 =	sadd.s32 $0x40, s25  }
0x61f: {  	[hbm4b:s26+s4] =	stream.linear.scatter [tilespmem:s1], [sflag:$0x4], $0x80, $0x38;
	[tilespmem:$0x1DA00] =	vst v63  }
.Ltmp15:
0x620: {  	s1 =	sadd.s32 $0x188A8, s0;
	s26 =	sadd.s32 $0x50, s25;
	(pc) =	sbr.rel @p0 .LBB2_33-.Ltmp15, $4  }
0x621: {  	[hbm4b:s26+s4] =	stream.linear.scatter [tilespmem:s1], [sflag:$0x4], $0x80, $0x38;
	[tilespmem:$0x1DA00] =	vst v63  }
0x622: {  	s28 =	sadd.s32 $0x189B8, s0;
	s1 =	sadd.s32 $0x18930, s0;
	s26 =	sadd.s32 $0x60, s25  }
0x623: {  	[hbm4b:s26+s4] =	stream.linear.scatter [tilespmem:s1], [sflag:$0x4], $0x80, $0x38;
	[tilespmem:$0x1DA00] =	vst v63  }
0x624: {  	s1 =	sadd.s32 $0x70, s25;
	s25 =	sadd.s32 $0x1000, s25;
	s26 =	smov.u32 s2  }
0x625: {  	[hbm4b:s1+s4] =	stream.linear.scatter [tilespmem:s28], [sflag:$0x4], $0x80, $0x38;
	[tilespmem:$0x1DA00] =	vst v63  }
0x626: {  	s0 =	sadd.s32 $0x18600, s24  }
0x627: {  	[hbm4b:s25+s4] =	stream.linear.scatter [tilespmem:s0], [sflag:$0x4], $0x80, $0x38;
	[tilespmem:$0x1DA00] =	vst v63  }
0x628: {  	s30 =	sadd.s32 $0x18688, s24;
	s31 =	sadd.s32 $0x10, s25  }
0x629: {  	[hbm4b:s31+s4] =	stream.linear.scatter [tilespmem:s30], [sflag:$0x4], $0x80, $0x38;
	[tilespmem:$0x1DA00] =	vst v63  }
0x62a: {  	s2 =	sadd.s32 $0x18710, s24;
	s26 =	sadd.s32 $0x20, s25  }
0x62b: {  	[hbm4b:s26+s4] =	stream.linear.scatter [tilespmem:s2], [sflag:$0x4], $0x80, $0x38;
	[tilespmem:$0x1DA00] =	vst v63  }
0x62c: {  	s28 =	sadd.s32 $0x18798, s24;
	s29 =	sadd.s32 $0x30, s25  }
0x62d: {  	[hbm4b:s29+s4] =	stream.linear.scatter [tilespmem:s28], [sflag:$0x4], $0x80, $0x38;
	[tilespmem:$0x1DA00] =	vst v63  }
0x62e: {  	s23 =	sadd.s32 $0x1, s23;
	s30 =	sadd.s32 $0x18820, s24;
	s31 =	sadd.s32 $0x40, s25  }
0x62f: {  	[hbm4b:s31+s4] =	stream.linear.scatter [tilespmem:s30], [sflag:$0x4], $0x80, $0x38;
	[tilespmem:$0x1DA00] =	vst v63  }
0x630: {  	p0 =	sne.s32 s23, $0x19;
	s2 =	sadd.s32 $0x188A8, s24;
	s26 =	sadd.s32 $0x50, s25  }
0x631: {  	[hbm4b:s26+s4] =	stream.linear.scatter [tilespmem:s2], [sflag:$0x4], $0x80, $0x38;
	[tilespmem:$0x1DA00] =	vst v63  }
.Ltmp16:
0x632: {  	_ = 	snop;
	(pc) =	sbr.rel @p0 .LBB2_2-.Ltmp16, $4  }
0x633: {  	s28 =	sadd.s32 $0x18930, s24;
	s29 =	sadd.s32 $0x60, s25  }
0x634: {  	[hbm4b:s29+s4] =	stream.linear.scatter [tilespmem:s28], [sflag:$0x4], $0x80, $0x38;
	[tilespmem:$0x1DA00] =	vst v63  }
0x635: {  	s30 =	sadd.s32 $0x189B8, s24;
	s31 =	sadd.s32 $0x70, s25  }
0x636: {  	[hbm4b:s31+s4] =	stream.linear.scatter [tilespmem:s30], [sflag:$0x4], $0x80, $0x38;
	[tilespmem:$0x1DA00] =	vst v63  }
0x637: {  	s22 =	sadd.s32 $0x1, s22  }
0x638: {  	_ =	swait.ge [sflag:s19], $0x2000;
	p0 =	sne.s32 s22, s8  }
.Ltmp17:
0x639: {  	[sflag:s19] =	ssyncset.done $0x0;
	(pc) =	sbr.rel @p0 .LBB2_1-.Ltmp17, $4  }
0x63a: {  	[sflag:s19] =	ssyncadd.s32 $0xFFFFE000  }
0x63b: {  	_ =	swait.ge [sflag:s20], $0x2000  }
0x63c: {  	[sflag:s20] =	ssyncset.done $0x0  }
0x63d: {  	[sflag:s20] =	ssyncadd.s32 $0xFFFFE000  }
0x63e: {  	_ =	sfence.sel $0x180000  }
0x63f: {  	[bflag:$0x0] =	sbarrier.arrive $0xFFFF  }
0x640: {  	_ =	strace $0x90000047  }
0x641: {  	s0 =	stileid.u32;
	[bflag:$0x2] =	sbarrier.arrive $0xFFFF  }
0x642: {  	p0 =	sne.s32 s0, $0x0;
	s0 =	rddreg [dreg:$0x3]  }
0x643: {  	s0 =	sadd.s32 @!p0 $0x100000, s0  }
0x644: {  	[sflag:s0] =	ssyncadd.tile.s32 @!p0 $0x1;
	_ =	shalt  }
.Lfunc_end2:
_tile_overlayer_lowered:
.L_overlay_start_2:
0x645: {  	(tag) =	ssettag $0x2  }
0x646: {  	s0 =	rddreg [dreg:$0x0];
	s2 =	stileid.u32  }
0x647: {  	s1 =	rddreg [dreg:$0x1];
	p0 =	sne.s32 s2, $0x0  }
0x648: {  	s3 =	rddreg [dreg:$0x2];
	[bflag:$0x3] =	sbarrier.arrive $0xFFFF;
	s2 =	simm.s32 @!p0 $0x1C05  }
0x649: {  	[timem:s3], [sflag:s2] =	dma.local @!p0 [hbm:s0], s1  }
0x64a: {  	s0 =	simm.s32 @!p0 $0x5  }
0x64b: {  	_ =	swait.ge @!p0 [sflag:s0], s1  }
0x64c: {  	s1 =	ssub.s32 @!p0 $0x0, s1;
	[sflag:s0] =	ssyncset.done @!p0 $0x0  }
0x64d: {  	[sflag:s0] =	ssyncadd.s32 @!p0 s1  }
0x64e: {  	[bflag:$0x3] =	sbarrier.arrive $0xFFFF  }
0x64f: {  	_ =	shalt  }

</sc_bundles>
